<compile_context>
chip_gen: v7x
topology: tpu7x:2x2x1
jax: 0.10.2.dev20260603
libtpu: 0.0.44.dev20260713+nightly
codegen_flags: <defaults>
</compile_context>

<pallas_src>
import functools
import math

import jax
import jax.numpy as jnp
from jax import lax
from jax.experimental import pallas as pl
from jax.experimental.pallas import tpu as pltpu
from jax.experimental.pallas import tpu_sc as plsc

N = 10000
D = 128
E = 320000
KS = (2000, 1000, 500)
f32 = jnp.float32
i32 = jnp.int32



def _stats_combine_body(stats_ref, x_ref, w_ref, g_ref, dinv_ref, selfw_ref):
    indeg = stats_ref[0, :N] + stats_ref[2, :N]
    selfcnt = stats_ref[1, :N] + stats_ref[3, :N]
    selfw = jnp.where(selfcnt > 0.0, 0.0, 2.0)
    deg = indeg + selfw
    dinv = jax.lax.rsqrt(jnp.maximum(deg, 1e-30))
    dinv_ref[:, 0] = dinv
    selfw_ref[:, 0] = selfw
    h = jnp.dot(x_ref[...], w_ref[...], preferred_element_type=f32)
    g_ref[...] = dinv[:, None] * h


def stats_combine_premul(statsP, x, W):
    return pl.pallas_call(
        _stats_combine_body,
        out_shape=(
            jax.ShapeDtypeStruct((N, D), f32),
            jax.ShapeDtypeStruct((N, 1), f32),
            jax.ShapeDtypeStruct((N, 1), f32),
        ),
    )(statsP, x, W)


def _premul_up_body(x_ref, up_ref, w_ref, dinv_ref, g_ref):
    xin = x_ref[...] + up_ref[0, :N, :] + up_ref[1, :N, :]
    h = jnp.dot(xin, w_ref[...], preferred_element_type=f32)
    g_ref[...] = dinv_ref[:, 0][:, None] * h


def premul_up(x, upP, W, dinv):
    return pl.pallas_call(
        _premul_up_body,
        out_shape=jax.ShapeDtypeStruct((N, D), f32),
    )(x, upP, W, dinv)


def _gcn0_post_body(yP_ref, g_ref, dinv_ref, selfw_ref, b_ref, p_ref,
                    x1_ref, s_ref):
    y = yP_ref[0, :N, :] + yP_ref[1, :N, :]
    g = g_ref[...]
    dinv = dinv_ref[:, 0][:, None]
    out = dinv * (y + selfw_ref[:, 0][:, None] * g) + b_ref[0, :][None, :]
    x1 = jnp.maximum(out, 0.0)
    x1_ref[...] = x1
    s_ref[:, 0] = jnp.tanh(jnp.dot(x1, p_ref[:, 0], preferred_element_type=f32))


def gcn0_post(yP, g, dinv, selfw, b, pn):
    return pl.pallas_call(
        _gcn0_post_body,
        out_shape=(
            jax.ShapeDtypeStruct((N, D), f32),
            jax.ShapeDtypeStruct((N, 1), f32),
        ),
    )(yP, g, dinv, selfw, b.reshape(1, D), pn.reshape(D, 1))


def _final_body(yP_ref, g_ref, dinv_ref, selfw_ref, c_ref, out_ref):
    y = yP_ref[0, :N, :] + yP_ref[1, :N, :]
    dinv = dinv_ref[:, 0][:, None]
    out = dinv * (y + selfw_ref[:, 0][:, None] * g_ref[...]) + c_ref[0, :][None, :]
    out_ref[...] = jax.nn.sigmoid(out)


def final_post(yP, g, dinv, selfw, c):
    return pl.pallas_call(
        _final_body,
        out_shape=jax.ShapeDtypeStruct((N, D), f32),
    )(yP, g, dinv, selfw, c.reshape(1, D))


def _bigmm_body(ct_ref, b_ref, o_ref):
    k = pl.program_id(2)

    @pl.when(k == 0)
    def _():
        o_ref[...] = jnp.zeros_like(o_ref)

    o_ref[...] += lax.dot_general(
        ct_ref[...], b_ref[...], (((0,), (0,)), ((), ())),
        preferred_element_type=f32)

    @pl.when(k == pl.num_programs(2) - 1)
    def _():
        i = pl.program_id(0)
        j = pl.program_id(1)
        rows = i * o_ref.shape[0] + lax.broadcasted_iota(i32, o_ref.shape, 0)
        cols = j * o_ref.shape[1] + lax.broadcasted_iota(i32, o_ref.shape, 1)
        o_ref[...] = jnp.where(rows == cols, 0.0, o_ref[...])


def bigmm_diag0(CT, B, npad, kpad, bk=1024, bo=512):
    grid = (kpad // bo, kpad // bo, npad // bk)
    return pl.pallas_call(
        _bigmm_body,
        grid=grid,
        in_specs=[
            pl.BlockSpec((bk, bo), lambda i, j, k: (k, i)),
            pl.BlockSpec((bk, bo), lambda i, j, k: (k, j)),
        ],
        out_specs=pl.BlockSpec((bo, bo), lambda i, j, k: (i, j)),
        out_shape=jax.ShapeDtypeStruct((kpad, kpad), f32),
    )(CT, B)


def _gcnd_body(relu, score, a_ref, x_ref, w_ref, b_ref, vals_ref, p_ref,
               o_ref, s_ref):
    A = a_ref[...]
    xin = x_ref[...] * vals_ref[:, 0][:, None]
    deg = jnp.sum(A, axis=1) + 2.0
    dinv = jax.lax.rsqrt(deg)
    h = jnp.dot(xin, w_ref[...], preferred_element_type=f32)
    g = dinv[:, None] * h
    y = jnp.dot(A, g, preferred_element_type=f32)
    out = dinv[:, None] * y + 2.0 * (dinv * dinv)[:, None] * h + b_ref[0, :][None, :]
    if relu:
        out = jnp.maximum(out, 0.0)
    o_ref[...] = out
    if score:
        s_ref[:, 0] = jnp.tanh(jnp.dot(out, p_ref[:, 0], preferred_element_type=f32))


def gcn_dense(A, xin, W, b, vals=None, pn=None, relu=True):
    n = A.shape[0]
    if vals is None:
        vals = jnp.ones((n, 1), f32)
    score = pn is not None
    if pn is None:
        pn = jnp.zeros((D, 1), f32)
    out, s = pl.pallas_call(
        functools.partial(_gcnd_body, relu, score),
        out_shape=(
            jax.ShapeDtypeStruct((n, D), f32),
            jax.ShapeDtypeStruct((n, 1), f32),
        ),
    )(A, xin, W, b.reshape(1, D), vals, pn.reshape(D, 1))
    return out, s


def _aug_body(a_ref, perm_ref, x_ref, vals_ref, ap_ref, xp_ref):
    n = a_ref.shape[0]
    k = ap_ref.shape[0]
    A = a_ref[...]
    ii = lax.broadcasted_iota(i32, (n, k), 0)
    S = (ii == perm_ref[0, :][None, :]).astype(f32)
    T1 = jnp.dot(A, S, preferred_element_type=f32) + S
    T2 = jnp.dot(A, T1, preferred_element_type=f32) + T1
    Ap = lax.dot_general(S, T2, (((0,), (0,)), ((), ())),
                         preferred_element_type=f32)
    ri = lax.broadcasted_iota(i32, (k, k), 0)
    ci = lax.broadcasted_iota(i32, (k, k), 1)
    ap_ref[...] = jnp.where(ri == ci, 0.0, Ap)
    xp = lax.dot_general(S, x_ref[...], (((0,), (0,)), ((), ())),
                         preferred_element_type=f32)
    xp_ref[...] = xp * vals_ref[:, 0][:, None]


def aug_pool(A, perm, x, vals):
    n = A.shape[0]
    k = perm.shape[0]
    return pl.pallas_call(
        _aug_body,
        out_shape=(
            jax.ShapeDtypeStruct((k, k), f32),
            jax.ShapeDtypeStruct((k, D), f32),
        ),
    )(A, perm.reshape(1, k), x, vals.reshape(k, 1))


def _upgcn_body(relu, a_ref, xs_ref, u_ref, perm_ref, w_ref, b_ref, o_ref):
    n = a_ref.shape[0]
    k = u_ref.shape[0]
    ii = lax.broadcasted_iota(i32, (n, k), 0)
    S = (ii == perm_ref[0, :][None, :]).astype(f32)
    xin = xs_ref[...] + jnp.dot(S, u_ref[...], preferred_element_type=f32)
    A = a_ref[...]
    deg = jnp.sum(A, axis=1) + 2.0
    dinv = jax.lax.rsqrt(deg)
    h = jnp.dot(xin, w_ref[...], preferred_element_type=f32)
    g = dinv[:, None] * h
    y = jnp.dot(A, g, preferred_element_type=f32)
    out = dinv[:, None] * y + 2.0 * (dinv * dinv)[:, None] * h + b_ref[0, :][None, :]
    if relu:
        out = jnp.maximum(out, 0.0)
    o_ref[...] = out


def up_gcn(A, xs_j, u, perm, W, b, relu=True):
    n = A.shape[0]
    k = u.shape[0]
    return pl.pallas_call(
        functools.partial(_upgcn_body, relu),
        out_shape=jax.ShapeDtypeStruct((n, D), f32),
    )(A, xs_j, u, perm.reshape(1, k), W, b.reshape(1, D))



NPAD = 10112
EPT = 10112
NCH = EPT // 128
E_PAD = 32 * EPT
DUMP = 10100

_MESH = plsc.VectorSubcoreMesh(core_axis_name="c", subcore_axis_name="s")


def _fill_f32(ref, nwords, val=0.0):
    v = jnp.full((16,), val, f32)

    @pl.loop(0, nwords // 16)
    def _(i):
        ref[pl.ds(i * 16, 16)] = v


def _stats_body(src_hbm, dst_hbm, out_hbm, sv, dv, vv, ones, idx2, zb, sh):
    c = lax.axis_index("c")
    t = lax.axis_index("s")
    wid = c * 16 + t
    _fill_f32(ones, 128, 1.0)
    _fill_f32(zb, 1264, 0.0)
    pltpu.sync_copy(zb, sh.at[pl.ds(t * 1264, 1264)])
    plsc.subcore_barrier()

    @pl.loop(0, NCH)
    def _(ch):
        base = wid * EPT + ch * 128
        pltpu.sync_copy(src_hbm.at[pl.ds(base, 128)], sv)
        pltpu.sync_copy(dst_hbm.at[pl.ds(base, 128)], dv)

        @pl.loop(0, 8)
        def _(j):
            s16 = sv[pl.ds(j * 16, 16)]
            d16 = dv[pl.ds(j * 16, 16)]
            vv[pl.ds(j * 16, 16)] = jnp.where(s16 == d16, 1.0, 0.0)
            idx2[pl.ds(j * 16, 16)] = d16 + NPAD

        pltpu.sync_copy(ones, sh.at[dv], add=True)
        pltpu.sync_copy(vv, sh.at[idx2], add=True)

    plsc.subcore_barrier()

    @pl.loop(0, 2)
    def _(r):
        pltpu.sync_copy(sh.at[pl.ds(r * NPAD + t * 632, 632)],
                        zb.at[pl.ds(0, 632)])
        pltpu.sync_copy(zb.at[pl.ds(0, 632)],
                        out_hbm.at[pl.ds(c * 2 * NPAD + r * NPAD + t * 632, 632)])


def edge_stats(srcP, dstP):
    return pl.kernel(
        _stats_body,
        out_type=jax.ShapeDtypeStruct((2 * 2 * NPAD,), f32),
        mesh=_MESH,
        scratch_types=[
            pltpu.VMEM((128,), i32), pltpu.VMEM((128,), i32),
            pltpu.VMEM((128,), f32), pltpu.VMEM((128,), f32),
            pltpu.VMEM((128,), i32), pltpu.VMEM((1264,), f32),
            pltpu.VMEM_SHARED((2 * NPAD,), f32),
        ],
    )(srcP, dstP)


def _make_spmm_body(nch):
    def body(g_hbm, src_hbm, dst_hbm, out_hbm, sv, dv, rows, buf16, zidx, ysh,
             sem):
        c = lax.axis_index("c")
        t = lax.axis_index("s")
        wid = c * 16 + t
        ept = nch * 128

        @pl.loop(0, 16)
        def _(r):
            @pl.loop(0, 8)
            def _(j):
                buf16[r, pl.ds(j * 16, 16)] = jnp.zeros((16,), f32)

        @pl.loop(0, 40)
        def _(q):
            start = jnp.minimum(q * 16, 616)
            zidx[q, pl.ds(0, 16)] = t * 632 + start + lax.iota(i32, 16)

        @pl.loop(0, 40)
        def _(q):
            pltpu.sync_copy(buf16, ysh.at[zidx.at[q]])

        plsc.subcore_barrier()

        @pl.loop(0, nch)
        def _(ch):
            base = wid * ept + ch * 128
            pltpu.sync_copy(src_hbm.at[pl.ds(base, 128)], sv)
            pltpu.sync_copy(dst_hbm.at[pl.ds(base, 128)], dv)
            pltpu.async_copy(g_hbm.at[sv], rows, sem).wait()
            pltpu.sync_copy(rows, ysh.at[dv], add=True)

        plsc.subcore_barrier()

        @pl.loop(0, 40)
        def _(q):
            start = jnp.minimum(q * 16, 616)
            pltpu.async_copy(ysh.at[zidx.at[q]], buf16, sem).wait()
            pltpu.sync_copy(buf16, out_hbm.at[c, pl.ds(t * 632 + start, 16)])

    return body


def spmm(g, srcP, dstP):
    nch = srcP.shape[0] // (32 * 128)
    return pl.kernel(
        _make_spmm_body(nch),
        out_type=jax.ShapeDtypeStruct((2, NPAD, D), f32),
        mesh=_MESH,
        scratch_types=[
            pltpu.VMEM((128,), i32), pltpu.VMEM((128,), i32),
            pltpu.VMEM((128, D), f32), pltpu.VMEM((16, D), f32),
            pltpu.VMEM((40, 16), i32),
            pltpu.VMEM_SHARED((NPAD, D), f32),
            pltpu.SemaphoreType.DMA,
        ],
    )(g, srcP, dstP)


NB2 = 10240
KPAD = 2048
RND = 40
CHW = 256 * KPAD
EPT2 = E_PAD // 16
NCH2 = EPT2 // 128


def _build_body(src_hbm, dst_hbm, perm_hbm, out_hbm,
                sv, dv, idxv, ones, permb, rank, idxall, zb, sh, sem):
    c = lax.axis_index("c")
    t = lax.axis_index("s")
    @pl.loop(0, NPAD // 16)
    def _(i):
        rank[pl.ds(i * 16, 16)] = jnp.full((16,), -1, i32)

    pltpu.sync_copy(perm_hbm, permb)

    @pl.loop(0, KPAD // 16)
    def _(j):
        p16 = permb[pl.ds(j * 16, 16)]
        v16 = j * 16 + lax.iota(i32, 16)
        plsc.store_scatter(rank, [p16], v16)

    @pl.loop(0, NCH2)
    def _(ch):
        base = t * EPT2 + ch * 128
        pltpu.sync_copy(src_hbm.at[pl.ds(base, 128)], sv)
        pltpu.sync_copy(dst_hbm.at[pl.ds(base, 128)], dv)

        @pl.loop(0, 8)
        def _(j):
            s16 = sv[pl.ds(j * 16, 16)]
            d16 = dv[pl.ds(j * 16, 16)]
            cz = jnp.broadcast_to(c == 0, (16,))
            row16 = jnp.where(cz, d16, s16)
            col16 = plsc.load_gather(rank, [jnp.where(cz, s16, d16)])
            pos16 = base + j * 16 + lax.iota(i32, 16)
            isid = (pos16 >= E) & (pos16 < E + KS[0])
            ok = (isid | (s16 != d16)) & (col16 >= 0)
            idxall[pl.ds(ch * 128 + j * 16, 16)] = jnp.where(
                ok, row16 * KPAD + col16, jnp.full((16,), 1 << 30, i32))

    _fill_f32(ones, 128, 1.0)
    _fill_f32(zb, 16384, 0.0)

    @pl.loop(0, RND)
    def _(r):
        @pl.loop(0, 2)
        def _(q):
            pltpu.sync_copy(zb, sh.at[pl.ds(t * 32768 + q * 16384, 16384)])

        plsc.subcore_barrier()

        @pl.loop(0, NCH2)
        def _(ch):
            @pl.loop(0, 8)
            def _(j):
                i16 = idxall[pl.ds(ch * 128 + j * 16, 16)] - r * CHW
                ok = (i16 >= 0) & (i16 < CHW)
                idxv[ch, pl.ds(j * 16, 16)] = jnp.where(
                    ok, i16, jnp.full((16,), CHW, i32))

        @pl.loop(0, NCH2)
        def _(ch):
            pltpu.async_copy(ones, sh.at[idxv.at[ch]], sem, add=True)

        pltpu.make_async_copy(src_hbm.at[pl.ds(0, EPT2)], idxall, sem).wait()
        plsc.subcore_barrier()

        @pl.loop(0, 2)
        def _(q):
            pltpu.sync_copy(sh.at[pl.ds(t * 32768 + q * 16384, 16384)], zb)
            pltpu.sync_copy(
                zb,
                out_hbm.at[pl.ds(c * NB2 * KPAD + r * CHW + t * 32768
                                 + q * 16384, 16384)])

        _fill_f32(zb, 16384, 0.0)


def build_restricted(srcB, dstB, permP):
    out = pl.kernel(
        _build_body,
        out_type=jax.ShapeDtypeStruct((2 * NB2 * KPAD,), f32),
        mesh=_MESH,
        scratch_types=[
            pltpu.VMEM((128,), i32), pltpu.VMEM((128,), i32),
            pltpu.VMEM((NCH2, 128), i32), pltpu.VMEM((128,), f32),
            pltpu.VMEM((KPAD,), i32), pltpu.VMEM((NPAD,), i32),
            pltpu.VMEM((EPT2,), i32), pltpu.VMEM((16384,), f32),
            pltpu.VMEM_SHARED((CHW + 128,), f32),
            pltpu.SemaphoreType.DMA,
        ],
        compiler_params=pltpu.CompilerParams(needs_layout_passes=False),
    )(srcB, dstB, permP)
    half = NB2 * KPAD
    return out[:half].reshape(NB2, KPAD), out[half:].reshape(NB2, KPAD)


def _gather_body(x_hbm, perm_hbm, out_hbm, idxb, rows, sem):
    c = lax.axis_index("c")
    t = lax.axis_index("s")
    wid = c * 16 + t
    pltpu.sync_copy(perm_hbm.at[pl.ds(wid * 64, 64)], idxb)
    pltpu.async_copy(x_hbm.at[idxb], rows, sem).wait()
    pltpu.sync_copy(rows, out_hbm.at[pl.ds(wid * 64, 64)])


def gather_rows(x, permP):
    return pl.kernel(
        _gather_body,
        out_type=jax.ShapeDtypeStruct((2048, D), f32),
        mesh=_MESH,
        scratch_types=[
            pltpu.VMEM((64,), i32), pltpu.VMEM((64, D), f32),
            pltpu.SemaphoreType.DMA,
        ],
    )(x, permP)


def unpool_scatter(uP, permP):
    srcU = jnp.concatenate([jnp.arange(KPAD, dtype=i32),
                            jnp.zeros(KPAD, i32)])
    dstU = jnp.concatenate([permP, jnp.full(KPAD, DUMP, i32)])
    return spmm(uP, srcU, dstU)




def kernel(x, edge_index, W0, b0, W1, b1, W2, b2, W3, b3,
           U0, c0, U1, c1, U2, c2, p1, p2, p3):
    src = edge_index[0]
    dst = edge_index[1]

    padn = E_PAD - E
    srcP = jnp.concatenate([src, jnp.zeros(padn, i32)])
    dstP = jnp.concatenate([dst, jnp.full(padn, N, i32)])

    stats = edge_stats(srcP, dstP).reshape(4, NPAD)
    g0, dinv0, selfw0 = stats_combine_premul(stats, x, W0)
    y0 = spmm(g0, srcP, dstP)
    pn1 = p1 / jnp.sqrt(jnp.sum(p1 * p1))
    x1, s1 = gcn0_post(y0, g0, dinv0, selfw0, b0, pn1)

    vals1, perm1 = lax.top_k(s1[:, 0], KS[0])

    padb = E_PAD - E - KS[0]
    srcB = jnp.concatenate([src, perm1, jnp.zeros(padb, i32)])
    dstB = jnp.concatenate([dst, perm1, jnp.zeros(padb, i32)])
    permP = jnp.concatenate([perm1, jnp.full(KPAD - KS[0], DUMP, i32)])
    pos = jnp.arange(E_PAD, dtype=i32)
    isid = (pos >= E) & (pos < E + KS[0])
    rank = jnp.full(NB2, -1, i32).at[perm1].set(jnp.arange(KS[0], dtype=i32))
    rs = rank[srcB]
    rd = rank[dstB]
    keep = isid | (srcB != dstB)
    B = jnp.zeros((NB2, KPAD), f32).at[dstB, jnp.clip(rs, 0)].add(
        jnp.where(keep & (rs >= 0), 1.0, 0.0))
    CT = jnp.zeros((NB2, KPAD), f32).at[srcB, jnp.clip(rd, 0)].add(
        jnp.where(keep & (rd >= 0), 1.0, 0.0))
    Ap1 = bigmm_diag0(CT.astype(jnp.bfloat16), B.astype(jnp.bfloat16),
                      NB2, KPAD)[:KS[0], :KS[0]]

    xp1 = gather_rows(x1, permP.at[KS[0]:].set(0))[:KS[0]]

    pn2 = p2 / jnp.sqrt(jnp.sum(p2 * p2))
    x2, s2 = gcn_dense(Ap1, xp1, W1, b1, vals=vals1.reshape(-1, 1), pn=pn2)
    vals2, perm2 = lax.top_k(s2[:, 0], KS[1])

    Ap2, xp2 = aug_pool(Ap1, perm2, x2, vals2)
    pn3 = p3 / jnp.sqrt(jnp.sum(p3 * p3))
    x3, s3 = gcn_dense(Ap2, xp2, W2, b2, pn=pn3)
    vals3, perm3 = lax.top_k(s3[:, 0], KS[2])

    Ap3, xp3 = aug_pool(Ap2, perm3, x3, vals3)
    x4, _ = gcn_dense(Ap3, xp3, W3, b3)

    u = up_gcn(Ap2, x3, x4, perm3, U0, c0, relu=True)
    u = up_gcn(Ap1, x2, u, perm2, U1, c1, relu=True)

    uP = jnp.concatenate([u, jnp.zeros((KPAD - KS[0], D), f32)])
    upP = unpool_scatter(uP, permP)
    gU = premul_up(x1, upP, U2, dinv0)
    yU = spmm(gU, srcP, dstP)
    out = final_post(yU, gU, dinv0, selfw0, c2)
    return out

# --- scband reference (transcript-rebuilt; emitter-appended) ---
"""Pipeline reference for scband-gunet-10694468567466 (READ-ONLY COPY).

The authoritative reference and input builder live on the scoring server;
editing this copy changes nothing except your own understanding.
"""

import jax, jax.numpy as jnp
import numpy as np
import math

N_NODES = 10000
D_IN = 128
D_HID = 128
D_OUT = 128
N_EDGES = 320000
KS = [2000, 1000, 500]  # ceil(0.2*10000), ceil(0.5*2000), ceil(0.5*1000); pool_ratios=[2000/10000, 0.5] repeated to depth 3


def _glorot(k, fan_in, fan_out):
    lim = math.sqrt(6.0 / (fan_in + fan_out))
    return jax.random.uniform(k, (fan_in, fan_out), jnp.float32, -lim, lim)


def setup_inputs(seed: int = 0):
    key = jax.random.key(seed)
    ks = jax.random.split(key, 16)
    inp = {}
    inp["x"] = jax.random.normal(ks[0], (N_NODES, D_IN), dtype=jnp.float32)
    inp["edge_index"] = jax.random.randint(ks[1], (2, N_EDGES), 0, N_NODES, dtype=jnp.int32)
    dims = [(D_IN, D_HID), (D_HID, D_HID), (D_HID, D_HID), (D_HID, D_HID)]
    for i, (a, b) in enumerate(dims):
        inp["W%d" % i] = _glorot(ks[2 + i], a, b)
        inp["b%d" % i] = jnp.zeros((b,), jnp.float32)
    updims = [(D_HID, D_HID), (D_HID, D_HID), (D_HID, D_OUT)]
    for i, (a, b) in enumerate(updims):
        inp["U%d" % i] = _glorot(ks[6 + i], a, b)
        inp["c%d" % i] = jnp.zeros((b,), jnp.float32)
    bnd = 1.0 / math.sqrt(D_HID)
    for i in range(3):
        inp["p%d" % (i + 1)] = jax.random.uniform(ks[9 + i], (D_HID,), jnp.float32, -bnd, bnd)
    return inp


def _gcn(A, x, W, b):
    # GCNConv(improved=True): add self loops with fill 2.0 to nodes lacking them, sym-normalize
    diag = jnp.diagonal(A)
    A_hat = A + jnp.diag(jnp.where(diag > 0, 0.0, 2.0))
    deg = jnp.sum(A_hat, axis=1)
    dinv = jnp.where(deg > 0, 1.0 / jnp.sqrt(deg), 0.0)
    A_norm = dinv[:, None] * A_hat * dinv[None, :]
    return A_norm @ (x @ W) + b


def _augment(A):
    # GraphUNet.augment_adj: remove self loops, add self loops (w=1), A@A (spspmm), remove self loops
    n = A.shape[0]
    A1 = A - jnp.diag(jnp.diagonal(A)) + jnp.eye(n, dtype=A.dtype)
    A2 = A1 @ A1
    return A2 - jnp.diag(jnp.diagonal(A2))


def _pool(A, x, p, k):
    # TopKPooling: score = tanh(x.p/||p||); keep top-k nodes; x scaled by score; filter adj
    score = jnp.tanh((x @ p) / jnp.linalg.norm(p))
    vals, perm = jax.lax.top_k(score, k)
    xp = x[perm] * vals[:, None]
    Ap = A[perm][:, perm]
    return Ap, xp, perm


def _forward(x, edge_index, Ws, bs, Us, cs, ps):
    # eval mode: dropout_edge(p=0.2) and F.dropout(p=0.92) are identity
    src = edge_index[0]
    dst = edge_index[1]
    A0 = jnp.zeros((N_NODES, N_NODES), jnp.float32).at[dst, src].add(1.0)
    x = jax.nn.relu(_gcn(A0, x, Ws[0], bs[0]))
    xs = [x]
    adjs = [A0]
    perms = []
    A = A0
    for i in range(1, 4):
        A = _augment(A)
        A, x, perm = _pool(A, x, ps[i - 1], KS[i - 1])
        x = jax.nn.relu(_gcn(A, x, Ws[i], bs[i]))
        if i < 3:
            xs.append(x)
            adjs.append(A)
        perms.append(perm)
    for i in range(3):
        j = 2 - i
        up = jnp.zeros_like(xs[j]).at[perms[j]].set(x)
        x = xs[j] + up  # sum_res=True skip connection
        x = _gcn(adjs[j], x, Us[i], cs[i])
        if i < 2:
            x = jax.nn.relu(x)
    return jax.nn.sigmoid(x)


def reference(x, edge_index, W0, b0, W1, b1, W2, b2, W3, b3, U0, c0, U1, c1, U2, c2, p1, p2, p3):
    return _forward(x, edge_index, (W0, W1, W2, W3), (b0, b1, b2, b3), (U0, U1, U2), (c0, c1, c2), (p1, p2, p3))

if __name__ == "__main__":
    import jax
    _d = setup_inputs()
    print(jax.jit(kernel)(*tuple(_d.values())))

</pallas_src>

<mosaic_0001>
#map = affine_map<(d0, d1) -> (0, 0)>
#map1 = affine_map<(d0, d1) -> (0)>
#map2 = affine_map<(d0, d1) -> (0, 0, 0)>
module attributes {stable_mosaic.version = 14 : i64} {
  func.func @body(%arg0: i32, %arg1: i32, %arg2: memref<10000x128xf32, #tpu.memory_space<hbm>>, %arg3: memref<323584xi32, #tpu.memory_space<hbm>>, %arg4: memref<323584xi32, #tpu.memory_space<hbm>>, %arg5: memref<2x10112x128xf32, #tpu.memory_space<hbm>>, %arg6: memref<128xi32, #tpu.memory_space<vmem>>, %arg7: memref<128xi32, #tpu.memory_space<vmem>>, %arg8: memref<128x128xf32, #tpu.memory_space<vmem>>, %arg9: memref<16x128xf32, #tpu.memory_space<vmem>>, %arg10: memref<40x16xi32, #tpu.memory_space<vmem>>, %arg11: memref<10112x128xf32, #tpu.memory_space<vmem_shared>>, %arg12: memref<!tpu.dma_semaphore, #tpu.memory_space<semaphore_mem>>) attributes {dimension_semantics = [#tpu.dimension_semantics<core_parallel>, #tpu.dimension_semantics<subcore_parallel>], iteration_bounds = array<i64: 2, 16>, scalar_prefetch = 0 : i64, scratch_operands = 7 : i64, tpu.core_type = #tpu.core_type<sc_vector_subcore>, window_params = [{transform_indices = #map}, {transform_indices = #map1}, {transform_indices = #map1}, {transform_indices = #map2}]} {
    %mul3A = arith.constant 16 : i32
    %mul3A_0 = arith.muli %arg0, %mul3A : i32
    %add3A = arith.addi %mul3A_0, %arg1 : i32
    %scan3A = arith.constant 0 : i32
    %scan3A_1 = arith.constant 16 : i32
    %scan3A_2 = arith.addi %scan3A, %scan3A_1 : i32
    %scan3A_3 = arith.constant 1 : i32
    scf.for %scan3A_26 = %scan3A to %scan3A_2 step %scan3A_3  : i32 {
      %mul3A_27 = arith.constant 1 : i32
      %mul3A_28 = arith.muli %scan3A_26, %mul3A_27 : i32
      %add3A_29 = arith.constant 0 : i32
      %add3A_30 = arith.addi %add3A_29, %mul3A_28 : i32
      %scan3A_31 = arith.constant 0 : i32
      %scan3A_32 = arith.constant 8 : i32
      %scan3A_33 = arith.addi %scan3A_31, %scan3A_32 : i32
      %scan3A_34 = arith.constant 1 : i32
      scf.for %scan3A_36 = %scan3A_31 to %scan3A_33 step %scan3A_34  : i32 {
        %mul3A_37 = arith.constant 1 : i32
        %mul3A_38 = arith.muli %scan3A_36, %mul3A_37 : i32
        %add3A_39 = arith.constant 0 : i32
        %add3A_40 = arith.addi %add3A_39, %mul3A_38 : i32
        %broadcast_in_dim3A = arith.constant 0.000000e+00 : f32
        %broadcast_in_dim3A_41 = vector.broadcast %broadcast_in_dim3A : f32 to vector<16xf32>
        %mul3A_42 = arith.constant 16 : i32
        %mul3A_43 = arith.muli %add3A_40, %mul3A_42 : i32
        %swap3A = arith.index_cast %add3A_30 : i32 to index
        %swap3A_44 = arith.index_cast %mul3A_43 : i32 to index
        %swap3A_45 = tpu.vector_load %arg9[%swap3A, %swap3A_44] {strides = array<i32>} : memref<16x128xf32, #tpu.memory_space<vmem>>, vector<1x16xf32>,
        %swap3A_46 = vector.shape_cast %swap3A_45 : vector<1x16xf32> to vector<16xf32>
        %swap3A_47 = vector.shape_cast %broadcast_in_dim3A_41 : vector<16xf32> to vector<1x16xf32>
        tpu.vector_store %arg9[%swap3A, %swap3A_44], %swap3A_47 {strides = array<i32>} : memref<16x128xf32, #tpu.memory_space<vmem>>, vector<1x16xf32>,
      }
      %scan3A_35 = arith.constant 8 : i32
    }
    %scan3A_4 = arith.constant 16 : i32
    %scan3A_5 = arith.constant 0 : i32
    %scan3A_6 = arith.constant 40 : i32
    %scan3A_7 = arith.addi %scan3A_5, %scan3A_6 : i32
    %scan3A_8 = arith.constant 1 : i32
    scf.for %scan3A_26 = %scan3A_5 to %scan3A_7 step %scan3A_8  : i32 {
      %mul3A_27 = arith.constant 1 : i32
      %mul3A_28 = arith.muli %scan3A_26, %mul3A_27 : i32
      %add3A_29 = arith.constant 0 : i32
      %add3A_30 = arith.addi %add3A_29, %mul3A_28 : i32
      %mul3A_31 = arith.constant 16 : i32
      %mul3A_32 = arith.muli %add3A_30, %mul3A_31 : i32
      %min3A = arith.constant 616 : i32
      %min3A_33 = arith.minsi %mul3A_32, %min3A : i32
      %mul3A_34 = arith.constant 632 : i32
      %mul3A_35 = arith.muli %arg1, %mul3A_34 : i32
      %add3A_36 = arith.addi %mul3A_35, %min3A_33 : i32
      %iota3A = tpu.iota {dimensions = array<i32: 0>} : vector<16xi32>
      %add3A_37 = vector.broadcast %add3A_36 : i32 to vector<16xi32>
      %add3A_38 = arith.addi %add3A_37, %iota3A : vector<16xi32>
      %swap3A = arith.index_cast %add3A_30 : i32 to index
      %swap3A_39 = arith.constant 0 : index
      %swap3A_40 = tpu.vector_load %arg10[%swap3A, %swap3A_39] {strides = array<i32>} : memref<40x16xi32, #tpu.memory_space<vmem>>, vector<1x16xi32>,
      %swap3A_41 = vector.shape_cast %swap3A_40 : vector<1x16xi32> to vector<16xi32>
      %swap3A_42 = vector.shape_cast %add3A_38 : vector<16xi32> to vector<1x16xi32>
      tpu.vector_store %arg10[%swap3A, %swap3A_39], %swap3A_42 {strides = array<i32>} : memref<40x16xi32, #tpu.memory_space<vmem>>, vector<1x16xi32>,
    }
    %scan3A_9 = arith.constant 40 : i32
    %scan3A_10 = arith.constant 0 : i32
    %scan3A_11 = arith.constant 40 : i32
    %scan3A_12 = arith.addi %scan3A_10, %scan3A_11 : i32
    %scan3A_13 = arith.constant 1 : i32
    scf.for %scan3A_26 = %scan3A_10 to %scan3A_12 step %scan3A_13  : i32 {
      %mul3A_27 = arith.constant 1 : i32
      %mul3A_28 = arith.muli %scan3A_26, %mul3A_27 : i32
      %add3A_29 = arith.constant 0 : i32
      %add3A_30 = arith.addi %add3A_29, %mul3A_28 : i32
      "tpu.region"() ({
        %run_scoped3A = tpu.sem_alloc : memref<!tpu.dma_semaphore, #tpu.memory_space<semaphore_mem>>
        %dma_start3A = arith.constant 0 : i32
        %dma_start3A_31 = tpu.memref_slice %arg10[%add3A_30, %dma_start3A] : memref<40x16xi32, #tpu.memory_space<vmem>> -> memref<1x16xi32, #tpu.memory_space<vmem>>
        %dma_start3A_32 = tpu.memref_squeeze %dma_start3A_31 : memref<1x16xi32, #tpu.memory_space<vmem>> -> memref<16xi32, #tpu.memory_space<vmem>>
        %dma_start3A_33 = arith.constant 0 : i32
        %dma_start3A_34 = arith.constant 0 : i32
        %dma_start3A_35 = tpu.memref_slice %arg11[%dma_start3A_33, %dma_start3A_34] : memref<10112x128xf32, #tpu.memory_space<vmem_shared>> -> memref<10112x128xf32, #tpu.memory_space<vmem_shared>>
        tpu.enqueue_indirect_dma source(%arg9 : memref<16x128xf32, #tpu.memory_space<vmem>>) target(%dma_start3A_35 : memref<10112x128xf32, #tpu.memory_space<vmem_shared>>) offsets(%dma_start3A_32 : memref<16xi32, #tpu.memory_space<vmem>>) semaphore(%run_scoped3A : memref<!tpu.dma_semaphore, #tpu.memory_space<semaphore_mem>>)
        %dma_wait3A = arith.constant 0 : i32
        %dma_wait3A_36 = tpu.memref_slice %arg10[%add3A_30, %dma_wait3A] : memref<40x16xi32, #tpu.memory_space<vmem>> -> memref<1x16xi32, #tpu.memory_space<vmem>>
        %dma_wait3A_37 = tpu.memref_squeeze %dma_wait3A_36 : memref<1x16xi32, #tpu.memory_space<vmem>> -> memref<16xi32, #tpu.memory_space<vmem>>
        %dma_wait3A_38 = arith.constant 0 : i32
        %dma_wait3A_39 = arith.constant 0 : i32
        %dma_wait3A_40 = tpu.memref_slice %arg11[%dma_wait3A_38, %dma_wait3A_39] : memref<10112x128xf32, #tpu.memory_space<vmem_shared>> -> memref<10112x128xf32, #tpu.memory_space<vmem_shared>>
        tpu.wait_indirect_dma semaphore(%run_scoped3A : memref<!tpu.dma_semaphore, #tpu.memory_space<semaphore_mem>>) src(%arg9 : memref<16x128xf32, #tpu.memory_space<vmem>>) dst(%dma_wait3A_40 : memref<10112x128xf32, #tpu.memory_space<vmem_shared>>)
        tpu.yield
      }) : () -> ()
    }
    %scan3A_14 = arith.constant 40 : i32
    %barrier3A = arith.constant 0 : index
    tpu.barrier barrier_id(%barrier3A)
    %scan3A_15 = arith.constant 0 : i32
    %scan3A_16 = arith.constant 79 : i32
    %scan3A_17 = arith.addi %scan3A_15, %scan3A_16 : i32
    %scan3A_18 = arith.constant 1 : i32
    scf.for %scan3A_26 = %scan3A_15 to %scan3A_17 step %scan3A_18  : i32 {
      %mul3A_27 = arith.constant 1 : i32
      %mul3A_28 = arith.muli %scan3A_26, %mul3A_27 : i32
      %add3A_29 = arith.constant 0 : i32
      %add3A_30 = arith.addi %add3A_29, %mul3A_28 : i32
      %mul3A_31 = arith.constant 10112 : i32
      %mul3A_32 = arith.muli %add3A, %mul3A_31 : i32
      %mul3A_33 = arith.constant 128 : i32
      %mul3A_34 = arith.muli %add3A_30, %mul3A_33 : i32
      %add3A_35 = arith.addi %mul3A_32, %mul3A_34 : i32
      "tpu.region"() ({
        %run_scoped3A = tpu.sem_alloc : memref<!tpu.dma_semaphore, #tpu.memory_space<semaphore_mem>>
        %dma_start3A_40 = tpu.memref_slice %arg3[%add3A_35] : memref<323584xi32, #tpu.memory_space<hbm>> -> memref<128xi32, #tpu.memory_space<hbm>>
        %dma_start3A_41 = tpu.memref_slice %arg3[%add3A_35] : memref<323584xi32, #tpu.memory_space<hbm>> -> memref<128xi32, #tpu.memory_space<hbm>>
        tpu.enqueue_dma source(%dma_start3A_41 : memref<128xi32, #tpu.memory_space<hbm>>) target(%arg6 : memref<128xi32, #tpu.memory_space<vmem>>) target_semaphore(%run_scoped3A : memref<!tpu.dma_semaphore, #tpu.memory_space<semaphore_mem>>)
        %dma_wait3A_42 = tpu.memref_slice %arg3[%add3A_35] : memref<323584xi32, #tpu.memory_space<hbm>> -> memref<128xi32, #tpu.memory_space<hbm>>
        %dma_wait3A_43 = tpu.memref_slice %arg3[%add3A_35] : memref<323584xi32, #tpu.memory_space<hbm>> -> memref<128xi32, #tpu.memory_space<hbm>>
        tpu.wait_dma2 semaphore(%run_scoped3A : memref<!tpu.dma_semaphore, #tpu.memory_space<semaphore_mem>>) src(%dma_wait3A_43 : memref<128xi32, #tpu.memory_space<hbm>>) dst(%arg6 : memref<128xi32, #tpu.memory_space<vmem>>)
        tpu.yield
      }) : () -> ()
      "tpu.region"() ({
        %run_scoped3A = tpu.sem_alloc : memref<!tpu.dma_semaphore, #tpu.memory_space<semaphore_mem>>
        %dma_start3A_40 = tpu.memref_slice %arg4[%add3A_35] : memref<323584xi32, #tpu.memory_space<hbm>> -> memref<128xi32, #tpu.memory_space<hbm>>
        %dma_start3A_41 = tpu.memref_slice %arg4[%add3A_35] : memref<323584xi32, #tpu.memory_space<hbm>> -> memref<128xi32, #tpu.memory_space<hbm>>
        tpu.enqueue_dma source(%dma_start3A_41 : memref<128xi32, #tpu.memory_space<hbm>>) target(%arg7 : memref<128xi32, #tpu.memory_space<vmem>>) target_semaphore(%run_scoped3A : memref<!tpu.dma_semaphore, #tpu.memory_space<semaphore_mem>>)
        %dma_wait3A_42 = tpu.memref_slice %arg4[%add3A_35] : memref<323584xi32, #tpu.memory_space<hbm>> -> memref<128xi32, #tpu.memory_space<hbm>>
        %dma_wait3A_43 = tpu.memref_slice %arg4[%add3A_35] : memref<323584xi32, #tpu.memory_space<hbm>> -> memref<128xi32, #tpu.memory_space<hbm>>
        tpu.wait_dma2 semaphore(%run_scoped3A : memref<!tpu.dma_semaphore, #tpu.memory_space<semaphore_mem>>) src(%dma_wait3A_43 : memref<128xi32, #tpu.memory_space<hbm>>) dst(%arg7 : memref<128xi32, #tpu.memory_space<vmem>>)
        tpu.yield
      }) : () -> ()
      %dma_start3A = arith.constant 0 : i32
      %dma_start3A_36 = arith.constant 0 : i32
      %dma_start3A_37 = tpu.memref_slice %arg2[%dma_start3A, %dma_start3A_36] : memref<10000x128xf32, #tpu.memory_space<hbm>> -> memref<10000x128xf32, #tpu.memory_space<hbm>>
      tpu.enqueue_indirect_dma source(%dma_start3A_37 : memref<10000x128xf32, #tpu.memory_space<hbm>>) target(%arg8 : memref<128x128xf32, #tpu.memory_space<vmem>>) offsets(%arg6 : memref<128xi32, #tpu.memory_space<vmem>>) semaphore(%arg12 : memref<!tpu.dma_semaphore, #tpu.memory_space<semaphore_mem>>)
      %dma_wait3A = arith.constant 0 : i32
      %dma_wait3A_38 = arith.constant 0 : i32
      %dma_wait3A_39 = tpu.memref_slice %arg2[%dma_wait3A, %dma_wait3A_38] : memref<10000x128xf32, #tpu.memory_space<hbm>> -> memref<10000x128xf32, #tpu.memory_space<hbm>>
      tpu.wait_indirect_dma semaphore(%arg12 : memref<!tpu.dma_semaphore, #tpu.memory_space<semaphore_mem>>) src(%dma_wait3A_39 : memref<10000x128xf32, #tpu.memory_space<hbm>>) dst(%arg8 : memref<128x128xf32, #tpu.memory_space<vmem>>)
      "tpu.region"() ({
        %run_scoped3A = tpu.sem_alloc : memref<!tpu.dma_semaphore, #tpu.memory_space<semaphore_mem>>
        %dma_start3A_40 = arith.constant 0 : i32
        %dma_start3A_41 = arith.constant 0 : i32
        %dma_start3A_42 = tpu.memref_slice %arg11[%dma_start3A_40, %dma_start3A_41] : memref<10112x128xf32, #tpu.memory_space<vmem_shared>> -> memref<10112x128xf32, #tpu.memory_space<vmem_shared>>
        tpu.enqueue_indirect_dma source(%arg8 : memref<128x128xf32, #tpu.memory_space<vmem>>) target(%dma_start3A_42 : memref<10112x128xf32, #tpu.memory_space<vmem_shared>>) offsets(%arg7 : memref<128xi32, #tpu.memory_space<vmem>>) semaphore(%run_scoped3A : memref<!tpu.dma_semaphore, #tpu.memory_space<semaphore_mem>>) {add = true}
        %dma_wait3A_43 = arith.constant 0 : i32
        %dma_wait3A_44 = arith.constant 0 : i32
        %dma_wait3A_45 = tpu.memref_slice %arg11[%dma_wait3A_43, %dma_wait3A_44] : memref<10112x128xf32, #tpu.memory_space<vmem_shared>> -> memref<10112x128xf32, #tpu.memory_space<vmem_shared>>
        tpu.wait_indirect_dma semaphore(%run_scoped3A : memref<!tpu.dma_semaphore, #tpu.memory_space<semaphore_mem>>) src(%arg8 : memref<128x128xf32, #tpu.memory_space<vmem>>) dst(%dma_wait3A_45 : memref<10112x128xf32, #tpu.memory_space<vmem_shared>>)
        tpu.yield
      }) : () -> ()
    }
    %scan3A_19 = arith.constant 79 : i32
    %barrier3A_20 = arith.constant 0 : index
    tpu.barrier barrier_id(%barrier3A_20)
    %scan3A_21 = arith.constant 0 : i32
    %scan3A_22 = arith.constant 40 : i32
    %scan3A_23 = arith.addi %scan3A_21, %scan3A_22 : i32
    %scan3A_24 = arith.constant 1 : i32
    scf.for %scan3A_26 = %scan3A_21 to %scan3A_23 step %scan3A_24  : i32 {
      %mul3A_27 = arith.constant 1 : i32
      %mul3A_28 = arith.muli %scan3A_26, %mul3A_27 : i32
      %add3A_29 = arith.constant 0 : i32
      %add3A_30 = arith.addi %add3A_29, %mul3A_28 : i32
      %mul3A_31 = arith.constant 16 : i32
      %mul3A_32 = arith.muli %add3A_30, %mul3A_31 : i32
      %min3A = arith.constant 616 : i32
      %min3A_33 = arith.minsi %mul3A_32, %min3A : i32
      %dma_start3A = arith.constant 0 : i32
      %dma_start3A_34 = tpu.memref_slice %arg10[%add3A_30, %dma_start3A] : memref<40x16xi32, #tpu.memory_space<vmem>> -> memref<1x16xi32, #tpu.memory_space<vmem>>
      %dma_start3A_35 = tpu.memref_squeeze %dma_start3A_34 : memref<1x16xi32, #tpu.memory_space<vmem>> -> memref<16xi32, #tpu.memory_space<vmem>>
      %dma_start3A_36 = arith.constant 0 : i32
      %dma_start3A_37 = arith.constant 0 : i32
      %dma_start3A_38 = tpu.memref_slice %arg11[%dma_start3A_36, %dma_start3A_37] : memref<10112x128xf32, #tpu.memory_space<vmem_shared>> -> memref<10112x128xf32, #tpu.memory_space<vmem_shared>>
      tpu.enqueue_indirect_dma source(%dma_start3A_38 : memref<10112x128xf32, #tpu.memory_space<vmem_shared>>) target(%arg9 : memref<16x128xf32, #tpu.memory_space<vmem>>) offsets(%dma_start3A_35 : memref<16xi32, #tpu.memory_space<vmem>>) semaphore(%arg12 : memref<!tpu.dma_semaphore, #tpu.memory_space<semaphore_mem>>)
      %dma_wait3A = arith.constant 0 : i32
      %dma_wait3A_39 = tpu.memref_slice %arg10[%add3A_30, %dma_wait3A] : memref<40x16xi32, #tpu.memory_space<vmem>> -> memref<1x16xi32, #tpu.memory_space<vmem>>
      %dma_wait3A_40 = tpu.memref_squeeze %dma_wait3A_39 : memref<1x16xi32, #tpu.memory_space<vmem>> -> memref<16xi32, #tpu.memory_space<vmem>>
      %dma_wait3A_41 = arith.constant 0 : i32
      %dma_wait3A_42 = arith.constant 0 : i32
      %dma_wait3A_43 = tpu.memref_slice %arg11[%dma_wait3A_41, %dma_wait3A_42] : memref<10112x128xf32, #tpu.memory_space<vmem_shared>> -> memref<10112x128xf32, #tpu.memory_space<vmem_shared>>
      tpu.wait_indirect_dma semaphore(%arg12 : memref<!tpu.dma_semaphore, #tpu.memory_space<semaphore_mem>>) src(%dma_wait3A_43 : memref<10112x128xf32, #tpu.memory_space<vmem_shared>>) dst(%arg9 : memref<16x128xf32, #tpu.memory_space<vmem>>)
      %mul3A_44 = arith.constant 632 : i32
      %mul3A_45 = arith.muli %arg1, %mul3A_44 : i32
      %add3A_46 = arith.addi %mul3A_45, %min3A_33 : i32
      "tpu.region"() ({
        %run_scoped3A = tpu.sem_alloc : memref<!tpu.dma_semaphore, #tpu.memory_space<semaphore_mem>>
        %dma_start3A_47 = arith.constant 0 : i32
        %dma_start3A_48 = tpu.memref_slice %arg5[%arg0, %add3A_46, %dma_start3A_47] : memref<2x10112x128xf32, #tpu.memory_space<hbm>> -> memref<1x16x128xf32, #tpu.memory_space<hbm>>
        %dma_start3A_49 = tpu.memref_squeeze %dma_start3A_48 : memref<1x16x128xf32, #tpu.memory_space<hbm>> -> memref<16x128xf32, #tpu.memory_space<hbm>>
        %dma_start3A_50 = arith.constant 0 : i32
        %dma_start3A_51 = tpu.memref_slice %arg5[%arg0, %add3A_46, %dma_start3A_50] : memref<2x10112x128xf32, #tpu.memory_space<hbm>> -> memref<1x16x128xf32, #tpu.memory_space<hbm>>
        %dma_start3A_52 = tpu.memref_squeeze %dma_start3A_51 : memref<1x16x128xf32, #tpu.memory_space<hbm>> -> memref<16x128xf32, #tpu.memory_space<hbm>>
        tpu.enqueue_dma source(%arg9 : memref<16x128xf32, #tpu.memory_space<vmem>>) target(%dma_start3A_52 : memref<16x128xf32, #tpu.memory_space<hbm>>) target_semaphore(%run_scoped3A : memref<!tpu.dma_semaphore, #tpu.memory_space<semaphore_mem>>)
        %dma_wait3A_53 = arith.constant 0 : i32
        %dma_wait3A_54 = tpu.memref_slice %arg5[%arg0, %add3A_46, %dma_wait3A_53] : memref<2x10112x128xf32, #tpu.memory_space<hbm>> -> memref<1x16x128xf32, #tpu.memory_space<hbm>>
        %dma_wait3A_55 = tpu.memref_squeeze %dma_wait3A_54 : memref<1x16x128xf32, #tpu.memory_space<hbm>> -> memref<16x128xf32, #tpu.memory_space<hbm>>
        %dma_wait3A_56 = arith.constant 0 : i32
        %dma_wait3A_57 = tpu.memref_slice %arg5[%arg0, %add3A_46, %dma_wait3A_56] : memref<2x10112x128xf32, #tpu.memory_space<hbm>> -> memref<1x16x128xf32, #tpu.memory_space<hbm>>
        %dma_wait3A_58 = tpu.memref_squeeze %dma_wait3A_57 : memref<1x16x128xf32, #tpu.memory_space<hbm>> -> memref<16x128xf32, #tpu.memory_space<hbm>>
        tpu.wait_dma2 semaphore(%run_scoped3A : memref<!tpu.dma_semaphore, #tpu.memory_space<semaphore_mem>>) src(%arg9 : memref<16x128xf32, #tpu.memory_space<vmem>>) dst(%dma_wait3A_58 : memref<16x128xf32, #tpu.memory_space<hbm>>)
        tpu.yield
      }) : () -> ()
    }
    %scan3A_25 = arith.constant 40 : i32
    return
  }
}

#map = affine_map<(d0, d1) -> (0)>
module attributes {stable_mosaic.version = 14 : i64} {
  func.func @_stats_body(%arg0: i32, %arg1: i32, %arg2: memref<323584xi32, #tpu.memory_space<hbm>>, %arg3: memref<323584xi32, #tpu.memory_space<hbm>>, %arg4: memref<40448xf32, #tpu.memory_space<hbm>>, %arg5: memref<128xi32, #tpu.memory_space<vmem>>, %arg6: memref<128xi32, #tpu.memory_space<vmem>>, %arg7: memref<128xf32, #tpu.memory_space<vmem>>, %arg8: memref<128xf32, #tpu.memory_space<vmem>>, %arg9: memref<128xi32, #tpu.memory_space<vmem>>, %arg10: memref<1264xf32, #tpu.memory_space<vmem>>, %arg11: memref<20224xf32, #tpu.memory_space<vmem_shared>>) attributes {dimension_semantics = [#tpu.dimension_semantics<core_parallel>, #tpu.dimension_semantics<subcore_parallel>], iteration_bounds = array<i64: 2, 16>, scalar_prefetch = 0 : i64, scratch_operands = 7 : i64, tpu.core_type = #tpu.core_type<sc_vector_subcore>, window_params = [{transform_indices = #map}, {transform_indices = #map}, {transform_indices = #map}]} {
    %mul3A = arith.constant 16 : i32
    %mul3A_0 = arith.muli %arg0, %mul3A : i32
    %add3A = arith.addi %mul3A_0, %arg1 : i32
    %broadcast_in_dim3A = arith.constant 1.000000e+00 : f32
    %broadcast_in_dim3A_1 = vector.broadcast %broadcast_in_dim3A : f32 to vector<16xf32>
    %scan3A = arith.constant 0 : i32
    %scan3A_2 = arith.constant 8 : i32
    %scan3A_3 = arith.addi %scan3A, %scan3A_2 : i32
    %scan3A_4 = arith.constant 1 : i32
    scf.for %scan3A_26 = %scan3A to %scan3A_3 step %scan3A_4  : i32 {
      %mul3A_27 = arith.constant 1 : i32
      %mul3A_28 = arith.muli %scan3A_26, %mul3A_27 : i32
      %add3A_29 = arith.constant 0 : i32
      %add3A_30 = arith.addi %add3A_29, %mul3A_28 : i32
      %mul3A_31 = arith.constant 16 : i32
      %mul3A_32 = arith.muli %add3A_30, %mul3A_31 : i32
      %swap3A = arith.index_cast %mul3A_32 : i32 to index
      %swap3A_33 = tpu.vector_load %arg8[%swap3A] {strides = array<i32>} : memref<128xf32, #tpu.memory_space<vmem>>, vector<16xf32>,
      %swap3A_34 = vector.shape_cast %swap3A_33 : vector<16xf32> to vector<16xf32>
      %swap3A_35 = vector.shape_cast %broadcast_in_dim3A_1 : vector<16xf32> to vector<16xf32>
      tpu.vector_store %arg8[%swap3A], %swap3A_35 {strides = array<i32>} : memref<128xf32, #tpu.memory_space<vmem>>, vector<16xf32>,
    }
    %scan3A_5 = arith.constant 8 : i32
    %broadcast_in_dim3A_6 = arith.constant 0.000000e+00 : f32
    %broadcast_in_dim3A_7 = vector.broadcast %broadcast_in_dim3A_6 : f32 to vector<16xf32>
    %scan3A_8 = arith.constant 0 : i32
    %scan3A_9 = arith.constant 79 : i32
    %scan3A_10 = arith.addi %scan3A_8, %scan3A_9 : i32
    %scan3A_11 = arith.constant 1 : i32
    scf.for %scan3A_26 = %scan3A_8 to %scan3A_10 step %scan3A_11  : i32 {
      %mul3A_27 = arith.constant 1 : i32
      %mul3A_28 = arith.muli %scan3A_26, %mul3A_27 : i32
      %add3A_29 = arith.constant 0 : i32
      %add3A_30 = arith.addi %add3A_29, %mul3A_28 : i32
      %mul3A_31 = arith.constant 16 : i32
      %mul3A_32 = arith.muli %add3A_30, %mul3A_31 : i32
      %swap3A = arith.index_cast %mul3A_32 : i32 to index
      %swap3A_33 = tpu.vector_load %arg10[%swap3A] {strides = array<i32>} : memref<1264xf32, #tpu.memory_space<vmem>>, vector<16xf32>,
      %swap3A_34 = vector.shape_cast %swap3A_33 : vector<16xf32> to vector<16xf32>
      %swap3A_35 = vector.shape_cast %broadcast_in_dim3A_7 : vector<16xf32> to vector<16xf32>
      tpu.vector_store %arg10[%swap3A], %swap3A_35 {strides = array<i32>} : memref<1264xf32, #tpu.memory_space<vmem>>, vector<16xf32>,
    }
    %scan3A_12 = arith.constant 79 : i32
    %mul3A_13 = arith.constant 1264 : i32
    %mul3A_14 = arith.muli %arg1, %mul3A_13 : i32
    "tpu.region"() ({
      %run_scoped3A = tpu.sem_alloc : memref<!tpu.dma_semaphore, #tpu.memory_space<semaphore_mem>>
      %dma_start3A = tpu.memref_slice %arg11[%mul3A_14] : memref<20224xf32, #tpu.memory_space<vmem_shared>> -> memref<1264xf32, #tpu.memory_space<vmem_shared>>
      %dma_start3A_26 = tpu.memref_slice %arg11[%mul3A_14] : memref<20224xf32, #tpu.memory_space<vmem_shared>> -> memref<1264xf32, #tpu.memory_space<vmem_shared>>
      tpu.enqueue_dma source(%arg10 : memref<1264xf32, #tpu.memory_space<vmem>>) target(%dma_start3A_26 : memref<1264xf32, #tpu.memory_space<vmem_shared>>) target_semaphore(%run_scoped3A : memref<!tpu.dma_semaphore, #tpu.memory_space<semaphore_mem>>)
      %dma_wait3A = tpu.memref_slice %arg11[%mul3A_14] : memref<20224xf32, #tpu.memory_space<vmem_shared>> -> memref<1264xf32, #tpu.memory_space<vmem_shared>>
      %dma_wait3A_27 = tpu.memref_slice %arg11[%mul3A_14] : memref<20224xf32, #tpu.memory_space<vmem_shared>> -> memref<1264xf32, #tpu.memory_space<vmem_shared>>
      tpu.wait_dma2 semaphore(%run_scoped3A : memref<!tpu.dma_semaphore, #tpu.memory_space<semaphore_mem>>) src(%arg10 : memref<1264xf32, #tpu.memory_space<vmem>>) dst(%dma_wait3A_27 : memref<1264xf32, #tpu.memory_space<vmem_shared>>)
      tpu.yield
    }) : () -> ()
    %barrier3A = arith.constant 0 : index
    tpu.barrier barrier_id(%barrier3A)
    %scan3A_15 = arith.constant 0 : i32
    %scan3A_16 = arith.constant 79 : i32
    %scan3A_17 = arith.addi %scan3A_15, %scan3A_16 : i32
    %scan3A_18 = arith.constant 1 : i32
    scf.for %scan3A_26 = %scan3A_15 to %scan3A_17 step %scan3A_18  : i32 {
      %mul3A_27 = arith.constant 1 : i32
      %mul3A_28 = arith.muli %scan3A_26, %mul3A_27 : i32
      %add3A_29 = arith.constant 0 : i32
      %add3A_30 = arith.addi %add3A_29, %mul3A_28 : i32
      %mul3A_31 = arith.constant 10112 : i32
      %mul3A_32 = arith.muli %add3A, %mul3A_31 : i32
      %mul3A_33 = arith.constant 128 : i32
      %mul3A_34 = arith.muli %add3A_30, %mul3A_33 : i32
      %add3A_35 = arith.addi %mul3A_32, %mul3A_34 : i32
      "tpu.region"() ({
        %run_scoped3A = tpu.sem_alloc : memref<!tpu.dma_semaphore, #tpu.memory_space<semaphore_mem>>
        %dma_start3A = tpu.memref_slice %arg2[%add3A_35] : memref<323584xi32, #tpu.memory_space<hbm>> -> memref<128xi32, #tpu.memory_space<hbm>>
        %dma_start3A_41 = tpu.memref_slice %arg2[%add3A_35] : memref<323584xi32, #tpu.memory_space<hbm>> -> memref<128xi32, #tpu.memory_space<hbm>>
        tpu.enqueue_dma source(%dma_start3A_41 : memref<128xi32, #tpu.memory_space<hbm>>) target(%arg5 : memref<128xi32, #tpu.memory_space<vmem>>) target_semaphore(%run_scoped3A : memref<!tpu.dma_semaphore, #tpu.memory_space<semaphore_mem>>)
        %dma_wait3A = tpu.memref_slice %arg2[%add3A_35] : memref<323584xi32, #tpu.memory_space<hbm>> -> memref<128xi32, #tpu.memory_space<hbm>>
        %dma_wait3A_42 = tpu.memref_slice %arg2[%add3A_35] : memref<323584xi32, #tpu.memory_space<hbm>> -> memref<128xi32, #tpu.memory_space<hbm>>
        tpu.wait_dma2 semaphore(%run_scoped3A : memref<!tpu.dma_semaphore, #tpu.memory_space<semaphore_mem>>) src(%dma_wait3A_42 : memref<128xi32, #tpu.memory_space<hbm>>) dst(%arg5 : memref<128xi32, #tpu.memory_space<vmem>>)
        tpu.yield
      }) : () -> ()
      "tpu.region"() ({
        %run_scoped3A = tpu.sem_alloc : memref<!tpu.dma_semaphore, #tpu.memory_space<semaphore_mem>>
        %dma_start3A = tpu.memref_slice %arg3[%add3A_35] : memref<323584xi32, #tpu.memory_space<hbm>> -> memref<128xi32, #tpu.memory_space<hbm>>
        %dma_start3A_41 = tpu.memref_slice %arg3[%add3A_35] : memref<323584xi32, #tpu.memory_space<hbm>> -> memref<128xi32, #tpu.memory_space<hbm>>
        tpu.enqueue_dma source(%dma_start3A_41 : memref<128xi32, #tpu.memory_space<hbm>>) target(%arg6 : memref<128xi32, #tpu.memory_space<vmem>>) target_semaphore(%run_scoped3A : memref<!tpu.dma_semaphore, #tpu.memory_space<semaphore_mem>>)
        %dma_wait3A = tpu.memref_slice %arg3[%add3A_35] : memref<323584xi32, #tpu.memory_space<hbm>> -> memref<128xi32, #tpu.memory_space<hbm>>
        %dma_wait3A_42 = tpu.memref_slice %arg3[%add3A_35] : memref<323584xi32, #tpu.memory_space<hbm>> -> memref<128xi32, #tpu.memory_space<hbm>>
        tpu.wait_dma2 semaphore(%run_scoped3A : memref<!tpu.dma_semaphore, #tpu.memory_space<semaphore_mem>>) src(%dma_wait3A_42 : memref<128xi32, #tpu.memory_space<hbm>>) dst(%arg6 : memref<128xi32, #tpu.memory_space<vmem>>)
        tpu.yield
      }) : () -> ()
      %scan3A_36 = arith.constant 0 : i32
      %scan3A_37 = arith.constant 8 : i32
      %scan3A_38 = arith.addi %scan3A_36, %scan3A_37 : i32
      %scan3A_39 = arith.constant 1 : i32
      scf.for %scan3A_41 = %scan3A_36 to %scan3A_38 step %scan3A_39  : i32 {
        %mul3A_42 = arith.constant 1 : i32
        %mul3A_43 = arith.muli %scan3A_41, %mul3A_42 : i32
        %add3A_44 = arith.constant 0 : i32
        %add3A_45 = arith.addi %add3A_44, %mul3A_43 : i32
        %mul3A_46 = arith.constant 16 : i32
        %mul3A_47 = arith.muli %add3A_45, %mul3A_46 : i32
        %get3A = arith.index_cast %mul3A_47 : i32 to index
        %get3A_48 = tpu.vector_load %arg5[%get3A] {strides = array<i32>} : memref<128xi32, #tpu.memory_space<vmem>>, vector<16xi32>,
        %get3A_49 = vector.shape_cast %get3A_48 : vector<16xi32> to vector<16xi32>
        %mul3A_50 = arith.constant 16 : i32
        %mul3A_51 = arith.muli %add3A_45, %mul3A_50 : i32
        %get3A_52 = arith.index_cast %mul3A_51 : i32 to index
        %get3A_53 = tpu.vector_load %arg6[%get3A_52] {strides = array<i32>} : memref<128xi32, #tpu.memory_space<vmem>>, vector<16xi32>,
        %get3A_54 = vector.shape_cast %get3A_53 : vector<16xi32> to vector<16xi32>
        %eq3A = arith.cmpi eq, %get3A_49, %get3A_54 : vector<16xi32>
        %jit3A = arith.constant 1.000000e+00 : f32
        %jit3A_55 = arith.constant 0.000000e+00 : f32
        %broadcast_in_dim3A_56 = vector.broadcast %jit3A : f32 to vector<16xf32>
        %broadcast_in_dim3A_57 = vector.broadcast %jit3A_55 : f32 to vector<16xf32>
        %select_n3A = arith.select %eq3A, %broadcast_in_dim3A_56, %broadcast_in_dim3A_57 : vector<16xi1>, vector<16xf32>
        %mul3A_58 = arith.constant 16 : i32
        %mul3A_59 = arith.muli %add3A_45, %mul3A_58 : i32
        %swap3A = arith.index_cast %mul3A_59 : i32 to index
        %swap3A_60 = tpu.vector_load %arg7[%swap3A] {strides = array<i32>} : memref<128xf32, #tpu.memory_space<vmem>>, vector<16xf32>,
        %swap3A_61 = vector.shape_cast %swap3A_60 : vector<16xf32> to vector<16xf32>
        %swap3A_62 = vector.shape_cast %select_n3A : vector<16xf32> to vector<16xf32>
        tpu.vector_store %arg7[%swap3A], %swap3A_62 {strides = array<i32>} : memref<128xf32, #tpu.memory_space<vmem>>, vector<16xf32>,
        %add3A_63 = arith.constant 10112 : i32
        %add3A_64 = vector.broadcast %add3A_63 : i32 to vector<16xi32>
        %add3A_65 = arith.addi %get3A_54, %add3A_64 : vector<16xi32>
        %mul3A_66 = arith.constant 16 : i32
        %mul3A_67 = arith.muli %add3A_45, %mul3A_66 : i32
        %swap3A_68 = arith.index_cast %mul3A_67 : i32 to index
        %swap3A_69 = tpu.vector_load %arg9[%swap3A_68] {strides = array<i32>} : memref<128xi32, #tpu.memory_space<vmem>>, vector<16xi32>,
        %swap3A_70 = vector.shape_cast %swap3A_69 : vector<16xi32> to vector<16xi32>
        %swap3A_71 = vector.shape_cast %add3A_65 : vector<16xi32> to vector<16xi32>
        tpu.vector_store %arg9[%swap3A_68], %swap3A_71 {strides = array<i32>} : memref<128xi32, #tpu.memory_space<vmem>>, vector<16xi32>,
      }
      %scan3A_40 = arith.constant 8 : i32
      "tpu.region"() ({
        %run_scoped3A = tpu.sem_alloc : memref<!tpu.dma_semaphore, #tpu.memory_space<semaphore_mem>>
        %dma_start3A = arith.constant 0 : i32
        %dma_start3A_41 = tpu.memref_slice %arg11[%dma_start3A] : memref<20224xf32, #tpu.memory_space<vmem_shared>> -> memref<20224xf32, #tpu.memory_space<vmem_shared>>
        tpu.enqueue_indirect_dma source(%arg8 : memref<128xf32, #tpu.memory_space<vmem>>) target(%dma_start3A_41 : memref<20224xf32, #tpu.memory_space<vmem_shared>>) offsets(%arg6 : memref<128xi32, #tpu.memory_space<vmem>>) semaphore(%run_scoped3A : memref<!tpu.dma_semaphore, #tpu.memory_space<semaphore_mem>>) {add = true}
        %dma_wait3A = arith.constant 0 : i32
        %dma_wait3A_42 = tpu.memref_slice %arg11[%dma_wait3A] : memref<20224xf32, #tpu.memory_space<vmem_shared>> -> memref<20224xf32, #tpu.memory_space<vmem_shared>>
        tpu.wait_indirect_dma semaphore(%run_scoped3A : memref<!tpu.dma_semaphore, #tpu.memory_space<semaphore_mem>>) src(%arg8 : memref<128xf32, #tpu.memory_space<vmem>>) dst(%dma_wait3A_42 : memref<20224xf32, #tpu.memory_space<vmem_shared>>)
        tpu.yield
      }) : () -> ()
      "tpu.region"() ({
        %run_scoped3A = tpu.sem_alloc : memref<!tpu.dma_semaphore, #tpu.memory_space<semaphore_mem>>
        %dma_start3A = arith.constant 0 : i32
        %dma_start3A_41 = tpu.memref_slice %arg11[%dma_start3A] : memref<20224xf32, #tpu.memory_space<vmem_shared>> -> memref<20224xf32, #tpu.memory_space<vmem_shared>>
        tpu.enqueue_indirect_dma source(%arg7 : memref<128xf32, #tpu.memory_space<vmem>>) target(%dma_start3A_41 : memref<20224xf32, #tpu.memory_space<vmem_shared>>) offsets(%arg9 : memref<128xi32, #tpu.memory_space<vmem>>) semaphore(%run_scoped3A : memref<!tpu.dma_semaphore, #tpu.memory_space<semaphore_mem>>) {add = true}
        %dma_wait3A = arith.constant 0 : i32
        %dma_wait3A_42 = tpu.memref_slice %arg11[%dma_wait3A] : memref<20224xf32, #tpu.memory_space<vmem_shared>> -> memref<20224xf32, #tpu.memory_space<vmem_shared>>
        tpu.wait_indirect_dma semaphore(%run_scoped3A : memref<!tpu.dma_semaphore, #tpu.memory_space<semaphore_mem>>) src(%arg7 : memref<128xf32, #tpu.memory_space<vmem>>) dst(%dma_wait3A_42 : memref<20224xf32, #tpu.memory_space<vmem_shared>>)
        tpu.yield
      }) : () -> ()
    }
    %scan3A_19 = arith.constant 79 : i32
    %barrier3A_20 = arith.constant 0 : index
    tpu.barrier barrier_id(%barrier3A_20)
    %scan3A_21 = arith.constant 0 : i32
    %scan3A_22 = arith.constant 2 : i32
    %scan3A_23 = arith.addi %scan3A_21, %scan3A_22 : i32
    %scan3A_24 = arith.constant 1 : i32
    scf.for %scan3A_26 = %scan3A_21 to %scan3A_23 step %scan3A_24  : i32 {
      %mul3A_27 = arith.constant 1 : i32
      %mul3A_28 = arith.muli %scan3A_26, %mul3A_27 : i32
      %add3A_29 = arith.constant 0 : i32
      %add3A_30 = arith.addi %add3A_29, %mul3A_28 : i32
      %mul3A_31 = arith.constant 10112 : i32
      %mul3A_32 = arith.muli %add3A_30, %mul3A_31 : i32
      %mul3A_33 = arith.constant 632 : i32
      %mul3A_34 = arith.muli %arg1, %mul3A_33 : i32
      %add3A_35 = arith.addi %mul3A_32, %mul3A_34 : i32
      "tpu.region"() ({
        %run_scoped3A = tpu.sem_alloc : memref<!tpu.dma_semaphore, #tpu.memory_space<semaphore_mem>>
        %dma_start3A = arith.constant 0 : i32
        %dma_start3A_46 = tpu.memref_slice %arg10[%dma_start3A] : memref<1264xf32, #tpu.memory_space<vmem>> -> memref<632xf32, #tpu.memory_space<vmem>>
        %dma_start3A_47 = tpu.memref_slice %arg11[%add3A_35] : memref<20224xf32, #tpu.memory_space<vmem_shared>> -> memref<632xf32, #tpu.memory_space<vmem_shared>>
        %dma_start3A_48 = arith.constant 0 : i32
        %dma_start3A_49 = tpu.memref_slice %arg10[%dma_start3A_48] : memref<1264xf32, #tpu.memory_space<vmem>> -> memref<632xf32, #tpu.memory_space<vmem>>
        %dma_start3A_50 = tpu.memref_slice %arg11[%add3A_35] : memref<20224xf32, #tpu.memory_space<vmem_shared>> -> memref<632xf32, #tpu.memory_space<vmem_shared>>
        tpu.enqueue_dma source(%dma_start3A_50 : memref<632xf32, #tpu.memory_space<vmem_shared>>) target(%dma_start3A_49 : memref<632xf32, #tpu.memory_space<vmem>>) target_semaphore(%run_scoped3A : memref<!tpu.dma_semaphore, #tpu.memory_space<semaphore_mem>>)
        %dma_wait3A = arith.constant 0 : i32
        %dma_wait3A_51 = tpu.memref_slice %arg10[%dma_wait3A] : memref<1264xf32, #tpu.memory_space<vmem>> -> memref<632xf32, #tpu.memory_space<vmem>>
        %dma_wait3A_52 = tpu.memref_slice %arg11[%add3A_35] : memref<20224xf32, #tpu.memory_space<vmem_shared>> -> memref<632xf32, #tpu.memory_space<vmem_shared>>
        %dma_wait3A_53 = arith.constant 0 : i32
        %dma_wait3A_54 = tpu.memref_slice %arg10[%dma_wait3A_53] : memref<1264xf32, #tpu.memory_space<vmem>> -> memref<632xf32, #tpu.memory_space<vmem>>
        %dma_wait3A_55 = tpu.memref_slice %arg11[%add3A_35] : memref<20224xf32, #tpu.memory_space<vmem_shared>> -> memref<632xf32, #tpu.memory_space<vmem_shared>>
        tpu.wait_dma2 semaphore(%run_scoped3A : memref<!tpu.dma_semaphore, #tpu.memory_space<semaphore_mem>>) src(%dma_wait3A_55 : memref<632xf32, #tpu.memory_space<vmem_shared>>) dst(%dma_wait3A_54 : memref<632xf32, #tpu.memory_space<vmem>>)
        tpu.yield
      }) : () -> ()
      %mul3A_36 = arith.constant 2 : i32
      %mul3A_37 = arith.muli %arg0, %mul3A_36 : i32
      %mul3A_38 = arith.constant 10112 : i32
      %mul3A_39 = arith.muli %mul3A_37, %mul3A_38 : i32
      %mul3A_40 = arith.constant 10112 : i32
      %mul3A_41 = arith.muli %add3A_30, %mul3A_40 : i32
      %add3A_42 = arith.addi %mul3A_39, %mul3A_41 : i32
      %mul3A_43 = arith.constant 632 : i32
      %mul3A_44 = arith.muli %arg1, %mul3A_43 : i32
      %add3A_45 = arith.addi %add3A_42, %mul3A_44 : i32
      "tpu.region"() ({
        %run_scoped3A = tpu.sem_alloc : memref<!tpu.dma_semaphore, #tpu.memory_space<semaphore_mem>>
        %dma_start3A = arith.constant 0 : i32
        %dma_start3A_46 = tpu.memref_slice %arg10[%dma_start3A] : memref<1264xf32, #tpu.memory_space<vmem>> -> memref<632xf32, #tpu.memory_space<vmem>>
        %dma_start3A_47 = tpu.memref_slice %arg4[%add3A_45] : memref<40448xf32, #tpu.memory_space<hbm>> -> memref<632xf32, #tpu.memory_space<hbm>>
        %dma_start3A_48 = tpu.memref_slice %arg4[%add3A_45] : memref<40448xf32, #tpu.memory_space<hbm>> -> memref<632xf32, #tpu.memory_space<hbm>>
        %dma_start3A_49 = arith.constant 0 : i32
        %dma_start3A_50 = tpu.memref_slice %arg10[%dma_start3A_49] : memref<1264xf32, #tpu.memory_space<vmem>> -> memref<632xf32, #tpu.memory_space<vmem>>
        tpu.enqueue_dma source(%dma_start3A_50 : memref<632xf32, #tpu.memory_space<vmem>>) target(%dma_start3A_48 : memref<632xf32, #tpu.memory_space<hbm>>) target_semaphore(%run_scoped3A : memref<!tpu.dma_semaphore, #tpu.memory_space<semaphore_mem>>)
        %dma_wait3A = arith.constant 0 : i32
        %dma_wait3A_51 = tpu.memref_slice %arg10[%dma_wait3A] : memref<1264xf32, #tpu.memory_space<vmem>> -> memref<632xf32, #tpu.memory_space<vmem>>
        %dma_wait3A_52 = tpu.memref_slice %arg4[%add3A_45] : memref<40448xf32, #tpu.memory_space<hbm>> -> memref<632xf32, #tpu.memory_space<hbm>>
        %dma_wait3A_53 = tpu.memref_slice %arg4[%add3A_45] : memref<40448xf32, #tpu.memory_space<hbm>> -> memref<632xf32, #tpu.memory_space<hbm>>
        %dma_wait3A_54 = arith.constant 0 : i32
        %dma_wait3A_55 = tpu.memref_slice %arg10[%dma_wait3A_54] : memref<1264xf32, #tpu.memory_space<vmem>> -> memref<632xf32, #tpu.memory_space<vmem>>
        tpu.wait_dma2 semaphore(%run_scoped3A : memref<!tpu.dma_semaphore, #tpu.memory_space<semaphore_mem>>) src(%dma_wait3A_55 : memref<632xf32, #tpu.memory_space<vmem>>) dst(%dma_wait3A_53 : memref<632xf32, #tpu.memory_space<hbm>>)
        tpu.yield
      }) : () -> ()
    }
    %scan3A_25 = arith.constant 2 : i32
    return
  }
}

#map = affine_map<(d0, d1) -> (0, 0)>
#map1 = affine_map<(d0, d1) -> (0)>
#map2 = affine_map<(d0, d1) -> (0, 0, 0)>
module attributes {stable_mosaic.version = 14 : i64} {
  func.func @body(%arg0: i32, %arg1: i32, %arg2: memref<2048x128xf32, #tpu.memory_space<hbm>>, %arg3: memref<4096xi32, #tpu.memory_space<hbm>>, %arg4: memref<4096xi32, #tpu.memory_space<hbm>>, %arg5: memref<2x10112x128xf32, #tpu.memory_space<hbm>>, %arg6: memref<128xi32, #tpu.memory_space<vmem>>, %arg7: memref<128xi32, #tpu.memory_space<vmem>>, %arg8: memref<128x128xf32, #tpu.memory_space<vmem>>, %arg9: memref<16x128xf32, #tpu.memory_space<vmem>>, %arg10: memref<40x16xi32, #tpu.memory_space<vmem>>, %arg11: memref<10112x128xf32, #tpu.memory_space<vmem_shared>>, %arg12: memref<!tpu.dma_semaphore, #tpu.memory_space<semaphore_mem>>) attributes {dimension_semantics = [#tpu.dimension_semantics<core_parallel>, #tpu.dimension_semantics<subcore_parallel>], iteration_bounds = array<i64: 2, 16>, scalar_prefetch = 0 : i64, scratch_operands = 7 : i64, tpu.core_type = #tpu.core_type<sc_vector_subcore>, window_params = [{transform_indices = #map}, {transform_indices = #map1}, {transform_indices = #map1}, {transform_indices = #map2}]} {
    %mul3A = arith.constant 16 : i32
    %mul3A_0 = arith.muli %arg0, %mul3A : i32
    %add3A = arith.addi %mul3A_0, %arg1 : i32
    %scan3A = arith.constant 0 : i32
    %scan3A_1 = arith.constant 16 : i32
    %scan3A_2 = arith.addi %scan3A, %scan3A_1 : i32
    %scan3A_3 = arith.constant 1 : i32
    scf.for %scan3A_36 = %scan3A to %scan3A_2 step %scan3A_3  : i32 {
      %mul3A_37 = arith.constant 1 : i32
      %mul3A_38 = arith.muli %scan3A_36, %mul3A_37 : i32
      %add3A_39 = arith.constant 0 : i32
      %add3A_40 = arith.addi %add3A_39, %mul3A_38 : i32
      %scan3A_41 = arith.constant 0 : i32
      %scan3A_42 = arith.constant 8 : i32
      %scan3A_43 = arith.addi %scan3A_41, %scan3A_42 : i32
      %scan3A_44 = arith.constant 1 : i32
      scf.for %scan3A_46 = %scan3A_41 to %scan3A_43 step %scan3A_44  : i32 {
        %mul3A_47 = arith.constant 1 : i32
        %mul3A_48 = arith.muli %scan3A_46, %mul3A_47 : i32
        %add3A_49 = arith.constant 0 : i32
        %add3A_50 = arith.addi %add3A_49, %mul3A_48 : i32
        %broadcast_in_dim3A = arith.constant 0.000000e+00 : f32
        %broadcast_in_dim3A_51 = vector.broadcast %broadcast_in_dim3A : f32 to vector<16xf32>
        %mul3A_52 = arith.constant 16 : i32
        %mul3A_53 = arith.muli %add3A_50, %mul3A_52 : i32
        %swap3A = arith.index_cast %add3A_40 : i32 to index
        %swap3A_54 = arith.index_cast %mul3A_53 : i32 to index
        %swap3A_55 = tpu.vector_load %arg9[%swap3A, %swap3A_54] {strides = array<i32>} : memref<16x128xf32, #tpu.memory_space<vmem>>, vector<1x16xf32>,
        %swap3A_56 = vector.shape_cast %swap3A_55 : vector<1x16xf32> to vector<16xf32>
        %swap3A_57 = vector.shape_cast %broadcast_in_dim3A_51 : vector<16xf32> to vector<1x16xf32>
        tpu.vector_store %arg9[%swap3A, %swap3A_54], %swap3A_57 {strides = array<i32>} : memref<16x128xf32, #tpu.memory_space<vmem>>, vector<1x16xf32>,
      }
      %scan3A_45 = arith.constant 8 : i32
    }
    %scan3A_4 = arith.constant 16 : i32
    %scan3A_5 = arith.constant 0 : i32
    %scan3A_6 = arith.constant 40 : i32
    %scan3A_7 = arith.addi %scan3A_5, %scan3A_6 : i32
    %scan3A_8 = arith.constant 1 : i32
    scf.for %scan3A_36 = %scan3A_5 to %scan3A_7 step %scan3A_8  : i32 {
      %mul3A_37 = arith.constant 1 : i32
      %mul3A_38 = arith.muli %scan3A_36, %mul3A_37 : i32
      %add3A_39 = arith.constant 0 : i32
      %add3A_40 = arith.addi %add3A_39, %mul3A_38 : i32
      %mul3A_41 = arith.constant 16 : i32
      %mul3A_42 = arith.muli %add3A_40, %mul3A_41 : i32
      %min3A = arith.constant 616 : i32
      %min3A_43 = arith.minsi %mul3A_42, %min3A : i32
      %mul3A_44 = arith.constant 632 : i32
      %mul3A_45 = arith.muli %arg1, %mul3A_44 : i32
      %add3A_46 = arith.addi %mul3A_45, %min3A_43 : i32
      %iota3A = tpu.iota {dimensions = array<i32: 0>} : vector<16xi32>
      %add3A_47 = vector.broadcast %add3A_46 : i32 to vector<16xi32>
      %add3A_48 = arith.addi %add3A_47, %iota3A : vector<16xi32>
      %swap3A = arith.index_cast %add3A_40 : i32 to index
      %swap3A_49 = arith.constant 0 : index
      %swap3A_50 = tpu.vector_load %arg10[%swap3A, %swap3A_49] {strides = array<i32>} : memref<40x16xi32, #tpu.memory_space<vmem>>, vector<1x16xi32>,
      %swap3A_51 = vector.shape_cast %swap3A_50 : vector<1x16xi32> to vector<16xi32>
      %swap3A_52 = vector.shape_cast %add3A_48 : vector<16xi32> to vector<1x16xi32>
      tpu.vector_store %arg10[%swap3A, %swap3A_49], %swap3A_52 {strides = array<i32>} : memref<40x16xi32, #tpu.memory_space<vmem>>, vector<1x16xi32>,
    }
    %scan3A_9 = arith.constant 40 : i32
    %scan3A_10 = arith.constant 0 : i32
    %scan3A_11 = arith.constant 40 : i32
    %scan3A_12 = arith.addi %scan3A_10, %scan3A_11 : i32
    %scan3A_13 = arith.constant 1 : i32
    scf.for %scan3A_36 = %scan3A_10 to %scan3A_12 step %scan3A_13  : i32 {
      %mul3A_37 = arith.constant 1 : i32
      %mul3A_38 = arith.muli %scan3A_36, %mul3A_37 : i32
      %add3A_39 = arith.constant 0 : i32
      %add3A_40 = arith.addi %add3A_39, %mul3A_38 : i32
      "tpu.region"() ({
        %run_scoped3A = tpu.sem_alloc : memref<!tpu.dma_semaphore, #tpu.memory_space<semaphore_mem>>
        %dma_start3A_41 = arith.constant 0 : i32
        %dma_start3A_42 = tpu.memref_slice %arg10[%add3A_40, %dma_start3A_41] : memref<40x16xi32, #tpu.memory_space<vmem>> -> memref<1x16xi32, #tpu.memory_space<vmem>>
        %dma_start3A_43 = tpu.memref_squeeze %dma_start3A_42 : memref<1x16xi32, #tpu.memory_space<vmem>> -> memref<16xi32, #tpu.memory_space<vmem>>
        %dma_start3A_44 = arith.constant 0 : i32
        %dma_start3A_45 = arith.constant 0 : i32
        %dma_start3A_46 = tpu.memref_slice %arg11[%dma_start3A_44, %dma_start3A_45] : memref<10112x128xf32, #tpu.memory_space<vmem_shared>> -> memref<10112x128xf32, #tpu.memory_space<vmem_shared>>
        tpu.enqueue_indirect_dma source(%arg9 : memref<16x128xf32, #tpu.memory_space<vmem>>) target(%dma_start3A_46 : memref<10112x128xf32, #tpu.memory_space<vmem_shared>>) offsets(%dma_start3A_43 : memref<16xi32, #tpu.memory_space<vmem>>) semaphore(%run_scoped3A : memref<!tpu.dma_semaphore, #tpu.memory_space<semaphore_mem>>)
        %dma_wait3A_47 = arith.constant 0 : i32
        %dma_wait3A_48 = tpu.memref_slice %arg10[%add3A_40, %dma_wait3A_47] : memref<40x16xi32, #tpu.memory_space<vmem>> -> memref<1x16xi32, #tpu.memory_space<vmem>>
        %dma_wait3A_49 = tpu.memref_squeeze %dma_wait3A_48 : memref<1x16xi32, #tpu.memory_space<vmem>> -> memref<16xi32, #tpu.memory_space<vmem>>
        %dma_wait3A_50 = arith.constant 0 : i32
        %dma_wait3A_51 = arith.constant 0 : i32
        %dma_wait3A_52 = tpu.memref_slice %arg11[%dma_wait3A_50, %dma_wait3A_51] : memref<10112x128xf32, #tpu.memory_space<vmem_shared>> -> memref<10112x128xf32, #tpu.memory_space<vmem_shared>>
        tpu.wait_indirect_dma semaphore(%run_scoped3A : memref<!tpu.dma_semaphore, #tpu.memory_space<semaphore_mem>>) src(%arg9 : memref<16x128xf32, #tpu.memory_space<vmem>>) dst(%dma_wait3A_52 : memref<10112x128xf32, #tpu.memory_space<vmem_shared>>)
        tpu.yield
      }) : () -> ()
    }
    %scan3A_14 = arith.constant 40 : i32
    %barrier3A = arith.constant 0 : index
    tpu.barrier barrier_id(%barrier3A)
    %scan3A_15 = arith.constant 0 : i32
    %mul3A_16 = arith.constant 1 : i32
    %mul3A_17 = arith.muli %scan3A_15, %mul3A_16 : i32
    %add3A_18 = arith.constant 0 : i32
    %add3A_19 = arith.addi %add3A_18, %mul3A_17 : i32
    %mul3A_20 = arith.constant 128 : i32
    %mul3A_21 = arith.muli %add3A, %mul3A_20 : i32
    %mul3A_22 = arith.constant 128 : i32
    %mul3A_23 = arith.muli %add3A_19, %mul3A_22 : i32
    %add3A_24 = arith.addi %mul3A_21, %mul3A_23 : i32
    "tpu.region"() ({
      %run_scoped3A = tpu.sem_alloc : memref<!tpu.dma_semaphore, #tpu.memory_space<semaphore_mem>>
      %dma_start3A_36 = tpu.memref_slice %arg3[%add3A_24] : memref<4096xi32, #tpu.memory_space<hbm>> -> memref<128xi32, #tpu.memory_space<hbm>>
      %dma_start3A_37 = tpu.memref_slice %arg3[%add3A_24] : memref<4096xi32, #tpu.memory_space<hbm>> -> memref<128xi32, #tpu.memory_space<hbm>>
      tpu.enqueue_dma source(%dma_start3A_37 : memref<128xi32, #tpu.memory_space<hbm>>) target(%arg6 : memref<128xi32, #tpu.memory_space<vmem>>) target_semaphore(%run_scoped3A : memref<!tpu.dma_semaphore, #tpu.memory_space<semaphore_mem>>)
      %dma_wait3A_38 = tpu.memref_slice %arg3[%add3A_24] : memref<4096xi32, #tpu.memory_space<hbm>> -> memref<128xi32, #tpu.memory_space<hbm>>
      %dma_wait3A_39 = tpu.memref_slice %arg3[%add3A_24] : memref<4096xi32, #tpu.memory_space<hbm>> -> memref<128xi32, #tpu.memory_space<hbm>>
      tpu.wait_dma2 semaphore(%run_scoped3A : memref<!tpu.dma_semaphore, #tpu.memory_space<semaphore_mem>>) src(%dma_wait3A_39 : memref<128xi32, #tpu.memory_space<hbm>>) dst(%arg6 : memref<128xi32, #tpu.memory_space<vmem>>)
      tpu.yield
    }) : () -> ()
    "tpu.region"() ({
      %run_scoped3A = tpu.sem_alloc : memref<!tpu.dma_semaphore, #tpu.memory_space<semaphore_mem>>
      %dma_start3A_36 = tpu.memref_slice %arg4[%add3A_24] : memref<4096xi32, #tpu.memory_space<hbm>> -> memref<128xi32, #tpu.memory_space<hbm>>
      %dma_start3A_37 = tpu.memref_slice %arg4[%add3A_24] : memref<4096xi32, #tpu.memory_space<hbm>> -> memref<128xi32, #tpu.memory_space<hbm>>
      tpu.enqueue_dma source(%dma_start3A_37 : memref<128xi32, #tpu.memory_space<hbm>>) target(%arg7 : memref<128xi32, #tpu.memory_space<vmem>>) target_semaphore(%run_scoped3A : memref<!tpu.dma_semaphore, #tpu.memory_space<semaphore_mem>>)
      %dma_wait3A_38 = tpu.memref_slice %arg4[%add3A_24] : memref<4096xi32, #tpu.memory_space<hbm>> -> memref<128xi32, #tpu.memory_space<hbm>>
      %dma_wait3A_39 = tpu.memref_slice %arg4[%add3A_24] : memref<4096xi32, #tpu.memory_space<hbm>> -> memref<128xi32, #tpu.memory_space<hbm>>
      tpu.wait_dma2 semaphore(%run_scoped3A : memref<!tpu.dma_semaphore, #tpu.memory_space<semaphore_mem>>) src(%dma_wait3A_39 : memref<128xi32, #tpu.memory_space<hbm>>) dst(%arg7 : memref<128xi32, #tpu.memory_space<vmem>>)
      tpu.yield
    }) : () -> ()
    %dma_start3A = arith.constant 0 : i32
    %dma_start3A_25 = arith.constant 0 : i32
    %dma_start3A_26 = tpu.memref_slice %arg2[%dma_start3A, %dma_start3A_25] : memref<2048x128xf32, #tpu.memory_space<hbm>> -> memref<2048x128xf32, #tpu.memory_space<hbm>>
    tpu.enqueue_indirect_dma source(%dma_start3A_26 : memref<2048x128xf32, #tpu.memory_space<hbm>>) target(%arg8 : memref<128x128xf32, #tpu.memory_space<vmem>>) offsets(%arg6 : memref<128xi32, #tpu.memory_space<vmem>>) semaphore(%arg12 : memref<!tpu.dma_semaphore, #tpu.memory_space<semaphore_mem>>)
    %dma_wait3A = arith.constant 0 : i32
    %dma_wait3A_27 = arith.constant 0 : i32
    %dma_wait3A_28 = tpu.memref_slice %arg2[%dma_wait3A, %dma_wait3A_27] : memref<2048x128xf32, #tpu.memory_space<hbm>> -> memref<2048x128xf32, #tpu.memory_space<hbm>>
    tpu.wait_indirect_dma semaphore(%arg12 : memref<!tpu.dma_semaphore, #tpu.memory_space<semaphore_mem>>) src(%dma_wait3A_28 : memref<2048x128xf32, #tpu.memory_space<hbm>>) dst(%arg8 : memref<128x128xf32, #tpu.memory_space<vmem>>)
    "tpu.region"() ({
      %run_scoped3A = tpu.sem_alloc : memref<!tpu.dma_semaphore, #tpu.memory_space<semaphore_mem>>
      %dma_start3A_36 = arith.constant 0 : i32
      %dma_start3A_37 = arith.constant 0 : i32
      %dma_start3A_38 = tpu.memref_slice %arg11[%dma_start3A_36, %dma_start3A_37] : memref<10112x128xf32, #tpu.memory_space<vmem_shared>> -> memref<10112x128xf32, #tpu.memory_space<vmem_shared>>
      tpu.enqueue_indirect_dma source(%arg8 : memref<128x128xf32, #tpu.memory_space<vmem>>) target(%dma_start3A_38 : memref<10112x128xf32, #tpu.memory_space<vmem_shared>>) offsets(%arg7 : memref<128xi32, #tpu.memory_space<vmem>>) semaphore(%run_scoped3A : memref<!tpu.dma_semaphore, #tpu.memory_space<semaphore_mem>>) {add = true}
      %dma_wait3A_39 = arith.constant 0 : i32
      %dma_wait3A_40 = arith.constant 0 : i32
      %dma_wait3A_41 = tpu.memref_slice %arg11[%dma_wait3A_39, %dma_wait3A_40] : memref<10112x128xf32, #tpu.memory_space<vmem_shared>> -> memref<10112x128xf32, #tpu.memory_space<vmem_shared>>
      tpu.wait_indirect_dma semaphore(%run_scoped3A : memref<!tpu.dma_semaphore, #tpu.memory_space<semaphore_mem>>) src(%arg8 : memref<128x128xf32, #tpu.memory_space<vmem>>) dst(%dma_wait3A_41 : memref<10112x128xf32, #tpu.memory_space<vmem_shared>>)
      tpu.yield
    }) : () -> ()
    %scan3A_29 = arith.constant 1 : i32
    %barrier3A_30 = arith.constant 0 : index
    tpu.barrier barrier_id(%barrier3A_30)
    %scan3A_31 = arith.constant 0 : i32
    %scan3A_32 = arith.constant 40 : i32
    %scan3A_33 = arith.addi %scan3A_31, %scan3A_32 : i32
    %scan3A_34 = arith.constant 1 : i32
    scf.for %scan3A_36 = %scan3A_31 to %scan3A_33 step %scan3A_34  : i32 {
      %mul3A_37 = arith.constant 1 : i32
      %mul3A_38 = arith.muli %scan3A_36, %mul3A_37 : i32
      %add3A_39 = arith.constant 0 : i32
      %add3A_40 = arith.addi %add3A_39, %mul3A_38 : i32
      %mul3A_41 = arith.constant 16 : i32
      %mul3A_42 = arith.muli %add3A_40, %mul3A_41 : i32
      %min3A = arith.constant 616 : i32
      %min3A_43 = arith.minsi %mul3A_42, %min3A : i32
      %dma_start3A_44 = arith.constant 0 : i32
      %dma_start3A_45 = tpu.memref_slice %arg10[%add3A_40, %dma_start3A_44] : memref<40x16xi32, #tpu.memory_space<vmem>> -> memref<1x16xi32, #tpu.memory_space<vmem>>
      %dma_start3A_46 = tpu.memref_squeeze %dma_start3A_45 : memref<1x16xi32, #tpu.memory_space<vmem>> -> memref<16xi32, #tpu.memory_space<vmem>>
      %dma_start3A_47 = arith.constant 0 : i32
      %dma_start3A_48 = arith.constant 0 : i32
      %dma_start3A_49 = tpu.memref_slice %arg11[%dma_start3A_47, %dma_start3A_48] : memref<10112x128xf32, #tpu.memory_space<vmem_shared>> -> memref<10112x128xf32, #tpu.memory_space<vmem_shared>>
      tpu.enqueue_indirect_dma source(%dma_start3A_49 : memref<10112x128xf32, #tpu.memory_space<vmem_shared>>) target(%arg9 : memref<16x128xf32, #tpu.memory_space<vmem>>) offsets(%dma_start3A_46 : memref<16xi32, #tpu.memory_space<vmem>>) semaphore(%arg12 : memref<!tpu.dma_semaphore, #tpu.memory_space<semaphore_mem>>)
      %dma_wait3A_50 = arith.constant 0 : i32
      %dma_wait3A_51 = tpu.memref_slice %arg10[%add3A_40, %dma_wait3A_50] : memref<40x16xi32, #tpu.memory_space<vmem>> -> memref<1x16xi32, #tpu.memory_space<vmem>>
      %dma_wait3A_52 = tpu.memref_squeeze %dma_wait3A_51 : memref<1x16xi32, #tpu.memory_space<vmem>> -> memref<16xi32, #tpu.memory_space<vmem>>
      %dma_wait3A_53 = arith.constant 0 : i32
      %dma_wait3A_54 = arith.constant 0 : i32
      %dma_wait3A_55 = tpu.memref_slice %arg11[%dma_wait3A_53, %dma_wait3A_54] : memref<10112x128xf32, #tpu.memory_space<vmem_shared>> -> memref<10112x128xf32, #tpu.memory_space<vmem_shared>>
      tpu.wait_indirect_dma semaphore(%arg12 : memref<!tpu.dma_semaphore, #tpu.memory_space<semaphore_mem>>) src(%dma_wait3A_55 : memref<10112x128xf32, #tpu.memory_space<vmem_shared>>) dst(%arg9 : memref<16x128xf32, #tpu.memory_space<vmem>>)
      %mul3A_56 = arith.constant 632 : i32
      %mul3A_57 = arith.muli %arg1, %mul3A_56 : i32
      %add3A_58 = arith.addi %mul3A_57, %min3A_43 : i32
      "tpu.region"() ({
        %run_scoped3A = tpu.sem_alloc : memref<!tpu.dma_semaphore, #tpu.memory_space<semaphore_mem>>
        %dma_start3A_59 = arith.constant 0 : i32
        %dma_start3A_60 = tpu.memref_slice %arg5[%arg0, %add3A_58, %dma_start3A_59] : memref<2x10112x128xf32, #tpu.memory_space<hbm>> -> memref<1x16x128xf32, #tpu.memory_space<hbm>>
        %dma_start3A_61 = tpu.memref_squeeze %dma_start3A_60 : memref<1x16x128xf32, #tpu.memory_space<hbm>> -> memref<16x128xf32, #tpu.memory_space<hbm>>
        %dma_start3A_62 = arith.constant 0 : i32
        %dma_start3A_63 = tpu.memref_slice %arg5[%arg0, %add3A_58, %dma_start3A_62] : memref<2x10112x128xf32, #tpu.memory_space<hbm>> -> memref<1x16x128xf32, #tpu.memory_space<hbm>>
        %dma_start3A_64 = tpu.memref_squeeze %dma_start3A_63 : memref<1x16x128xf32, #tpu.memory_space<hbm>> -> memref<16x128xf32, #tpu.memory_space<hbm>>
        tpu.enqueue_dma source(%arg9 : memref<16x128xf32, #tpu.memory_space<vmem>>) target(%dma_start3A_64 : memref<16x128xf32, #tpu.memory_space<hbm>>) target_semaphore(%run_scoped3A : memref<!tpu.dma_semaphore, #tpu.memory_space<semaphore_mem>>)
        %dma_wait3A_65 = arith.constant 0 : i32
        %dma_wait3A_66 = tpu.memref_slice %arg5[%arg0, %add3A_58, %dma_wait3A_65] : memref<2x10112x128xf32, #tpu.memory_space<hbm>> -> memref<1x16x128xf32, #tpu.memory_space<hbm>>
        %dma_wait3A_67 = tpu.memref_squeeze %dma_wait3A_66 : memref<1x16x128xf32, #tpu.memory_space<hbm>> -> memref<16x128xf32, #tpu.memory_space<hbm>>
        %dma_wait3A_68 = arith.constant 0 : i32
        %dma_wait3A_69 = tpu.memref_slice %arg5[%arg0, %add3A_58, %dma_wait3A_68] : memref<2x10112x128xf32, #tpu.memory_space<hbm>> -> memref<1x16x128xf32, #tpu.memory_space<hbm>>
        %dma_wait3A_70 = tpu.memref_squeeze %dma_wait3A_69 : memref<1x16x128xf32, #tpu.memory_space<hbm>> -> memref<16x128xf32, #tpu.memory_space<hbm>>
        tpu.wait_dma2 semaphore(%run_scoped3A : memref<!tpu.dma_semaphore, #tpu.memory_space<semaphore_mem>>) src(%arg9 : memref<16x128xf32, #tpu.memory_space<vmem>>) dst(%dma_wait3A_70 : memref<16x128xf32, #tpu.memory_space<hbm>>)
        tpu.yield
      }) : () -> ()
    }
    %scan3A_35 = arith.constant 40 : i32
    return
  }
}

#map = affine_map<(d0, d1) -> (0, 0)>
#map1 = affine_map<(d0, d1) -> (0)>
module attributes {stable_mosaic.version = 14 : i64} {
  func.func @_gather_body(%arg0: i32, %arg1: i32, %arg2: memref<10000x128xf32, #tpu.memory_space<hbm>>, %arg3: memref<2048xi32, #tpu.memory_space<hbm>>, %arg4: memref<2048x128xf32, #tpu.memory_space<hbm>>, %arg5: memref<64xi32, #tpu.memory_space<vmem>>, %arg6: memref<64x128xf32, #tpu.memory_space<vmem>>, %arg7: memref<!tpu.dma_semaphore, #tpu.memory_space<semaphore_mem>>) attributes {dimension_semantics = [#tpu.dimension_semantics<core_parallel>, #tpu.dimension_semantics<subcore_parallel>], iteration_bounds = array<i64: 2, 16>, scalar_prefetch = 0 : i64, scratch_operands = 3 : i64, tpu.core_type = #tpu.core_type<sc_vector_subcore>, window_params = [{transform_indices = #map}, {transform_indices = #map1}, {transform_indices = #map}]} {
    %mul3A = arith.constant 16 : i32
    %mul3A_0 = arith.muli %arg0, %mul3A : i32
    %add3A = arith.addi %mul3A_0, %arg1 : i32
    %mul3A_1 = arith.constant 64 : i32
    %mul3A_2 = arith.muli %add3A, %mul3A_1 : i32
    "tpu.region"() ({
      %run_scoped3A = tpu.sem_alloc : memref<!tpu.dma_semaphore, #tpu.memory_space<semaphore_mem>>
      %dma_start3A_9 = tpu.memref_slice %arg3[%mul3A_2] : memref<2048xi32, #tpu.memory_space<hbm>> -> memref<64xi32, #tpu.memory_space<hbm>>
      %dma_start3A_10 = tpu.memref_slice %arg3[%mul3A_2] : memref<2048xi32, #tpu.memory_space<hbm>> -> memref<64xi32, #tpu.memory_space<hbm>>
      tpu.enqueue_dma source(%dma_start3A_10 : memref<64xi32, #tpu.memory_space<hbm>>) target(%arg5 : memref<64xi32, #tpu.memory_space<vmem>>) target_semaphore(%run_scoped3A : memref<!tpu.dma_semaphore, #tpu.memory_space<semaphore_mem>>)
      %dma_wait3A_11 = tpu.memref_slice %arg3[%mul3A_2] : memref<2048xi32, #tpu.memory_space<hbm>> -> memref<64xi32, #tpu.memory_space<hbm>>
      %dma_wait3A_12 = tpu.memref_slice %arg3[%mul3A_2] : memref<2048xi32, #tpu.memory_space<hbm>> -> memref<64xi32, #tpu.memory_space<hbm>>
      tpu.wait_dma2 semaphore(%run_scoped3A : memref<!tpu.dma_semaphore, #tpu.memory_space<semaphore_mem>>) src(%dma_wait3A_12 : memref<64xi32, #tpu.memory_space<hbm>>) dst(%arg5 : memref<64xi32, #tpu.memory_space<vmem>>)
      tpu.yield
    }) : () -> ()
    %dma_start3A = arith.constant 0 : i32
    %dma_start3A_3 = arith.constant 0 : i32
    %dma_start3A_4 = tpu.memref_slice %arg2[%dma_start3A, %dma_start3A_3] : memref<10000x128xf32, #tpu.memory_space<hbm>> -> memref<10000x128xf32, #tpu.memory_space<hbm>>
    tpu.enqueue_indirect_dma source(%dma_start3A_4 : memref<10000x128xf32, #tpu.memory_space<hbm>>) target(%arg6 : memref<64x128xf32, #tpu.memory_space<vmem>>) offsets(%arg5 : memref<64xi32, #tpu.memory_space<vmem>>) semaphore(%arg7 : memref<!tpu.dma_semaphore, #tpu.memory_space<semaphore_mem>>)
    %dma_wait3A = arith.constant 0 : i32
    %dma_wait3A_5 = arith.constant 0 : i32
    %dma_wait3A_6 = tpu.memref_slice %arg2[%dma_wait3A, %dma_wait3A_5] : memref<10000x128xf32, #tpu.memory_space<hbm>> -> memref<10000x128xf32, #tpu.memory_space<hbm>>
    tpu.wait_indirect_dma semaphore(%arg7 : memref<!tpu.dma_semaphore, #tpu.memory_space<semaphore_mem>>) src(%dma_wait3A_6 : memref<10000x128xf32, #tpu.memory_space<hbm>>) dst(%arg6 : memref<64x128xf32, #tpu.memory_space<vmem>>)
    %mul3A_7 = arith.constant 64 : i32
    %mul3A_8 = arith.muli %add3A, %mul3A_7 : i32
    "tpu.region"() ({
      %run_scoped3A = tpu.sem_alloc : memref<!tpu.dma_semaphore, #tpu.memory_space<semaphore_mem>>
      %dma_start3A_9 = arith.constant 0 : i32
      %dma_start3A_10 = tpu.memref_slice %arg4[%mul3A_8, %dma_start3A_9] : memref<2048x128xf32, #tpu.memory_space<hbm>> -> memref<64x128xf32, #tpu.memory_space<hbm>>
      %dma_start3A_11 = arith.constant 0 : i32
      %dma_start3A_12 = tpu.memref_slice %arg4[%mul3A_8, %dma_start3A_11] : memref<2048x128xf32, #tpu.memory_space<hbm>> -> memref<64x128xf32, #tpu.memory_space<hbm>>
      tpu.enqueue_dma source(%arg6 : memref<64x128xf32, #tpu.memory_space<vmem>>) target(%dma_start3A_12 : memref<64x128xf32, #tpu.memory_space<hbm>>) target_semaphore(%run_scoped3A : memref<!tpu.dma_semaphore, #tpu.memory_space<semaphore_mem>>)
      %dma_wait3A_13 = arith.constant 0 : i32
      %dma_wait3A_14 = tpu.memref_slice %arg4[%mul3A_8, %dma_wait3A_13] : memref<2048x128xf32, #tpu.memory_space<hbm>> -> memref<64x128xf32, #tpu.memory_space<hbm>>
      %dma_wait3A_15 = arith.constant 0 : i32
      %dma_wait3A_16 = tpu.memref_slice %arg4[%mul3A_8, %dma_wait3A_15] : memref<2048x128xf32, #tpu.memory_space<hbm>> -> memref<64x128xf32, #tpu.memory_space<hbm>>
      tpu.wait_dma2 semaphore(%run_scoped3A : memref<!tpu.dma_semaphore, #tpu.memory_space<semaphore_mem>>) src(%arg6 : memref<64x128xf32, #tpu.memory_space<vmem>>) dst(%dma_wait3A_16 : memref<64x128xf32, #tpu.memory_space<hbm>>)
      tpu.yield
    }) : () -> ()
    return
  }
}

#map = affine_map<(d0, d1) -> (0, 0)>
#map1 = affine_map<(d0, d1) -> (0)>
#map2 = affine_map<(d0, d1) -> (0, 0, 0)>
module attributes {stable_mosaic.version = 14 : i64} {
  func.func @body(%arg0: i32, %arg1: i32, %arg2: memref<10000x128xf32, #tpu.memory_space<hbm>>, %arg3: memref<323584xi32, #tpu.memory_space<hbm>>, %arg4: memref<323584xi32, #tpu.memory_space<hbm>>, %arg5: memref<2x10112x128xf32, #tpu.memory_space<hbm>>, %arg6: memref<128xi32, #tpu.memory_space<vmem>>, %arg7: memref<128xi32, #tpu.memory_space<vmem>>, %arg8: memref<128x128xf32, #tpu.memory_space<vmem>>, %arg9: memref<16x128xf32, #tpu.memory_space<vmem>>, %arg10: memref<40x16xi32, #tpu.memory_space<vmem>>, %arg11: memref<10112x128xf32, #tpu.memory_space<vmem_shared>>, %arg12: memref<!tpu.dma_semaphore, #tpu.memory_space<semaphore_mem>>) attributes {dimension_semantics = [#tpu.dimension_semantics<core_parallel>, #tpu.dimension_semantics<subcore_parallel>], iteration_bounds = array<i64: 2, 16>, scalar_prefetch = 0 : i64, scratch_operands = 7 : i64, tpu.core_type = #tpu.core_type<sc_vector_subcore>, window_params = [{transform_indices = #map}, {transform_indices = #map1}, {transform_indices = #map1}, {transform_indices = #map2}]} {
    %mul3A = arith.constant 16 : i32
    %mul3A_0 = arith.muli %arg0, %mul3A : i32
    %add3A = arith.addi %mul3A_0, %arg1 : i32
    %scan3A = arith.constant 0 : i32
    %scan3A_1 = arith.constant 16 : i32
    %scan3A_2 = arith.addi %scan3A, %scan3A_1 : i32
    %scan3A_3 = arith.constant 1 : i32
    scf.for %scan3A_26 = %scan3A to %scan3A_2 step %scan3A_3  : i32 {
      %mul3A_27 = arith.constant 1 : i32
      %mul3A_28 = arith.muli %scan3A_26, %mul3A_27 : i32
      %add3A_29 = arith.constant 0 : i32
      %add3A_30 = arith.addi %add3A_29, %mul3A_28 : i32
      %scan3A_31 = arith.constant 0 : i32
      %scan3A_32 = arith.constant 8 : i32
      %scan3A_33 = arith.addi %scan3A_31, %scan3A_32 : i32
      %scan3A_34 = arith.constant 1 : i32
      scf.for %scan3A_36 = %scan3A_31 to %scan3A_33 step %scan3A_34  : i32 {
        %mul3A_37 = arith.constant 1 : i32
        %mul3A_38 = arith.muli %scan3A_36, %mul3A_37 : i32
        %add3A_39 = arith.constant 0 : i32
        %add3A_40 = arith.addi %add3A_39, %mul3A_38 : i32
        %broadcast_in_dim3A = arith.constant 0.000000e+00 : f32
        %broadcast_in_dim3A_41 = vector.broadcast %broadcast_in_dim3A : f32 to vector<16xf32>
        %mul3A_42 = arith.constant 16 : i32
        %mul3A_43 = arith.muli %add3A_40, %mul3A_42 : i32
        %swap3A = arith.index_cast %add3A_30 : i32 to index
        %swap3A_44 = arith.index_cast %mul3A_43 : i32 to index
        %swap3A_45 = tpu.vector_load %arg9[%swap3A, %swap3A_44] {strides = array<i32>} : memref<16x128xf32, #tpu.memory_space<vmem>>, vector<1x16xf32>,
        %swap3A_46 = vector.shape_cast %swap3A_45 : vector<1x16xf32> to vector<16xf32>
        %swap3A_47 = vector.shape_cast %broadcast_in_dim3A_41 : vector<16xf32> to vector<1x16xf32>
        tpu.vector_store %arg9[%swap3A, %swap3A_44], %swap3A_47 {strides = array<i32>} : memref<16x128xf32, #tpu.memory_space<vmem>>, vector<1x16xf32>,
      }
      %scan3A_35 = arith.constant 8 : i32
    }
    %scan3A_4 = arith.constant 16 : i32
    %scan3A_5 = arith.constant 0 : i32
    %scan3A_6 = arith.constant 40 : i32
    %scan3A_7 = arith.addi %scan3A_5, %scan3A_6 : i32
    %scan3A_8 = arith.constant 1 : i32
    scf.for %scan3A_26 = %scan3A_5 to %scan3A_7 step %scan3A_8  : i32 {
      %mul3A_27 = arith.constant 1 : i32
      %mul3A_28 = arith.muli %scan3A_26, %mul3A_27 : i32
      %add3A_29 = arith.constant 0 : i32
      %add3A_30 = arith.addi %add3A_29, %mul3A_28 : i32
      %mul3A_31 = arith.constant 16 : i32
      %mul3A_32 = arith.muli %add3A_30, %mul3A_31 : i32
      %min3A = arith.constant 616 : i32
      %min3A_33 = arith.minsi %mul3A_32, %min3A : i32
      %mul3A_34 = arith.constant 632 : i32
      %mul3A_35 = arith.muli %arg1, %mul3A_34 : i32
      %add3A_36 = arith.addi %mul3A_35, %min3A_33 : i32
      %iota3A = tpu.iota {dimensions = array<i32: 0>} : vector<16xi32>
      %add3A_37 = vector.broadcast %add3A_36 : i32 to vector<16xi32>
      %add3A_38 = arith.addi %add3A_37, %iota3A : vector<16xi32>
      %swap3A = arith.index_cast %add3A_30 : i32 to index
      %swap3A_39 = arith.constant 0 : index
      %swap3A_40 = tpu.vector_load %arg10[%swap3A, %swap3A_39] {strides = array<i32>} : memref<40x16xi32, #tpu.memory_space<vmem>>, vector<1x16xi32>,
      %swap3A_41 = vector.shape_cast %swap3A_40 : vector<1x16xi32> to vector<16xi32>
      %swap3A_42 = vector.shape_cast %add3A_38 : vector<16xi32> to vector<1x16xi32>
      tpu.vector_store %arg10[%swap3A, %swap3A_39], %swap3A_42 {strides = array<i32>} : memref<40x16xi32, #tpu.memory_space<vmem>>, vector<1x16xi32>,
    }
    %scan3A_9 = arith.constant 40 : i32
    %scan3A_10 = arith.constant 0 : i32
    %scan3A_11 = arith.constant 40 : i32
    %scan3A_12 = arith.addi %scan3A_10, %scan3A_11 : i32
    %scan3A_13 = arith.constant 1 : i32
    scf.for %scan3A_26 = %scan3A_10 to %scan3A_12 step %scan3A_13  : i32 {
      %mul3A_27 = arith.constant 1 : i32
      %mul3A_28 = arith.muli %scan3A_26, %mul3A_27 : i32
      %add3A_29 = arith.constant 0 : i32
      %add3A_30 = arith.addi %add3A_29, %mul3A_28 : i32
      "tpu.region"() ({
        %run_scoped3A = tpu.sem_alloc : memref<!tpu.dma_semaphore, #tpu.memory_space<semaphore_mem>>
        %dma_start3A = arith.constant 0 : i32
        %dma_start3A_31 = tpu.memref_slice %arg10[%add3A_30, %dma_start3A] : memref<40x16xi32, #tpu.memory_space<vmem>> -> memref<1x16xi32, #tpu.memory_space<vmem>>
        %dma_start3A_32 = tpu.memref_squeeze %dma_start3A_31 : memref<1x16xi32, #tpu.memory_space<vmem>> -> memref<16xi32, #tpu.memory_space<vmem>>
        %dma_start3A_33 = arith.constant 0 : i32
        %dma_start3A_34 = arith.constant 0 : i32
        %dma_start3A_35 = tpu.memref_slice %arg11[%dma_start3A_33, %dma_start3A_34] : memref<10112x128xf32, #tpu.memory_space<vmem_shared>> -> memref<10112x128xf32, #tpu.memory_space<vmem_shared>>
        tpu.enqueue_indirect_dma source(%arg9 : memref<16x128xf32, #tpu.memory_space<vmem>>) target(%dma_start3A_35 : memref<10112x128xf32, #tpu.memory_space<vmem_shared>>) offsets(%dma_start3A_32 : memref<16xi32, #tpu.memory_space<vmem>>) semaphore(%run_scoped3A : memref<!tpu.dma_semaphore, #tpu.memory_space<semaphore_mem>>)
        %dma_wait3A = arith.constant 0 : i32
        %dma_wait3A_36 = tpu.memref_slice %arg10[%add3A_30, %dma_wait3A] : memref<40x16xi32, #tpu.memory_space<vmem>> -> memref<1x16xi32, #tpu.memory_space<vmem>>
        %dma_wait3A_37 = tpu.memref_squeeze %dma_wait3A_36 : memref<1x16xi32, #tpu.memory_space<vmem>> -> memref<16xi32, #tpu.memory_space<vmem>>
        %dma_wait3A_38 = arith.constant 0 : i32
        %dma_wait3A_39 = arith.constant 0 : i32
        %dma_wait3A_40 = tpu.memref_slice %arg11[%dma_wait3A_38, %dma_wait3A_39] : memref<10112x128xf32, #tpu.memory_space<vmem_shared>> -> memref<10112x128xf32, #tpu.memory_space<vmem_shared>>
        tpu.wait_indirect_dma semaphore(%run_scoped3A : memref<!tpu.dma_semaphore, #tpu.memory_space<semaphore_mem>>) src(%arg9 : memref<16x128xf32, #tpu.memory_space<vmem>>) dst(%dma_wait3A_40 : memref<10112x128xf32, #tpu.memory_space<vmem_shared>>)
        tpu.yield
      }) : () -> ()
    }
    %scan3A_14 = arith.constant 40 : i32
    %barrier3A = arith.constant 0 : index
    tpu.barrier barrier_id(%barrier3A)
    %scan3A_15 = arith.constant 0 : i32
    %scan3A_16 = arith.constant 79 : i32
    %scan3A_17 = arith.addi %scan3A_15, %scan3A_16 : i32
    %scan3A_18 = arith.constant 1 : i32
    scf.for %scan3A_26 = %scan3A_15 to %scan3A_17 step %scan3A_18  : i32 {
      %mul3A_27 = arith.constant 1 : i32
      %mul3A_28 = arith.muli %scan3A_26, %mul3A_27 : i32
      %add3A_29 = arith.constant 0 : i32
      %add3A_30 = arith.addi %add3A_29, %mul3A_28 : i32
      %mul3A_31 = arith.constant 10112 : i32
      %mul3A_32 = arith.muli %add3A, %mul3A_31 : i32
      %mul3A_33 = arith.constant 128 : i32
      %mul3A_34 = arith.muli %add3A_30, %mul3A_33 : i32
      %add3A_35 = arith.addi %mul3A_32, %mul3A_34 : i32
      "tpu.region"() ({
        %run_scoped3A = tpu.sem_alloc : memref<!tpu.dma_semaphore, #tpu.memory_space<semaphore_mem>>
        %dma_start3A_40 = tpu.memref_slice %arg3[%add3A_35] : memref<323584xi32, #tpu.memory_space<hbm>> -> memref<128xi32, #tpu.memory_space<hbm>>
        %dma_start3A_41 = tpu.memref_slice %arg3[%add3A_35] : memref<323584xi32, #tpu.memory_space<hbm>> -> memref<128xi32, #tpu.memory_space<hbm>>
        tpu.enqueue_dma source(%dma_start3A_41 : memref<128xi32, #tpu.memory_space<hbm>>) target(%arg6 : memref<128xi32, #tpu.memory_space<vmem>>) target_semaphore(%run_scoped3A : memref<!tpu.dma_semaphore, #tpu.memory_space<semaphore_mem>>)
        %dma_wait3A_42 = tpu.memref_slice %arg3[%add3A_35] : memref<323584xi32, #tpu.memory_space<hbm>> -> memref<128xi32, #tpu.memory_space<hbm>>
        %dma_wait3A_43 = tpu.memref_slice %arg3[%add3A_35] : memref<323584xi32, #tpu.memory_space<hbm>> -> memref<128xi32, #tpu.memory_space<hbm>>
        tpu.wait_dma2 semaphore(%run_scoped3A : memref<!tpu.dma_semaphore, #tpu.memory_space<semaphore_mem>>) src(%dma_wait3A_43 : memref<128xi32, #tpu.memory_space<hbm>>) dst(%arg6 : memref<128xi32, #tpu.memory_space<vmem>>)
        tpu.yield
      }) : () -> ()
      "tpu.region"() ({
        %run_scoped3A = tpu.sem_alloc : memref<!tpu.dma_semaphore, #tpu.memory_space<semaphore_mem>>
        %dma_start3A_40 = tpu.memref_slice %arg4[%add3A_35] : memref<323584xi32, #tpu.memory_space<hbm>> -> memref<128xi32, #tpu.memory_space<hbm>>
        %dma_start3A_41 = tpu.memref_slice %arg4[%add3A_35] : memref<323584xi32, #tpu.memory_space<hbm>> -> memref<128xi32, #tpu.memory_space<hbm>>
        tpu.enqueue_dma source(%dma_start3A_41 : memref<128xi32, #tpu.memory_space<hbm>>) target(%arg7 : memref<128xi32, #tpu.memory_space<vmem>>) target_semaphore(%run_scoped3A : memref<!tpu.dma_semaphore, #tpu.memory_space<semaphore_mem>>)
        %dma_wait3A_42 = tpu.memref_slice %arg4[%add3A_35] : memref<323584xi32, #tpu.memory_space<hbm>> -> memref<128xi32, #tpu.memory_space<hbm>>
        %dma_wait3A_43 = tpu.memref_slice %arg4[%add3A_35] : memref<323584xi32, #tpu.memory_space<hbm>> -> memref<128xi32, #tpu.memory_space<hbm>>
        tpu.wait_dma2 semaphore(%run_scoped3A : memref<!tpu.dma_semaphore, #tpu.memory_space<semaphore_mem>>) src(%dma_wait3A_43 : memref<128xi32, #tpu.memory_space<hbm>>) dst(%arg7 : memref<128xi32, #tpu.memory_space<vmem>>)
        tpu.yield
      }) : () -> ()
      %dma_start3A = arith.constant 0 : i32
      %dma_start3A_36 = arith.constant 0 : i32
      %dma_start3A_37 = tpu.memref_slice %arg2[%dma_start3A, %dma_start3A_36] : memref<10000x128xf32, #tpu.memory_space<hbm>> -> memref<10000x128xf32, #tpu.memory_space<hbm>>
      tpu.enqueue_indirect_dma source(%dma_start3A_37 : memref<10000x128xf32, #tpu.memory_space<hbm>>) target(%arg8 : memref<128x128xf32, #tpu.memory_space<vmem>>) offsets(%arg6 : memref<128xi32, #tpu.memory_space<vmem>>) semaphore(%arg12 : memref<!tpu.dma_semaphore, #tpu.memory_space<semaphore_mem>>)
      %dma_wait3A = arith.constant 0 : i32
      %dma_wait3A_38 = arith.constant 0 : i32
      %dma_wait3A_39 = tpu.memref_slice %arg2[%dma_wait3A, %dma_wait3A_38] : memref<10000x128xf32, #tpu.memory_space<hbm>> -> memref<10000x128xf32, #tpu.memory_space<hbm>>
      tpu.wait_indirect_dma semaphore(%arg12 : memref<!tpu.dma_semaphore, #tpu.memory_space<semaphore_mem>>) src(%dma_wait3A_39 : memref<10000x128xf32, #tpu.memory_space<hbm>>) dst(%arg8 : memref<128x128xf32, #tpu.memory_space<vmem>>)
      "tpu.region"() ({
        %run_scoped3A = tpu.sem_alloc : memref<!tpu.dma_semaphore, #tpu.memory_space<semaphore_mem>>
        %dma_start3A_40 = arith.constant 0 : i32
        %dma_start3A_41 = arith.constant 0 : i32
        %dma_start3A_42 = tpu.memref_slice %arg11[%dma_start3A_40, %dma_start3A_41] : memref<10112x128xf32, #tpu.memory_space<vmem_shared>> -> memref<10112x128xf32, #tpu.memory_space<vmem_shared>>
        tpu.enqueue_indirect_dma source(%arg8 : memref<128x128xf32, #tpu.memory_space<vmem>>) target(%dma_start3A_42 : memref<10112x128xf32, #tpu.memory_space<vmem_shared>>) offsets(%arg7 : memref<128xi32, #tpu.memory_space<vmem>>) semaphore(%run_scoped3A : memref<!tpu.dma_semaphore, #tpu.memory_space<semaphore_mem>>) {add = true}
        %dma_wait3A_43 = arith.constant 0 : i32
        %dma_wait3A_44 = arith.constant 0 : i32
        %dma_wait3A_45 = tpu.memref_slice %arg11[%dma_wait3A_43, %dma_wait3A_44] : memref<10112x128xf32, #tpu.memory_space<vmem_shared>> -> memref<10112x128xf32, #tpu.memory_space<vmem_shared>>
        tpu.wait_indirect_dma semaphore(%run_scoped3A : memref<!tpu.dma_semaphore, #tpu.memory_space<semaphore_mem>>) src(%arg8 : memref<128x128xf32, #tpu.memory_space<vmem>>) dst(%dma_wait3A_45 : memref<10112x128xf32, #tpu.memory_space<vmem_shared>>)
        tpu.yield
      }) : () -> ()
    }
    %scan3A_19 = arith.constant 79 : i32
    %barrier3A_20 = arith.constant 0 : index
    tpu.barrier barrier_id(%barrier3A_20)
    %scan3A_21 = arith.constant 0 : i32
    %scan3A_22 = arith.constant 40 : i32
    %scan3A_23 = arith.addi %scan3A_21, %scan3A_22 : i32
    %scan3A_24 = arith.constant 1 : i32
    scf.for %scan3A_26 = %scan3A_21 to %scan3A_23 step %scan3A_24  : i32 {
      %mul3A_27 = arith.constant 1 : i32
      %mul3A_28 = arith.muli %scan3A_26, %mul3A_27 : i32
      %add3A_29 = arith.constant 0 : i32
      %add3A_30 = arith.addi %add3A_29, %mul3A_28 : i32
      %mul3A_31 = arith.constant 16 : i32
      %mul3A_32 = arith.muli %add3A_30, %mul3A_31 : i32
      %min3A = arith.constant 616 : i32
      %min3A_33 = arith.minsi %mul3A_32, %min3A : i32
      %dma_start3A = arith.constant 0 : i32
      %dma_start3A_34 = tpu.memref_slice %arg10[%add3A_30, %dma_start3A] : memref<40x16xi32, #tpu.memory_space<vmem>> -> memref<1x16xi32, #tpu.memory_space<vmem>>
      %dma_start3A_35 = tpu.memref_squeeze %dma_start3A_34 : memref<1x16xi32, #tpu.memory_space<vmem>> -> memref<16xi32, #tpu.memory_space<vmem>>
      %dma_start3A_36 = arith.constant 0 : i32
      %dma_start3A_37 = arith.constant 0 : i32
      %dma_start3A_38 = tpu.memref_slice %arg11[%dma_start3A_36, %dma_start3A_37] : memref<10112x128xf32, #tpu.memory_space<vmem_shared>> -> memref<10112x128xf32, #tpu.memory_space<vmem_shared>>
      tpu.enqueue_indirect_dma source(%dma_start3A_38 : memref<10112x128xf32, #tpu.memory_space<vmem_shared>>) target(%arg9 : memref<16x128xf32, #tpu.memory_space<vmem>>) offsets(%dma_start3A_35 : memref<16xi32, #tpu.memory_space<vmem>>) semaphore(%arg12 : memref<!tpu.dma_semaphore, #tpu.memory_space<semaphore_mem>>)
      %dma_wait3A = arith.constant 0 : i32
      %dma_wait3A_39 = tpu.memref_slice %arg10[%add3A_30, %dma_wait3A] : memref<40x16xi32, #tpu.memory_space<vmem>> -> memref<1x16xi32, #tpu.memory_space<vmem>>
      %dma_wait3A_40 = tpu.memref_squeeze %dma_wait3A_39 : memref<1x16xi32, #tpu.memory_space<vmem>> -> memref<16xi32, #tpu.memory_space<vmem>>
      %dma_wait3A_41 = arith.constant 0 : i32
      %dma_wait3A_42 = arith.constant 0 : i32
      %dma_wait3A_43 = tpu.memref_slice %arg11[%dma_wait3A_41, %dma_wait3A_42] : memref<10112x128xf32, #tpu.memory_space<vmem_shared>> -> memref<10112x128xf32, #tpu.memory_space<vmem_shared>>
      tpu.wait_indirect_dma semaphore(%arg12 : memref<!tpu.dma_semaphore, #tpu.memory_space<semaphore_mem>>) src(%dma_wait3A_43 : memref<10112x128xf32, #tpu.memory_space<vmem_shared>>) dst(%arg9 : memref<16x128xf32, #tpu.memory_space<vmem>>)
      %mul3A_44 = arith.constant 632 : i32
      %mul3A_45 = arith.muli %arg1, %mul3A_44 : i32
      %add3A_46 = arith.addi %mul3A_45, %min3A_33 : i32
      "tpu.region"() ({
        %run_scoped3A = tpu.sem_alloc : memref<!tpu.dma_semaphore, #tpu.memory_space<semaphore_mem>>
        %dma_start3A_47 = arith.constant 0 : i32
        %dma_start3A_48 = tpu.memref_slice %arg5[%arg0, %add3A_46, %dma_start3A_47] : memref<2x10112x128xf32, #tpu.memory_space<hbm>> -> memref<1x16x128xf32, #tpu.memory_space<hbm>>
        %dma_start3A_49 = tpu.memref_squeeze %dma_start3A_48 : memref<1x16x128xf32, #tpu.memory_space<hbm>> -> memref<16x128xf32, #tpu.memory_space<hbm>>
        %dma_start3A_50 = arith.constant 0 : i32
        %dma_start3A_51 = tpu.memref_slice %arg5[%arg0, %add3A_46, %dma_start3A_50] : memref<2x10112x128xf32, #tpu.memory_space<hbm>> -> memref<1x16x128xf32, #tpu.memory_space<hbm>>
        %dma_start3A_52 = tpu.memref_squeeze %dma_start3A_51 : memref<1x16x128xf32, #tpu.memory_space<hbm>> -> memref<16x128xf32, #tpu.memory_space<hbm>>
        tpu.enqueue_dma source(%arg9 : memref<16x128xf32, #tpu.memory_space<vmem>>) target(%dma_start3A_52 : memref<16x128xf32, #tpu.memory_space<hbm>>) target_semaphore(%run_scoped3A : memref<!tpu.dma_semaphore, #tpu.memory_space<semaphore_mem>>)
        %dma_wait3A_53 = arith.constant 0 : i32
        %dma_wait3A_54 = tpu.memref_slice %arg5[%arg0, %add3A_46, %dma_wait3A_53] : memref<2x10112x128xf32, #tpu.memory_space<hbm>> -> memref<1x16x128xf32, #tpu.memory_space<hbm>>
        %dma_wait3A_55 = tpu.memref_squeeze %dma_wait3A_54 : memref<1x16x128xf32, #tpu.memory_space<hbm>> -> memref<16x128xf32, #tpu.memory_space<hbm>>
        %dma_wait3A_56 = arith.constant 0 : i32
        %dma_wait3A_57 = tpu.memref_slice %arg5[%arg0, %add3A_46, %dma_wait3A_56] : memref<2x10112x128xf32, #tpu.memory_space<hbm>> -> memref<1x16x128xf32, #tpu.memory_space<hbm>>
        %dma_wait3A_58 = tpu.memref_squeeze %dma_wait3A_57 : memref<1x16x128xf32, #tpu.memory_space<hbm>> -> memref<16x128xf32, #tpu.memory_space<hbm>>
        tpu.wait_dma2 semaphore(%run_scoped3A : memref<!tpu.dma_semaphore, #tpu.memory_space<semaphore_mem>>) src(%arg9 : memref<16x128xf32, #tpu.memory_space<vmem>>) dst(%dma_wait3A_58 : memref<16x128xf32, #tpu.memory_space<hbm>>)
        tpu.yield
      }) : () -> ()
    }
    %scan3A_25 = arith.constant 40 : i32
    return
  }
}

module attributes {stable_mosaic.version = 14 : i64} {
  func.func @_stats_combine_body(%arg0: memref<4x10112xf32, #tpu.memory_space<vmem>>, %arg1: memref<10000x128xf32, #tpu.memory_space<vmem>>, %arg2: memref<128x128xf32, #tpu.memory_space<vmem>>, %arg3: memref<10000x128xf32, #tpu.memory_space<vmem>>, %arg4: memref<10000x1xf32, #tpu.memory_space<vmem>>, %arg5: memref<10000x1xf32, #tpu.memory_space<vmem>>) attributes {dimension_semantics = [], scalar_prefetch = 0 : i64, scratch_operands = 0 : i64, tpu.core_type = #tpu.core_type<tc>} {
    %get3A = arith.constant 0 : index
    %get3A_0 = arith.constant 0 : index
    %get3A_1 = vector.load %arg0[%get3A, %get3A_0] : memref<4x10112xf32, #tpu.memory_space<vmem>>, vector<1x10000xf32>
    %get3A_2 = vector.shape_cast %get3A_1 : vector<1x10000xf32> to vector<10000xf32>
    %get3A_3 = arith.constant 2 : index
    %get3A_4 = arith.constant 0 : index
    %get3A_5 = vector.load %arg0[%get3A_3, %get3A_4] : memref<4x10112xf32, #tpu.memory_space<vmem>>, vector<1x10000xf32>
    %get3A_6 = vector.shape_cast %get3A_5 : vector<1x10000xf32> to vector<10000xf32>
    %add3A = arith.addf %get3A_2, %get3A_6 : vector<10000xf32>
    %get3A_7 = arith.constant 1 : index
    %get3A_8 = arith.constant 0 : index
    %get3A_9 = vector.load %arg0[%get3A_7, %get3A_8] : memref<4x10112xf32, #tpu.memory_space<vmem>>, vector<1x10000xf32>
    %get3A_10 = vector.shape_cast %get3A_9 : vector<1x10000xf32> to vector<10000xf32>
    %get3A_11 = arith.constant 3 : index
    %get3A_12 = arith.constant 0 : index
    %get3A_13 = vector.load %arg0[%get3A_11, %get3A_12] : memref<4x10112xf32, #tpu.memory_space<vmem>>, vector<1x10000xf32>
    %get3A_14 = vector.shape_cast %get3A_13 : vector<1x10000xf32> to vector<10000xf32>
    %add3A_15 = arith.addf %get3A_10, %get3A_14 : vector<10000xf32>
    %gt3A = arith.constant 0.000000e+00 : f32
    %gt3A_16 = vector.broadcast %gt3A : f32 to vector<10000xf32>
    %gt3A_17 = arith.cmpf ogt, %add3A_15, %gt3A_16 : vector<10000xf32>
    %jit3A = arith.constant 0.000000e+00 : f32
    %jit3A_18 = arith.constant 2.000000e+00 : f32
    %broadcast_in_dim3A = vector.broadcast %jit3A : f32 to vector<10000xf32>
    %broadcast_in_dim3A_19 = vector.broadcast %jit3A_18 : f32 to vector<10000xf32>
    %select_n3A = arith.select %gt3A_17, %broadcast_in_dim3A, %broadcast_in_dim3A_19 : vector<10000xi1>, vector<10000xf32>
    %add3A_20 = arith.addf %add3A, %select_n3A : vector<10000xf32>
    %max3A = arith.constant 1.000000e-30 : f32
    %max3A_21 = vector.broadcast %max3A : f32 to vector<10000xf32>
    %max3A_22 = arith.maximumf %add3A_20, %max3A_21 : vector<10000xf32>
    %rsqrt3A = math.rsqrt %max3A_22 : vector<10000xf32>
    %swap3A = arith.constant 0 : index
    %swap3A_23 = arith.constant 0 : index
    %swap3A_24 = vector.load %arg4[%swap3A, %swap3A_23] : memref<10000x1xf32, #tpu.memory_space<vmem>>, vector<10000x1xf32>
    %swap3A_25 = vector.shape_cast %swap3A_24 : vector<10000x1xf32> to vector<10000xf32>
    %swap3A_26 = vector.shape_cast %rsqrt3A : vector<10000xf32> to vector<10000x1xf32>
    tpu.vector_store %arg4[%swap3A, %swap3A_23], %swap3A_26 {strides = array<i32>} : memref<10000x1xf32, #tpu.memory_space<vmem>>, vector<10000x1xf32>,
    %swap3A_27 = arith.constant 0 : index
    %swap3A_28 = arith.constant 0 : index
    %swap3A_29 = vector.load %arg5[%swap3A_27, %swap3A_28] : memref<10000x1xf32, #tpu.memory_space<vmem>>, vector<10000x1xf32>
    %swap3A_30 = vector.shape_cast %swap3A_29 : vector<10000x1xf32> to vector<10000xf32>
    %swap3A_31 = vector.shape_cast %select_n3A : vector<10000xf32> to vector<10000x1xf32>
    tpu.vector_store %arg5[%swap3A_27, %swap3A_28], %swap3A_31 {strides = array<i32>} : memref<10000x1xf32, #tpu.memory_space<vmem>>, vector<10000x1xf32>,
    %get3A_32 = arith.constant 0 : index
    %get3A_33 = arith.constant 0 : index
    %get3A_34 = vector.load %arg1[%get3A_32, %get3A_33] : memref<10000x128xf32, #tpu.memory_space<vmem>>, vector<10000x128xf32>
    %get3A_35 = arith.constant 0 : index
    %get3A_36 = arith.constant 0 : index
    %get3A_37 = vector.load %arg2[%get3A_35, %get3A_36] : memref<128x128xf32, #tpu.memory_space<vmem>>, vector<128x128xf32>
    %dot_general3A = arith.constant dense<0.000000e+00> : vector<10000x128xf32>
    %dot_general3A_38 = tpu.matmul %get3A_34, %get3A_37, %dot_general3A {dimension_numbers = #tpu.dot_dimension_numbers<[1], [0], [0], [1], [0, 0, 1, 1], [], []>, transpose_lhs_hint = false} : vector<10000x128xf32>, vector<128x128xf32>, vector<10000x128xf32> -> vector<10000x128xf32>
    %broadcast_in_dim3A_39 = vector.shape_cast %rsqrt3A : vector<10000xf32> to vector<10000x1xf32>
    %mul3A = vector.broadcast %broadcast_in_dim3A_39 : vector<10000x1xf32> to vector<10000x128xf32>
    %mul3A_40 = arith.mulf %mul3A, %dot_general3A_38 : vector<10000x128xf32>
    %swap3A_41 = arith.constant 0 : index
    %swap3A_42 = arith.constant 0 : index
    %swap3A_43 = vector.load %arg3[%swap3A_41, %swap3A_42] : memref<10000x128xf32, #tpu.memory_space<vmem>>, vector<10000x128xf32>
    tpu.vector_store %arg3[%swap3A_41, %swap3A_42], %mul3A_40 {strides = array<i32>} : memref<10000x128xf32, #tpu.memory_space<vmem>>, vector<10000x128xf32>,
    return
  }
}

module attributes {stable_mosaic.version = 14 : i64} {
  func.func @_gcn0_post_body(%arg0: memref<2x10112x128xf32, #tpu.memory_space<vmem>>, %arg1: memref<10000x128xf32, #tpu.memory_space<vmem>>, %arg2: memref<10000x1xf32, #tpu.memory_space<vmem>>, %arg3: memref<10000x1xf32, #tpu.memory_space<vmem>>, %arg4: memref<1x128xf32, #tpu.memory_space<vmem>>, %arg5: memref<128x1xf32, #tpu.memory_space<vmem>>, %arg6: memref<10000x128xf32, #tpu.memory_space<vmem>>, %arg7: memref<10000x1xf32, #tpu.memory_space<vmem>>) attributes {dimension_semantics = [], scalar_prefetch = 0 : i64, scratch_operands = 0 : i64, tpu.core_type = #tpu.core_type<tc>} {
    %get3A = arith.constant 0 : index
    %get3A_0 = arith.constant 0 : index
    %get3A_1 = arith.constant 0 : index
    %get3A_2 = vector.load %arg0[%get3A, %get3A_0, %get3A_1] : memref<2x10112x128xf32, #tpu.memory_space<vmem>>, vector<1x10000x128xf32>
    %get3A_3 = vector.shape_cast %get3A_2 : vector<1x10000x128xf32> to vector<10000x128xf32>
    %get3A_4 = arith.constant 1 : index
    %get3A_5 = arith.constant 0 : index
    %get3A_6 = arith.constant 0 : index
    %get3A_7 = vector.load %arg0[%get3A_4, %get3A_5, %get3A_6] : memref<2x10112x128xf32, #tpu.memory_space<vmem>>, vector<1x10000x128xf32>
    %get3A_8 = vector.shape_cast %get3A_7 : vector<1x10000x128xf32> to vector<10000x128xf32>
    %add3A = arith.addf %get3A_3, %get3A_8 : vector<10000x128xf32>
    %get3A_9 = arith.constant 0 : index
    %get3A_10 = arith.constant 0 : index
    %get3A_11 = vector.load %arg1[%get3A_9, %get3A_10] : memref<10000x128xf32, #tpu.memory_space<vmem>>, vector<10000x128xf32>
    %get3A_12 = arith.constant 0 : index
    %get3A_13 = arith.constant 0 : index
    %get3A_14 = vector.load %arg2[%get3A_12, %get3A_13] : memref<10000x1xf32, #tpu.memory_space<vmem>>, vector<10000x1xf32>
    %get3A_15 = vector.shape_cast %get3A_14 : vector<10000x1xf32> to vector<10000xf32>
    %broadcast_in_dim3A = vector.shape_cast %get3A_15 : vector<10000xf32> to vector<10000x1xf32>
    %get3A_16 = arith.constant 0 : index
    %get3A_17 = arith.constant 0 : index
    %get3A_18 = vector.load %arg3[%get3A_16, %get3A_17] : memref<10000x1xf32, #tpu.memory_space<vmem>>, vector<10000x1xf32>
    %get3A_19 = vector.shape_cast %get3A_18 : vector<10000x1xf32> to vector<10000xf32>
    %broadcast_in_dim3A_20 = vector.shape_cast %get3A_19 : vector<10000xf32> to vector<10000x1xf32>
    %mul3A = vector.broadcast %broadcast_in_dim3A_20 : vector<10000x1xf32> to vector<10000x128xf32>
    %mul3A_21 = arith.mulf %mul3A, %get3A_11 : vector<10000x128xf32>
    %add3A_22 = arith.addf %add3A, %mul3A_21 : vector<10000x128xf32>
    %mul3A_23 = vector.broadcast %broadcast_in_dim3A : vector<10000x1xf32> to vector<10000x128xf32>
    %mul3A_24 = arith.mulf %mul3A_23, %add3A_22 : vector<10000x128xf32>
    %get3A_25 = arith.constant 0 : index
    %get3A_26 = arith.constant 0 : index
    %get3A_27 = vector.load %arg4[%get3A_25, %get3A_26] : memref<1x128xf32, #tpu.memory_space<vmem>>, vector<1x128xf32>
    %get3A_28 = vector.shape_cast %get3A_27 : vector<1x128xf32> to vector<128xf32>
    %broadcast_in_dim3A_29 = vector.shape_cast %get3A_28 : vector<128xf32> to vector<1x128xf32>
    %add3A_30 = vector.broadcast %broadcast_in_dim3A_29 : vector<1x128xf32> to vector<10000x128xf32>
    %add3A_31 = arith.addf %mul3A_24, %add3A_30 : vector<10000x128xf32>
    %max3A = arith.constant 0.000000e+00 : f32
    %max3A_32 = vector.broadcast %max3A : f32 to vector<10000x128xf32>
    %max3A_33 = arith.maximumf %add3A_31, %max3A_32 : vector<10000x128xf32>
    %swap3A = arith.constant 0 : index
    %swap3A_34 = arith.constant 0 : index
    %swap3A_35 = vector.load %arg6[%swap3A, %swap3A_34] : memref<10000x128xf32, #tpu.memory_space<vmem>>, vector<10000x128xf32>
    tpu.vector_store %arg6[%swap3A, %swap3A_34], %max3A_33 {strides = array<i32>} : memref<10000x128xf32, #tpu.memory_space<vmem>>, vector<10000x128xf32>,
    %get3A_36 = arith.constant 0 : index
    %get3A_37 = arith.constant 0 : index
    %get3A_38 = vector.load %arg5[%get3A_36, %get3A_37] : memref<128x1xf32, #tpu.memory_space<vmem>>, vector<128x1xf32>
    %get3A_39 = vector.shape_cast %get3A_38 : vector<128x1xf32> to vector<128xf32>
    %dot_general3A = arith.constant dense<0.000000e+00> : vector<10000xf32>
    %dot_general3A_40 = tpu.matmul %max3A_33, %get3A_39, %dot_general3A {dimension_numbers = #tpu.dot_dimension_numbers<[1], [0], [0], [], [0, 0], [], []>, transpose_lhs_hint = false} : vector<10000x128xf32>, vector<128xf32>, vector<10000xf32> -> vector<10000xf32>
    %tanh3A = math.tanh %dot_general3A_40 : vector<10000xf32>
    %swap3A_41 = arith.constant 0 : index
    %swap3A_42 = arith.constant 0 : index
    %swap3A_43 = vector.load %arg7[%swap3A_41, %swap3A_42] : memref<10000x1xf32, #tpu.memory_space<vmem>>, vector<10000x1xf32>
    %swap3A_44 = vector.shape_cast %swap3A_43 : vector<10000x1xf32> to vector<10000xf32>
    %swap3A_45 = vector.shape_cast %tanh3A : vector<10000xf32> to vector<10000x1xf32>
    tpu.vector_store %arg7[%swap3A_41, %swap3A_42], %swap3A_45 {strides = array<i32>} : memref<10000x1xf32, #tpu.memory_space<vmem>>, vector<10000x1xf32>,
    return
  }
}

module attributes {stable_mosaic.version = 14 : i64} {
  func.func @_bigmm_body(%arg0: i32, %arg1: i32, %arg2: i32, %arg3: memref<1024x512xbf16, #tpu.memory_space<vmem>>, %arg4: memref<1024x512xbf16, #tpu.memory_space<vmem>>, %arg5: memref<512x512xf32, #tpu.memory_space<vmem>>) attributes {dimension_semantics = [#tpu.dimension_semantics<arbitrary>, #tpu.dimension_semantics<arbitrary>, #tpu.dimension_semantics<arbitrary>], iteration_bounds = array<i64: 4, 4, 10>, scalar_prefetch = 0 : i64, scratch_operands = 0 : i64, tpu.core_type = #tpu.core_type<tc>, window_params = [{transform_indices = @transform_0, window_bounds = array<i64: 1024, 512>}, {transform_indices = @transform_1, window_bounds = array<i64: 1024, 512>}, {transform_indices = @transform_2, window_bounds = array<i64: 512, 512>}]} {
    %eq3A = arith.constant 0 : i32
    %eq3A_0 = arith.cmpi eq, %arg2, %eq3A : i32
    %convert_element_type3A = arith.extui %eq3A_0 : i1 to i32
    %cond3A = arith.constant 0 : i32
    %cond3A_1 = arith.cmpi ne, %convert_element_type3A, %cond3A : i32
    scf.if %cond3A_1 {
      %broadcast_in_dim3A = arith.constant 0.000000e+00 : f32
      %broadcast_in_dim3A_18 = vector.broadcast %broadcast_in_dim3A : f32 to vector<512x512xf32>
      %swap3A_19 = arith.constant 0 : index
      %swap3A_20 = arith.constant 0 : index
      %swap3A_21 = vector.load %arg5[%swap3A_19, %swap3A_20] : memref<512x512xf32, #tpu.memory_space<vmem>>, vector<512x512xf32>
      tpu.vector_store %arg5[%swap3A_19, %swap3A_20], %broadcast_in_dim3A_18 {strides = array<i32>} : memref<512x512xf32, #tpu.memory_space<vmem>>, vector<512x512xf32>,
    } else {
    }
    %get3A = arith.constant 0 : index
    %get3A_2 = arith.constant 0 : index
    %get3A_3 = vector.load %arg5[%get3A, %get3A_2] : memref<512x512xf32, #tpu.memory_space<vmem>>, vector<512x512xf32>
    %get3A_4 = arith.constant 0 : index
    %get3A_5 = arith.constant 0 : index
    %get3A_6 = vector.load %arg3[%get3A_4, %get3A_5] : memref<1024x512xbf16, #tpu.memory_space<vmem>>, vector<1024x512xbf16>
    %get3A_7 = arith.constant 0 : index
    %get3A_8 = arith.constant 0 : index
    %get3A_9 = vector.load %arg4[%get3A_7, %get3A_8] : memref<1024x512xbf16, #tpu.memory_space<vmem>>, vector<1024x512xbf16>
    %dot_general3A = arith.constant dense<0.000000e+00> : vector<512x512xf32>
    %dot_general3A_10 = tpu.matmul %get3A_6, %get3A_9, %dot_general3A {dimension_numbers = #tpu.dot_dimension_numbers<[0], [0], [1], [1], [0, 1, 1, 1], [], []>, transpose_lhs_hint = false} : vector<1024x512xbf16>, vector<1024x512xbf16>, vector<512x512xf32> -> vector<512x512xf32>
    %add3A = arith.addf %get3A_3, %dot_general3A_10 : vector<512x512xf32>
    %swap3A = arith.constant 0 : index
    %swap3A_11 = arith.constant 0 : index
    %swap3A_12 = vector.load %arg5[%swap3A, %swap3A_11] : memref<512x512xf32, #tpu.memory_space<vmem>>, vector<512x512xf32>
    tpu.vector_store %arg5[%swap3A, %swap3A_11], %add3A {strides = array<i32>} : memref<512x512xf32, #tpu.memory_space<vmem>>, vector<512x512xf32>,
    %eq3A_13 = arith.constant 9 : i32
    %eq3A_14 = arith.cmpi eq, %arg2, %eq3A_13 : i32
    %convert_element_type3A_15 = arith.extui %eq3A_14 : i1 to i32
    %cond3A_16 = arith.constant 0 : i32
    %cond3A_17 = arith.cmpi ne, %convert_element_type3A_15, %cond3A_16 : i32
    scf.if %cond3A_17 {
      %mul3A = arith.constant 512 : i32
      %mul3A_18 = arith.muli %arg0, %mul3A : i32
      %iota3A = tpu.iota {dimensions = array<i32: 0>} : vector<512x512xi32>
      %add3A_19 = vector.broadcast %mul3A_18 : i32 to vector<512x512xi32>
      %add3A_20 = arith.addi %add3A_19, %iota3A : vector<512x512xi32>
      %mul3A_21 = arith.constant 512 : i32
      %mul3A_22 = arith.muli %arg1, %mul3A_21 : i32
      %iota3A_23 = tpu.iota {dimensions = array<i32: 1>} : vector<512x512xi32>
      %add3A_24 = vector.broadcast %mul3A_22 : i32 to vector<512x512xi32>
      %add3A_25 = arith.addi %add3A_24, %iota3A_23 : vector<512x512xi32>
      %eq3A_26 = arith.cmpi eq, %add3A_20, %add3A_25 : vector<512x512xi32>
      %get3A_27 = arith.constant 0 : index
      %get3A_28 = arith.constant 0 : index
      %get3A_29 = vector.load %arg5[%get3A_27, %get3A_28] : memref<512x512xf32, #tpu.memory_space<vmem>>, vector<512x512xf32>
      %jit3A = arith.constant 0.000000e+00 : f32
      %broadcast_in_dim3A = vector.broadcast %jit3A : f32 to vector<512x512xf32>
      %select_n3A = arith.select %eq3A_26, %broadcast_in_dim3A, %get3A_29 : vector<512x512xi1>, vector<512x512xf32>
      %swap3A_30 = arith.constant 0 : index
      %swap3A_31 = arith.constant 0 : index
      %swap3A_32 = vector.load %arg5[%swap3A_30, %swap3A_31] : memref<512x512xf32, #tpu.memory_space<vmem>>, vector<512x512xf32>
      tpu.vector_store %arg5[%swap3A_30, %swap3A_31], %select_n3A {strides = array<i32>} : memref<512x512xf32, #tpu.memory_space<vmem>>, vector<512x512xf32>,
    } else {
    }
    return
  }
  func.func @transform_0(%arg0: i32, %arg1: i32, %arg2: i32) -> (i32, i32) {
    %c0_i32 = arith.constant 0 : i32
    return %arg2, %arg0 : i32, i32
  }
  func.func @transform_1(%arg0: i32, %arg1: i32, %arg2: i32) -> (i32, i32) {
    %c0_i32 = arith.constant 0 : i32
    return %arg2, %arg1 : i32, i32
  }
  func.func @transform_2(%arg0: i32, %arg1: i32, %arg2: i32) -> (i32, i32) {
    %c0_i32 = arith.constant 0 : i32
    return %arg0, %arg1 : i32, i32
  }
}

module attributes {stable_mosaic.version = 14 : i64} {
  func.func @_gcnd_body(%arg0: memref<2000x2000xf32, #tpu.memory_space<vmem>>, %arg1: memref<2000x128xf32, #tpu.memory_space<vmem>>, %arg2: memref<128x128xf32, #tpu.memory_space<vmem>>, %arg3: memref<1x128xf32, #tpu.memory_space<vmem>>, %arg4: memref<2000x1xf32, #tpu.memory_space<vmem>>, %arg5: memref<128x1xf32, #tpu.memory_space<vmem>>, %arg6: memref<2000x128xf32, #tpu.memory_space<vmem>>, %arg7: memref<2000x1xf32, #tpu.memory_space<vmem>>) attributes {dimension_semantics = [], scalar_prefetch = 0 : i64, scratch_operands = 0 : i64, tpu.core_type = #tpu.core_type<tc>} {
    %get3A = arith.constant 0 : index
    %get3A_0 = arith.constant 0 : index
    %get3A_1 = vector.load %arg0[%get3A, %get3A_0] : memref<2000x2000xf32, #tpu.memory_space<vmem>>, vector<2000x2000xf32>
    %get3A_2 = arith.constant 0 : index
    %get3A_3 = arith.constant 0 : index
    %get3A_4 = vector.load %arg1[%get3A_2, %get3A_3] : memref<2000x128xf32, #tpu.memory_space<vmem>>, vector<2000x128xf32>
    %get3A_5 = arith.constant 0 : index
    %get3A_6 = arith.constant 0 : index
    %get3A_7 = vector.load %arg4[%get3A_5, %get3A_6] : memref<2000x1xf32, #tpu.memory_space<vmem>>, vector<2000x1xf32>
    %get3A_8 = vector.shape_cast %get3A_7 : vector<2000x1xf32> to vector<2000xf32>
    %broadcast_in_dim3A = vector.shape_cast %get3A_8 : vector<2000xf32> to vector<2000x1xf32>
    %mul3A = vector.broadcast %broadcast_in_dim3A : vector<2000x1xf32> to vector<2000x128xf32>
    %mul3A_9 = arith.mulf %get3A_4, %mul3A : vector<2000x128xf32>
    %reduce_sum3A = arith.constant dense<0.000000e+00> : vector<2000xf32>
    %reduce_sum3A_10 = vector.multi_reduction <add>, %get3A_1, %reduce_sum3A [1] : vector<2000x2000xf32> to vector<2000xf32>
    %add3A = arith.constant 2.000000e+00 : f32
    %add3A_11 = vector.broadcast %add3A : f32 to vector<2000xf32>
    %add3A_12 = arith.addf %reduce_sum3A_10, %add3A_11 : vector<2000xf32>
    %rsqrt3A = math.rsqrt %add3A_12 : vector<2000xf32>
    %get3A_13 = arith.constant 0 : index
    %get3A_14 = arith.constant 0 : index
    %get3A_15 = vector.load %arg2[%get3A_13, %get3A_14] : memref<128x128xf32, #tpu.memory_space<vmem>>, vector<128x128xf32>
    %dot_general3A = arith.constant dense<0.000000e+00> : vector<2000x128xf32>
    %dot_general3A_16 = tpu.matmul %mul3A_9, %get3A_15, %dot_general3A {dimension_numbers = #tpu.dot_dimension_numbers<[1], [0], [0], [1], [0, 0, 1, 1], [], []>, transpose_lhs_hint = false} : vector<2000x128xf32>, vector<128x128xf32>, vector<2000x128xf32> -> vector<2000x128xf32>
    %broadcast_in_dim3A_17 = vector.shape_cast %rsqrt3A : vector<2000xf32> to vector<2000x1xf32>
    %mul3A_18 = vector.broadcast %broadcast_in_dim3A_17 : vector<2000x1xf32> to vector<2000x128xf32>
    %mul3A_19 = arith.mulf %mul3A_18, %dot_general3A_16 : vector<2000x128xf32>
    %dot_general3A_20 = arith.constant dense<0.000000e+00> : vector<2000x128xf32>
    %dot_general3A_21 = tpu.matmul %get3A_1, %mul3A_19, %dot_general3A_20 {dimension_numbers = #tpu.dot_dimension_numbers<[1], [0], [0], [1], [0, 0, 1, 1], [], []>, transpose_lhs_hint = false} : vector<2000x2000xf32>, vector<2000x128xf32>, vector<2000x128xf32> -> vector<2000x128xf32>
    %broadcast_in_dim3A_22 = vector.shape_cast %rsqrt3A : vector<2000xf32> to vector<2000x1xf32>
    %mul3A_23 = vector.broadcast %broadcast_in_dim3A_22 : vector<2000x1xf32> to vector<2000x128xf32>
    %mul3A_24 = arith.mulf %mul3A_23, %dot_general3A_21 : vector<2000x128xf32>
    %mul3A_25 = arith.mulf %rsqrt3A, %rsqrt3A : vector<2000xf32>
    %broadcast_in_dim3A_26 = vector.shape_cast %mul3A_25 : vector<2000xf32> to vector<2000x1xf32>
    %mul3A_27 = arith.constant 2.000000e+00 : f32
    %mul3A_28 = vector.broadcast %mul3A_27 : f32 to vector<2000x1xf32>
    %mul3A_29 = arith.mulf %mul3A_28, %broadcast_in_dim3A_26 : vector<2000x1xf32>
    %mul3A_30 = vector.broadcast %mul3A_29 : vector<2000x1xf32> to vector<2000x128xf32>
    %mul3A_31 = arith.mulf %mul3A_30, %dot_general3A_16 : vector<2000x128xf32>
    %add3A_32 = arith.addf %mul3A_24, %mul3A_31 : vector<2000x128xf32>
    %get3A_33 = arith.constant 0 : index
    %get3A_34 = arith.constant 0 : index
    %get3A_35 = vector.load %arg3[%get3A_33, %get3A_34] : memref<1x128xf32, #tpu.memory_space<vmem>>, vector<1x128xf32>
    %get3A_36 = vector.shape_cast %get3A_35 : vector<1x128xf32> to vector<128xf32>
    %broadcast_in_dim3A_37 = vector.shape_cast %get3A_36 : vector<128xf32> to vector<1x128xf32>
    %add3A_38 = vector.broadcast %broadcast_in_dim3A_37 : vector<1x128xf32> to vector<2000x128xf32>
    %add3A_39 = arith.addf %add3A_32, %add3A_38 : vector<2000x128xf32>
    %max3A = arith.constant 0.000000e+00 : f32
    %max3A_40 = vector.broadcast %max3A : f32 to vector<2000x128xf32>
    %max3A_41 = arith.maximumf %add3A_39, %max3A_40 : vector<2000x128xf32>
    %swap3A = arith.constant 0 : index
    %swap3A_42 = arith.constant 0 : index
    %swap3A_43 = vector.load %arg6[%swap3A, %swap3A_42] : memref<2000x128xf32, #tpu.memory_space<vmem>>, vector<2000x128xf32>
    tpu.vector_store %arg6[%swap3A, %swap3A_42], %max3A_41 {strides = array<i32>} : memref<2000x128xf32, #tpu.memory_space<vmem>>, vector<2000x128xf32>,
    %get3A_44 = arith.constant 0 : index
    %get3A_45 = arith.constant 0 : index
    %get3A_46 = vector.load %arg5[%get3A_44, %get3A_45] : memref<128x1xf32, #tpu.memory_space<vmem>>, vector<128x1xf32>
    %get3A_47 = vector.shape_cast %get3A_46 : vector<128x1xf32> to vector<128xf32>
    %dot_general3A_48 = arith.constant dense<0.000000e+00> : vector<2000xf32>
    %dot_general3A_49 = tpu.matmul %max3A_41, %get3A_47, %dot_general3A_48 {dimension_numbers = #tpu.dot_dimension_numbers<[1], [0], [0], [], [0, 0], [], []>, transpose_lhs_hint = false} : vector<2000x128xf32>, vector<128xf32>, vector<2000xf32> -> vector<2000xf32>
    %tanh3A = math.tanh %dot_general3A_49 : vector<2000xf32>
    %swap3A_50 = arith.constant 0 : index
    %swap3A_51 = arith.constant 0 : index
    %swap3A_52 = vector.load %arg7[%swap3A_50, %swap3A_51] : memref<2000x1xf32, #tpu.memory_space<vmem>>, vector<2000x1xf32>
    %swap3A_53 = vector.shape_cast %swap3A_52 : vector<2000x1xf32> to vector<2000xf32>
    %swap3A_54 = vector.shape_cast %tanh3A : vector<2000xf32> to vector<2000x1xf32>
    tpu.vector_store %arg7[%swap3A_50, %swap3A_51], %swap3A_54 {strides = array<i32>} : memref<2000x1xf32, #tpu.memory_space<vmem>>, vector<2000x1xf32>,
    return
  }
}

module attributes {stable_mosaic.version = 14 : i64} {
  func.func @_aug_body(%arg0: memref<2000x2000xf32, #tpu.memory_space<vmem>>, %arg1: memref<1x1000xi32, #tpu.memory_space<vmem>>, %arg2: memref<2000x128xf32, #tpu.memory_space<vmem>>, %arg3: memref<1000x1xf32, #tpu.memory_space<vmem>>, %arg4: memref<1000x1000xf32, #tpu.memory_space<vmem>>, %arg5: memref<1000x128xf32, #tpu.memory_space<vmem>>) attributes {dimension_semantics = [], scalar_prefetch = 0 : i64, scratch_operands = 0 : i64, tpu.core_type = #tpu.core_type<tc>} {
    %get3A = arith.constant 0 : index
    %get3A_0 = arith.constant 0 : index
    %get3A_1 = vector.load %arg0[%get3A, %get3A_0] : memref<2000x2000xf32, #tpu.memory_space<vmem>>, vector<2000x2000xf32>
    %iota3A = tpu.iota {dimensions = array<i32: 0>} : vector<2000x1000xi32>
    %get3A_2 = arith.constant 0 : index
    %get3A_3 = arith.constant 0 : index
    %get3A_4 = vector.load %arg1[%get3A_2, %get3A_3] : memref<1x1000xi32, #tpu.memory_space<vmem>>, vector<1x1000xi32>
    %get3A_5 = vector.shape_cast %get3A_4 : vector<1x1000xi32> to vector<1000xi32>
    %broadcast_in_dim3A = vector.shape_cast %get3A_5 : vector<1000xi32> to vector<1x1000xi32>
    %eq3A = vector.broadcast %broadcast_in_dim3A : vector<1x1000xi32> to vector<2000x1000xi32>
    %eq3A_6 = arith.cmpi eq, %iota3A, %eq3A : vector<2000x1000xi32>
    %convert_element_type3A = arith.extui %eq3A_6 : vector<2000x1000xi1> to vector<2000x1000xi32>
    %convert_element_type3A_7 = arith.sitofp %convert_element_type3A : vector<2000x1000xi32> to vector<2000x1000xf32>
    %dot_general3A = arith.constant dense<0.000000e+00> : vector<2000x1000xf32>
    %dot_general3A_8 = tpu.matmul %get3A_1, %convert_element_type3A_7, %dot_general3A {dimension_numbers = #tpu.dot_dimension_numbers<[1], [0], [0], [1], [0, 0, 1, 1], [], []>, transpose_lhs_hint = false} : vector<2000x2000xf32>, vector<2000x1000xf32>, vector<2000x1000xf32> -> vector<2000x1000xf32>
    %add3A = arith.addf %dot_general3A_8, %convert_element_type3A_7 : vector<2000x1000xf32>
    %dot_general3A_9 = arith.constant dense<0.000000e+00> : vector<2000x1000xf32>
    %dot_general3A_10 = tpu.matmul %get3A_1, %add3A, %dot_general3A_9 {dimension_numbers = #tpu.dot_dimension_numbers<[1], [0], [0], [1], [0, 0, 1, 1], [], []>, transpose_lhs_hint = false} : vector<2000x2000xf32>, vector<2000x1000xf32>, vector<2000x1000xf32> -> vector<2000x1000xf32>
    %add3A_11 = arith.addf %dot_general3A_10, %add3A : vector<2000x1000xf32>
    %dot_general3A_12 = arith.constant dense<0.000000e+00> : vector<1000x1000xf32>
    %dot_general3A_13 = tpu.matmul %convert_element_type3A_7, %add3A_11, %dot_general3A_12 {dimension_numbers = #tpu.dot_dimension_numbers<[0], [0], [1], [1], [0, 1, 1, 1], [], []>, transpose_lhs_hint = false} : vector<2000x1000xf32>, vector<2000x1000xf32>, vector<1000x1000xf32> -> vector<1000x1000xf32>
    %iota3A_14 = tpu.iota {dimensions = array<i32: 0>} : vector<1000x1000xi32>
    %iota3A_15 = tpu.iota {dimensions = array<i32: 1>} : vector<1000x1000xi32>
    %eq3A_16 = arith.cmpi eq, %iota3A_14, %iota3A_15 : vector<1000x1000xi32>
    %jit3A = arith.constant 0.000000e+00 : f32
    %broadcast_in_dim3A_17 = vector.broadcast %jit3A : f32 to vector<1000x1000xf32>
    %select_n3A = arith.select %eq3A_16, %broadcast_in_dim3A_17, %dot_general3A_13 : vector<1000x1000xi1>, vector<1000x1000xf32>
    %swap3A = arith.constant 0 : index
    %swap3A_18 = arith.constant 0 : index
    %swap3A_19 = vector.load %arg4[%swap3A, %swap3A_18] : memref<1000x1000xf32, #tpu.memory_space<vmem>>, vector<1000x1000xf32>
    tpu.vector_store %arg4[%swap3A, %swap3A_18], %select_n3A {strides = array<i32>} : memref<1000x1000xf32, #tpu.memory_space<vmem>>, vector<1000x1000xf32>,
    %get3A_20 = arith.constant 0 : index
    %get3A_21 = arith.constant 0 : index
    %get3A_22 = vector.load %arg2[%get3A_20, %get3A_21] : memref<2000x128xf32, #tpu.memory_space<vmem>>, vector<2000x128xf32>
    %dot_general3A_23 = arith.constant dense<0.000000e+00> : vector<1000x128xf32>
    %dot_general3A_24 = tpu.matmul %convert_element_type3A_7, %get3A_22, %dot_general3A_23 {dimension_numbers = #tpu.dot_dimension_numbers<[0], [0], [1], [1], [0, 1, 1, 1], [], []>, transpose_lhs_hint = false} : vector<2000x1000xf32>, vector<2000x128xf32>, vector<1000x128xf32> -> vector<1000x128xf32>
    %get3A_25 = arith.constant 0 : index
    %get3A_26 = arith.constant 0 : index
    %get3A_27 = vector.load %arg3[%get3A_25, %get3A_26] : memref<1000x1xf32, #tpu.memory_space<vmem>>, vector<1000x1xf32>
    %get3A_28 = vector.shape_cast %get3A_27 : vector<1000x1xf32> to vector<1000xf32>
    %broadcast_in_dim3A_29 = vector.shape_cast %get3A_28 : vector<1000xf32> to vector<1000x1xf32>
    %mul3A = vector.broadcast %broadcast_in_dim3A_29 : vector<1000x1xf32> to vector<1000x128xf32>
    %mul3A_30 = arith.mulf %dot_general3A_24, %mul3A : vector<1000x128xf32>
    %swap3A_31 = arith.constant 0 : index
    %swap3A_32 = arith.constant 0 : index
    %swap3A_33 = vector.load %arg5[%swap3A_31, %swap3A_32] : memref<1000x128xf32, #tpu.memory_space<vmem>>, vector<1000x128xf32>
    tpu.vector_store %arg5[%swap3A_31, %swap3A_32], %mul3A_30 {strides = array<i32>} : memref<1000x128xf32, #tpu.memory_space<vmem>>, vector<1000x128xf32>,
    return
  }
}

module attributes {stable_mosaic.version = 14 : i64} {
  func.func @_gcnd_body(%arg0: memref<1000x1000xf32, #tpu.memory_space<vmem>>, %arg1: memref<1000x128xf32, #tpu.memory_space<vmem>>, %arg2: memref<128x128xf32, #tpu.memory_space<vmem>>, %arg3: memref<1x128xf32, #tpu.memory_space<vmem>>, %arg4: memref<1000x1xf32, #tpu.memory_space<vmem>>, %arg5: memref<128x1xf32, #tpu.memory_space<vmem>>, %arg6: memref<1000x128xf32, #tpu.memory_space<vmem>>, %arg7: memref<1000x1xf32, #tpu.memory_space<vmem>>) attributes {dimension_semantics = [], scalar_prefetch = 0 : i64, scratch_operands = 0 : i64, tpu.core_type = #tpu.core_type<tc>} {
    %get3A = arith.constant 0 : index
    %get3A_0 = arith.constant 0 : index
    %get3A_1 = vector.load %arg0[%get3A, %get3A_0] : memref<1000x1000xf32, #tpu.memory_space<vmem>>, vector<1000x1000xf32>
    %get3A_2 = arith.constant 0 : index
    %get3A_3 = arith.constant 0 : index
    %get3A_4 = vector.load %arg1[%get3A_2, %get3A_3] : memref<1000x128xf32, #tpu.memory_space<vmem>>, vector<1000x128xf32>
    %get3A_5 = arith.constant 0 : index
    %get3A_6 = arith.constant 0 : index
    %get3A_7 = vector.load %arg4[%get3A_5, %get3A_6] : memref<1000x1xf32, #tpu.memory_space<vmem>>, vector<1000x1xf32>
    %get3A_8 = vector.shape_cast %get3A_7 : vector<1000x1xf32> to vector<1000xf32>
    %broadcast_in_dim3A = vector.shape_cast %get3A_8 : vector<1000xf32> to vector<1000x1xf32>
    %mul3A = vector.broadcast %broadcast_in_dim3A : vector<1000x1xf32> to vector<1000x128xf32>
    %mul3A_9 = arith.mulf %get3A_4, %mul3A : vector<1000x128xf32>
    %reduce_sum3A = arith.constant dense<0.000000e+00> : vector<1000xf32>
    %reduce_sum3A_10 = vector.multi_reduction <add>, %get3A_1, %reduce_sum3A [1] : vector<1000x1000xf32> to vector<1000xf32>
    %add3A = arith.constant 2.000000e+00 : f32
    %add3A_11 = vector.broadcast %add3A : f32 to vector<1000xf32>
    %add3A_12 = arith.addf %reduce_sum3A_10, %add3A_11 : vector<1000xf32>
    %rsqrt3A = math.rsqrt %add3A_12 : vector<1000xf32>
    %get3A_13 = arith.constant 0 : index
    %get3A_14 = arith.constant 0 : index
    %get3A_15 = vector.load %arg2[%get3A_13, %get3A_14] : memref<128x128xf32, #tpu.memory_space<vmem>>, vector<128x128xf32>
    %dot_general3A = arith.constant dense<0.000000e+00> : vector<1000x128xf32>
    %dot_general3A_16 = tpu.matmul %mul3A_9, %get3A_15, %dot_general3A {dimension_numbers = #tpu.dot_dimension_numbers<[1], [0], [0], [1], [0, 0, 1, 1], [], []>, transpose_lhs_hint = false} : vector<1000x128xf32>, vector<128x128xf32>, vector<1000x128xf32> -> vector<1000x128xf32>
    %broadcast_in_dim3A_17 = vector.shape_cast %rsqrt3A : vector<1000xf32> to vector<1000x1xf32>
    %mul3A_18 = vector.broadcast %broadcast_in_dim3A_17 : vector<1000x1xf32> to vector<1000x128xf32>
    %mul3A_19 = arith.mulf %mul3A_18, %dot_general3A_16 : vector<1000x128xf32>
    %dot_general3A_20 = arith.constant dense<0.000000e+00> : vector<1000x128xf32>
    %dot_general3A_21 = tpu.matmul %get3A_1, %mul3A_19, %dot_general3A_20 {dimension_numbers = #tpu.dot_dimension_numbers<[1], [0], [0], [1], [0, 0, 1, 1], [], []>, transpose_lhs_hint = false} : vector<1000x1000xf32>, vector<1000x128xf32>, vector<1000x128xf32> -> vector<1000x128xf32>
    %broadcast_in_dim3A_22 = vector.shape_cast %rsqrt3A : vector<1000xf32> to vector<1000x1xf32>
    %mul3A_23 = vector.broadcast %broadcast_in_dim3A_22 : vector<1000x1xf32> to vector<1000x128xf32>
    %mul3A_24 = arith.mulf %mul3A_23, %dot_general3A_21 : vector<1000x128xf32>
    %mul3A_25 = arith.mulf %rsqrt3A, %rsqrt3A : vector<1000xf32>
    %broadcast_in_dim3A_26 = vector.shape_cast %mul3A_25 : vector<1000xf32> to vector<1000x1xf32>
    %mul3A_27 = arith.constant 2.000000e+00 : f32
    %mul3A_28 = vector.broadcast %mul3A_27 : f32 to vector<1000x1xf32>
    %mul3A_29 = arith.mulf %mul3A_28, %broadcast_in_dim3A_26 : vector<1000x1xf32>
    %mul3A_30 = vector.broadcast %mul3A_29 : vector<1000x1xf32> to vector<1000x128xf32>
    %mul3A_31 = arith.mulf %mul3A_30, %dot_general3A_16 : vector<1000x128xf32>
    %add3A_32 = arith.addf %mul3A_24, %mul3A_31 : vector<1000x128xf32>
    %get3A_33 = arith.constant 0 : index
    %get3A_34 = arith.constant 0 : index
    %get3A_35 = vector.load %arg3[%get3A_33, %get3A_34] : memref<1x128xf32, #tpu.memory_space<vmem>>, vector<1x128xf32>
    %get3A_36 = vector.shape_cast %get3A_35 : vector<1x128xf32> to vector<128xf32>
    %broadcast_in_dim3A_37 = vector.shape_cast %get3A_36 : vector<128xf32> to vector<1x128xf32>
    %add3A_38 = vector.broadcast %broadcast_in_dim3A_37 : vector<1x128xf32> to vector<1000x128xf32>
    %add3A_39 = arith.addf %add3A_32, %add3A_38 : vector<1000x128xf32>
    %max3A = arith.constant 0.000000e+00 : f32
    %max3A_40 = vector.broadcast %max3A : f32 to vector<1000x128xf32>
    %max3A_41 = arith.maximumf %add3A_39, %max3A_40 : vector<1000x128xf32>
    %swap3A = arith.constant 0 : index
    %swap3A_42 = arith.constant 0 : index
    %swap3A_43 = vector.load %arg6[%swap3A, %swap3A_42] : memref<1000x128xf32, #tpu.memory_space<vmem>>, vector<1000x128xf32>
    tpu.vector_store %arg6[%swap3A, %swap3A_42], %max3A_41 {strides = array<i32>} : memref<1000x128xf32, #tpu.memory_space<vmem>>, vector<1000x128xf32>,
    %get3A_44 = arith.constant 0 : index
    %get3A_45 = arith.constant 0 : index
    %get3A_46 = vector.load %arg5[%get3A_44, %get3A_45] : memref<128x1xf32, #tpu.memory_space<vmem>>, vector<128x1xf32>
    %get3A_47 = vector.shape_cast %get3A_46 : vector<128x1xf32> to vector<128xf32>
    %dot_general3A_48 = arith.constant dense<0.000000e+00> : vector<1000xf32>
    %dot_general3A_49 = tpu.matmul %max3A_41, %get3A_47, %dot_general3A_48 {dimension_numbers = #tpu.dot_dimension_numbers<[1], [0], [0], [], [0, 0], [], []>, transpose_lhs_hint = false} : vector<1000x128xf32>, vector<128xf32>, vector<1000xf32> -> vector<1000xf32>
    %tanh3A = math.tanh %dot_general3A_49 : vector<1000xf32>
    %swap3A_50 = arith.constant 0 : index
    %swap3A_51 = arith.constant 0 : index
    %swap3A_52 = vector.load %arg7[%swap3A_50, %swap3A_51] : memref<1000x1xf32, #tpu.memory_space<vmem>>, vector<1000x1xf32>
    %swap3A_53 = vector.shape_cast %swap3A_52 : vector<1000x1xf32> to vector<1000xf32>
    %swap3A_54 = vector.shape_cast %tanh3A : vector<1000xf32> to vector<1000x1xf32>
    tpu.vector_store %arg7[%swap3A_50, %swap3A_51], %swap3A_54 {strides = array<i32>} : memref<1000x1xf32, #tpu.memory_space<vmem>>, vector<1000x1xf32>,
    return
  }
}

module attributes {stable_mosaic.version = 14 : i64} {
  func.func @_aug_body(%arg0: memref<1000x1000xf32, #tpu.memory_space<vmem>>, %arg1: memref<1x500xi32, #tpu.memory_space<vmem>>, %arg2: memref<1000x128xf32, #tpu.memory_space<vmem>>, %arg3: memref<500x1xf32, #tpu.memory_space<vmem>>, %arg4: memref<500x500xf32, #tpu.memory_space<vmem>>, %arg5: memref<500x128xf32, #tpu.memory_space<vmem>>) attributes {dimension_semantics = [], scalar_prefetch = 0 : i64, scratch_operands = 0 : i64, tpu.core_type = #tpu.core_type<tc>} {
    %get3A = arith.constant 0 : index
    %get3A_0 = arith.constant 0 : index
    %get3A_1 = vector.load %arg0[%get3A, %get3A_0] : memref<1000x1000xf32, #tpu.memory_space<vmem>>, vector<1000x1000xf32>
    %iota3A = tpu.iota {dimensions = array<i32: 0>} : vector<1000x500xi32>
    %get3A_2 = arith.constant 0 : index
    %get3A_3 = arith.constant 0 : index
    %get3A_4 = vector.load %arg1[%get3A_2, %get3A_3] : memref<1x500xi32, #tpu.memory_space<vmem>>, vector<1x500xi32>
    %get3A_5 = vector.shape_cast %get3A_4 : vector<1x500xi32> to vector<500xi32>
    %broadcast_in_dim3A = vector.shape_cast %get3A_5 : vector<500xi32> to vector<1x500xi32>
    %eq3A = vector.broadcast %broadcast_in_dim3A : vector<1x500xi32> to vector<1000x500xi32>
    %eq3A_6 = arith.cmpi eq, %iota3A, %eq3A : vector<1000x500xi32>
    %convert_element_type3A = arith.extui %eq3A_6 : vector<1000x500xi1> to vector<1000x500xi32>
    %convert_element_type3A_7 = arith.sitofp %convert_element_type3A : vector<1000x500xi32> to vector<1000x500xf32>
    %dot_general3A = arith.constant dense<0.000000e+00> : vector<1000x500xf32>
    %dot_general3A_8 = tpu.matmul %get3A_1, %convert_element_type3A_7, %dot_general3A {dimension_numbers = #tpu.dot_dimension_numbers<[1], [0], [0], [1], [0, 0, 1, 1], [], []>, transpose_lhs_hint = false} : vector<1000x1000xf32>, vector<1000x500xf32>, vector<1000x500xf32> -> vector<1000x500xf32>
    %add3A = arith.addf %dot_general3A_8, %convert_element_type3A_7 : vector<1000x500xf32>
    %dot_general3A_9 = arith.constant dense<0.000000e+00> : vector<1000x500xf32>
    %dot_general3A_10 = tpu.matmul %get3A_1, %add3A, %dot_general3A_9 {dimension_numbers = #tpu.dot_dimension_numbers<[1], [0], [0], [1], [0, 0, 1, 1], [], []>, transpose_lhs_hint = false} : vector<1000x1000xf32>, vector<1000x500xf32>, vector<1000x500xf32> -> vector<1000x500xf32>
    %add3A_11 = arith.addf %dot_general3A_10, %add3A : vector<1000x500xf32>
    %dot_general3A_12 = arith.constant dense<0.000000e+00> : vector<500x500xf32>
    %dot_general3A_13 = tpu.matmul %convert_element_type3A_7, %add3A_11, %dot_general3A_12 {dimension_numbers = #tpu.dot_dimension_numbers<[0], [0], [1], [1], [0, 1, 1, 1], [], []>, transpose_lhs_hint = false} : vector<1000x500xf32>, vector<1000x500xf32>, vector<500x500xf32> -> vector<500x500xf32>
    %iota3A_14 = tpu.iota {dimensions = array<i32: 0>} : vector<500x500xi32>
    %iota3A_15 = tpu.iota {dimensions = array<i32: 1>} : vector<500x500xi32>
    %eq3A_16 = arith.cmpi eq, %iota3A_14, %iota3A_15 : vector<500x500xi32>
    %jit3A = arith.constant 0.000000e+00 : f32
    %broadcast_in_dim3A_17 = vector.broadcast %jit3A : f32 to vector<500x500xf32>
    %select_n3A = arith.select %eq3A_16, %broadcast_in_dim3A_17, %dot_general3A_13 : vector<500x500xi1>, vector<500x500xf32>
    %swap3A = arith.constant 0 : index
    %swap3A_18 = arith.constant 0 : index
    %swap3A_19 = vector.load %arg4[%swap3A, %swap3A_18] : memref<500x500xf32, #tpu.memory_space<vmem>>, vector<500x500xf32>
    tpu.vector_store %arg4[%swap3A, %swap3A_18], %select_n3A {strides = array<i32>} : memref<500x500xf32, #tpu.memory_space<vmem>>, vector<500x500xf32>,
    %get3A_20 = arith.constant 0 : index
    %get3A_21 = arith.constant 0 : index
    %get3A_22 = vector.load %arg2[%get3A_20, %get3A_21] : memref<1000x128xf32, #tpu.memory_space<vmem>>, vector<1000x128xf32>
    %dot_general3A_23 = arith.constant dense<0.000000e+00> : vector<500x128xf32>
    %dot_general3A_24 = tpu.matmul %convert_element_type3A_7, %get3A_22, %dot_general3A_23 {dimension_numbers = #tpu.dot_dimension_numbers<[0], [0], [1], [1], [0, 1, 1, 1], [], []>, transpose_lhs_hint = false} : vector<1000x500xf32>, vector<1000x128xf32>, vector<500x128xf32> -> vector<500x128xf32>
    %get3A_25 = arith.constant 0 : index
    %get3A_26 = arith.constant 0 : index
    %get3A_27 = vector.load %arg3[%get3A_25, %get3A_26] : memref<500x1xf32, #tpu.memory_space<vmem>>, vector<500x1xf32>
    %get3A_28 = vector.shape_cast %get3A_27 : vector<500x1xf32> to vector<500xf32>
    %broadcast_in_dim3A_29 = vector.shape_cast %get3A_28 : vector<500xf32> to vector<500x1xf32>
    %mul3A = vector.broadcast %broadcast_in_dim3A_29 : vector<500x1xf32> to vector<500x128xf32>
    %mul3A_30 = arith.mulf %dot_general3A_24, %mul3A : vector<500x128xf32>
    %swap3A_31 = arith.constant 0 : index
    %swap3A_32 = arith.constant 0 : index
    %swap3A_33 = vector.load %arg5[%swap3A_31, %swap3A_32] : memref<500x128xf32, #tpu.memory_space<vmem>>, vector<500x128xf32>
    tpu.vector_store %arg5[%swap3A_31, %swap3A_32], %mul3A_30 {strides = array<i32>} : memref<500x128xf32, #tpu.memory_space<vmem>>, vector<500x128xf32>,
    return
  }
}

module attributes {stable_mosaic.version = 14 : i64} {
  func.func @_gcnd_body(%arg0: memref<500x500xf32, #tpu.memory_space<vmem>>, %arg1: memref<500x128xf32, #tpu.memory_space<vmem>>, %arg2: memref<128x128xf32, #tpu.memory_space<vmem>>, %arg3: memref<1x128xf32, #tpu.memory_space<vmem>>, %arg4: memref<500x1xf32, #tpu.memory_space<vmem>>, %arg5: memref<128x1xf32, #tpu.memory_space<vmem>>, %arg6: memref<500x128xf32, #tpu.memory_space<vmem>>, %arg7: memref<500x1xf32, #tpu.memory_space<vmem>>) attributes {dimension_semantics = [], scalar_prefetch = 0 : i64, scratch_operands = 0 : i64, tpu.core_type = #tpu.core_type<tc>} {
    %get3A = arith.constant 0 : index
    %get3A_0 = arith.constant 0 : index
    %get3A_1 = vector.load %arg0[%get3A, %get3A_0] : memref<500x500xf32, #tpu.memory_space<vmem>>, vector<500x500xf32>
    %get3A_2 = arith.constant 0 : index
    %get3A_3 = arith.constant 0 : index
    %get3A_4 = vector.load %arg1[%get3A_2, %get3A_3] : memref<500x128xf32, #tpu.memory_space<vmem>>, vector<500x128xf32>
    %get3A_5 = arith.constant 0 : index
    %get3A_6 = arith.constant 0 : index
    %get3A_7 = vector.load %arg4[%get3A_5, %get3A_6] : memref<500x1xf32, #tpu.memory_space<vmem>>, vector<500x1xf32>
    %get3A_8 = vector.shape_cast %get3A_7 : vector<500x1xf32> to vector<500xf32>
    %broadcast_in_dim3A = vector.shape_cast %get3A_8 : vector<500xf32> to vector<500x1xf32>
    %mul3A = vector.broadcast %broadcast_in_dim3A : vector<500x1xf32> to vector<500x128xf32>
    %mul3A_9 = arith.mulf %get3A_4, %mul3A : vector<500x128xf32>
    %reduce_sum3A = arith.constant dense<0.000000e+00> : vector<500xf32>
    %reduce_sum3A_10 = vector.multi_reduction <add>, %get3A_1, %reduce_sum3A [1] : vector<500x500xf32> to vector<500xf32>
    %add3A = arith.constant 2.000000e+00 : f32
    %add3A_11 = vector.broadcast %add3A : f32 to vector<500xf32>
    %add3A_12 = arith.addf %reduce_sum3A_10, %add3A_11 : vector<500xf32>
    %rsqrt3A = math.rsqrt %add3A_12 : vector<500xf32>
    %get3A_13 = arith.constant 0 : index
    %get3A_14 = arith.constant 0 : index
    %get3A_15 = vector.load %arg2[%get3A_13, %get3A_14] : memref<128x128xf32, #tpu.memory_space<vmem>>, vector<128x128xf32>
    %dot_general3A = arith.constant dense<0.000000e+00> : vector<500x128xf32>
    %dot_general3A_16 = tpu.matmul %mul3A_9, %get3A_15, %dot_general3A {dimension_numbers = #tpu.dot_dimension_numbers<[1], [0], [0], [1], [0, 0, 1, 1], [], []>, transpose_lhs_hint = false} : vector<500x128xf32>, vector<128x128xf32>, vector<500x128xf32> -> vector<500x128xf32>
    %broadcast_in_dim3A_17 = vector.shape_cast %rsqrt3A : vector<500xf32> to vector<500x1xf32>
    %mul3A_18 = vector.broadcast %broadcast_in_dim3A_17 : vector<500x1xf32> to vector<500x128xf32>
    %mul3A_19 = arith.mulf %mul3A_18, %dot_general3A_16 : vector<500x128xf32>
    %dot_general3A_20 = arith.constant dense<0.000000e+00> : vector<500x128xf32>
    %dot_general3A_21 = tpu.matmul %get3A_1, %mul3A_19, %dot_general3A_20 {dimension_numbers = #tpu.dot_dimension_numbers<[1], [0], [0], [1], [0, 0, 1, 1], [], []>, transpose_lhs_hint = false} : vector<500x500xf32>, vector<500x128xf32>, vector<500x128xf32> -> vector<500x128xf32>
    %broadcast_in_dim3A_22 = vector.shape_cast %rsqrt3A : vector<500xf32> to vector<500x1xf32>
    %mul3A_23 = vector.broadcast %broadcast_in_dim3A_22 : vector<500x1xf32> to vector<500x128xf32>
    %mul3A_24 = arith.mulf %mul3A_23, %dot_general3A_21 : vector<500x128xf32>
    %mul3A_25 = arith.mulf %rsqrt3A, %rsqrt3A : vector<500xf32>
    %broadcast_in_dim3A_26 = vector.shape_cast %mul3A_25 : vector<500xf32> to vector<500x1xf32>
    %mul3A_27 = arith.constant 2.000000e+00 : f32
    %mul3A_28 = vector.broadcast %mul3A_27 : f32 to vector<500x1xf32>
    %mul3A_29 = arith.mulf %mul3A_28, %broadcast_in_dim3A_26 : vector<500x1xf32>
    %mul3A_30 = vector.broadcast %mul3A_29 : vector<500x1xf32> to vector<500x128xf32>
    %mul3A_31 = arith.mulf %mul3A_30, %dot_general3A_16 : vector<500x128xf32>
    %add3A_32 = arith.addf %mul3A_24, %mul3A_31 : vector<500x128xf32>
    %get3A_33 = arith.constant 0 : index
    %get3A_34 = arith.constant 0 : index
    %get3A_35 = vector.load %arg3[%get3A_33, %get3A_34] : memref<1x128xf32, #tpu.memory_space<vmem>>, vector<1x128xf32>
    %get3A_36 = vector.shape_cast %get3A_35 : vector<1x128xf32> to vector<128xf32>
    %broadcast_in_dim3A_37 = vector.shape_cast %get3A_36 : vector<128xf32> to vector<1x128xf32>
    %add3A_38 = vector.broadcast %broadcast_in_dim3A_37 : vector<1x128xf32> to vector<500x128xf32>
    %add3A_39 = arith.addf %add3A_32, %add3A_38 : vector<500x128xf32>
    %max3A = arith.constant 0.000000e+00 : f32
    %max3A_40 = vector.broadcast %max3A : f32 to vector<500x128xf32>
    %max3A_41 = arith.maximumf %add3A_39, %max3A_40 : vector<500x128xf32>
    %swap3A = arith.constant 0 : index
    %swap3A_42 = arith.constant 0 : index
    %swap3A_43 = vector.load %arg6[%swap3A, %swap3A_42] : memref<500x128xf32, #tpu.memory_space<vmem>>, vector<500x128xf32>
    tpu.vector_store %arg6[%swap3A, %swap3A_42], %max3A_41 {strides = array<i32>} : memref<500x128xf32, #tpu.memory_space<vmem>>, vector<500x128xf32>,
    return
  }
}

module attributes {stable_mosaic.version = 14 : i64} {
  func.func @_upgcn_body(%arg0: memref<1000x1000xf32, #tpu.memory_space<vmem>>, %arg1: memref<1000x128xf32, #tpu.memory_space<vmem>>, %arg2: memref<500x128xf32, #tpu.memory_space<vmem>>, %arg3: memref<1x500xi32, #tpu.memory_space<vmem>>, %arg4: memref<128x128xf32, #tpu.memory_space<vmem>>, %arg5: memref<1x128xf32, #tpu.memory_space<vmem>>, %arg6: memref<1000x128xf32, #tpu.memory_space<vmem>>) attributes {dimension_semantics = [], scalar_prefetch = 0 : i64, scratch_operands = 0 : i64, tpu.core_type = #tpu.core_type<tc>} {
    %iota3A = tpu.iota {dimensions = array<i32: 0>} : vector<1000x500xi32>
    %get3A = arith.constant 0 : index
    %get3A_0 = arith.constant 0 : index
    %get3A_1 = vector.load %arg3[%get3A, %get3A_0] : memref<1x500xi32, #tpu.memory_space<vmem>>, vector<1x500xi32>
    %get3A_2 = vector.shape_cast %get3A_1 : vector<1x500xi32> to vector<500xi32>
    %broadcast_in_dim3A = vector.shape_cast %get3A_2 : vector<500xi32> to vector<1x500xi32>
    %eq3A = vector.broadcast %broadcast_in_dim3A : vector<1x500xi32> to vector<1000x500xi32>
    %eq3A_3 = arith.cmpi eq, %iota3A, %eq3A : vector<1000x500xi32>
    %convert_element_type3A = arith.extui %eq3A_3 : vector<1000x500xi1> to vector<1000x500xi32>
    %convert_element_type3A_4 = arith.sitofp %convert_element_type3A : vector<1000x500xi32> to vector<1000x500xf32>
    %get3A_5 = arith.constant 0 : index
    %get3A_6 = arith.constant 0 : index
    %get3A_7 = vector.load %arg1[%get3A_5, %get3A_6] : memref<1000x128xf32, #tpu.memory_space<vmem>>, vector<1000x128xf32>
    %get3A_8 = arith.constant 0 : index
    %get3A_9 = arith.constant 0 : index
    %get3A_10 = vector.load %arg2[%get3A_8, %get3A_9] : memref<500x128xf32, #tpu.memory_space<vmem>>, vector<500x128xf32>
    %dot_general3A = arith.constant dense<0.000000e+00> : vector<1000x128xf32>
    %dot_general3A_11 = tpu.matmul %convert_element_type3A_4, %get3A_10, %dot_general3A {dimension_numbers = #tpu.dot_dimension_numbers<[1], [0], [0], [1], [0, 0, 1, 1], [], []>, transpose_lhs_hint = false} : vector<1000x500xf32>, vector<500x128xf32>, vector<1000x128xf32> -> vector<1000x128xf32>
    %add3A = arith.addf %get3A_7, %dot_general3A_11 : vector<1000x128xf32>
    %get3A_12 = arith.constant 0 : index
    %get3A_13 = arith.constant 0 : index
    %get3A_14 = vector.load %arg0[%get3A_12, %get3A_13] : memref<1000x1000xf32, #tpu.memory_space<vmem>>, vector<1000x1000xf32>
    %reduce_sum3A = arith.constant dense<0.000000e+00> : vector<1000xf32>
    %reduce_sum3A_15 = vector.multi_reduction <add>, %get3A_14, %reduce_sum3A [1] : vector<1000x1000xf32> to vector<1000xf32>
    %add3A_16 = arith.constant 2.000000e+00 : f32
    %add3A_17 = vector.broadcast %add3A_16 : f32 to vector<1000xf32>
    %add3A_18 = arith.addf %reduce_sum3A_15, %add3A_17 : vector<1000xf32>
    %rsqrt3A = math.rsqrt %add3A_18 : vector<1000xf32>
    %get3A_19 = arith.constant 0 : index
    %get3A_20 = arith.constant 0 : index
    %get3A_21 = vector.load %arg4[%get3A_19, %get3A_20] : memref<128x128xf32, #tpu.memory_space<vmem>>, vector<128x128xf32>
    %dot_general3A_22 = arith.constant dense<0.000000e+00> : vector<1000x128xf32>
    %dot_general3A_23 = tpu.matmul %add3A, %get3A_21, %dot_general3A_22 {dimension_numbers = #tpu.dot_dimension_numbers<[1], [0], [0], [1], [0, 0, 1, 1], [], []>, transpose_lhs_hint = false} : vector<1000x128xf32>, vector<128x128xf32>, vector<1000x128xf32> -> vector<1000x128xf32>
    %broadcast_in_dim3A_24 = vector.shape_cast %rsqrt3A : vector<1000xf32> to vector<1000x1xf32>
    %mul3A = vector.broadcast %broadcast_in_dim3A_24 : vector<1000x1xf32> to vector<1000x128xf32>
    %mul3A_25 = arith.mulf %mul3A, %dot_general3A_23 : vector<1000x128xf32>
    %dot_general3A_26 = arith.constant dense<0.000000e+00> : vector<1000x128xf32>
    %dot_general3A_27 = tpu.matmul %get3A_14, %mul3A_25, %dot_general3A_26 {dimension_numbers = #tpu.dot_dimension_numbers<[1], [0], [0], [1], [0, 0, 1, 1], [], []>, transpose_lhs_hint = false} : vector<1000x1000xf32>, vector<1000x128xf32>, vector<1000x128xf32> -> vector<1000x128xf32>
    %broadcast_in_dim3A_28 = vector.shape_cast %rsqrt3A : vector<1000xf32> to vector<1000x1xf32>
    %mul3A_29 = vector.broadcast %broadcast_in_dim3A_28 : vector<1000x1xf32> to vector<1000x128xf32>
    %mul3A_30 = arith.mulf %mul3A_29, %dot_general3A_27 : vector<1000x128xf32>
    %mul3A_31 = arith.mulf %rsqrt3A, %rsqrt3A : vector<1000xf32>
    %broadcast_in_dim3A_32 = vector.shape_cast %mul3A_31 : vector<1000xf32> to vector<1000x1xf32>
    %mul3A_33 = arith.constant 2.000000e+00 : f32
    %mul3A_34 = vector.broadcast %mul3A_33 : f32 to vector<1000x1xf32>
    %mul3A_35 = arith.mulf %mul3A_34, %broadcast_in_dim3A_32 : vector<1000x1xf32>
    %mul3A_36 = vector.broadcast %mul3A_35 : vector<1000x1xf32> to vector<1000x128xf32>
    %mul3A_37 = arith.mulf %mul3A_36, %dot_general3A_23 : vector<1000x128xf32>
    %add3A_38 = arith.addf %mul3A_30, %mul3A_37 : vector<1000x128xf32>
    %get3A_39 = arith.constant 0 : index
    %get3A_40 = arith.constant 0 : index
    %get3A_41 = vector.load %arg5[%get3A_39, %get3A_40] : memref<1x128xf32, #tpu.memory_space<vmem>>, vector<1x128xf32>
    %get3A_42 = vector.shape_cast %get3A_41 : vector<1x128xf32> to vector<128xf32>
    %broadcast_in_dim3A_43 = vector.shape_cast %get3A_42 : vector<128xf32> to vector<1x128xf32>
    %add3A_44 = vector.broadcast %broadcast_in_dim3A_43 : vector<1x128xf32> to vector<1000x128xf32>
    %add3A_45 = arith.addf %add3A_38, %add3A_44 : vector<1000x128xf32>
    %max3A = arith.constant 0.000000e+00 : f32
    %max3A_46 = vector.broadcast %max3A : f32 to vector<1000x128xf32>
    %max3A_47 = arith.maximumf %add3A_45, %max3A_46 : vector<1000x128xf32>
    %swap3A = arith.constant 0 : index
    %swap3A_48 = arith.constant 0 : index
    %swap3A_49 = vector.load %arg6[%swap3A, %swap3A_48] : memref<1000x128xf32, #tpu.memory_space<vmem>>, vector<1000x128xf32>
    tpu.vector_store %arg6[%swap3A, %swap3A_48], %max3A_47 {strides = array<i32>} : memref<1000x128xf32, #tpu.memory_space<vmem>>, vector<1000x128xf32>,
    return
  }
}

module attributes {stable_mosaic.version = 14 : i64} {
  func.func @_upgcn_body(%arg0: memref<2000x2000xf32, #tpu.memory_space<vmem>>, %arg1: memref<2000x128xf32, #tpu.memory_space<vmem>>, %arg2: memref<1000x128xf32, #tpu.memory_space<vmem>>, %arg3: memref<1x1000xi32, #tpu.memory_space<vmem>>, %arg4: memref<128x128xf32, #tpu.memory_space<vmem>>, %arg5: memref<1x128xf32, #tpu.memory_space<vmem>>, %arg6: memref<2000x128xf32, #tpu.memory_space<vmem>>) attributes {dimension_semantics = [], scalar_prefetch = 0 : i64, scratch_operands = 0 : i64, tpu.core_type = #tpu.core_type<tc>} {
    %iota3A = tpu.iota {dimensions = array<i32: 0>} : vector<2000x1000xi32>
    %get3A = arith.constant 0 : index
    %get3A_0 = arith.constant 0 : index
    %get3A_1 = vector.load %arg3[%get3A, %get3A_0] : memref<1x1000xi32, #tpu.memory_space<vmem>>, vector<1x1000xi32>
    %get3A_2 = vector.shape_cast %get3A_1 : vector<1x1000xi32> to vector<1000xi32>
    %broadcast_in_dim3A = vector.shape_cast %get3A_2 : vector<1000xi32> to vector<1x1000xi32>
    %eq3A = vector.broadcast %broadcast_in_dim3A : vector<1x1000xi32> to vector<2000x1000xi32>
    %eq3A_3 = arith.cmpi eq, %iota3A, %eq3A : vector<2000x1000xi32>
    %convert_element_type3A = arith.extui %eq3A_3 : vector<2000x1000xi1> to vector<2000x1000xi32>
    %convert_element_type3A_4 = arith.sitofp %convert_element_type3A : vector<2000x1000xi32> to vector<2000x1000xf32>
    %get3A_5 = arith.constant 0 : index
    %get3A_6 = arith.constant 0 : index
    %get3A_7 = vector.load %arg1[%get3A_5, %get3A_6] : memref<2000x128xf32, #tpu.memory_space<vmem>>, vector<2000x128xf32>
    %get3A_8 = arith.constant 0 : index
    %get3A_9 = arith.constant 0 : index
    %get3A_10 = vector.load %arg2[%get3A_8, %get3A_9] : memref<1000x128xf32, #tpu.memory_space<vmem>>, vector<1000x128xf32>
    %dot_general3A = arith.constant dense<0.000000e+00> : vector<2000x128xf32>
    %dot_general3A_11 = tpu.matmul %convert_element_type3A_4, %get3A_10, %dot_general3A {dimension_numbers = #tpu.dot_dimension_numbers<[1], [0], [0], [1], [0, 0, 1, 1], [], []>, transpose_lhs_hint = false} : vector<2000x1000xf32>, vector<1000x128xf32>, vector<2000x128xf32> -> vector<2000x128xf32>
    %add3A = arith.addf %get3A_7, %dot_general3A_11 : vector<2000x128xf32>
    %get3A_12 = arith.constant 0 : index
    %get3A_13 = arith.constant 0 : index
    %get3A_14 = vector.load %arg0[%get3A_12, %get3A_13] : memref<2000x2000xf32, #tpu.memory_space<vmem>>, vector<2000x2000xf32>
    %reduce_sum3A = arith.constant dense<0.000000e+00> : vector<2000xf32>
    %reduce_sum3A_15 = vector.multi_reduction <add>, %get3A_14, %reduce_sum3A [1] : vector<2000x2000xf32> to vector<2000xf32>
    %add3A_16 = arith.constant 2.000000e+00 : f32
    %add3A_17 = vector.broadcast %add3A_16 : f32 to vector<2000xf32>
    %add3A_18 = arith.addf %reduce_sum3A_15, %add3A_17 : vector<2000xf32>
    %rsqrt3A = math.rsqrt %add3A_18 : vector<2000xf32>
    %get3A_19 = arith.constant 0 : index
    %get3A_20 = arith.constant 0 : index
    %get3A_21 = vector.load %arg4[%get3A_19, %get3A_20] : memref<128x128xf32, #tpu.memory_space<vmem>>, vector<128x128xf32>
    %dot_general3A_22 = arith.constant dense<0.000000e+00> : vector<2000x128xf32>
    %dot_general3A_23 = tpu.matmul %add3A, %get3A_21, %dot_general3A_22 {dimension_numbers = #tpu.dot_dimension_numbers<[1], [0], [0], [1], [0, 0, 1, 1], [], []>, transpose_lhs_hint = false} : vector<2000x128xf32>, vector<128x128xf32>, vector<2000x128xf32> -> vector<2000x128xf32>
    %broadcast_in_dim3A_24 = vector.shape_cast %rsqrt3A : vector<2000xf32> to vector<2000x1xf32>
    %mul3A = vector.broadcast %broadcast_in_dim3A_24 : vector<2000x1xf32> to vector<2000x128xf32>
    %mul3A_25 = arith.mulf %mul3A, %dot_general3A_23 : vector<2000x128xf32>
    %dot_general3A_26 = arith.constant dense<0.000000e+00> : vector<2000x128xf32>
    %dot_general3A_27 = tpu.matmul %get3A_14, %mul3A_25, %dot_general3A_26 {dimension_numbers = #tpu.dot_dimension_numbers<[1], [0], [0], [1], [0, 0, 1, 1], [], []>, transpose_lhs_hint = false} : vector<2000x2000xf32>, vector<2000x128xf32>, vector<2000x128xf32> -> vector<2000x128xf32>
    %broadcast_in_dim3A_28 = vector.shape_cast %rsqrt3A : vector<2000xf32> to vector<2000x1xf32>
    %mul3A_29 = vector.broadcast %broadcast_in_dim3A_28 : vector<2000x1xf32> to vector<2000x128xf32>
    %mul3A_30 = arith.mulf %mul3A_29, %dot_general3A_27 : vector<2000x128xf32>
    %mul3A_31 = arith.mulf %rsqrt3A, %rsqrt3A : vector<2000xf32>
    %broadcast_in_dim3A_32 = vector.shape_cast %mul3A_31 : vector<2000xf32> to vector<2000x1xf32>
    %mul3A_33 = arith.constant 2.000000e+00 : f32
    %mul3A_34 = vector.broadcast %mul3A_33 : f32 to vector<2000x1xf32>
    %mul3A_35 = arith.mulf %mul3A_34, %broadcast_in_dim3A_32 : vector<2000x1xf32>
    %mul3A_36 = vector.broadcast %mul3A_35 : vector<2000x1xf32> to vector<2000x128xf32>
    %mul3A_37 = arith.mulf %mul3A_36, %dot_general3A_23 : vector<2000x128xf32>
    %add3A_38 = arith.addf %mul3A_30, %mul3A_37 : vector<2000x128xf32>
    %get3A_39 = arith.constant 0 : index
    %get3A_40 = arith.constant 0 : index
    %get3A_41 = vector.load %arg5[%get3A_39, %get3A_40] : memref<1x128xf32, #tpu.memory_space<vmem>>, vector<1x128xf32>
    %get3A_42 = vector.shape_cast %get3A_41 : vector<1x128xf32> to vector<128xf32>
    %broadcast_in_dim3A_43 = vector.shape_cast %get3A_42 : vector<128xf32> to vector<1x128xf32>
    %add3A_44 = vector.broadcast %broadcast_in_dim3A_43 : vector<1x128xf32> to vector<2000x128xf32>
    %add3A_45 = arith.addf %add3A_38, %add3A_44 : vector<2000x128xf32>
    %max3A = arith.constant 0.000000e+00 : f32
    %max3A_46 = vector.broadcast %max3A : f32 to vector<2000x128xf32>
    %max3A_47 = arith.maximumf %add3A_45, %max3A_46 : vector<2000x128xf32>
    %swap3A = arith.constant 0 : index
    %swap3A_48 = arith.constant 0 : index
    %swap3A_49 = vector.load %arg6[%swap3A, %swap3A_48] : memref<2000x128xf32, #tpu.memory_space<vmem>>, vector<2000x128xf32>
    tpu.vector_store %arg6[%swap3A, %swap3A_48], %max3A_47 {strides = array<i32>} : memref<2000x128xf32, #tpu.memory_space<vmem>>, vector<2000x128xf32>,
    return
  }
}

module attributes {stable_mosaic.version = 14 : i64} {
  func.func @_premul_up_body(%arg0: memref<10000x128xf32, #tpu.memory_space<vmem>>, %arg1: memref<2x10112x128xf32, #tpu.memory_space<vmem>>, %arg2: memref<128x128xf32, #tpu.memory_space<vmem>>, %arg3: memref<10000x1xf32, #tpu.memory_space<vmem>>, %arg4: memref<10000x128xf32, #tpu.memory_space<vmem>>) attributes {dimension_semantics = [], scalar_prefetch = 0 : i64, scratch_operands = 0 : i64, tpu.core_type = #tpu.core_type<tc>} {
    %get3A = arith.constant 0 : index
    %get3A_0 = arith.constant 0 : index
    %get3A_1 = vector.load %arg0[%get3A, %get3A_0] : memref<10000x128xf32, #tpu.memory_space<vmem>>, vector<10000x128xf32>
    %get3A_2 = arith.constant 0 : index
    %get3A_3 = arith.constant 0 : index
    %get3A_4 = arith.constant 0 : index
    %get3A_5 = vector.load %arg1[%get3A_2, %get3A_3, %get3A_4] : memref<2x10112x128xf32, #tpu.memory_space<vmem>>, vector<1x10000x128xf32>
    %get3A_6 = vector.shape_cast %get3A_5 : vector<1x10000x128xf32> to vector<10000x128xf32>
    %add3A = arith.addf %get3A_1, %get3A_6 : vector<10000x128xf32>
    %get3A_7 = arith.constant 1 : index
    %get3A_8 = arith.constant 0 : index
    %get3A_9 = arith.constant 0 : index
    %get3A_10 = vector.load %arg1[%get3A_7, %get3A_8, %get3A_9] : memref<2x10112x128xf32, #tpu.memory_space<vmem>>, vector<1x10000x128xf32>
    %get3A_11 = vector.shape_cast %get3A_10 : vector<1x10000x128xf32> to vector<10000x128xf32>
    %add3A_12 = arith.addf %add3A, %get3A_11 : vector<10000x128xf32>
    %get3A_13 = arith.constant 0 : index
    %get3A_14 = arith.constant 0 : index
    %get3A_15 = vector.load %arg2[%get3A_13, %get3A_14] : memref<128x128xf32, #tpu.memory_space<vmem>>, vector<128x128xf32>
    %dot_general3A = arith.constant dense<0.000000e+00> : vector<10000x128xf32>
    %dot_general3A_16 = tpu.matmul %add3A_12, %get3A_15, %dot_general3A {dimension_numbers = #tpu.dot_dimension_numbers<[1], [0], [0], [1], [0, 0, 1, 1], [], []>, transpose_lhs_hint = false} : vector<10000x128xf32>, vector<128x128xf32>, vector<10000x128xf32> -> vector<10000x128xf32>
    %get3A_17 = arith.constant 0 : index
    %get3A_18 = arith.constant 0 : index
    %get3A_19 = vector.load %arg3[%get3A_17, %get3A_18] : memref<10000x1xf32, #tpu.memory_space<vmem>>, vector<10000x1xf32>
    %get3A_20 = vector.shape_cast %get3A_19 : vector<10000x1xf32> to vector<10000xf32>
    %broadcast_in_dim3A = vector.shape_cast %get3A_20 : vector<10000xf32> to vector<10000x1xf32>
    %mul3A = vector.broadcast %broadcast_in_dim3A : vector<10000x1xf32> to vector<10000x128xf32>
    %mul3A_21 = arith.mulf %mul3A, %dot_general3A_16 : vector<10000x128xf32>
    %swap3A = arith.constant 0 : index
    %swap3A_22 = arith.constant 0 : index
    %swap3A_23 = vector.load %arg4[%swap3A, %swap3A_22] : memref<10000x128xf32, #tpu.memory_space<vmem>>, vector<10000x128xf32>
    tpu.vector_store %arg4[%swap3A, %swap3A_22], %mul3A_21 {strides = array<i32>} : memref<10000x128xf32, #tpu.memory_space<vmem>>, vector<10000x128xf32>,
    return
  }
}

module attributes {stable_mosaic.version = 14 : i64} {
  func.func @_final_body(%arg0: memref<2x10112x128xf32, #tpu.memory_space<vmem>>, %arg1: memref<10000x128xf32, #tpu.memory_space<vmem>>, %arg2: memref<10000x1xf32, #tpu.memory_space<vmem>>, %arg3: memref<10000x1xf32, #tpu.memory_space<vmem>>, %arg4: memref<1x128xf32, #tpu.memory_space<vmem>>, %arg5: memref<10000x128xf32, #tpu.memory_space<vmem>>) attributes {dimension_semantics = [], scalar_prefetch = 0 : i64, scratch_operands = 0 : i64, tpu.core_type = #tpu.core_type<tc>} {
    %get3A = arith.constant 0 : index
    %get3A_0 = arith.constant 0 : index
    %get3A_1 = arith.constant 0 : index
    %get3A_2 = vector.load %arg0[%get3A, %get3A_0, %get3A_1] : memref<2x10112x128xf32, #tpu.memory_space<vmem>>, vector<1x10000x128xf32>
    %get3A_3 = vector.shape_cast %get3A_2 : vector<1x10000x128xf32> to vector<10000x128xf32>
    %get3A_4 = arith.constant 1 : index
    %get3A_5 = arith.constant 0 : index
    %get3A_6 = arith.constant 0 : index
    %get3A_7 = vector.load %arg0[%get3A_4, %get3A_5, %get3A_6] : memref<2x10112x128xf32, #tpu.memory_space<vmem>>, vector<1x10000x128xf32>
    %get3A_8 = vector.shape_cast %get3A_7 : vector<1x10000x128xf32> to vector<10000x128xf32>
    %add3A = arith.addf %get3A_3, %get3A_8 : vector<10000x128xf32>
    %get3A_9 = arith.constant 0 : index
    %get3A_10 = arith.constant 0 : index
    %get3A_11 = vector.load %arg2[%get3A_9, %get3A_10] : memref<10000x1xf32, #tpu.memory_space<vmem>>, vector<10000x1xf32>
    %get3A_12 = vector.shape_cast %get3A_11 : vector<10000x1xf32> to vector<10000xf32>
    %broadcast_in_dim3A = vector.shape_cast %get3A_12 : vector<10000xf32> to vector<10000x1xf32>
    %get3A_13 = arith.constant 0 : index
    %get3A_14 = arith.constant 0 : index
    %get3A_15 = vector.load %arg3[%get3A_13, %get3A_14] : memref<10000x1xf32, #tpu.memory_space<vmem>>, vector<10000x1xf32>
    %get3A_16 = vector.shape_cast %get3A_15 : vector<10000x1xf32> to vector<10000xf32>
    %broadcast_in_dim3A_17 = vector.shape_cast %get3A_16 : vector<10000xf32> to vector<10000x1xf32>
    %get3A_18 = arith.constant 0 : index
    %get3A_19 = arith.constant 0 : index
    %get3A_20 = vector.load %arg1[%get3A_18, %get3A_19] : memref<10000x128xf32, #tpu.memory_space<vmem>>, vector<10000x128xf32>
    %mul3A = vector.broadcast %broadcast_in_dim3A_17 : vector<10000x1xf32> to vector<10000x128xf32>
    %mul3A_21 = arith.mulf %mul3A, %get3A_20 : vector<10000x128xf32>
    %add3A_22 = arith.addf %add3A, %mul3A_21 : vector<10000x128xf32>
    %mul3A_23 = vector.broadcast %broadcast_in_dim3A : vector<10000x1xf32> to vector<10000x128xf32>
    %mul3A_24 = arith.mulf %mul3A_23, %add3A_22 : vector<10000x128xf32>
    %get3A_25 = arith.constant 0 : index
    %get3A_26 = arith.constant 0 : index
    %get3A_27 = vector.load %arg4[%get3A_25, %get3A_26] : memref<1x128xf32, #tpu.memory_space<vmem>>, vector<1x128xf32>
    %get3A_28 = vector.shape_cast %get3A_27 : vector<1x128xf32> to vector<128xf32>
    %broadcast_in_dim3A_29 = vector.shape_cast %get3A_28 : vector<128xf32> to vector<1x128xf32>
    %add3A_30 = vector.broadcast %broadcast_in_dim3A_29 : vector<1x128xf32> to vector<10000x128xf32>
    %add3A_31 = arith.addf %mul3A_24, %add3A_30 : vector<10000x128xf32>
    %logistic3A = arith.negf %add3A_31 : vector<10000x128xf32>
    %logistic3A_32 = math.exp %logistic3A : vector<10000x128xf32>
    %logistic3A_33 = arith.constant 1.000000e+00 : f32
    %logistic3A_34 = vector.broadcast %logistic3A_33 : f32 to vector<10000x128xf32>
    %logistic3A_35 = arith.addf %logistic3A_34, %logistic3A_32 : vector<10000x128xf32>
    %logistic3A_36 = arith.divf %logistic3A_34, %logistic3A_35 : vector<10000x128xf32>
    %swap3A = arith.constant 0 : index
    %swap3A_37 = arith.constant 0 : index
    %swap3A_38 = vector.load %arg5[%swap3A, %swap3A_37] : memref<10000x128xf32, #tpu.memory_space<vmem>>, vector<10000x128xf32>
    tpu.vector_store %arg5[%swap3A, %swap3A_37], %logistic3A_36 {strides = array<i32>} : memref<10000x128xf32, #tpu.memory_space<vmem>>, vector<10000x128xf32>,
    return
  }
}

</mosaic_0001>

<sc_bundles>
// kernel: kernel.19.cloned.1.call-start
scs
__scs_entry_jumppad:
0x0: {  	(pc) =	sbr.rel $0x88, $3  }
0x1: {  	(tag) =	ssettag $0x0;
	lr =	simm.s32 $0x1  }
0x2: {  	[smem:$0x3F8E] =	sst lr;
	_ =	strace $0xD0000000  }
0x3: {  	_ = 	snop  }
0x4: {  	_ = 	snop  }
0x5: {  	_ = 	snop  }
0x6: {  	_ = 	snop  }
0x7: {  	_ = 	snop  }
__scs_overlays_trampoline_lowered:
0x8: {  	[smem:$0x3F9D] =	sst s0  }
0x9: {  	[smem:$0x3F9E] =	sst s1  }
0xa: {  	[smem:$0x3F9F] =	sst s2  }
0xb: {  	[smem:$0x3FA0] =	sst s3  }
0xc: {  	[smem:$0x3FA1] =	sst s4  }
0xd: {  	[smem:$0x3FA2] =	sst s5  }
0xe: {  	[smem:$0x3FA3] =	sst s6  }
0xf: {  	[smem:$0x3FA4] =	sst s7  }
0x10: {  	[smem:$0x3FA5] =	sst s8  }
0x11: {  	[smem:$0x3FA6] =	sst s9;
	s0 =	simm.s32 @!p0 $0x0  }
0x12: {  	s1 =	sld [smem:$0x3F8C];
	s0 =	simm.s32 @p0 $0x1  }
0x13: {  	[smem:$0x3FA7] =	sst s0;
	s0 =	simm.s32 @!p1 $0x0  }
0x14: {  	s2 =	sld [smem:$0x3F8B];
	s0 =	simm.s32 @p1 $0x1  }
0x15: {  	[smem:$0x3FA8] =	sst s0;
	s0 =	simm.s32 @!p2 $0x0  }
0x16: {  	s3 =	sld [smem:$0x3FDB];
	s0 =	simm.s32 @p2 $0x1  }
0x17: {  	s4 =	simm.s32 $0x1BF5;
	[smem:$0x3FAA] =	sst s0  }
0x18: {  	s0 =	sld [smem:$0x3F8D];
	_ =	swait.ge [sflag:s4], $0x0  }
0x19: {  	s7 =	sld [smem:$0x3F8E]  }
0x1a: {  	s8 =	sadd.s32 $0xFFFFE003, lr  }
0x1b: {  	s9 =	sadd.s32 $0xFFFFFEF7, lr;
	s5 =	simm.s32 $0xFFFFFFFF;
	p2 =	slt.u32 s8, $0xFFFFF086  }
0x1c: {  	p1 =	slt.u32 s9, $0xF7A;
	s5 =	simm.s32 @!p2 $0x0  }
0x1d: {  	s5 =	simm.s32 @p1 $0x1;
	p0 =	seq.s32 s7, s2  }
0x1e: {  	s7 =	smul.u32 @!p0 $0xF7A, s2;
	p2 =	seq.s32 @!p0 s5, $0x0  }
0x1f: {  	s9 =	smul.u32 $0xF7A, s1;
	s8 =	simm.s32 @!p0 $0x1BF5;
	p2 =	por !p2, p0  }
0x20: {  	[sflag:s8] =	ssyncset.s32 @!p0 $0xFFFFF086;
	s6 =	sadd.s32 @!p0 s3, s7;
	s7 =	simm.s32 @!p0 $0x108  }
0x21: {  	s3 =	sadd.s32 s3, s9;
	s6 =	sadd.s32 @!p0 $0x88, s6;
	s7 =	simm.s32 @p2 $0x1082  }
0x22: {  	[simem:s7], [sflag:s8] =	dma.local @!p0 [hbm:s6], $0xF7A  }
0x23: {  	s9 =	sor.u32 $0xD0000000, s2;
	s6 =	simm.s32 $0x108;
	_ =	swait.ge @!p0 [sflag:s8], $0x0  }
0x24: {  	s3 =	sadd.s32 $0x88, s3;
	s6 =	simm.s32 @!p1 $0x1082;
	[sflag:s4] =	ssyncset.s32 $0xFFFFF086  }
0x25: {  	[simem:s6], [sflag:s4] =	dma.local [hbm:s3], $0xF7A  }
0x26: {  	[smem:$0x3F8E] =	sst s1;
	(tag) =	ssettag s2;
	_ =	strace s9  }
0x27: {  	s1 =	sld [smem:$0x3F9E]  }
0x28: {  	s2 =	sld [smem:$0x3F9F]  }
0x29: {  	s4 =	sld [smem:$0x3FA1]  }
0x2a: {  	p0 =	seq.s32 s5, $0x0;
	s5 =	sld [smem:$0x3FA2]  }
0x2b: {  	s6 =	sld [smem:$0x3FA3]  }
0x2c: {  	s7 =	sld [smem:$0x3FA4]  }
0x2d: {  	s3 =	simm.s32 $0x108;
	s8 =	sld [smem:$0x3FA5]  }
0x2e: {  	s3 =	simm.s32 @!p0 $0x1082;
	s9 =	sld [smem:$0x3FA6]  }
0x2f: {  	lr =	sadd.s32 s0, s3;
	s0 =	sld [smem:$0x3F9D]  }
0x30: {  	s3 =	sld [smem:$0x3FA0]  }
0x31: {  	[smem:$0x3FA9] =	sst s10  }
0x32: {  	s10 =	sld [smem:$0x3FA7];
	_ =	sdelay $0x3  }
0x33: {  	p0 =	seq.s32 s10, $0x1;
	s10 =	sld [smem:$0x3FA9];
	_ =	sdelay $0x3  }
0x34: {  	[smem:$0x3FA9] =	sst s10  }
0x35: {  	s10 =	sld [smem:$0x3FA8];
	_ =	sdelay $0x3  }
0x36: {  	p1 =	seq.s32 s10, $0x1;
	s10 =	sld [smem:$0x3FA9];
	_ =	sdelay $0x3  }
0x37: {  	[smem:$0x3FA9] =	sst s10  }
0x38: {  	s10 =	sld [smem:$0x3FAA]  }
0x39: {  	_ = 	snop;
	(pc) =	sbr.ind lr, $3  }
0x3a: {  	_ = 	snop  }
0x3b: {  	_ = 	snop  }
0x3c: {  	p2 =	seq.s32 s10, $0x1;
	s10 =	sld [smem:$0x3FA9]  }
0x3d: {  	_ =	shalt  }
0x3e: {  	_ =	shalt  }
0x3f: {  	_ =	shalt  }
0x40: {  	_ =	shalt  }
0x41: {  	_ =	shalt  }
0x42: {  	_ =	shalt  }
0x43: {  	_ =	shalt  }
0x44: {  	_ =	shalt  }
0x45: {  	_ =	shalt  }
0x46: {  	_ =	shalt  }
0x47: {  	_ =	shalt  }
0x48: {  	_ =	shalt  }
0x49: {  	_ =	shalt  }
0x4a: {  	_ =	shalt  }
0x4b: {  	_ =	shalt  }
0x4c: {  	_ =	shalt  }
0x4d: {  	_ =	shalt  }
0x4e: {  	_ =	shalt  }
0x4f: {  	_ =	shalt  }
0x50: {  	_ =	shalt  }
0x51: {  	_ =	shalt  }
0x52: {  	_ =	shalt  }
0x53: {  	_ =	shalt  }
0x54: {  	_ =	shalt  }
0x55: {  	_ =	shalt  }
0x56: {  	_ =	shalt  }
0x57: {  	_ =	shalt  }
0x58: {  	_ =	shalt  }
0x59: {  	_ =	shalt  }
0x5a: {  	_ =	shalt  }
0x5b: {  	_ =	shalt  }
0x5c: {  	_ =	shalt  }
0x5d: {  	_ =	shalt  }
0x5e: {  	_ =	shalt  }
0x5f: {  	_ =	shalt  }
0x60: {  	_ =	shalt  }
0x61: {  	_ =	shalt  }
0x62: {  	_ =	shalt  }
0x63: {  	_ =	shalt  }
0x64: {  	_ =	shalt  }
0x65: {  	_ =	shalt  }
0x66: {  	_ =	shalt  }
0x67: {  	_ =	shalt  }
0x68: {  	_ =	shalt  }
0x69: {  	_ =	shalt  }
0x6a: {  	_ =	shalt  }
0x6b: {  	_ =	shalt  }
0x6c: {  	_ =	shalt  }
0x6d: {  	_ =	shalt  }
0x6e: {  	_ =	shalt  }
0x6f: {  	_ =	shalt  }
0x70: {  	_ =	shalt  }
0x71: {  	_ =	shalt  }
0x72: {  	_ =	shalt  }
0x73: {  	_ =	shalt  }
0x74: {  	_ =	shalt  }
0x75: {  	_ =	shalt  }
0x76: {  	_ =	shalt  }
0x77: {  	_ =	shalt  }
0x78: {  	_ =	shalt  }
0x79: {  	_ =	shalt  }
0x7a: {  	_ =	shalt  }
0x7b: {  	_ =	shalt  }
0x7c: {  	_ =	shalt  }
0x7d: {  	_ =	shalt  }
0x7e: {  	_ =	shalt  }
0x7f: {  	_ =	shalt  }
0x80: {  	_ =	shalt  }
0x81: {  	_ =	shalt  }
0x82: {  	_ =	shalt  }
0x83: {  	_ =	shalt  }
0x84: {  	_ =	shalt  }
0x85: {  	_ =	shalt  }
0x86: {  	_ =	shalt  }
0x87: {  	_ =	shalt  }
.Lfunc_end0:
.L_simem_size_0:
called_computation.2_lowered:
.L_overlay_start_0:
0x88: {  	s2 =	sld [smem:$0x3FD9]  }
0x89: {  	s3 =	sld [smem:$0x3FFE];
	_ =	sdelay $0x1  }
0x8a: {  	s1 =	srdreg.scid  }
0x8b: {  	s0 =	sand.u32 $0x1, s1  }
0x8c: {  	s17 =	sshll.u32 s0, $0xA;
	s2 =	sadd.s32 s3, s2  }
0x8d: {  	s2 =	sadd.s32 s2, s17  }
0x8e: {  	[smem:$0x3FB5] =	sst s2  }
0x8f: {  	_ = 	snop  }
0x90: {  	s2 =	sld [smem:$0x3FD0];
	(tm) =	ssettm $0x1  }
0x91: {  	s18 =	sld [smem:$0x3FFB];
	_ =	sdelay $0x3  }
0x92: {  	_ =	strace s18  }
0x93: {  	s3 =	sld [smem:$0x3FFC];
	_ =	sdelay $0x3  }
0x94: {  	_ =	strace s3  }
0x95: {  	s3 =	sld [smem:$0x3FFD];
	_ =	sdelay $0x3  }
0x96: {  	_ =	strace s3  }
0x97: {  	_ =	strace $0x8FFFFFFF  }
0x98: {  	s19 =	sld [smem:$0x3FDB];
	_ =	sdelay $0x1  }
0x99: {  	s4 =	simm.s32 $_scs_section_size  }
0x9a: {  	s5 =	simm.s32 $_size__tile_overlayer_lowered;
	s6 =	simm.s32 $_tile_overlayer_lowered  }
0x9b: {  	s22 =	simm.s32 $0x1BFF;
	s21 =	sshll.u32 s6, $0x1;
	s3 =	sadd.s32 s4, s19  }
0x9c: {  	s7 =	simm.s32 $0x0;
	s20 =	sshll.u32 s5, $0x1;
	s5 =	sadd.s32 s21, s3  }
0x9d: {  	[timem:s7], [sflag:s22] =	dma.local [hbm:s5], s20  }
0x9e: {  	_ =	swait.ge [sflag:s22], s20  }
0x9f: {  	s4 =	ssub.s32 $0x0, s20;
	[sflag:s22] =	ssyncset.done $0x0  }
0xa0: {  	[sflag:s22] =	ssyncadd.s32 s4;
	_ =	sdelay $0x1  }
0xa1: {  	s23 =	simm.s32 $0x1B8B  }
0xa2: {  	_ =	swait.ge [sflag:s23], $0x1  }
0xa3: {  	[sflag:s23] =	ssyncset.done $0x0  }
0xa4: {  	s25 =	simm.s32 $0x1B8E;
	s24 =	sld [smem:$0x3FFE];
	[sflag:s23] =	ssyncadd.s32 $0xFFFFFFFF  }
0xa5: {  	s26 =	simm.s32 $execute0_lowered;
	[smem:$0x3FD2] =	sst s25  }
0xa6: {  	s5 =	sshll.u32 s26, $0x1;
	_ =	strace $0x80000046;
	[dreg:$0x1] =	wrdreg $0xFFFFFFFF  }
0xa7: {  	s28 =	simm.s32 $_size_execute0_lowered;
	s3 =	sadd.s32 s3, s5;
	[dreg:$0x0] =	wrdreg $0x0  }
0xa8: {  	s5 =	sshll.u32 s28, $0x1;
	[dreg:$0x2] =	wrdreg s3  }
0xa9: {  	[dreg:$0x3] =	wrdreg s5  }
0xaa: {  	[dreg:$0x4] =	wrdreg $0xC0  }
0xab: {  	_ =	task [dreg:s7], $0x5FFFF  }
0xac: {  	[dreg:$0x1] =	wrdreg $0xFFFFFFFF  }
0xad: {  	[dreg:$0x0] =	wrdreg $0x60  }
0xae: {  	[dreg:$0x2] =	wrdreg s24  }
0xaf: {  	[dreg:$0x3] =	wrdreg s2  }
0xb0: {  	[dreg:$0x4] =	wrdreg $0x7800  }
0xb1: {  	[dreg:$0x5] =	wrdreg $0x9  }
0xb2: {  	_ =	task.clear_ibuf [dreg:s7], $0x6FFFF;
	_ =	strace $0x90000046  }
0xb3: {  	s29 =	simm.s32 $0x9;
	_ =	strace $0x80000048  }
0xb4: {  	_ =	swait.ge [sflag:s29], $0x1  }
0xb5: {  	[sflag:s29] =	ssyncadd.s32 $0xFFFFFFFF  }
0xb6: {  	_ =	strace $0x90000048  }
0xb7: {  	_ =	sfence  }
0xb8: {  	s30 =	sld [smem:$0x0];
	_ =	sdelay $0x2  }
0xb9: {  	s31 =	sshll.u32 s1, $0xD;
	s1 =	sshrl.u32 s1, $0x2  }
0xba: {  	s3 =	sand.u32 $0x4000, s31;
	s1 =	sadd.s32 s1, s30  }
0xbb: {  	s0 =	sor.u32 s3, s0;
	s1 =	sshll.u32 s1, $0x11  }
0xbc: {  	s0 =	sor.u32 s1, s0  }
0xbd: {  	s0 =	sadd.s32 $0x8F2B, s0  }
0xbe: {  	[sflag:s0] =	ssyncadd.remote.s32 $0x1  }
0xbf: {  	_ =	sfence.sel $0xFFFF  }
0xc0: {  	[dreg:$0x0] =	wrdreg $0xFFFFFFFF;
	(pc) =	sbr.abs _section_cstart, $3  }
0xc1: {  	[dreg:$0x1] =	wrdreg $0xFFFFFFFF  }
0xc2: {  	_ =	task.clear_ibuf [dreg:s7], $0x2FFFF;
	_ =	strace $0x9FFFFFFF  }
0xc3: {  	(tm) =	ssettm $0x7FFFFFFF  }
tec
execute0_lowered:
.L_overlay_start_1:
0x0: {  	(tag) =	ssettag $0x1  }
0x1: {  	s7 =	rddreg [dreg:$0x0]  }
0x2: {  	s8 =	rddreg [dreg:$0x1]  }
0x3: {  	s2 =	rddreg [dreg:$0x2]  }
0x4: {  	s0 =	rddreg [dreg:$0x3]  }
0x5: {  	s4 =	srdreg.scid;
	s1 =	stileid.u32  }
0x6: {  	s3 =	simm.s32 $0x0;
	s12 =	simm.s32 $0x280;
	s13 =	simm.s32 $0x1  }
0x7: {  	s14 =	simm.s32 $0x80;
	s15 =	simm.s32 $0x180;
	s5 =	smul.u32 $0x13C0, s1  }
0x8: {  	s16 =	simm.s32 $0x200;
	s17 =	simm.s32 $0x100;
	s9 =	smul.u32 $0x278, s1  }
0x9: {  	s18 =	simm.s32 $0x0;
	s4 =	sand.u32 $0x1, s4;
	s31 =	smul.u32 $0x4F0, s1  }
0xa: {  	[smem:$0x7FF] =	sst s3;
	s6 =	ssub.s32 $0x2, s4;
	s11 =	smul.u32 $0x4F00, s4  }
0xb: {  	_ =	strace $0x80000047;
	s10 =	sshrl.u32 s6, $0x1;
	s5 =	sshrl.u32 s5, $0x2  }
0xc: {  	s4 =	sadd.s32 s5, s2;
	s5 =	sadd.s32 s9, s2;
	s9 =	sadd.s32 s11, s9  }
0xd: {  	s6 =	ssub.s32 s6, s10;
	s11 =	sadd.s32 s11, s7;
	s9 =	sshrl.u32 s9, $0x3  }
0xe: {  	s6 =	smax.u32 s6, $0x1;
	s7 =	sadd.s32 s8, s9;
	s9 =	sadd.s32 s31, s11  }
0xf: {  	v0 =	vimm.f32 $1.000000000e+00;
	v1 =	vimm.f32 $0.0e+00;
	s8 =	sadd.s32 $0x2780, s5;
	s10 =	sadd.s32 $0x4F0, s7;
	s11 =	sadd.s32 $0x9E00, s9  }
.LBB2_1:
0x10: {  	[tilespmem:$0x180] =	vst v0  }
0x11: {  	[tilespmem:$0x190] =	vst v0  }
0x12: {  	[tilespmem:$0x1A0] =	vst v0  }
0x13: {  	[tilespmem:$0x1B0] =	vst v0  }
0x14: {  	[tilespmem:$0x1C0] =	vst v0  }
0x15: {  	[tilespmem:$0x1D0] =	vst v0  }
0x16: {  	[tilespmem:$0x1E0] =	vst v0  }
0x17: {  	[tilespmem:$0x1F0] =	vst v0;
	s19 =	simm.s32 $0x40;
	s20 =	simm.s32 $0x0  }
.LBB2_2:
0x18: {  	p0 =	sne.s32 s19, $0x1380;
	[tilespmem:s20+$0x280] =	vst v1;
	s20 =	smov.u32 s19;
	s19 =	sadd.s32 $0x40, s19  }
.Ltmp0:
0x19: {  	(pc) =	sbr.rel @p0 .LBB2_2-.Ltmp0, $2  }
0x1a: {  	_ =	sdelay $0x2  }
0x1b: {  	s20 =	sshra.s32 s20, $0x2  }
0x1c: {  	[tilespmem:s20+$0x280] =	vst v1  }
0x1d: {  	[spmem:s4] =	stream.linear.scatter [tilespmem:s12], [sflag:$0x1], $0x4F0, $0x38;
	[tilespmem:$0xC70] =	vst v63  }
0x1e: {  	_ =	swait.ge [sflag:s13], $0x4F0  }
0x1f: {  	[sflag:s13] =	ssyncset.done $0x0  }
0x20: {  	[sflag:s13] =	ssyncadd.s32 $0xFFFFFB10  }
0x21: {  	s19 =	sadd.s32 $0x0, s9;
	[bflag:$0x0] =	sbarrier.arrive $0xFFFF  }
0x22: {  	[tilespmem:s3], [sflag:$0x1] =	stream.linear.gather [hbm4b:s19+s3], $0x80, $0x38;
	[tilespmem:$0xC70] =	vst v63  }
0x23: {  	_ =	swait.ge [sflag:s13], $0x80  }
0x24: {  	[sflag:s13] =	ssyncset.done $0x0  }
0x25: {  	s31 =	sadd.s32 $0x0, s11;
	[sflag:s13] =	ssyncadd.s32 $0xFFFFFF80  }
0x26: {  	[tilespmem:s14], [sflag:$0x1] =	stream.linear.gather [hbm4b:s31+s3], $0x80, $0x38;
	[tilespmem:$0xC70] =	vst v63  }
0x27: {  	_ =	swait.ge [sflag:s13], $0x80  }
0x28: {  	[sflag:s13] =	ssyncset.done $0x0  }
0x29: {  	[sflag:s13] =	ssyncadd.s32 $0xFFFFFF80  }
0x2a: {  	v2 =	vld [tilespmem:$0xD0]  }
0x2b: {  	v3 =	vld [tilespmem:$0x50]  }
0x2c: {  	v4 =	vld [tilespmem:$0xA0]  }
0x2d: {  	v5 =	vld [tilespmem:$0x20]  }
0x2e: {  	v7 =	vld [tilespmem:$0x80]  }
0x2f: {  	v8 =	vld [tilespmem:$0xB0]  }
0x30: {  	v6 =	vld [tilespmem:$0x0]  }
0x31: {  	v10 =	vld [tilespmem:$0xC0];
	v9 =	vadd.s32 $0x2780, v2  }
0x32: {  	v55 =	vadd.s32 $0x2780, v4;
	vm0 =	veq.s32 v5, v4;
	v4 =	vld [tilespmem:$0x40];
	[tilespmem:$0x250] =	vst v9  }
0x33: {  	v56 =	vld [tilespmem:$0x30];
	v11 =	vadd.s32 $0x2780, v7;
	[tilespmem:$0x220] =	vst v55  }
0x34: {  	v12 =	vld [tilespmem:$0x10];
	v57 =	vadd.s32 $0x2780, v8;
	[tilespmem:$0x200] =	vst v11  }
0x35: {  	v59 =	vld [tilespmem:$0x60];
	v5 =	vsel vm0, $0x3F800000, v1;
	[tilespmem:$0x230] =	vst v57  }
0x36: {  	v58 =	vadd.s32 $0x2780, v10;
	vm0 =	veq.s32 v6, v7;
	[tilespmem:$0x120] =	vst v5;
	v5 =	vld [tilespmem:$0x90]  }
0x37: {  	[tilespmem:$0x240] =	vst v58;
	v60 =	vsel vm0, $0x3F800000, v1;
	vm0 =	veq.s32 v4, v10;
	v4 =	vld [tilespmem:$0xE0]  }
0x38: {  	v62 =	vld [tilespmem:$0x70];
	vm1 =	veq.s32 v56, v8;
	[tilespmem:$0x100] =	vst v60;
	v61 =	vsel vm0, $0x3F800000, v1  }
0x39: {  	vm0 =	veq.s32 v3, v2;
	v2 =	vsel vm1, $0x3F800000, v1;
	v3 =	vld [tilespmem:$0xF0];
	[tilespmem:$0x140] =	vst v61  }
0x3a: {  	v63 =	vsel vm0, $0x3F800000, v1;
	[tilespmem:$0x130] =	vst v2  }
0x3b: {  	vm0 =	veq.s32 v12, v5;
	v5 =	vadd.s32 $0x2780, v5;
	[tilespmem:$0x150] =	vst v63  }
0x3c: {  	v2 =	vsel vm0, $0x3F800000, v1;
	[tilespmem:$0x210] =	vst v5;
	vm0 =	veq.s32 v59, v4  }
0x3d: {  	[tilespmem:$0x110] =	vst v2;
	v5 =	vsel vm0, $0x3F800000, v1  }
0x3e: {  	s20 =	simm.s32 $0x20;
	s19 =	simm.s32 $0x10;
	v2 =	vadd.s32 $0x2780, v4;
	vm0 =	veq.s32 v62, v3;
	v3 =	vadd.s32 $0x2780, v3;
	[tilespmem:$0x160] =	vst v5  }
.LBB2_4:
0x3f: {  	p0 =	sne.s32 s20, $0x4E0;
	v4 =	vsel vm0, $0x3F800000, v1;
	[tilespmem:$0x270] =	vst v3;
	s21 =	smov.u32 s20;
	s20 =	sadd.s32 $0x10, s20  }
0x40: {  	[tilespmem:$0x170] =	vst v4  }
0x41: {  	[tilespmem:$0x260] =	vst v2  }
0x42: {  	[spmem:s2] =	stream.indirect.scatter.add.f32 [tilespmem:s15], [sflag:$0x1], $0x1, s14, s14, $0xb8;
	[tilespmem:$0xC70] =	vst v63  }
0x43: {  	_ =	swait.ge [sflag:s13], $0x80  }
0x44: {  	[sflag:s13] =	ssyncset.done $0x0  }
0x45: {  	[sflag:s13] =	ssyncadd.s32 $0xFFFFFF80  }
0x46: {  	[spmem:s2] =	stream.indirect.scatter.add.f32 [tilespmem:s17], [sflag:$0x1], $0x1, s16, s14, $0xb8;
	[tilespmem:$0xC70] =	vst v63  }
0x47: {  	_ =	swait.ge [sflag:s13], $0x80  }
0x48: {  	[sflag:s13] =	ssyncset.done $0x0  }
0x49: {  	s22 =	sadd.s32 s19, s9;
	[sflag:s13] =	ssyncadd.s32 $0xFFFFFF80  }
0x4a: {  	[tilespmem:s3], [sflag:$0x1] =	stream.linear.gather [hbm4b:s22+s3], $0x80, $0x38;
	[tilespmem:$0xC70] =	vst v63  }
0x4b: {  	_ =	swait.ge [sflag:s13], $0x80  }
0x4c: {  	[sflag:s13] =	ssyncset.done $0x0  }
0x4d: {  	s22 =	sadd.s32 s19, s11;
	s19 =	smov.u32 s21;
	[sflag:s13] =	ssyncadd.s32 $0xFFFFFF80  }
0x4e: {  	[tilespmem:s14], [sflag:$0x1] =	stream.linear.gather [hbm4b:s22+s3], $0x80, $0x38;
	[tilespmem:$0xC70] =	vst v63  }
0x4f: {  	_ =	swait.ge [sflag:s13], $0x80  }
0x50: {  	[sflag:s13] =	ssyncset.done $0x0  }
0x51: {  	[sflag:s13] =	ssyncadd.s32 $0xFFFFFF80  }
0x52: {  	v2 =	vld [tilespmem:$0xD0]  }
0x53: {  	v3 =	vld [tilespmem:$0x50]  }
0x54: {  	v4 =	vld [tilespmem:$0xA0]  }
0x55: {  	v5 =	vld [tilespmem:$0x20]  }
0x56: {  	v6 =	vld [tilespmem:$0x0]  }
0x57: {  	v7 =	vld [tilespmem:$0x80];
	v8 =	vadd.s32 $0x2780, v2  }
0x58: {  	v9 =	vld [tilespmem:$0xB0];
	[tilespmem:$0x250] =	vst v8  }
0x59: {  	v8 =	vadd.s32 $0x2780, v4;
	v10 =	vld [tilespmem:$0xC0]  }
0x5a: {  	vm0 =	veq.s32 v5, v4;
	[tilespmem:$0x220] =	vst v8;
	v4 =	vld [tilespmem:$0x40]  }
0x5b: {  	v5 =	vsel vm0, $0x3F800000, v1;
	v8 =	vld [tilespmem:$0x30]  }
0x5c: {  	vm0 =	veq.s32 v6, v7;
	v6 =	vadd.s32 $0x2780, v7;
	v7 =	vld [tilespmem:$0x10];
	[tilespmem:$0x120] =	vst v5  }
0x5d: {  	v5 =	vsel vm0, $0x3F800000, v1;
	[tilespmem:$0x200] =	vst v6;
	v6 =	vld [tilespmem:$0x90];
	v11 =	vadd.s32 $0x2780, v9  }
0x5e: {  	[tilespmem:$0x230] =	vst v11;
	v11 =	vadd.s32 $0x2780, v10;
	v12 =	vld [tilespmem:$0x60]  }
0x5f: {  	vm0 =	veq.s32 v4, v10;
	[tilespmem:$0x240] =	vst v11;
	v4 =	vld [tilespmem:$0xE0]  }
0x60: {  	[tilespmem:$0x100] =	vst v5;
	vm1 =	veq.s32 v8, v9;
	v5 =	vsel vm0, $0x3F800000, v1;
	vm0 =	veq.s32 v3, v2;
	v3 =	vld [tilespmem:$0x70]  }
0x61: {  	v2 =	vsel vm1, $0x3F800000, v1;
	[tilespmem:$0x140] =	vst v5;
	v5 =	vsel vm0, $0x3F800000, v1;
	v8 =	vld [tilespmem:$0xF0]  }
.Ltmp1:
0x62: {  	vm0 =	veq.s32 v7, v6;
	v6 =	vadd.s32 $0x2780, v6;
	[tilespmem:$0x130] =	vst v2;
	(pc) =	sbr.rel @p0 .LBB2_4-.Ltmp1, $4  }
0x63: {  	v2 =	vsel vm0, $0x3F800000, v1;
	[tilespmem:$0x150] =	vst v5  }
0x64: {  	[tilespmem:$0x110] =	vst v2;
	vm0 =	veq.s32 v12, v4;
	v2 =	vadd.s32 $0x2780, v4  }
0x65: {  	[tilespmem:$0x210] =	vst v6;
	v4 =	vsel vm0, $0x3F800000, v1  }
0x66: {  	[tilespmem:$0x160] =	vst v4;
	vm0 =	veq.s32 v3, v8;
	v3 =	vadd.s32 $0x2780, v8  }
0x67: {  	[tilespmem:$0x270] =	vst v3  }
0x68: {  	v4 =	vsel vm0, $0x3F800000, v1;
	[tilespmem:$0x260] =	vst v2  }
0x69: {  	[tilespmem:$0x170] =	vst v4  }
0x6a: {  	[spmem:s2] =	stream.indirect.scatter.add.f32 [tilespmem:s15], [sflag:$0x1], $0x1, s14, s14, $0xb8;
	[tilespmem:$0xC70] =	vst v63  }
0x6b: {  	_ =	swait.ge [sflag:s13], $0x80  }
0x6c: {  	[sflag:s13] =	ssyncset.done $0x0  }
0x6d: {  	[sflag:s13] =	ssyncadd.s32 $0xFFFFFF80  }
0x6e: {  	[spmem:s2] =	stream.indirect.scatter.add.f32 [tilespmem:s17], [sflag:$0x1], $0x1, s16, s14, $0xb8;
	[tilespmem:$0xC70] =	vst v63  }
0x6f: {  	_ =	swait.ge [sflag:s13], $0x80  }
0x70: {  	[sflag:s13] =	ssyncset.done $0x0  }
0x71: {  	s20 =	sadd.s32 s19, s9;
	[sflag:s13] =	ssyncadd.s32 $0xFFFFFF80  }
0x72: {  	[tilespmem:s3], [sflag:$0x1] =	stream.linear.gather [hbm4b:s20+s3], $0x80, $0x38;
	[tilespmem:$0xC70] =	vst v63  }
0x73: {  	_ =	swait.ge [sflag:s13], $0x80  }
0x74: {  	[sflag:s13] =	ssyncset.done $0x0  }
0x75: {  	s31 =	sadd.s32 s19, s11;
	[sflag:s13] =	ssyncadd.s32 $0xFFFFFF80  }
0x76: {  	[tilespmem:s14], [sflag:$0x1] =	stream.linear.gather [hbm4b:s31+s3], $0x80, $0x38;
	[tilespmem:$0xC70] =	vst v63  }
0x77: {  	_ =	swait.ge [sflag:s13], $0x80  }
0x78: {  	[sflag:s13] =	ssyncset.done $0x0  }
0x79: {  	[sflag:s13] =	ssyncadd.s32 $0xFFFFFF80  }
0x7a: {  	v2 =	vld [tilespmem:$0xD0]  }
0x7b: {  	v3 =	vld [tilespmem:$0x50]  }
0x7c: {  	v51 =	vld [tilespmem:$0xA0]  }
0x7d: {  	v5 =	vld [tilespmem:$0x20]  }
0x7e: {  	v7 =	vld [tilespmem:$0x80]  }
0x7f: {  	v8 =	vld [tilespmem:$0xB0]  }
0x80: {  	v10 =	vld [tilespmem:$0xC0]  }
0x81: {  	v6 =	vld [tilespmem:$0x0];
	v9 =	vadd.s32 $0x2780, v2  }
0x82: {  	v53 =	vld [tilespmem:$0x40];
	v52 =	vadd.s32 $0x2780, v51;
	[tilespmem:$0x250] =	vst v9  }
0x83: {  	v54 =	vld [tilespmem:$0x30];
	v11 =	vadd.s32 $0x2780, v7;
	[tilespmem:$0x220] =	vst v52  }
0x84: {  	v12 =	vld [tilespmem:$0x10];
	v56 =	vadd.s32 $0x2780, v8;
	[tilespmem:$0x200] =	vst v11  }
0x85: {  	v55 =	vld [tilespmem:$0x90];
	vm9 =	veq.s32 v5, v51;
	v57 =	vadd.s32 $0x2780, v10;
	[tilespmem:$0x230] =	vst v56  }
0x86: {  	v58 =	vld [tilespmem:$0x60];
	vm10 =	veq.s32 v6, v7;
	v5 =	vsel vm9, $0x3F800000, v1;
	[tilespmem:$0x240] =	vst v57  }
0x87: {  	v60 =	vld [tilespmem:$0xE0];
	vm11 =	veq.s32 v53, v10;
	v59 =	vsel vm10, $0x3F800000, v1;
	[tilespmem:$0x120] =	vst v5  }
0x88: {  	v62 =	vld [tilespmem:$0x70];
	vm1 =	veq.s32 v54, v8;
	v61 =	vsel vm11, $0x3F800000, v1;
	[tilespmem:$0x100] =	vst v59  }
0x89: {  	vm12 =	veq.s32 v3, v2;
	v3 =	vld [tilespmem:$0xF0];
	v2 =	vsel vm1, $0x3F800000, v1;
	[tilespmem:$0x140] =	vst v61  }
0x8a: {  	vm13 =	veq.s32 v12, v55;
	v63 =	vsel vm12, $0x3F800000, v1;
	[tilespmem:$0x130] =	vst v2  }
0x8b: {  	v2 =	vsel vm13, $0x3F800000, v1;
	[tilespmem:$0x150] =	vst v63  }
0x8c: {  	vm14 =	veq.s32 v58, v60;
	v5 =	vadd.s32 $0x2780, v55;
	[tilespmem:$0x110] =	vst v2  }
0x8d: {  	[tilespmem:$0x210] =	vst v5;
	v2 =	vsel vm14, $0x3F800000, v1  }
0x8e: {  	[tilespmem:$0x160] =	vst v2;
	vm15 =	veq.s32 v62, v3;
	v2 =	vadd.s32 $0x2780, v3  }
0x8f: {  	v3 =	vsel vm15, $0x3F800000, v1;
	[tilespmem:$0x270] =	vst v2  }
0x90: {  	v2 =	vadd.s32 $0x2780, v60;
	[tilespmem:$0x170] =	vst v3  }
0x91: {  	[tilespmem:$0x260] =	vst v2  }
0x92: {  	[spmem:s2] =	stream.indirect.scatter.add.f32 [tilespmem:s15], [sflag:$0x1], $0x1, s14, s14, $0xb8;
	[tilespmem:$0xC70] =	vst v63  }
0x93: {  	_ =	swait.ge [sflag:s13], $0x80  }
0x94: {  	[sflag:s13] =	ssyncset.done $0x0  }
0x95: {  	[sflag:s13] =	ssyncadd.s32 $0xFFFFFF80  }
0x96: {  	[spmem:s2] =	stream.indirect.scatter.add.f32 [tilespmem:s17], [sflag:$0x1], $0x1, s16, s14, $0xb8;
	[tilespmem:$0xC70] =	vst v63  }
0x97: {  	_ =	swait.ge [sflag:s13], $0x80  }
0x98: {  	[sflag:s13] =	ssyncset.done $0x0  }
0x99: {  	[sflag:s13] =	ssyncadd.s32 $0xFFFFFF80  }
0x9a: {  	[bflag:$0x0] =	sbarrier.arrive $0xFFFF  }
0x9b: {  	[tilespmem:s12], [sflag:$0x1] =	stream.linear.gather [spmem:s5], $0x278, $0x38;
	[tilespmem:$0xC70] =	vst v63  }
0x9c: {  	_ =	swait.ge [sflag:s13], $0x278  }
0x9d: {  	[sflag:s13] =	ssyncset.done $0x0  }
0x9e: {  	[sflag:s13] =	ssyncadd.s32 $0xFFFFFD88  }
0x9f: {  	[hbm4b:s7+s3] =	stream.linear.scatter [tilespmem:s12], [sflag:$0x1], $0x278, $0x38;
	[tilespmem:$0xC70] =	vst v63  }
0xa0: {  	_ =	swait.ge [sflag:s13], $0x278  }
0xa1: {  	[sflag:s13] =	ssyncset.done $0x0  }
0xa2: {  	[sflag:s13] =	ssyncadd.s32 $0xFFFFFD88  }
0xa3: {  	[tilespmem:s12], [sflag:$0x1] =	stream.linear.gather [spmem:s8], $0x278, $0x38;
	[tilespmem:$0xC70] =	vst v63  }
0xa4: {  	s18 =	sadd.s32 $0x1, s18;
	_ =	swait.ge [sflag:s13], $0x278  }
0xa5: {  	p0 =	sne.s32 s18, s6;
	[sflag:s13] =	ssyncset.done $0x0  }
.Ltmp2:
0xa6: {  	[sflag:s13] =	ssyncadd.s32 $0xFFFFFD88;
	(pc) =	sbr.rel @p0 .LBB2_1-.Ltmp2, $4  }
0xa7: {  	[hbm4b:s10+s3] =	stream.linear.scatter [tilespmem:s12], [sflag:$0x1], $0x278, $0x38;
	[tilespmem:$0xC70] =	vst v63  }
0xa8: {  	_ =	swait.ge [sflag:s13], $0x278  }
0xa9: {  	[sflag:s13] =	ssyncset.done $0x0  }
0xaa: {  	[sflag:s13] =	ssyncadd.s32 $0xFFFFFD88  }
0xab: {  	_ =	sfence.sel $0x180000  }
0xac: {  	[bflag:$0x0] =	sbarrier.arrive $0xFFFF  }
0xad: {  	p0 =	sne.s32 s1, $0x0;
	_ =	strace $0x90000047  }
0xae: {  	s0 =	sadd.s32 @!p0 $0x100000, s0;
	[bflag:$0x2] =	sbarrier.arrive $0xFFFF  }
0xaf: {  	[sflag:s0] =	ssyncadd.tile.s32 @!p0 $0x1;
	_ =	shalt  }
.Lfunc_end2:
_tile_overlayer_lowered:
.L_overlay_start_2:
0xb0: {  	(tag) =	ssettag $0x2  }
0xb1: {  	s0 =	rddreg [dreg:$0x0];
	s2 =	stileid.u32  }
0xb2: {  	s1 =	rddreg [dreg:$0x1];
	p0 =	sne.s32 s2, $0x0  }
0xb3: {  	s3 =	rddreg [dreg:$0x2];
	[bflag:$0x3] =	sbarrier.arrive $0xFFFF;
	s2 =	simm.s32 @!p0 $0x1C01  }
0xb4: {  	[timem:s3], [sflag:s2] =	dma.local @!p0 [hbm:s0], s1  }
0xb5: {  	s0 =	simm.s32 @!p0 $0x1  }
0xb6: {  	_ =	swait.ge @!p0 [sflag:s0], s1  }
0xb7: {  	s1 =	ssub.s32 @!p0 $0x0, s1;
	[sflag:s0] =	ssyncset.done @!p0 $0x0  }
0xb8: {  	[sflag:s0] =	ssyncadd.s32 @!p0 s1  }
0xb9: {  	[bflag:$0x3] =	sbarrier.arrive $0xFFFF  }
0xba: {  	_ =	shalt  }

// kernel: kernel.22.cloned.1.call-start
scs
__scs_entry_jumppad:
0x0: {  	(pc) =	sbr.rel $0x88, $3  }
0x1: {  	(tag) =	ssettag $0x0;
	lr =	simm.s32 $0x1  }
0x2: {  	[smem:$0x3F8E] =	sst lr;
	_ =	strace $0xD0000000  }
0x3: {  	_ = 	snop  }
0x4: {  	_ = 	snop  }
0x5: {  	_ = 	snop  }
0x6: {  	_ = 	snop  }
0x7: {  	_ = 	snop  }
__scs_overlays_trampoline_lowered:
0x8: {  	[smem:$0x3F9D] =	sst s0  }
0x9: {  	[smem:$0x3F9E] =	sst s1  }
0xa: {  	[smem:$0x3F9F] =	sst s2  }
0xb: {  	[smem:$0x3FA0] =	sst s3  }
0xc: {  	[smem:$0x3FA1] =	sst s4  }
0xd: {  	[smem:$0x3FA2] =	sst s5  }
0xe: {  	[smem:$0x3FA3] =	sst s6  }
0xf: {  	[smem:$0x3FA4] =	sst s7  }
0x10: {  	[smem:$0x3FA5] =	sst s8  }
0x11: {  	[smem:$0x3FA6] =	sst s9;
	s0 =	simm.s32 @!p0 $0x0  }
0x12: {  	s1 =	sld [smem:$0x3F8C];
	s0 =	simm.s32 @p0 $0x1  }
0x13: {  	[smem:$0x3FA7] =	sst s0;
	s0 =	simm.s32 @!p1 $0x0  }
0x14: {  	s2 =	sld [smem:$0x3F8B];
	s0 =	simm.s32 @p1 $0x1  }
0x15: {  	[smem:$0x3FA8] =	sst s0;
	s0 =	simm.s32 @!p2 $0x0  }
0x16: {  	s3 =	sld [smem:$0x3FDB];
	s0 =	simm.s32 @p2 $0x1  }
0x17: {  	s4 =	simm.s32 $0x1BF5;
	[smem:$0x3FAA] =	sst s0  }
0x18: {  	s0 =	sld [smem:$0x3F8D];
	_ =	swait.ge [sflag:s4], $0x0  }
0x19: {  	s7 =	sld [smem:$0x3F8E]  }
0x1a: {  	s8 =	sadd.s32 $0xFFFFE003, lr  }
0x1b: {  	s9 =	sadd.s32 $0xFFFFFEF7, lr;
	s5 =	simm.s32 $0xFFFFFFFF;
	p2 =	slt.u32 s8, $0xFFFFF086  }
0x1c: {  	p1 =	slt.u32 s9, $0xF7A;
	s5 =	simm.s32 @!p2 $0x0  }
0x1d: {  	s5 =	simm.s32 @p1 $0x1;
	p0 =	seq.s32 s7, s2  }
0x1e: {  	s7 =	smul.u32 @!p0 $0xF7A, s2;
	p2 =	seq.s32 @!p0 s5, $0x0  }
0x1f: {  	s9 =	smul.u32 $0xF7A, s1;
	s8 =	simm.s32 @!p0 $0x1BF5;
	p2 =	por !p2, p0  }
0x20: {  	[sflag:s8] =	ssyncset.s32 @!p0 $0xFFFFF086;
	s6 =	sadd.s32 @!p0 s3, s7;
	s7 =	simm.s32 @!p0 $0x108  }
0x21: {  	s3 =	sadd.s32 s3, s9;
	s6 =	sadd.s32 @!p0 $0x88, s6;
	s7 =	simm.s32 @p2 $0x1082  }
0x22: {  	[simem:s7], [sflag:s8] =	dma.local @!p0 [hbm:s6], $0xF7A  }
0x23: {  	s9 =	sor.u32 $0xD0000000, s2;
	s6 =	simm.s32 $0x108;
	_ =	swait.ge @!p0 [sflag:s8], $0x0  }
0x24: {  	s3 =	sadd.s32 $0x88, s3;
	s6 =	simm.s32 @!p1 $0x1082;
	[sflag:s4] =	ssyncset.s32 $0xFFFFF086  }
0x25: {  	[simem:s6], [sflag:s4] =	dma.local [hbm:s3], $0xF7A  }
0x26: {  	[smem:$0x3F8E] =	sst s1;
	(tag) =	ssettag s2;
	_ =	strace s9  }
0x27: {  	s1 =	sld [smem:$0x3F9E]  }
0x28: {  	s2 =	sld [smem:$0x3F9F]  }
0x29: {  	s4 =	sld [smem:$0x3FA1]  }
0x2a: {  	p0 =	seq.s32 s5, $0x0;
	s5 =	sld [smem:$0x3FA2]  }
0x2b: {  	s6 =	sld [smem:$0x3FA3]  }
0x2c: {  	s7 =	sld [smem:$0x3FA4]  }
0x2d: {  	s3 =	simm.s32 $0x108;
	s8 =	sld [smem:$0x3FA5]  }
0x2e: {  	s3 =	simm.s32 @!p0 $0x1082;
	s9 =	sld [smem:$0x3FA6]  }
0x2f: {  	lr =	sadd.s32 s0, s3;
	s0 =	sld [smem:$0x3F9D]  }
0x30: {  	s3 =	sld [smem:$0x3FA0]  }
0x31: {  	[smem:$0x3FA9] =	sst s10  }
0x32: {  	s10 =	sld [smem:$0x3FA7];
	_ =	sdelay $0x3  }
0x33: {  	p0 =	seq.s32 s10, $0x1;
	s10 =	sld [smem:$0x3FA9];
	_ =	sdelay $0x3  }
0x34: {  	[smem:$0x3FA9] =	sst s10  }
0x35: {  	s10 =	sld [smem:$0x3FA8];
	_ =	sdelay $0x3  }
0x36: {  	p1 =	seq.s32 s10, $0x1;
	s10 =	sld [smem:$0x3FA9];
	_ =	sdelay $0x3  }
0x37: {  	[smem:$0x3FA9] =	sst s10  }
0x38: {  	s10 =	sld [smem:$0x3FAA]  }
0x39: {  	_ = 	snop;
	(pc) =	sbr.ind lr, $3  }
0x3a: {  	_ = 	snop  }
0x3b: {  	_ = 	snop  }
0x3c: {  	p2 =	seq.s32 s10, $0x1;
	s10 =	sld [smem:$0x3FA9]  }
0x3d: {  	_ =	shalt  }
0x3e: {  	_ =	shalt  }
0x3f: {  	_ =	shalt  }
0x40: {  	_ =	shalt  }
0x41: {  	_ =	shalt  }
0x42: {  	_ =	shalt  }
0x43: {  	_ =	shalt  }
0x44: {  	_ =	shalt  }
0x45: {  	_ =	shalt  }
0x46: {  	_ =	shalt  }
0x47: {  	_ =	shalt  }
0x48: {  	_ =	shalt  }
0x49: {  	_ =	shalt  }
0x4a: {  	_ =	shalt  }
0x4b: {  	_ =	shalt  }
0x4c: {  	_ =	shalt  }
0x4d: {  	_ =	shalt  }
0x4e: {  	_ =	shalt  }
0x4f: {  	_ =	shalt  }
0x50: {  	_ =	shalt  }
0x51: {  	_ =	shalt  }
0x52: {  	_ =	shalt  }
0x53: {  	_ =	shalt  }
0x54: {  	_ =	shalt  }
0x55: {  	_ =	shalt  }
0x56: {  	_ =	shalt  }
0x57: {  	_ =	shalt  }
0x58: {  	_ =	shalt  }
0x59: {  	_ =	shalt  }
0x5a: {  	_ =	shalt  }
0x5b: {  	_ =	shalt  }
0x5c: {  	_ =	shalt  }
0x5d: {  	_ =	shalt  }
0x5e: {  	_ =	shalt  }
0x5f: {  	_ =	shalt  }
0x60: {  	_ =	shalt  }
0x61: {  	_ =	shalt  }
0x62: {  	_ =	shalt  }
0x63: {  	_ =	shalt  }
0x64: {  	_ =	shalt  }
0x65: {  	_ =	shalt  }
0x66: {  	_ =	shalt  }
0x67: {  	_ =	shalt  }
0x68: {  	_ =	shalt  }
0x69: {  	_ =	shalt  }
0x6a: {  	_ =	shalt  }
0x6b: {  	_ =	shalt  }
0x6c: {  	_ =	shalt  }
0x6d: {  	_ =	shalt  }
0x6e: {  	_ =	shalt  }
0x6f: {  	_ =	shalt  }
0x70: {  	_ =	shalt  }
0x71: {  	_ =	shalt  }
0x72: {  	_ =	shalt  }
0x73: {  	_ =	shalt  }
0x74: {  	_ =	shalt  }
0x75: {  	_ =	shalt  }
0x76: {  	_ =	shalt  }
0x77: {  	_ =	shalt  }
0x78: {  	_ =	shalt  }
0x79: {  	_ =	shalt  }
0x7a: {  	_ =	shalt  }
0x7b: {  	_ =	shalt  }
0x7c: {  	_ =	shalt  }
0x7d: {  	_ =	shalt  }
0x7e: {  	_ =	shalt  }
0x7f: {  	_ =	shalt  }
0x80: {  	_ =	shalt  }
0x81: {  	_ =	shalt  }
0x82: {  	_ =	shalt  }
0x83: {  	_ =	shalt  }
0x84: {  	_ =	shalt  }
0x85: {  	_ =	shalt  }
0x86: {  	_ =	shalt  }
0x87: {  	_ =	shalt  }
.Lfunc_end0:
.L_simem_size_0:
called_computation.3_lowered:
.L_overlay_start_0:
0x88: {  	s2 =	sld [smem:$0x3FD9]  }
0x89: {  	s3 =	sld [smem:$0x3FFE];
	_ =	sdelay $0x1  }
0x8a: {  	s1 =	srdreg.scid  }
0x8b: {  	s0 =	sand.u32 $0x1, s1  }
0x8c: {  	s17 =	sshll.u32 s0, $0xA;
	s2 =	sadd.s32 s3, s2  }
0x8d: {  	s2 =	sadd.s32 s2, s17  }
0x8e: {  	[smem:$0x3FB5] =	sst s2  }
0x8f: {  	_ = 	snop  }
0x90: {  	s2 =	sld [smem:$0x3FD0];
	(tm) =	ssettm $0x1  }
0x91: {  	s18 =	sld [smem:$0x3FFB];
	_ =	sdelay $0x3  }
0x92: {  	_ =	strace s18  }
0x93: {  	s3 =	sld [smem:$0x3FFC];
	_ =	sdelay $0x3  }
0x94: {  	_ =	strace s3  }
0x95: {  	s3 =	sld [smem:$0x3FFD];
	_ =	sdelay $0x3  }
0x96: {  	_ =	strace s3  }
0x97: {  	_ =	strace $0x8FFFFFFF  }
0x98: {  	s19 =	sld [smem:$0x3FDB];
	_ =	sdelay $0x1  }
0x99: {  	s4 =	simm.s32 $_scs_section_size  }
0x9a: {  	s5 =	simm.s32 $_size__tile_overlayer_lowered;
	s6 =	simm.s32 $_tile_overlayer_lowered  }
0x9b: {  	s22 =	simm.s32 $0x1BFF;
	s21 =	sshll.u32 s6, $0x1;
	s3 =	sadd.s32 s4, s19  }
0x9c: {  	s7 =	simm.s32 $0x0;
	s20 =	sshll.u32 s5, $0x1;
	s5 =	sadd.s32 s21, s3  }
0x9d: {  	[timem:s7], [sflag:s22] =	dma.local [hbm:s5], s20  }
0x9e: {  	_ =	swait.ge [sflag:s22], s20  }
0x9f: {  	s4 =	ssub.s32 $0x0, s20;
	[sflag:s22] =	ssyncset.done $0x0  }
0xa0: {  	[sflag:s22] =	ssyncadd.s32 s4;
	_ =	sdelay $0x1  }
0xa1: {  	s23 =	simm.s32 $0x1B8B  }
0xa2: {  	_ =	swait.ge [sflag:s23], $0x1  }
0xa3: {  	[sflag:s23] =	ssyncset.done $0x0  }
0xa4: {  	s25 =	simm.s32 $0x1B8E;
	s24 =	sld [smem:$0x3FFE];
	[sflag:s23] =	ssyncadd.s32 $0xFFFFFFFF  }
0xa5: {  	s26 =	simm.s32 $execute0_lowered;
	[smem:$0x3FD2] =	sst s25  }
0xa6: {  	s5 =	sshll.u32 s26, $0x1;
	_ =	strace $0x80000049;
	[dreg:$0x1] =	wrdreg $0xFFFFFFFF  }
0xa7: {  	s28 =	simm.s32 $_size_execute0_lowered;
	s3 =	sadd.s32 s3, s5;
	[dreg:$0x0] =	wrdreg $0x0  }
0xa8: {  	s5 =	sshll.u32 s28, $0x1;
	[dreg:$0x2] =	wrdreg s3  }
0xa9: {  	[dreg:$0x3] =	wrdreg s5  }
0xaa: {  	[dreg:$0x4] =	wrdreg $0xC0  }
0xab: {  	_ =	task [dreg:s7], $0x5FFFF  }
0xac: {  	[dreg:$0x1] =	wrdreg $0xFFFFFFFF  }
0xad: {  	[dreg:$0x0] =	wrdreg $0x60  }
0xae: {  	[dreg:$0x2] =	wrdreg s2  }
0xaf: {  	[dreg:$0x3] =	wrdreg s24  }
0xb0: {  	[dreg:$0x4] =	wrdreg $0x5D000  }
0xb1: {  	[dreg:$0x5] =	wrdreg $0x9  }
0xb2: {  	_ =	task.clear_ibuf [dreg:s7], $0x6FFFF;
	_ =	strace $0x90000049  }
0xb3: {  	s29 =	simm.s32 $0x9;
	_ =	strace $0x8000004B  }
0xb4: {  	_ =	swait.ge [sflag:s29], $0x1  }
0xb5: {  	[sflag:s29] =	ssyncadd.s32 $0xFFFFFFFF  }
0xb6: {  	_ =	strace $0x9000004B  }
0xb7: {  	_ =	sfence  }
0xb8: {  	s30 =	sld [smem:$0x0];
	_ =	sdelay $0x2  }
0xb9: {  	s31 =	sshll.u32 s1, $0xD;
	s1 =	sshrl.u32 s1, $0x2  }
0xba: {  	s3 =	sand.u32 $0x4000, s31;
	s1 =	sadd.s32 s1, s30  }
0xbb: {  	s0 =	sor.u32 s3, s0;
	s1 =	sshll.u32 s1, $0x11  }
0xbc: {  	s0 =	sor.u32 s1, s0  }
0xbd: {  	s0 =	sadd.s32 $0x8F2B, s0  }
0xbe: {  	[sflag:s0] =	ssyncadd.remote.s32 $0x1  }
0xbf: {  	_ =	sfence.sel $0xFFFF  }
0xc0: {  	[dreg:$0x0] =	wrdreg $0xFFFFFFFF;
	(pc) =	sbr.abs _section_cstart, $3  }
0xc1: {  	[dreg:$0x1] =	wrdreg $0xFFFFFFFF  }
0xc2: {  	_ =	task.clear_ibuf [dreg:s7], $0x2FFFF;
	_ =	strace $0x9FFFFFFF  }
0xc3: {  	(tm) =	ssettm $0x7FFFFFFF  }
tec
execute0_lowered:
.L_overlay_start_1:
0x0: {  	(tag) =	ssettag $0x1  }
0x1: {  	s1 =	rddreg [dreg:$0x0]  }
0x2: {  	s7 =	rddreg [dreg:$0x1]  }
0x3: {  	s3 =	rddreg [dreg:$0x2]  }
0x4: {  	s0 =	rddreg [dreg:$0x3]  }
0x5: {  	s5 =	srdreg.scid;
	s2 =	stileid.u32  }
0x6: {  	s4 =	simm.s32 $0x0;
	s6 =	sand.u32 $0x1, s5;
	s5 =	smul.u32 $0x278, s2  }
0x7: {  	s14 =	simm.s32 $0x80;
	s15 =	simm.s32 $0x100;
	s12 =	smul.u32 $0x4F0, s2  }
0x8: {  	s17 =	simm.s32 $0x5C80;
	s18 =	simm.s32 $0x0;
	s13 =	smul.u32 $0x13C00, s2  }
0x9: {  	[smem:$0x7FF] =	sst s4;
	s8 =	smul.u32 $0x13C000, s6;
	s9 =	ssub.s32 $0x2, s6  }
0xa: {  	s10 =	sadd.s32 $0x62000, s7;
	s11 =	smul.u32 $0x4F00, s6;
	s29 =	sshrl.u32 s9, $0x1  }
0xb: {  	_ =	strace $0x8000004A;
	s16 =	sadd.s32 $0x268, s5;
	s6 =	ssub.s32 s9, s29  }
0xc: {  	v0 =	vlaneseq.u32;
	s30 =	sshll.u32 s16, $0x7;
	s7 =	sadd.s32 s11, s7;
	s31 =	sadd.s32 s13, s8  }
0xd: {  	s13 =	simm.s32 $0x2;
	v1 =	vadd.s32 s16, v0;
	s16 =	simm.s32 $0x1;
	s9 =	sadd.s32 s8, s30  }
0xe: {  	s6 =	smax.u32 s6, $0x1;
	s7 =	sadd.s32 s12, s7;
	s9 =	sshrl.u32 s9, $0x3  }
0xf: {  	s11 =	sshrl.u32 s31, $0x3;
	s12 =	simm.s32 $0x4100;
	s8 =	sadd.s32 s10, s9  }
0x10: {  	v2 =	vimm.f32 $0.0e+00;
	s9 =	sadd.s32 $0x9E00, s7;
	s10 =	sadd.s32 s11, s10;
	s11 =	simm.s32 $0x10  }
.LBB2_1:
0x11: {  	s19 =	simm.s32 $0x0;
	s20 =	simm.s32 $0x200  }
.LBB2_2:
0x12: {  	p0 =	sne.s32 s20, $0x1E00;
	[tilespmem:s19+$0x4170] =	vst v2  }
0x13: {  	[tilespmem:s19+$0x4100] =	vst v2  }
0x14: {  	[tilespmem:s19+$0x4110] =	vst v2  }
.Ltmp0:
0x15: {  	[tilespmem:s19+$0x4120] =	vst v2;
	(pc) =	sbr.rel @p0 .LBB2_2-.Ltmp0, $4  }
0x16: {  	[tilespmem:s19+$0x4130] =	vst v2  }
0x17: {  	[tilespmem:s19+$0x4140] =	vst v2  }
0x18: {  	[tilespmem:s19+$0x4150] =	vst v2  }
0x19: {  	[tilespmem:s19+$0x4160] =	vst v2;
	s19 =	sshra.s32 s20, $0x2;
	s20 =	sadd.s32 $0x200, s20  }
0x1a: {  	[tilespmem:s19+$0x4170] =	vst v2  }
0x1b: {  	[tilespmem:s19+$0x4100] =	vst v2  }
0x1c: {  	[tilespmem:s19+$0x4110] =	vst v2  }
0x1d: {  	[tilespmem:s19+$0x4120] =	vst v2  }
0x1e: {  	[tilespmem:s19+$0x4130] =	vst v2  }
0x1f: {  	[tilespmem:s19+$0x4140] =	vst v2  }
0x20: {  	[tilespmem:s19+$0x4150] =	vst v2  }
0x21: {  	[tilespmem:s19+$0x4160] =	vst v2;
	s19 =	simm.s32 $0x200;
	v3 =	vadd.s32 s5, v0;
	s21 =	simm.s32 $0x0;
	s20 =	smov.u32 s5  }
.LBB2_4:
0x22: {  	p0 =	sne.s32 s19, $0x4C00  }
0x23: {  	[tilespmem:s21+$0x4900] =	vst v3;
	s20 =	sadd.s32 $0x10, s20;
	s21 =	smov.u32 s19;
	s19 =	sadd.s32 $0x200, s19  }
.Ltmp1:
0x24: {  	(pc) =	sbr.rel @p0 .LBB2_4-.Ltmp1, $2  }
0x25: {  	_ =	sdelay $0x2  }
0x26: {  	v3 =	vadd.s32 s20, v0;
	s21 =	sshra.s32 s21, $0x2  }
0x27: {  	[tilespmem:s21+$0x4900] =	vst v3  }
0x28: {  	s19 =	simm.s32 $0x4900;
	[tilespmem:$0x5C80] =	vst v1  }
0x29: {  	[spmem:s3] =	stream.indirect.scatter [tilespmem:s12], [sflag:$0x2], $0x80, s19, s11, $0xb8;
	[tilespmem:$0x19900] =	vst v63  }
0x2a: {  	s19 =	simm.s32 $0x200;
	_ =	swait.ge [sflag:s13], $0x800  }
.LBB2_6:
0x2b: {  	s20 =	sshra.s32 s19, $0x2;
	[sflag:s13] =	ssyncset.done $0x0;
	p0 =	sne.s32 s19, $0x4E00  }
.Ltmp2:
0x2c: {  	s20 =	sadd.s32 $0x4900, s20;
	[sflag:s13] =	ssyncadd.s32 $0xFFFFF800;
	(pc) =	sbr.rel @p0 .LBB2_6-.Ltmp2, $3  }
0x2d: {  	[spmem:s3] =	stream.indirect.scatter [tilespmem:s12], [sflag:$0x2], $0x80, s20, s11, $0xb8;
	[tilespmem:$0x19900] =	vst v63  }
0x2e: {  	s19 =	sadd.s32 $0x200, s19;
	_ =	sdelay $0x1  }
0x2f: {  	_ =	swait.ge [sflag:s13], $0x800  }
0x30: {  	[sflag:s13] =	ssyncset.done $0x0  }
0x31: {  	[sflag:s13] =	ssyncadd.s32 $0xFFFFF800  }
0x32: {  	s19 =	sadd.s32 $0x0, s7;
	[bflag:$0x0] =	sbarrier.arrive $0xFFFF  }
0x33: {  	[tilespmem:s4], [sflag:$0x2] =	stream.linear.gather [hbm4b:s19+s4], $0x80, $0x38;
	[tilespmem:$0x19900] =	vst v63  }
0x34: {  	_ =	swait.ge [sflag:s13], $0x80  }
0x35: {  	[sflag:s13] =	ssyncset.done $0x0  }
0x36: {  	s31 =	sadd.s32 $0x0, s9;
	[sflag:s13] =	ssyncadd.s32 $0xFFFFFF80  }
0x37: {  	[tilespmem:s14], [sflag:$0x2] =	stream.linear.gather [hbm4b:s31+s4], $0x80, $0x38;
	[tilespmem:$0x19900] =	vst v63  }
0x38: {  	_ =	swait.ge [sflag:s13], $0x80  }
0x39: {  	[sflag:s13] =	ssyncset.done $0x0  }
0x3a: {  	[sflag:s13] =	ssyncadd.s32 $0xFFFFFF80  }
0x3b: {  	[tilespmem:s15], [sflag:$0x1] =	stream.indirect.gather [hbm4b:s1+s14], $0x80, s4, s14, $0xb8;
	[tilespmem:$0x19900] =	vst v63  }
0x3c: {  	_ =	swait.ge [sflag:s16], $0x4000  }
0x3d: {  	[sflag:s16] =	ssyncset.done $0x0  }
0x3e: {  	[sflag:s16] =	ssyncadd.s32 $0xFFFFC000  }
0x3f: {  	[spmem:s3] =	stream.indirect.scatter.add.f32 [tilespmem:s15], [sflag:$0x2], $0x80, s14, s14, $0xb8;
	[tilespmem:$0x19900] =	vst v63  }
0x40: {  	_ =	swait.ge [sflag:s13], $0x4000  }
0x41: {  	s20 =	simm.s32 $0x20;
	s19 =	simm.s32 $0x10;
	[sflag:s13] =	ssyncset.done $0x0  }
.LBB2_8:
0x42: {  	s21 =	sadd.s32 s19, s7  }
0x43: {  	[sflag:s13] =	ssyncadd.s32 $0xFFFFC000;
	s22 =	smov.u32 s20;
	s23 =	sadd.s32 $0x10, s20  }
0x44: {  	[tilespmem:s4], [sflag:$0x2] =	stream.linear.gather [hbm4b:s21+s4], $0x80, $0x38;
	[tilespmem:$0x19900] =	vst v63  }
0x45: {  	p0 =	sne.s32 s20, $0x4E0;
	_ =	swait.ge [sflag:s13], $0x80  }
0x46: {  	[sflag:s13] =	ssyncset.done $0x0  }
0x47: {  	s20 =	sadd.s32 s19, s9;
	s19 =	smov.u32 s22;
	[sflag:s13] =	ssyncadd.s32 $0xFFFFFF80  }
0x48: {  	[tilespmem:s14], [sflag:$0x2] =	stream.linear.gather [hbm4b:s20+s4], $0x80, $0x38;
	[tilespmem:$0x19900] =	vst v63  }
0x49: {  	_ =	swait.ge [sflag:s13], $0x80  }
0x4a: {  	[sflag:s13] =	ssyncset.done $0x0  }
0x4b: {  	[sflag:s13] =	ssyncadd.s32 $0xFFFFFF80  }
0x4c: {  	[tilespmem:s15], [sflag:$0x1] =	stream.indirect.gather [hbm4b:s1+s14], $0x80, s4, s14, $0xb8;
	[tilespmem:$0x19900] =	vst v63  }
0x4d: {  	_ =	swait.ge [sflag:s16], $0x4000  }
.Ltmp3:
0x4e: {  	[sflag:s16] =	ssyncset.done $0x0;
	(pc) =	sbr.rel @p0 .LBB2_8-.Ltmp3, $4  }
0x4f: {  	[sflag:s16] =	ssyncadd.s32 $0xFFFFC000  }
0x50: {  	[spmem:s3] =	stream.indirect.scatter.add.f32 [tilespmem:s15], [sflag:$0x2], $0x80, s14, s14, $0xb8;
	[tilespmem:$0x19900] =	vst v63  }
0x51: {  	_ =	swait.ge [sflag:s13], $0x4000  }
0x52: {  	s20 =	smov.u32 s23;
	[sflag:s13] =	ssyncset.done $0x0  }
0x53: {  	s20 =	sadd.s32 s19, s7;
	[sflag:s13] =	ssyncadd.s32 $0xFFFFC000  }
0x54: {  	[tilespmem:s4], [sflag:$0x2] =	stream.linear.gather [hbm4b:s20+s4], $0x80, $0x38;
	[tilespmem:$0x19900] =	vst v63  }
0x55: {  	_ =	swait.ge [sflag:s13], $0x80  }
0x56: {  	[sflag:s13] =	ssyncset.done $0x0  }
0x57: {  	s30 =	sadd.s32 s19, s9;
	[sflag:s13] =	ssyncadd.s32 $0xFFFFFF80  }
0x58: {  	[tilespmem:s14], [sflag:$0x2] =	stream.linear.gather [hbm4b:s30+s4], $0x80, $0x38;
	[tilespmem:$0x19900] =	vst v63  }
0x59: {  	_ =	swait.ge [sflag:s13], $0x80  }
0x5a: {  	[sflag:s13] =	ssyncset.done $0x0  }
0x5b: {  	[sflag:s13] =	ssyncadd.s32 $0xFFFFFF80  }
0x5c: {  	[tilespmem:s15], [sflag:$0x1] =	stream.indirect.gather [hbm4b:s1+s14], $0x80, s4, s14, $0xb8;
	[tilespmem:$0x19900] =	vst v63  }
0x5d: {  	_ =	swait.ge [sflag:s16], $0x4000  }
0x5e: {  	[sflag:s16] =	ssyncset.done $0x0  }
0x5f: {  	[sflag:s16] =	ssyncadd.s32 $0xFFFFC000  }
0x60: {  	[spmem:s3] =	stream.indirect.scatter.add.f32 [tilespmem:s15], [sflag:$0x2], $0x80, s14, s14, $0xb8;
	[tilespmem:$0x19900] =	vst v63  }
0x61: {  	_ =	swait.ge [sflag:s13], $0x4000  }
0x62: {  	[sflag:s13] =	ssyncset.done $0x0  }
0x63: {  	[sflag:s13] =	ssyncadd.s32 $0xFFFFC000  }
0x64: {  	s19 =	simm.s32 $0x4900;
	[bflag:$0x0] =	sbarrier.arrive $0xFFFF  }
0x65: {  	[tilespmem:s12], [sflag:$0x1] =	stream.indirect.gather [spmem:s3], $0x80, s19, s11, $0xb8;
	[tilespmem:$0x19900] =	vst v63  }
0x66: {  	_ =	swait.ge [sflag:s16], $0x800  }
0x67: {  	[sflag:s16] =	ssyncset.done $0x0  }
0x68: {  	s31 =	sadd.s32 $0x0, s10;
	[sflag:s16] =	ssyncadd.s32 $0xFFFFF800  }
0x69: {  	[hbm4b:s31+s4] =	stream.linear.scatter [tilespmem:s12], [sflag:$0x2], $0x800, $0x38;
	[tilespmem:$0x19900] =	vst v63  }
0x6a: {  	_ =	swait.ge [sflag:s13], $0x800  }
0x6b: {  	s20 =	simm.s32 $0x100;
	[sflag:s13] =	ssyncset.done $0x0  }
.LBB2_10:
0x6c: {  	p0 =	sne.s32 s20, $0x2600;
	[sflag:s13] =	ssyncadd.s32 $0xFFFFF800;
	s19 =	sadd.s32 $0x80, s19  }
0x6d: {  	[tilespmem:s12], [sflag:$0x1] =	stream.indirect.gather [spmem:s3], $0x80, s19, s11, $0xb8;
	[tilespmem:$0x19900] =	vst v63  }
0x6e: {  	s21 =	smov.u32 s20;
	s20 =	sadd.s32 $0x100, s20;
	_ =	swait.ge [sflag:s16], $0x800  }
.Ltmp4:
0x6f: {  	[sflag:s16] =	ssyncset.done $0x0;
	(pc) =	sbr.rel @p0 .LBB2_10-.Ltmp4, $4  }
0x70: {  	s21 =	sadd.s32 s21, s10;
	[sflag:s16] =	ssyncadd.s32 $0xFFFFF800  }
0x71: {  	[hbm4b:s21+s4] =	stream.linear.scatter [tilespmem:s12], [sflag:$0x2], $0x800, $0x38;
	[tilespmem:$0x19900] =	vst v63  }
0x72: {  	_ =	swait.ge [sflag:s13], $0x800  }
0x73: {  	[sflag:s13] =	ssyncset.done $0x0  }
0x74: {  	[sflag:s13] =	ssyncadd.s32 $0xFFFFF800  }
0x75: {  	[tilespmem:s12], [sflag:$0x1] =	stream.indirect.gather [spmem:s3], $0x80, s17, s11, $0xb8;
	[tilespmem:$0x19900] =	vst v63  }
0x76: {  	s18 =	sadd.s32 $0x1, s18;
	_ =	swait.ge [sflag:s16], $0x800  }
0x77: {  	p0 =	sne.s32 s18, s6;
	[sflag:s16] =	ssyncset.done $0x0  }
.Ltmp5:
0x78: {  	[sflag:s16] =	ssyncadd.s32 $0xFFFFF800;
	(pc) =	sbr.rel @p0 .LBB2_1-.Ltmp5, $4  }
0x79: {  	[hbm4b:s8+s4] =	stream.linear.scatter [tilespmem:s12], [sflag:$0x2], $0x800, $0x38;
	[tilespmem:$0x19900] =	vst v63  }
0x7a: {  	_ =	swait.ge [sflag:s13], $0x800  }
0x7b: {  	[sflag:s13] =	ssyncset.done $0x0  }
0x7c: {  	[sflag:s13] =	ssyncadd.s32 $0xFFFFF800  }
0x7d: {  	_ =	sfence.sel $0x180000  }
0x7e: {  	[bflag:$0x0] =	sbarrier.arrive $0xFFFF  }
0x7f: {  	p0 =	sne.s32 s2, $0x0;
	_ =	strace $0x9000004A  }
0x80: {  	s0 =	sadd.s32 @!p0 $0x100000, s0;
	[bflag:$0x2] =	sbarrier.arrive $0xFFFF  }
0x81: {  	[sflag:s0] =	ssyncadd.tile.s32 @!p0 $0x1;
	_ =	shalt  }
.Lfunc_end2:
_tile_overlayer_lowered:
.L_overlay_start_2:
0x82: {  	(tag) =	ssettag $0x2  }
0x83: {  	s0 =	rddreg [dreg:$0x0];
	s2 =	stileid.u32  }
0x84: {  	s1 =	rddreg [dreg:$0x1];
	p0 =	sne.s32 s2, $0x0  }
0x85: {  	s3 =	rddreg [dreg:$0x2];
	[bflag:$0x3] =	sbarrier.arrive $0xFFFF;
	s2 =	simm.s32 @!p0 $0x1C02  }
0x86: {  	[timem:s3], [sflag:s2] =	dma.local @!p0 [hbm:s0], s1  }
0x87: {  	s0 =	simm.s32 @!p0 $0x2  }
0x88: {  	_ =	swait.ge @!p0 [sflag:s0], s1  }
0x89: {  	s1 =	ssub.s32 @!p0 $0x0, s1;
	[sflag:s0] =	ssyncset.done @!p0 $0x0  }
0x8a: {  	[sflag:s0] =	ssyncadd.s32 @!p0 s1  }
0x8b: {  	[bflag:$0x3] =	sbarrier.arrive $0xFFFF  }
0x8c: {  	_ =	shalt  }

// kernel: kernel.25.cloned.1.call-start
scs
__scs_entry_jumppad:
0x0: {  	(pc) =	sbr.rel $0x88, $3  }
0x1: {  	(tag) =	ssettag $0x0;
	lr =	simm.s32 $0x1  }
0x2: {  	[smem:$0x3F8E] =	sst lr;
	_ =	strace $0xD0000000  }
0x3: {  	_ = 	snop  }
0x4: {  	_ = 	snop  }
0x5: {  	_ = 	snop  }
0x6: {  	_ = 	snop  }
0x7: {  	_ = 	snop  }
__scs_overlays_trampoline_lowered:
0x8: {  	[smem:$0x3F9D] =	sst s0  }
0x9: {  	[smem:$0x3F9E] =	sst s1  }
0xa: {  	[smem:$0x3F9F] =	sst s2  }
0xb: {  	[smem:$0x3FA0] =	sst s3  }
0xc: {  	[smem:$0x3FA1] =	sst s4  }
0xd: {  	[smem:$0x3FA2] =	sst s5  }
0xe: {  	[smem:$0x3FA3] =	sst s6  }
0xf: {  	[smem:$0x3FA4] =	sst s7  }
0x10: {  	[smem:$0x3FA5] =	sst s8  }
0x11: {  	[smem:$0x3FA6] =	sst s9;
	s0 =	simm.s32 @!p0 $0x0  }
0x12: {  	s1 =	sld [smem:$0x3F8C];
	s0 =	simm.s32 @p0 $0x1  }
0x13: {  	[smem:$0x3FA7] =	sst s0;
	s0 =	simm.s32 @!p1 $0x0  }
0x14: {  	s2 =	sld [smem:$0x3F8B];
	s0 =	simm.s32 @p1 $0x1  }
0x15: {  	[smem:$0x3FA8] =	sst s0;
	s0 =	simm.s32 @!p2 $0x0  }
0x16: {  	s3 =	sld [smem:$0x3FDB];
	s0 =	simm.s32 @p2 $0x1  }
0x17: {  	s4 =	simm.s32 $0x1BF5;
	[smem:$0x3FAA] =	sst s0  }
0x18: {  	s0 =	sld [smem:$0x3F8D];
	_ =	swait.ge [sflag:s4], $0x0  }
0x19: {  	s7 =	sld [smem:$0x3F8E]  }
0x1a: {  	s8 =	sadd.s32 $0xFFFFE003, lr  }
0x1b: {  	s9 =	sadd.s32 $0xFFFFFEF7, lr;
	s5 =	simm.s32 $0xFFFFFFFF;
	p2 =	slt.u32 s8, $0xFFFFF086  }
0x1c: {  	p1 =	slt.u32 s9, $0xF7A;
	s5 =	simm.s32 @!p2 $0x0  }
0x1d: {  	s5 =	simm.s32 @p1 $0x1;
	p0 =	seq.s32 s7, s2  }
0x1e: {  	s7 =	smul.u32 @!p0 $0xF7A, s2;
	p2 =	seq.s32 @!p0 s5, $0x0  }
0x1f: {  	s9 =	smul.u32 $0xF7A, s1;
	s8 =	simm.s32 @!p0 $0x1BF5;
	p2 =	por !p2, p0  }
0x20: {  	[sflag:s8] =	ssyncset.s32 @!p0 $0xFFFFF086;
	s6 =	sadd.s32 @!p0 s3, s7;
	s7 =	simm.s32 @!p0 $0x108  }
0x21: {  	s3 =	sadd.s32 s3, s9;
	s6 =	sadd.s32 @!p0 $0x88, s6;
	s7 =	simm.s32 @p2 $0x1082  }
0x22: {  	[simem:s7], [sflag:s8] =	dma.local @!p0 [hbm:s6], $0xF7A  }
0x23: {  	s9 =	sor.u32 $0xD0000000, s2;
	s6 =	simm.s32 $0x108;
	_ =	swait.ge @!p0 [sflag:s8], $0x0  }
0x24: {  	s3 =	sadd.s32 $0x88, s3;
	s6 =	simm.s32 @!p1 $0x1082;
	[sflag:s4] =	ssyncset.s32 $0xFFFFF086  }
0x25: {  	[simem:s6], [sflag:s4] =	dma.local [hbm:s3], $0xF7A  }
0x26: {  	[smem:$0x3F8E] =	sst s1;
	(tag) =	ssettag s2;
	_ =	strace s9  }
0x27: {  	s1 =	sld [smem:$0x3F9E]  }
0x28: {  	s2 =	sld [smem:$0x3F9F]  }
0x29: {  	s4 =	sld [smem:$0x3FA1]  }
0x2a: {  	p0 =	seq.s32 s5, $0x0;
	s5 =	sld [smem:$0x3FA2]  }
0x2b: {  	s6 =	sld [smem:$0x3FA3]  }
0x2c: {  	s7 =	sld [smem:$0x3FA4]  }
0x2d: {  	s3 =	simm.s32 $0x108;
	s8 =	sld [smem:$0x3FA5]  }
0x2e: {  	s3 =	simm.s32 @!p0 $0x1082;
	s9 =	sld [smem:$0x3FA6]  }
0x2f: {  	lr =	sadd.s32 s0, s3;
	s0 =	sld [smem:$0x3F9D]  }
0x30: {  	s3 =	sld [smem:$0x3FA0]  }
0x31: {  	[smem:$0x3FA9] =	sst s10  }
0x32: {  	s10 =	sld [smem:$0x3FA7];
	_ =	sdelay $0x3  }
0x33: {  	p0 =	seq.s32 s10, $0x1;
	s10 =	sld [smem:$0x3FA9];
	_ =	sdelay $0x3  }
0x34: {  	[smem:$0x3FA9] =	sst s10  }
0x35: {  	s10 =	sld [smem:$0x3FA8];
	_ =	sdelay $0x3  }
0x36: {  	p1 =	seq.s32 s10, $0x1;
	s10 =	sld [smem:$0x3FA9];
	_ =	sdelay $0x3  }
0x37: {  	[smem:$0x3FA9] =	sst s10  }
0x38: {  	s10 =	sld [smem:$0x3FAA]  }
0x39: {  	_ = 	snop;
	(pc) =	sbr.ind lr, $3  }
0x3a: {  	_ = 	snop  }
0x3b: {  	_ = 	snop  }
0x3c: {  	p2 =	seq.s32 s10, $0x1;
	s10 =	sld [smem:$0x3FA9]  }
0x3d: {  	_ =	shalt  }
0x3e: {  	_ =	shalt  }
0x3f: {  	_ =	shalt  }
0x40: {  	_ =	shalt  }
0x41: {  	_ =	shalt  }
0x42: {  	_ =	shalt  }
0x43: {  	_ =	shalt  }
0x44: {  	_ =	shalt  }
0x45: {  	_ =	shalt  }
0x46: {  	_ =	shalt  }
0x47: {  	_ =	shalt  }
0x48: {  	_ =	shalt  }
0x49: {  	_ =	shalt  }
0x4a: {  	_ =	shalt  }
0x4b: {  	_ =	shalt  }
0x4c: {  	_ =	shalt  }
0x4d: {  	_ =	shalt  }
0x4e: {  	_ =	shalt  }
0x4f: {  	_ =	shalt  }
0x50: {  	_ =	shalt  }
0x51: {  	_ =	shalt  }
0x52: {  	_ =	shalt  }
0x53: {  	_ =	shalt  }
0x54: {  	_ =	shalt  }
0x55: {  	_ =	shalt  }
0x56: {  	_ =	shalt  }
0x57: {  	_ =	shalt  }
0x58: {  	_ =	shalt  }
0x59: {  	_ =	shalt  }
0x5a: {  	_ =	shalt  }
0x5b: {  	_ =	shalt  }
0x5c: {  	_ =	shalt  }
0x5d: {  	_ =	shalt  }
0x5e: {  	_ =	shalt  }
0x5f: {  	_ =	shalt  }
0x60: {  	_ =	shalt  }
0x61: {  	_ =	shalt  }
0x62: {  	_ =	shalt  }
0x63: {  	_ =	shalt  }
0x64: {  	_ =	shalt  }
0x65: {  	_ =	shalt  }
0x66: {  	_ =	shalt  }
0x67: {  	_ =	shalt  }
0x68: {  	_ =	shalt  }
0x69: {  	_ =	shalt  }
0x6a: {  	_ =	shalt  }
0x6b: {  	_ =	shalt  }
0x6c: {  	_ =	shalt  }
0x6d: {  	_ =	shalt  }
0x6e: {  	_ =	shalt  }
0x6f: {  	_ =	shalt  }
0x70: {  	_ =	shalt  }
0x71: {  	_ =	shalt  }
0x72: {  	_ =	shalt  }
0x73: {  	_ =	shalt  }
0x74: {  	_ =	shalt  }
0x75: {  	_ =	shalt  }
0x76: {  	_ =	shalt  }
0x77: {  	_ =	shalt  }
0x78: {  	_ =	shalt  }
0x79: {  	_ =	shalt  }
0x7a: {  	_ =	shalt  }
0x7b: {  	_ =	shalt  }
0x7c: {  	_ =	shalt  }
0x7d: {  	_ =	shalt  }
0x7e: {  	_ =	shalt  }
0x7f: {  	_ =	shalt  }
0x80: {  	_ =	shalt  }
0x81: {  	_ =	shalt  }
0x82: {  	_ =	shalt  }
0x83: {  	_ =	shalt  }
0x84: {  	_ =	shalt  }
0x85: {  	_ =	shalt  }
0x86: {  	_ =	shalt  }
0x87: {  	_ =	shalt  }
.Lfunc_end0:
.L_simem_size_0:
called_computation.4_lowered:
.L_overlay_start_0:
0x88: {  	s2 =	sld [smem:$0x3FD9]  }
0x89: {  	s3 =	sld [smem:$0x3FFE];
	_ =	sdelay $0x1  }
0x8a: {  	s1 =	srdreg.scid  }
0x8b: {  	s0 =	sand.u32 $0x1, s1  }
0x8c: {  	s17 =	sshll.u32 s0, $0xA;
	s2 =	sadd.s32 s3, s2  }
0x8d: {  	s2 =	sadd.s32 s2, s17  }
0x8e: {  	[smem:$0x3FB5] =	sst s2  }
0x8f: {  	_ = 	snop  }
0x90: {  	s18 =	sld [smem:$0x3FD0];
	(tm) =	ssettm $0x1  }
0x91: {  	s19 =	sld [smem:$0x3FFB];
	_ =	sdelay $0x3  }
0x92: {  	_ =	strace s19  }
0x93: {  	s2 =	sld [smem:$0x3FFC];
	_ =	sdelay $0x3  }
0x94: {  	_ =	strace s2  }
0x95: {  	s2 =	sld [smem:$0x3FFD];
	_ =	sdelay $0x3  }
0x96: {  	_ =	strace s2  }
0x97: {  	_ =	strace $0x8FFFFFFF  }
0x98: {  	s20 =	sld [smem:$0x3FDB];
	_ =	sdelay $0x1  }
0x99: {  	s4 =	simm.s32 $_scs_section_size  }
0x9a: {  	s5 =	simm.s32 $_size__tile_overlayer_lowered;
	s6 =	simm.s32 $_tile_overlayer_lowered  }
0x9b: {  	s7 =	simm.s32 $0x1BFF;
	s21 =	sshll.u32 s6, $0x1;
	s4 =	sadd.s32 s4, s20  }
0x9c: {  	s22 =	simm.s32 $0x0;
	s5 =	sshll.u32 s5, $0x1;
	s6 =	sadd.s32 s21, s4  }
0x9d: {  	[timem:s22], [sflag:s7] =	dma.local [hbm:s6], s5  }
0x9e: {  	_ =	swait.ge [sflag:s7], s5  }
0x9f: {  	s5 =	ssub.s32 $0x0, s5;
	[sflag:s7] =	ssyncset.done $0x0  }
0xa0: {  	[sflag:s7] =	ssyncadd.s32 s5;
	_ =	sdelay $0x1  }
0xa1: {  	s23 =	simm.s32 $0x1B8B  }
0xa2: {  	_ =	swait.ge [sflag:s23], $0x1  }
0xa3: {  	[sflag:s23] =	ssyncset.done $0x0  }
0xa4: {  	[sflag:s23] =	ssyncadd.s32 $0xFFFFFFFF  }
0xa5: {  	s5 =	sld [smem:$0x0]  }
0xa6: {  	s6 =	sand.u32 $0xFFFFFFFE, s1  }
0xa7: {  	p0 =	sne.s32 s1, s6  }
0xa8: {  	s6 =	sshll.u32 @p0 s6, $0xE  }
0xa9: {  	s6 =	sadd.s32 @p0 $0x11B8D, s6;
	s7 =	sshll.u32 @p0 s5, $0x11  }
0xaa: {  	s6 =	sor.u32 @p0 s7, s6  }
0xab: {  	[sflag:s6] =	ssyncadd.remote.s32 @p0 $0x1;
	_ =	sdelay $0x1  }
0xac: {  	s6 =	simm.s32 @p0 $0x1B8D  }
0xad: {  	_ =	swait.eq @p0 [sflag:s6], $0x1  }
0xae: {  	[sflag:s6] =	ssyncadd.s32 @p0 $0xFFFFFFFF  }
0xaf: {  	s7 =	sshll.u32 @!p0 s1, $0xE  }
0xb0: {  	s7 =	sor.u32 @!p0 $0x4000, s7;
	s6 =	simm.s32 @!p0 $0x1B8D  }
0xb1: {  	s5 =	sshll.u32 @!p0 s5, $0x11;
	s7 =	sadd.s32 @!p0 $0x11B8D, s7;
	_ =	swait.eq @!p0 [sflag:s6], $0x1  }
0xb2: {  	s5 =	sor.u32 @!p0 s5, s7;
	[sflag:s6] =	ssyncadd.s32 @!p0 $0xFFFFFFFF  }
0xb3: {  	s25 =	simm.s32 $0x1B8E;
	s24 =	sld [smem:$0x3FFE];
	[sflag:s5] =	ssyncadd.remote.s32 @!p0 $0x1  }
0xb4: {  	s26 =	simm.s32 $execute0_lowered;
	[smem:$0x3FD2] =	sst s25  }
0xb5: {  	s6 =	sshll.u32 s26, $0x1;
	_ =	strace $0x80000058;
	[dreg:$0x1] =	wrdreg $0xFFFFFFFF  }
0xb6: {  	s28 =	simm.s32 $_size_execute0_lowered;
	s4 =	sadd.s32 s4, s6;
	[dreg:$0x0] =	wrdreg $0x0  }
0xb7: {  	s6 =	sshll.u32 s28, $0x1;
	[dreg:$0x2] =	wrdreg s4  }
0xb8: {  	[dreg:$0x3] =	wrdreg s6  }
0xb9: {  	[dreg:$0x4] =	wrdreg $0xC0  }
0xba: {  	_ =	task [dreg:s22], $0x5FFFF  }
0xbb: {  	[dreg:$0x1] =	wrdreg $0xFFFFFFFF  }
0xbc: {  	[dreg:$0x0] =	wrdreg $0x60  }
0xbd: {  	[dreg:$0x2] =	wrdreg s18  }
0xbe: {  	[dreg:$0x3] =	wrdreg s24  }
0xbf: {  	[dreg:$0x4] =	wrdreg $0xD  }
0xc0: {  	_ =	task.clear_ibuf [dreg:s22], $0x5FFFF;
	_ =	strace $0x90000058  }
0xc1: {  	s29 =	simm.s32 $0xD;
	_ =	strace $0x8000005A  }
0xc2: {  	_ =	swait.ge [sflag:s29], $0x1  }
0xc3: {  	[sflag:s29] =	ssyncadd.s32 $0xFFFFFFFF  }
0xc4: {  	_ =	strace $0x9000005A  }
0xc5: {  	_ =	sfence  }
0xc6: {  	s30 =	sld [smem:$0x0];
	_ =	sdelay $0x2  }
0xc7: {  	s31 =	sshll.u32 s1, $0xD;
	s1 =	sshrl.u32 s1, $0x2  }
0xc8: {  	s4 =	sand.u32 $0x4000, s31;
	s1 =	sadd.s32 s1, s30  }
0xc9: {  	s0 =	sor.u32 s4, s0;
	s1 =	sshll.u32 s1, $0x11  }
0xca: {  	s0 =	sor.u32 s1, s0  }
0xcb: {  	s0 =	sadd.s32 $0x8F2B, s0  }
0xcc: {  	[sflag:s0] =	ssyncadd.remote.s32 $0x1  }
0xcd: {  	_ =	sfence.sel $0xFFFF  }
0xce: {  	[dreg:$0x0] =	wrdreg $0xFFFFFFFF;
	(pc) =	sbr.abs _section_cstart, $3  }
0xcf: {  	[dreg:$0x1] =	wrdreg $0xFFFFFFFF  }
0xd0: {  	_ =	task.clear_ibuf [dreg:s22], $0x2FFFF;
	_ =	strace $0x9FFFFFFF  }
0xd1: {  	(tm) =	ssettm $0x7FFFFFFF  }
tec
execute0_lowered:
.L_overlay_start_1:
0x0: {  	(tag) =	ssettag $0x1  }
0x1: {  	s1 =	srdreg.scid  }
0x2: {  	s0 =	stileid.u32;
	s2 =	rddreg [dreg:$0x0];
	s6 =	sand.u32 $0x1, s1  }
0x3: {  	s9 =	rddreg [dreg:$0x1];
	s3 =	sshll.u32 s0, $0x6;
	s1 =	sshll.u32 s6, $0xA  }
0x4: {  	s7 =	simm.s32 $0x80;
	s8 =	simm.s32 $0x1;
	s10 =	sor.u32 s3, s1  }
0x5: {  	s1 =	rddreg [dreg:$0x2];
	s3 =	simm.s32 $0x0;
	s4 =	sshrl.u32 s10, $0x3  }
0x6: {  	s11 =	ssub.s32 $0x2, s6;
	[smem:$0x7FF] =	sst s3;
	s4 =	sadd.s32 s4, s9  }
0x7: {  	_ =	strace $0x80000059;
	s5 =	sadd.s32 $0x62600, s4;
	s4 =	simm.s32 $0x2  }
0x8: {  	[tilespmem:s3], [sflag:$0x2] =	stream.linear.gather [hbm4b:s5+s3], $0x40, $0x38;
	[tilespmem:$0x2080] =	vst v63  }
0x9: {  	s6 =	simm.s32 $0x40;
	s12 =	sshrl.u32 s11, $0x1;
	_ =	swait.ge [sflag:s4], $0x40  }
0xa: {  	s10 =	sshll.u32 s10, $0x4;
	s31 =	ssub.s32 s11, s12;
	[sflag:s4] =	ssyncset.done $0x0  }
0xb: {  	s9 =	sadd.s32 s10, s9;
	s10 =	smax.u32 s31, $0x1;
	[sflag:s4] =	ssyncadd.s32 $0xFFFFFFC0  }
0xc: {  	[tilespmem:s7], [sflag:$0x1] =	stream.indirect.gather [hbm4b:s2+s6], $0x80, s3, s6, $0xb8;
	[tilespmem:$0x2080] =	vst v63  }
0xd: {  	p0 =	sne.s32 s10, $0x1;
	_ =	swait.ge [sflag:s8], $0x2000  }
.Ltmp0:
0xe: {  	[sflag:s8] =	ssyncset.done $0x0;
	(pc) =	sbr.rel @!p0 .LBB2_2-.Ltmp0, $4  }
0xf: {  	s9 =	sadd.s32 $0x80A600, s9;
	[sflag:s8] =	ssyncadd.s32 $0xFFFFE000  }
0x10: {  	[hbm4b:s9+s3] =	stream.linear.scatter [tilespmem:s7], [sflag:$0x2], $0x2000, $0x38;
	[tilespmem:$0x2080] =	vst v63  }
0x11: {  	_ =	swait.ge [sflag:s4], $0x2000  }
0x12: {  	s10 =	sadd.s32 $0xFFFFFFFF, s10;
	[sflag:s4] =	ssyncset.done $0x0  }
.LBB2_1:
0x13: {  	p0 =	sne.s32 s10, $0x1;
	s10 =	sadd.s32 $0xFFFFFFFF, s10;
	[sflag:s4] =	ssyncadd.s32 $0xFFFFE000  }
0x14: {  	[tilespmem:s3], [sflag:$0x2] =	stream.linear.gather [hbm4b:s5+s3], $0x40, $0x38;
	[tilespmem:$0x2080] =	vst v63  }
0x15: {  	_ =	swait.ge [sflag:s4], $0x40  }
0x16: {  	[sflag:s4] =	ssyncset.done $0x0  }
0x17: {  	[sflag:s4] =	ssyncadd.s32 $0xFFFFFFC0  }
0x18: {  	[tilespmem:s7], [sflag:$0x1] =	stream.indirect.gather [hbm4b:s2+s6], $0x80, s3, s6, $0xb8;
	[tilespmem:$0x2080] =	vst v63  }
0x19: {  	_ =	swait.ge [sflag:s8], $0x2000  }
.Ltmp1:
0x1a: {  	[sflag:s8] =	ssyncset.done $0x0;
	(pc) =	sbr.rel @p0 .LBB2_1-.Ltmp1, $4  }
0x1b: {  	[sflag:s8] =	ssyncadd.s32 $0xFFFFE000  }
0x1c: {  	[hbm4b:s9+s3] =	stream.linear.scatter [tilespmem:s7], [sflag:$0x2], $0x2000, $0x38;
	[tilespmem:$0x2080] =	vst v63  }
0x1d: {  	_ =	swait.ge [sflag:s4], $0x2000  }
0x1e: {  	[sflag:s4] =	ssyncset.done $0x0  }
.LBB2_2:
0x1f: {  	[sflag:s4] =	ssyncadd.s32 $0xFFFFE000  }
0x20: {  	_ =	sfence.sel $0x180000  }
0x21: {  	[bflag:$0x0] =	sbarrier.arrive $0xFFFF  }
0x22: {  	p0 =	sne.s32 s0, $0x0;
	_ =	strace $0x90000059  }
0x23: {  	s0 =	sadd.s32 @!p0 $0x100000, s1;
	[bflag:$0x2] =	sbarrier.arrive $0xFFFF  }
0x24: {  	[sflag:s0] =	ssyncadd.tile.s32 @!p0 $0x1;
	_ =	shalt  }
.Lfunc_end2:
_tile_overlayer_lowered:
.L_overlay_start_2:
0x25: {  	(tag) =	ssettag $0x2  }
0x26: {  	s0 =	rddreg [dreg:$0x0];
	s2 =	stileid.u32  }
0x27: {  	s1 =	rddreg [dreg:$0x1];
	p0 =	sne.s32 s2, $0x0  }
0x28: {  	s3 =	rddreg [dreg:$0x2];
	[bflag:$0x3] =	sbarrier.arrive $0xFFFF;
	s2 =	simm.s32 @!p0 $0x1C02  }
0x29: {  	[timem:s3], [sflag:s2] =	dma.local @!p0 [hbm:s0], s1  }
0x2a: {  	s0 =	simm.s32 @!p0 $0x2  }
0x2b: {  	_ =	swait.ge @!p0 [sflag:s0], s1  }
0x2c: {  	s1 =	ssub.s32 @!p0 $0x0, s1;
	[sflag:s0] =	ssyncset.done @!p0 $0x0  }
0x2d: {  	[sflag:s0] =	ssyncadd.s32 @!p0 s1  }
0x2e: {  	[bflag:$0x3] =	sbarrier.arrive $0xFFFF  }
0x2f: {  	_ =	shalt  }

// kernel: kernel.28.cloned.1.call-start
scs
__scs_entry_jumppad:
0x0: {  	(pc) =	sbr.rel $0x88, $3  }
0x1: {  	(tag) =	ssettag $0x0;
	lr =	simm.s32 $0x1  }
0x2: {  	[smem:$0x3F8E] =	sst lr;
	_ =	strace $0xD0000000  }
0x3: {  	_ = 	snop  }
0x4: {  	_ = 	snop  }
0x5: {  	_ = 	snop  }
0x6: {  	_ = 	snop  }
0x7: {  	_ = 	snop  }
__scs_overlays_trampoline_lowered:
0x8: {  	[smem:$0x3F9D] =	sst s0  }
0x9: {  	[smem:$0x3F9E] =	sst s1  }
0xa: {  	[smem:$0x3F9F] =	sst s2  }
0xb: {  	[smem:$0x3FA0] =	sst s3  }
0xc: {  	[smem:$0x3FA1] =	sst s4  }
0xd: {  	[smem:$0x3FA2] =	sst s5  }
0xe: {  	[smem:$0x3FA3] =	sst s6  }
0xf: {  	[smem:$0x3FA4] =	sst s7  }
0x10: {  	[smem:$0x3FA5] =	sst s8  }
0x11: {  	[smem:$0x3FA6] =	sst s9;
	s0 =	simm.s32 @!p0 $0x0  }
0x12: {  	s1 =	sld [smem:$0x3F8C];
	s0 =	simm.s32 @p0 $0x1  }
0x13: {  	[smem:$0x3FA7] =	sst s0;
	s0 =	simm.s32 @!p1 $0x0  }
0x14: {  	s2 =	sld [smem:$0x3F8B];
	s0 =	simm.s32 @p1 $0x1  }
0x15: {  	[smem:$0x3FA8] =	sst s0;
	s0 =	simm.s32 @!p2 $0x0  }
0x16: {  	s3 =	sld [smem:$0x3FDB];
	s0 =	simm.s32 @p2 $0x1  }
0x17: {  	s4 =	simm.s32 $0x1BF5;
	[smem:$0x3FAA] =	sst s0  }
0x18: {  	s0 =	sld [smem:$0x3F8D];
	_ =	swait.ge [sflag:s4], $0x0  }
0x19: {  	s7 =	sld [smem:$0x3F8E]  }
0x1a: {  	s8 =	sadd.s32 $0xFFFFE003, lr  }
0x1b: {  	s9 =	sadd.s32 $0xFFFFFEF7, lr;
	s5 =	simm.s32 $0xFFFFFFFF;
	p2 =	slt.u32 s8, $0xFFFFF086  }
0x1c: {  	p1 =	slt.u32 s9, $0xF7A;
	s5 =	simm.s32 @!p2 $0x0  }
0x1d: {  	s5 =	simm.s32 @p1 $0x1;
	p0 =	seq.s32 s7, s2  }
0x1e: {  	s7 =	smul.u32 @!p0 $0xF7A, s2;
	p2 =	seq.s32 @!p0 s5, $0x0  }
0x1f: {  	s9 =	smul.u32 $0xF7A, s1;
	s8 =	simm.s32 @!p0 $0x1BF5;
	p2 =	por !p2, p0  }
0x20: {  	[sflag:s8] =	ssyncset.s32 @!p0 $0xFFFFF086;
	s6 =	sadd.s32 @!p0 s3, s7;
	s7 =	simm.s32 @!p0 $0x108  }
0x21: {  	s3 =	sadd.s32 s3, s9;
	s6 =	sadd.s32 @!p0 $0x88, s6;
	s7 =	simm.s32 @p2 $0x1082  }
0x22: {  	[simem:s7], [sflag:s8] =	dma.local @!p0 [hbm:s6], $0xF7A  }
0x23: {  	s9 =	sor.u32 $0xD0000000, s2;
	s6 =	simm.s32 $0x108;
	_ =	swait.ge @!p0 [sflag:s8], $0x0  }
0x24: {  	s3 =	sadd.s32 $0x88, s3;
	s6 =	simm.s32 @!p1 $0x1082;
	[sflag:s4] =	ssyncset.s32 $0xFFFFF086  }
0x25: {  	[simem:s6], [sflag:s4] =	dma.local [hbm:s3], $0xF7A  }
0x26: {  	[smem:$0x3F8E] =	sst s1;
	(tag) =	ssettag s2;
	_ =	strace s9  }
0x27: {  	s1 =	sld [smem:$0x3F9E]  }
0x28: {  	s2 =	sld [smem:$0x3F9F]  }
0x29: {  	s4 =	sld [smem:$0x3FA1]  }
0x2a: {  	p0 =	seq.s32 s5, $0x0;
	s5 =	sld [smem:$0x3FA2]  }
0x2b: {  	s6 =	sld [smem:$0x3FA3]  }
0x2c: {  	s7 =	sld [smem:$0x3FA4]  }
0x2d: {  	s3 =	simm.s32 $0x108;
	s8 =	sld [smem:$0x3FA5]  }
0x2e: {  	s3 =	simm.s32 @!p0 $0x1082;
	s9 =	sld [smem:$0x3FA6]  }
0x2f: {  	lr =	sadd.s32 s0, s3;
	s0 =	sld [smem:$0x3F9D]  }
0x30: {  	s3 =	sld [smem:$0x3FA0]  }
0x31: {  	[smem:$0x3FA9] =	sst s10  }
0x32: {  	s10 =	sld [smem:$0x3FA7];
	_ =	sdelay $0x3  }
0x33: {  	p0 =	seq.s32 s10, $0x1;
	s10 =	sld [smem:$0x3FA9];
	_ =	sdelay $0x3  }
0x34: {  	[smem:$0x3FA9] =	sst s10  }
0x35: {  	s10 =	sld [smem:$0x3FA8];
	_ =	sdelay $0x3  }
0x36: {  	p1 =	seq.s32 s10, $0x1;
	s10 =	sld [smem:$0x3FA9];
	_ =	sdelay $0x3  }
0x37: {  	[smem:$0x3FA9] =	sst s10  }
0x38: {  	s10 =	sld [smem:$0x3FAA]  }
0x39: {  	_ = 	snop;
	(pc) =	sbr.ind lr, $3  }
0x3a: {  	_ = 	snop  }
0x3b: {  	_ = 	snop  }
0x3c: {  	p2 =	seq.s32 s10, $0x1;
	s10 =	sld [smem:$0x3FA9]  }
0x3d: {  	_ =	shalt  }
0x3e: {  	_ =	shalt  }
0x3f: {  	_ =	shalt  }
0x40: {  	_ =	shalt  }
0x41: {  	_ =	shalt  }
0x42: {  	_ =	shalt  }
0x43: {  	_ =	shalt  }
0x44: {  	_ =	shalt  }
0x45: {  	_ =	shalt  }
0x46: {  	_ =	shalt  }
0x47: {  	_ =	shalt  }
0x48: {  	_ =	shalt  }
0x49: {  	_ =	shalt  }
0x4a: {  	_ =	shalt  }
0x4b: {  	_ =	shalt  }
0x4c: {  	_ =	shalt  }
0x4d: {  	_ =	shalt  }
0x4e: {  	_ =	shalt  }
0x4f: {  	_ =	shalt  }
0x50: {  	_ =	shalt  }
0x51: {  	_ =	shalt  }
0x52: {  	_ =	shalt  }
0x53: {  	_ =	shalt  }
0x54: {  	_ =	shalt  }
0x55: {  	_ =	shalt  }
0x56: {  	_ =	shalt  }
0x57: {  	_ =	shalt  }
0x58: {  	_ =	shalt  }
0x59: {  	_ =	shalt  }
0x5a: {  	_ =	shalt  }
0x5b: {  	_ =	shalt  }
0x5c: {  	_ =	shalt  }
0x5d: {  	_ =	shalt  }
0x5e: {  	_ =	shalt  }
0x5f: {  	_ =	shalt  }
0x60: {  	_ =	shalt  }
0x61: {  	_ =	shalt  }
0x62: {  	_ =	shalt  }
0x63: {  	_ =	shalt  }
0x64: {  	_ =	shalt  }
0x65: {  	_ =	shalt  }
0x66: {  	_ =	shalt  }
0x67: {  	_ =	shalt  }
0x68: {  	_ =	shalt  }
0x69: {  	_ =	shalt  }
0x6a: {  	_ =	shalt  }
0x6b: {  	_ =	shalt  }
0x6c: {  	_ =	shalt  }
0x6d: {  	_ =	shalt  }
0x6e: {  	_ =	shalt  }
0x6f: {  	_ =	shalt  }
0x70: {  	_ =	shalt  }
0x71: {  	_ =	shalt  }
0x72: {  	_ =	shalt  }
0x73: {  	_ =	shalt  }
0x74: {  	_ =	shalt  }
0x75: {  	_ =	shalt  }
0x76: {  	_ =	shalt  }
0x77: {  	_ =	shalt  }
0x78: {  	_ =	shalt  }
0x79: {  	_ =	shalt  }
0x7a: {  	_ =	shalt  }
0x7b: {  	_ =	shalt  }
0x7c: {  	_ =	shalt  }
0x7d: {  	_ =	shalt  }
0x7e: {  	_ =	shalt  }
0x7f: {  	_ =	shalt  }
0x80: {  	_ =	shalt  }
0x81: {  	_ =	shalt  }
0x82: {  	_ =	shalt  }
0x83: {  	_ =	shalt  }
0x84: {  	_ =	shalt  }
0x85: {  	_ =	shalt  }
0x86: {  	_ =	shalt  }
0x87: {  	_ =	shalt  }
.Lfunc_end0:
.L_simem_size_0:
called_computation.5_lowered:
.L_overlay_start_0:
0x88: {  	s2 =	sld [smem:$0x3FD9]  }
0x89: {  	s3 =	sld [smem:$0x3FFE];
	_ =	sdelay $0x1  }
0x8a: {  	s1 =	srdreg.scid  }
0x8b: {  	s0 =	sand.u32 $0x1, s1  }
0x8c: {  	s16 =	sshll.u32 s0, $0xA;
	s2 =	sadd.s32 s3, s2  }
0x8d: {  	s2 =	sadd.s32 s2, s16  }
0x8e: {  	[smem:$0x3FB5] =	sst s2  }
0x8f: {  	_ = 	snop  }
0x90: {  	(tm) =	ssettm $0x1  }
0x91: {  	s17 =	sld [smem:$0x3FFB];
	_ =	sdelay $0x3  }
0x92: {  	_ =	strace s17  }
0x93: {  	s2 =	sld [smem:$0x3FFC];
	_ =	sdelay $0x3  }
0x94: {  	_ =	strace s2  }
0x95: {  	s2 =	sld [smem:$0x3FFD];
	_ =	sdelay $0x3  }
0x96: {  	_ =	strace s2  }
0x97: {  	_ =	strace $0x8FFFFFFF  }
0x98: {  	s18 =	sld [smem:$0x3FDB];
	_ =	sdelay $0x1  }
0x99: {  	s19 =	simm.s32 $_scs_section_size  }
0x9a: {  	s4 =	simm.s32 $_size__tile_overlayer_lowered;
	s5 =	simm.s32 $_tile_overlayer_lowered  }
0x9b: {  	s22 =	simm.s32 $0x1BFF;
	s21 =	sshll.u32 s5, $0x1;
	s2 =	sadd.s32 s19, s18  }
0x9c: {  	s6 =	simm.s32 $0x0;
	s20 =	sshll.u32 s4, $0x1;
	s4 =	sadd.s32 s21, s2  }
0x9d: {  	[timem:s6], [sflag:s22] =	dma.local [hbm:s4], s20  }
0x9e: {  	_ =	swait.ge [sflag:s22], s20  }
0x9f: {  	s3 =	ssub.s32 $0x0, s20;
	[sflag:s22] =	ssyncset.done $0x0  }
0xa0: {  	[sflag:s22] =	ssyncadd.s32 s3;
	_ =	sdelay $0x1  }
0xa1: {  	s23 =	simm.s32 $0x1B8B  }
0xa2: {  	_ =	swait.ge [sflag:s23], $0x1  }
0xa3: {  	[sflag:s23] =	ssyncset.done $0x0  }
0xa4: {  	s25 =	simm.s32 $0x1B8E;
	s24 =	sld [smem:$0x3FFE];
	[sflag:s23] =	ssyncadd.s32 $0xFFFFFFFF  }
0xa5: {  	s26 =	simm.s32 $execute0_lowered;
	[smem:$0x3FD2] =	sst s25  }
0xa6: {  	s4 =	sshll.u32 s26, $0x1;
	_ =	strace $0x8000005B;
	[dreg:$0x1] =	wrdreg $0xFFFFFFFF  }
0xa7: {  	s28 =	simm.s32 $_size_execute0_lowered;
	s2 =	sadd.s32 s2, s4;
	[dreg:$0x0] =	wrdreg $0x0  }
0xa8: {  	s4 =	sshll.u32 s28, $0x1;
	[dreg:$0x2] =	wrdreg s2  }
0xa9: {  	[dreg:$0x3] =	wrdreg s4  }
0xaa: {  	[dreg:$0x4] =	wrdreg $0xC0  }
0xab: {  	_ =	task [dreg:s6], $0x5FFFF  }
0xac: {  	[dreg:$0x1] =	wrdreg $0xFFFFFFFF  }
0xad: {  	[dreg:$0x0] =	wrdreg $0x60  }
0xae: {  	[dreg:$0x2] =	wrdreg s24  }
0xaf: {  	[dreg:$0x3] =	wrdreg $0x5D000  }
0xb0: {  	[dreg:$0x4] =	wrdreg $0x9  }
0xb1: {  	_ =	task.clear_ibuf [dreg:s6], $0x5FFFF;
	_ =	strace $0x9000005B  }
0xb2: {  	s29 =	simm.s32 $0x9;
	_ =	strace $0x8000005D  }
0xb3: {  	_ =	swait.ge [sflag:s29], $0x1  }
0xb4: {  	[sflag:s29] =	ssyncadd.s32 $0xFFFFFFFF  }
0xb5: {  	_ =	strace $0x9000005D  }
0xb6: {  	_ =	sfence  }
0xb7: {  	s30 =	sld [smem:$0x0];
	_ =	sdelay $0x2  }
0xb8: {  	s31 =	sshll.u32 s1, $0xD;
	s1 =	sshrl.u32 s1, $0x2  }
0xb9: {  	s3 =	sand.u32 $0x4000, s31;
	s1 =	sadd.s32 s1, s30  }
0xba: {  	s0 =	sor.u32 s3, s0;
	s1 =	sshll.u32 s1, $0x11  }
0xbb: {  	s0 =	sor.u32 s1, s0  }
0xbc: {  	s0 =	sadd.s32 $0x8F2B, s0  }
0xbd: {  	[sflag:s0] =	ssyncadd.remote.s32 $0x1  }
0xbe: {  	_ =	sfence.sel $0xFFFF  }
0xbf: {  	[dreg:$0x0] =	wrdreg $0xFFFFFFFF;
	(pc) =	sbr.abs _section_cstart, $3  }
0xc0: {  	[dreg:$0x1] =	wrdreg $0xFFFFFFFF  }
0xc1: {  	_ =	task.clear_ibuf [dreg:s6], $0x2FFFF;
	_ =	strace $0x9FFFFFFF  }
0xc2: {  	(tm) =	ssettm $0x7FFFFFFF  }
0xc3: {  	_ =	shalt  }
tec
execute0_lowered:
.L_overlay_start_1:
0x0: {  	(tag) =	ssettag $0x1  }
0x1: {  	s6 =	rddreg [dreg:$0x0]  }
0x2: {  	s2 =	rddreg [dreg:$0x1]  }
0x3: {  	s0 =	rddreg [dreg:$0x2];
	s4 =	srdreg.scid  }
0x4: {  	s3 =	simm.s32 $0x0;
	s1 =	stileid.u32;
	s14 =	simm.s32 $0x80  }
0x5: {  	s15 =	simm.s32 $0x100;
	s17 =	simm.s32 $0x5C80;
	s18 =	simm.s32 $0x0  }
0x6: {  	s7 =	sand.u32 $0x1, s4;
	[smem:$0x7FF] =	sst s3;
	s5 =	sshll.u32 s1, $0x4  }
0x7: {  	s10 =	sadd.s32 $0x6A400, s6;
	s12 =	smul.u32 $0x13C00, s1;
	s4 =	sshll.u32 s7, $0x8  }
0x8: {  	_ =	strace $0x8000005C;
	s29 =	ssub.s32 $0x2, s7;
	s9 =	smul.u32 $0x13C000, s7  }
0x9: {  	s8 =	sor.u32 s5, s4;
	s4 =	smul.u32 $0x278, s1;
	s30 =	sshrl.u32 s29, $0x1  }
0xa: {  	s5 =	sadd.s32 $0x62200, s6;
	s8 =	sadd.s32 s8, s6;
	s13 =	ssub.s32 s29, s30  }
0xb: {  	s12 =	sadd.s32 s12, s9;
	s16 =	sadd.s32 $0x268, s4;
	s6 =	sadd.s32 $0x6A200, s8  }
0xc: {  	s7 =	sadd.s32 $0x62000, s8;
	s8 =	smax.u32 s13, $0x1;
	s11 =	sshll.u32 s16, $0x7  }
0xd: {  	v0 =	vlaneseq.u32;
	s31 =	sshrl.u32 s12, $0x3;
	s12 =	simm.s32 $0x4100;
	s11 =	sadd.s32 s9, s11  }
0xe: {  	s13 =	simm.s32 $0x2;
	v1 =	vadd.s32 s16, v0;
	s16 =	simm.s32 $0x1;
	s11 =	sshrl.u32 s11, $0x3  }
0xf: {  	v2 =	vimm.f32 $0.0e+00;
	s9 =	sadd.s32 s10, s11;
	s10 =	sadd.s32 s31, s10;
	s11 =	simm.s32 $0x10  }
.LBB2_1:
0x10: {  	s19 =	simm.s32 $0x0;
	s20 =	simm.s32 $0x200  }
.LBB2_2:
0x11: {  	p0 =	sne.s32 s20, $0x1E00;
	[tilespmem:s19+$0x4170] =	vst v2  }
0x12: {  	[tilespmem:s19+$0x4100] =	vst v2  }
0x13: {  	[tilespmem:s19+$0x4110] =	vst v2  }
.Ltmp0:
0x14: {  	[tilespmem:s19+$0x4120] =	vst v2;
	(pc) =	sbr.rel @p0 .LBB2_2-.Ltmp0, $4  }
0x15: {  	[tilespmem:s19+$0x4130] =	vst v2  }
0x16: {  	[tilespmem:s19+$0x4140] =	vst v2  }
0x17: {  	[tilespmem:s19+$0x4150] =	vst v2  }
0x18: {  	[tilespmem:s19+$0x4160] =	vst v2;
	s19 =	sshra.s32 s20, $0x2;
	s20 =	sadd.s32 $0x200, s20  }
0x19: {  	[tilespmem:s19+$0x4170] =	vst v2  }
0x1a: {  	[tilespmem:s19+$0x4100] =	vst v2  }
0x1b: {  	[tilespmem:s19+$0x4110] =	vst v2  }
0x1c: {  	[tilespmem:s19+$0x4120] =	vst v2  }
0x1d: {  	[tilespmem:s19+$0x4130] =	vst v2  }
0x1e: {  	[tilespmem:s19+$0x4140] =	vst v2  }
0x1f: {  	[tilespmem:s19+$0x4150] =	vst v2  }
0x20: {  	[tilespmem:s19+$0x4160] =	vst v2;
	s19 =	simm.s32 $0x200;
	v3 =	vadd.s32 s4, v0;
	s21 =	simm.s32 $0x0;
	s20 =	smov.u32 s4  }
.LBB2_4:
0x21: {  	p0 =	sne.s32 s19, $0x4C00  }
0x22: {  	[tilespmem:s21+$0x4900] =	vst v3;
	s20 =	sadd.s32 $0x10, s20;
	s21 =	smov.u32 s19;
	s19 =	sadd.s32 $0x200, s19  }
.Ltmp1:
0x23: {  	(pc) =	sbr.rel @p0 .LBB2_4-.Ltmp1, $2  }
0x24: {  	_ =	sdelay $0x2  }
0x25: {  	v3 =	vadd.s32 s20, v0;
	s21 =	sshra.s32 s21, $0x2  }
0x26: {  	[tilespmem:s21+$0x4900] =	vst v3  }
0x27: {  	s19 =	simm.s32 $0x4900;
	[tilespmem:$0x5C80] =	vst v1  }
0x28: {  	[spmem:s2] =	stream.indirect.scatter [tilespmem:s12], [sflag:$0x2], $0x80, s19, s11, $0xb8;
	[tilespmem:$0x19900] =	vst v63  }
0x29: {  	s19 =	simm.s32 $0x200;
	_ =	swait.ge [sflag:s13], $0x800  }
.LBB2_6:
0x2a: {  	s20 =	sshra.s32 s19, $0x2;
	[sflag:s13] =	ssyncset.done $0x0;
	p0 =	sne.s32 s19, $0x4E00  }
.Ltmp2:
0x2b: {  	s20 =	sadd.s32 $0x4900, s20;
	[sflag:s13] =	ssyncadd.s32 $0xFFFFF800;
	(pc) =	sbr.rel @p0 .LBB2_6-.Ltmp2, $3  }
0x2c: {  	[spmem:s2] =	stream.indirect.scatter [tilespmem:s12], [sflag:$0x2], $0x80, s20, s11, $0xb8;
	[tilespmem:$0x19900] =	vst v63  }
0x2d: {  	s19 =	sadd.s32 $0x200, s19;
	_ =	sdelay $0x1  }
0x2e: {  	_ =	swait.ge [sflag:s13], $0x800  }
0x2f: {  	[sflag:s13] =	ssyncset.done $0x0  }
0x30: {  	[sflag:s13] =	ssyncadd.s32 $0xFFFFF800  }
0x31: {  	s19 =	simm.s32 $0x0;
	[bflag:$0x0] =	sbarrier.arrive $0xFFFF  }
0x32: {  	[tilespmem:s19], [sflag:$0x2] =	stream.linear.gather [hbm4b:s6+s19], $0x80, $0x38;
	[tilespmem:$0x19900] =	vst v63  }
0x33: {  	_ =	swait.ge [sflag:s13], $0x80  }
0x34: {  	[sflag:s13] =	ssyncset.done $0x0  }
0x35: {  	[sflag:s13] =	ssyncadd.s32 $0xFFFFFF80  }
0x36: {  	[tilespmem:s14], [sflag:$0x2] =	stream.linear.gather [hbm4b:s7+s19], $0x80, $0x38;
	[tilespmem:$0x19900] =	vst v63  }
0x37: {  	_ =	swait.ge [sflag:s13], $0x80  }
0x38: {  	[sflag:s13] =	ssyncset.done $0x0  }
0x39: {  	[sflag:s13] =	ssyncadd.s32 $0xFFFFFF80  }
0x3a: {  	[tilespmem:s15], [sflag:$0x1] =	stream.indirect.gather [hbm4b:s5+s14], $0x80, s19, s14, $0xb8;
	[tilespmem:$0x19900] =	vst v63  }
0x3b: {  	_ =	swait.ge [sflag:s16], $0x4000  }
0x3c: {  	[sflag:s16] =	ssyncset.done $0x0  }
0x3d: {  	[sflag:s16] =	ssyncadd.s32 $0xFFFFC000  }
0x3e: {  	[spmem:s2] =	stream.indirect.scatter.add.f32 [tilespmem:s15], [sflag:$0x2], $0x80, s14, s14, $0xb8;
	[tilespmem:$0x19900] =	vst v63  }
0x3f: {  	_ =	swait.ge [sflag:s13], $0x4000  }
0x40: {  	[sflag:s13] =	ssyncset.done $0x0  }
0x41: {  	[sflag:s13] =	ssyncadd.s32 $0xFFFFC000  }
0x42: {  	s19 =	simm.s32 $0x4900;
	[bflag:$0x0] =	sbarrier.arrive $0xFFFF  }
0x43: {  	[tilespmem:s12], [sflag:$0x1] =	stream.indirect.gather [spmem:s2], $0x80, s19, s11, $0xb8;
	[tilespmem:$0x19900] =	vst v63  }
0x44: {  	_ =	swait.ge [sflag:s16], $0x800  }
0x45: {  	[sflag:s16] =	ssyncset.done $0x0  }
0x46: {  	s20 =	sadd.s32 $0x0, s10;
	[sflag:s16] =	ssyncadd.s32 $0xFFFFF800  }
0x47: {  	[hbm4b:s20+s3] =	stream.linear.scatter [tilespmem:s12], [sflag:$0x2], $0x800, $0x38;
	[tilespmem:$0x19900] =	vst v63  }
0x48: {  	_ =	swait.ge [sflag:s13], $0x800  }
0x49: {  	s20 =	simm.s32 $0x100;
	[sflag:s13] =	ssyncset.done $0x0  }
.LBB2_8:
0x4a: {  	p0 =	sne.s32 s20, $0x2600;
	[sflag:s13] =	ssyncadd.s32 $0xFFFFF800;
	s19 =	sadd.s32 $0x80, s19  }
0x4b: {  	[tilespmem:s12], [sflag:$0x1] =	stream.indirect.gather [spmem:s2], $0x80, s19, s11, $0xb8;
	[tilespmem:$0x19900] =	vst v63  }
0x4c: {  	s21 =	smov.u32 s20;
	s20 =	sadd.s32 $0x100, s20;
	_ =	swait.ge [sflag:s16], $0x800  }
.Ltmp3:
0x4d: {  	[sflag:s16] =	ssyncset.done $0x0;
	(pc) =	sbr.rel @p0 .LBB2_8-.Ltmp3, $4  }
0x4e: {  	s21 =	sadd.s32 s21, s10;
	[sflag:s16] =	ssyncadd.s32 $0xFFFFF800  }
0x4f: {  	[hbm4b:s21+s3] =	stream.linear.scatter [tilespmem:s12], [sflag:$0x2], $0x800, $0x38;
	[tilespmem:$0x19900] =	vst v63  }
0x50: {  	_ =	swait.ge [sflag:s13], $0x800  }
0x51: {  	[sflag:s13] =	ssyncset.done $0x0  }
0x52: {  	[sflag:s13] =	ssyncadd.s32 $0xFFFFF800  }
0x53: {  	[tilespmem:s12], [sflag:$0x1] =	stream.indirect.gather [spmem:s2], $0x80, s17, s11, $0xb8;
	[tilespmem:$0x19900] =	vst v63  }
0x54: {  	s18 =	sadd.s32 $0x1, s18;
	_ =	swait.ge [sflag:s16], $0x800  }
0x55: {  	p0 =	sne.s32 s18, s8;
	[sflag:s16] =	ssyncset.done $0x0  }
.Ltmp4:
0x56: {  	[sflag:s16] =	ssyncadd.s32 $0xFFFFF800;
	(pc) =	sbr.rel @p0 .LBB2_1-.Ltmp4, $4  }
0x57: {  	[hbm4b:s9+s3] =	stream.linear.scatter [tilespmem:s12], [sflag:$0x2], $0x800, $0x38;
	[tilespmem:$0x19900] =	vst v63  }
0x58: {  	_ =	swait.ge [sflag:s13], $0x800  }
0x59: {  	[sflag:s13] =	ssyncset.done $0x0  }
0x5a: {  	[sflag:s13] =	ssyncadd.s32 $0xFFFFF800  }
0x5b: {  	_ =	sfence.sel $0x180000  }
0x5c: {  	[bflag:$0x0] =	sbarrier.arrive $0xFFFF  }
0x5d: {  	p0 =	sne.s32 s1, $0x0;
	_ =	strace $0x9000005C  }
0x5e: {  	s0 =	sadd.s32 @!p0 $0x100000, s0;
	[bflag:$0x2] =	sbarrier.arrive $0xFFFF  }
0x5f: {  	[sflag:s0] =	ssyncadd.tile.s32 @!p0 $0x1;
	_ =	shalt  }
.Lfunc_end2:
_tile_overlayer_lowered:
.L_overlay_start_2:
0x60: {  	(tag) =	ssettag $0x2  }
0x61: {  	s0 =	rddreg [dreg:$0x0];
	s2 =	stileid.u32  }
0x62: {  	s1 =	rddreg [dreg:$0x1];
	p0 =	sne.s32 s2, $0x0  }
0x63: {  	s3 =	rddreg [dreg:$0x2];
	[bflag:$0x3] =	sbarrier.arrive $0xFFFF;
	s2 =	simm.s32 @!p0 $0x1C02  }
0x64: {  	[timem:s3], [sflag:s2] =	dma.local @!p0 [hbm:s0], s1  }
0x65: {  	s0 =	simm.s32 @!p0 $0x2  }
0x66: {  	_ =	swait.ge @!p0 [sflag:s0], s1  }
0x67: {  	s1 =	ssub.s32 @!p0 $0x0, s1;
	[sflag:s0] =	ssyncset.done @!p0 $0x0  }
0x68: {  	[sflag:s0] =	ssyncadd.s32 @!p0 s1  }
0x69: {  	[bflag:$0x3] =	sbarrier.arrive $0xFFFF  }
0x6a: {  	_ =	shalt  }

// kernel: kernel.31.cloned.1.call-start
scs
__scs_entry_jumppad:
0x0: {  	(pc) =	sbr.rel $0x88, $3  }
0x1: {  	(tag) =	ssettag $0x0;
	lr =	simm.s32 $0x1  }
0x2: {  	[smem:$0x3F8E] =	sst lr;
	_ =	strace $0xD0000000  }
0x3: {  	_ = 	snop  }
0x4: {  	_ = 	snop  }
0x5: {  	_ = 	snop  }
0x6: {  	_ = 	snop  }
0x7: {  	_ = 	snop  }
__scs_overlays_trampoline_lowered:
0x8: {  	[smem:$0x3F9D] =	sst s0  }
0x9: {  	[smem:$0x3F9E] =	sst s1  }
0xa: {  	[smem:$0x3F9F] =	sst s2  }
0xb: {  	[smem:$0x3FA0] =	sst s3  }
0xc: {  	[smem:$0x3FA1] =	sst s4  }
0xd: {  	[smem:$0x3FA2] =	sst s5  }
0xe: {  	[smem:$0x3FA3] =	sst s6  }
0xf: {  	[smem:$0x3FA4] =	sst s7  }
0x10: {  	[smem:$0x3FA5] =	sst s8  }
0x11: {  	[smem:$0x3FA6] =	sst s9;
	s0 =	simm.s32 @!p0 $0x0  }
0x12: {  	s1 =	sld [smem:$0x3F8C];
	s0 =	simm.s32 @p0 $0x1  }
0x13: {  	[smem:$0x3FA7] =	sst s0;
	s0 =	simm.s32 @!p1 $0x0  }
0x14: {  	s2 =	sld [smem:$0x3F8B];
	s0 =	simm.s32 @p1 $0x1  }
0x15: {  	[smem:$0x3FA8] =	sst s0;
	s0 =	simm.s32 @!p2 $0x0  }
0x16: {  	s3 =	sld [smem:$0x3FDB];
	s0 =	simm.s32 @p2 $0x1  }
0x17: {  	s4 =	simm.s32 $0x1BF5;
	[smem:$0x3FAA] =	sst s0  }
0x18: {  	s0 =	sld [smem:$0x3F8D];
	_ =	swait.ge [sflag:s4], $0x0  }
0x19: {  	s7 =	sld [smem:$0x3F8E]  }
0x1a: {  	s8 =	sadd.s32 $0xFFFFE003, lr  }
0x1b: {  	s9 =	sadd.s32 $0xFFFFFEF7, lr;
	s5 =	simm.s32 $0xFFFFFFFF;
	p2 =	slt.u32 s8, $0xFFFFF086  }
0x1c: {  	p1 =	slt.u32 s9, $0xF7A;
	s5 =	simm.s32 @!p2 $0x0  }
0x1d: {  	s5 =	simm.s32 @p1 $0x1;
	p0 =	seq.s32 s7, s2  }
0x1e: {  	s7 =	smul.u32 @!p0 $0xF7A, s2;
	p2 =	seq.s32 @!p0 s5, $0x0  }
0x1f: {  	s9 =	smul.u32 $0xF7A, s1;
	s8 =	simm.s32 @!p0 $0x1BF5;
	p2 =	por !p2, p0  }
0x20: {  	[sflag:s8] =	ssyncset.s32 @!p0 $0xFFFFF086;
	s6 =	sadd.s32 @!p0 s3, s7;
	s7 =	simm.s32 @!p0 $0x108  }
0x21: {  	s3 =	sadd.s32 s3, s9;
	s6 =	sadd.s32 @!p0 $0x88, s6;
	s7 =	simm.s32 @p2 $0x1082  }
0x22: {  	[simem:s7], [sflag:s8] =	dma.local @!p0 [hbm:s6], $0xF7A  }
0x23: {  	s9 =	sor.u32 $0xD0000000, s2;
	s6 =	simm.s32 $0x108;
	_ =	swait.ge @!p0 [sflag:s8], $0x0  }
0x24: {  	s3 =	sadd.s32 $0x88, s3;
	s6 =	simm.s32 @!p1 $0x1082;
	[sflag:s4] =	ssyncset.s32 $0xFFFFF086  }
0x25: {  	[simem:s6], [sflag:s4] =	dma.local [hbm:s3], $0xF7A  }
0x26: {  	[smem:$0x3F8E] =	sst s1;
	(tag) =	ssettag s2;
	_ =	strace s9  }
0x27: {  	s1 =	sld [smem:$0x3F9E]  }
0x28: {  	s2 =	sld [smem:$0x3F9F]  }
0x29: {  	s4 =	sld [smem:$0x3FA1]  }
0x2a: {  	p0 =	seq.s32 s5, $0x0;
	s5 =	sld [smem:$0x3FA2]  }
0x2b: {  	s6 =	sld [smem:$0x3FA3]  }
0x2c: {  	s7 =	sld [smem:$0x3FA4]  }
0x2d: {  	s3 =	simm.s32 $0x108;
	s8 =	sld [smem:$0x3FA5]  }
0x2e: {  	s3 =	simm.s32 @!p0 $0x1082;
	s9 =	sld [smem:$0x3FA6]  }
0x2f: {  	lr =	sadd.s32 s0, s3;
	s0 =	sld [smem:$0x3F9D]  }
0x30: {  	s3 =	sld [smem:$0x3FA0]  }
0x31: {  	[smem:$0x3FA9] =	sst s10  }
0x32: {  	s10 =	sld [smem:$0x3FA7];
	_ =	sdelay $0x3  }
0x33: {  	p0 =	seq.s32 s10, $0x1;
	s10 =	sld [smem:$0x3FA9];
	_ =	sdelay $0x3  }
0x34: {  	[smem:$0x3FA9] =	sst s10  }
0x35: {  	s10 =	sld [smem:$0x3FA8];
	_ =	sdelay $0x3  }
0x36: {  	p1 =	seq.s32 s10, $0x1;
	s10 =	sld [smem:$0x3FA9];
	_ =	sdelay $0x3  }
0x37: {  	[smem:$0x3FA9] =	sst s10  }
0x38: {  	s10 =	sld [smem:$0x3FAA]  }
0x39: {  	_ = 	snop;
	(pc) =	sbr.ind lr, $3  }
0x3a: {  	_ = 	snop  }
0x3b: {  	_ = 	snop  }
0x3c: {  	p2 =	seq.s32 s10, $0x1;
	s10 =	sld [smem:$0x3FA9]  }
0x3d: {  	_ =	shalt  }
0x3e: {  	_ =	shalt  }
0x3f: {  	_ =	shalt  }
0x40: {  	_ =	shalt  }
0x41: {  	_ =	shalt  }
0x42: {  	_ =	shalt  }
0x43: {  	_ =	shalt  }
0x44: {  	_ =	shalt  }
0x45: {  	_ =	shalt  }
0x46: {  	_ =	shalt  }
0x47: {  	_ =	shalt  }
0x48: {  	_ =	shalt  }
0x49: {  	_ =	shalt  }
0x4a: {  	_ =	shalt  }
0x4b: {  	_ =	shalt  }
0x4c: {  	_ =	shalt  }
0x4d: {  	_ =	shalt  }
0x4e: {  	_ =	shalt  }
0x4f: {  	_ =	shalt  }
0x50: {  	_ =	shalt  }
0x51: {  	_ =	shalt  }
0x52: {  	_ =	shalt  }
0x53: {  	_ =	shalt  }
0x54: {  	_ =	shalt  }
0x55: {  	_ =	shalt  }
0x56: {  	_ =	shalt  }
0x57: {  	_ =	shalt  }
0x58: {  	_ =	shalt  }
0x59: {  	_ =	shalt  }
0x5a: {  	_ =	shalt  }
0x5b: {  	_ =	shalt  }
0x5c: {  	_ =	shalt  }
0x5d: {  	_ =	shalt  }
0x5e: {  	_ =	shalt  }
0x5f: {  	_ =	shalt  }
0x60: {  	_ =	shalt  }
0x61: {  	_ =	shalt  }
0x62: {  	_ =	shalt  }
0x63: {  	_ =	shalt  }
0x64: {  	_ =	shalt  }
0x65: {  	_ =	shalt  }
0x66: {  	_ =	shalt  }
0x67: {  	_ =	shalt  }
0x68: {  	_ =	shalt  }
0x69: {  	_ =	shalt  }
0x6a: {  	_ =	shalt  }
0x6b: {  	_ =	shalt  }
0x6c: {  	_ =	shalt  }
0x6d: {  	_ =	shalt  }
0x6e: {  	_ =	shalt  }
0x6f: {  	_ =	shalt  }
0x70: {  	_ =	shalt  }
0x71: {  	_ =	shalt  }
0x72: {  	_ =	shalt  }
0x73: {  	_ =	shalt  }
0x74: {  	_ =	shalt  }
0x75: {  	_ =	shalt  }
0x76: {  	_ =	shalt  }
0x77: {  	_ =	shalt  }
0x78: {  	_ =	shalt  }
0x79: {  	_ =	shalt  }
0x7a: {  	_ =	shalt  }
0x7b: {  	_ =	shalt  }
0x7c: {  	_ =	shalt  }
0x7d: {  	_ =	shalt  }
0x7e: {  	_ =	shalt  }
0x7f: {  	_ =	shalt  }
0x80: {  	_ =	shalt  }
0x81: {  	_ =	shalt  }
0x82: {  	_ =	shalt  }
0x83: {  	_ =	shalt  }
0x84: {  	_ =	shalt  }
0x85: {  	_ =	shalt  }
0x86: {  	_ =	shalt  }
0x87: {  	_ =	shalt  }
.Lfunc_end0:
.L_simem_size_0:
called_computation.6_lowered:
.L_overlay_start_0:
0x88: {  	s2 =	sld [smem:$0x3FD9]  }
0x89: {  	s3 =	sld [smem:$0x3FFE];
	_ =	sdelay $0x1  }
0x8a: {  	s1 =	srdreg.scid  }
0x8b: {  	s0 =	sand.u32 $0x1, s1  }
0x8c: {  	s17 =	sshll.u32 s0, $0xA;
	s2 =	sadd.s32 s3, s2  }
0x8d: {  	s2 =	sadd.s32 s2, s17  }
0x8e: {  	[smem:$0x3FB5] =	sst s2  }
0x8f: {  	_ = 	snop  }
0x90: {  	s2 =	sld [smem:$0x3FD0];
	(tm) =	ssettm $0x1  }
0x91: {  	s18 =	sld [smem:$0x3FFB];
	_ =	sdelay $0x3  }
0x92: {  	_ =	strace s18  }
0x93: {  	s3 =	sld [smem:$0x3FFC];
	_ =	sdelay $0x3  }
0x94: {  	_ =	strace s3  }
0x95: {  	s3 =	sld [smem:$0x3FFD];
	_ =	sdelay $0x3  }
0x96: {  	_ =	strace s3  }
0x97: {  	_ =	strace $0x8FFFFFFF  }
0x98: {  	s19 =	sld [smem:$0x3FDB];
	_ =	sdelay $0x1  }
0x99: {  	s4 =	simm.s32 $_scs_section_size  }
0x9a: {  	s5 =	simm.s32 $_size__tile_overlayer_lowered;
	s6 =	simm.s32 $_tile_overlayer_lowered  }
0x9b: {  	s22 =	simm.s32 $0x1BFF;
	s21 =	sshll.u32 s6, $0x1;
	s3 =	sadd.s32 s4, s19  }
0x9c: {  	s7 =	simm.s32 $0x0;
	s20 =	sshll.u32 s5, $0x1;
	s5 =	sadd.s32 s21, s3  }
0x9d: {  	[timem:s7], [sflag:s22] =	dma.local [hbm:s5], s20  }
0x9e: {  	_ =	swait.ge [sflag:s22], s20  }
0x9f: {  	s4 =	ssub.s32 $0x0, s20;
	[sflag:s22] =	ssyncset.done $0x0  }
0xa0: {  	[sflag:s22] =	ssyncadd.s32 s4;
	_ =	sdelay $0x1  }
0xa1: {  	s23 =	simm.s32 $0x1B8B  }
0xa2: {  	_ =	swait.ge [sflag:s23], $0x1  }
0xa3: {  	[sflag:s23] =	ssyncset.done $0x0  }
0xa4: {  	s25 =	simm.s32 $0x1B8E;
	s24 =	sld [smem:$0x3FFE];
	[sflag:s23] =	ssyncadd.s32 $0xFFFFFFFF  }
0xa5: {  	s26 =	simm.s32 $execute0_lowered;
	[smem:$0x3FD2] =	sst s25  }
0xa6: {  	s5 =	sshll.u32 s26, $0x1;
	_ =	strace $0x8000005E;
	[dreg:$0x1] =	wrdreg $0xFFFFFFFF  }
0xa7: {  	s28 =	simm.s32 $_size_execute0_lowered;
	s3 =	sadd.s32 s3, s5;
	[dreg:$0x0] =	wrdreg $0x0  }
0xa8: {  	s5 =	sshll.u32 s28, $0x1;
	[dreg:$0x2] =	wrdreg s3  }
0xa9: {  	[dreg:$0x3] =	wrdreg s5  }
0xaa: {  	[dreg:$0x4] =	wrdreg $0xC0  }
0xab: {  	_ =	task [dreg:s7], $0x5FFFF  }
0xac: {  	[dreg:$0x1] =	wrdreg $0xFFFFFFFF  }
0xad: {  	[dreg:$0x0] =	wrdreg $0x60  }
0xae: {  	[dreg:$0x2] =	wrdreg s2  }
0xaf: {  	[dreg:$0x3] =	wrdreg s24  }
0xb0: {  	[dreg:$0x4] =	wrdreg $0x5D000  }
0xb1: {  	[dreg:$0x5] =	wrdreg $0x9  }
0xb2: {  	_ =	task.clear_ibuf [dreg:s7], $0x6FFFF;
	_ =	strace $0x9000005E  }
0xb3: {  	s29 =	simm.s32 $0x9;
	_ =	strace $0x80000060  }
0xb4: {  	_ =	swait.ge [sflag:s29], $0x1  }
0xb5: {  	[sflag:s29] =	ssyncadd.s32 $0xFFFFFFFF  }
0xb6: {  	_ =	strace $0x90000060  }
0xb7: {  	_ =	sfence  }
0xb8: {  	s30 =	sld [smem:$0x0];
	_ =	sdelay $0x2  }
0xb9: {  	s31 =	sshll.u32 s1, $0xD;
	s1 =	sshrl.u32 s1, $0x2  }
0xba: {  	s3 =	sand.u32 $0x4000, s31;
	s1 =	sadd.s32 s1, s30  }
0xbb: {  	s0 =	sor.u32 s3, s0;
	s1 =	sshll.u32 s1, $0x11  }
0xbc: {  	s0 =	sor.u32 s1, s0  }
0xbd: {  	s0 =	sadd.s32 $0x8F2B, s0  }
0xbe: {  	[sflag:s0] =	ssyncadd.remote.s32 $0x1  }
0xbf: {  	_ =	sfence.sel $0xFFFF  }
0xc0: {  	[dreg:$0x0] =	wrdreg $0xFFFFFFFF;
	(pc) =	sbr.abs _section_cstart, $3  }
0xc1: {  	[dreg:$0x1] =	wrdreg $0xFFFFFFFF  }
0xc2: {  	_ =	task.clear_ibuf [dreg:s7], $0x2FFFF;
	_ =	strace $0x9FFFFFFF  }
0xc3: {  	(tm) =	ssettm $0x7FFFFFFF  }
tec
execute0_lowered:
.L_overlay_start_1:
0x0: {  	(tag) =	ssettag $0x1  }
0x1: {  	s1 =	rddreg [dreg:$0x0]  }
0x2: {  	s7 =	rddreg [dreg:$0x1]  }
0x3: {  	s3 =	rddreg [dreg:$0x2]  }
0x4: {  	s0 =	rddreg [dreg:$0x3]  }
0x5: {  	s5 =	srdreg.scid;
	s2 =	stileid.u32  }
0x6: {  	s4 =	simm.s32 $0x0;
	s6 =	sand.u32 $0x1, s5;
	s5 =	smul.u32 $0x278, s2  }
0x7: {  	s14 =	simm.s32 $0x80;
	s15 =	simm.s32 $0x100;
	s12 =	smul.u32 $0x4F0, s2  }
0x8: {  	s17 =	simm.s32 $0x5C80;
	s18 =	simm.s32 $0x0;
	s13 =	smul.u32 $0x13C00, s2  }
0x9: {  	[smem:$0x7FF] =	sst s4;
	s8 =	smul.u32 $0x13C000, s6;
	s9 =	ssub.s32 $0x2, s6  }
0xa: {  	s10 =	sadd.s32 $0x3AE00, s7;
	s11 =	smul.u32 $0x4F00, s6;
	s29 =	sshrl.u32 s9, $0x1  }
0xb: {  	_ =	strace $0x8000005F;
	s16 =	sadd.s32 $0x268, s5;
	s6 =	ssub.s32 s9, s29  }
0xc: {  	v0 =	vlaneseq.u32;
	s30 =	sshll.u32 s16, $0x7;
	s7 =	sadd.s32 s11, s7;
	s31 =	sadd.s32 s13, s8  }
0xd: {  	s13 =	simm.s32 $0x2;
	v1 =	vadd.s32 s16, v0;
	s16 =	simm.s32 $0x1;
	s9 =	sadd.s32 s8, s30  }
0xe: {  	s6 =	smax.u32 s6, $0x1;
	s7 =	sadd.s32 s12, s7;
	s9 =	sshrl.u32 s9, $0x3  }
0xf: {  	s11 =	sshrl.u32 s31, $0x3;
	s12 =	simm.s32 $0x4100;
	s8 =	sadd.s32 s10, s9  }
0x10: {  	v2 =	vimm.f32 $0.0e+00;
	s9 =	sadd.s32 $0x9E00, s7;
	s10 =	sadd.s32 s11, s10;
	s11 =	simm.s32 $0x10  }
.LBB2_1:
0x11: {  	s19 =	simm.s32 $0x0;
	s20 =	simm.s32 $0x200  }
.LBB2_2:
0x12: {  	p0 =	sne.s32 s20, $0x1E00;
	[tilespmem:s19+$0x4170] =	vst v2  }
0x13: {  	[tilespmem:s19+$0x4100] =	vst v2  }
0x14: {  	[tilespmem:s19+$0x4110] =	vst v2  }
.Ltmp0:
0x15: {  	[tilespmem:s19+$0x4120] =	vst v2;
	(pc) =	sbr.rel @p0 .LBB2_2-.Ltmp0, $4  }
0x16: {  	[tilespmem:s19+$0x4130] =	vst v2  }
0x17: {  	[tilespmem:s19+$0x4140] =	vst v2  }
0x18: {  	[tilespmem:s19+$0x4150] =	vst v2  }
0x19: {  	[tilespmem:s19+$0x4160] =	vst v2;
	s19 =	sshra.s32 s20, $0x2;
	s20 =	sadd.s32 $0x200, s20  }
0x1a: {  	[tilespmem:s19+$0x4170] =	vst v2  }
0x1b: {  	[tilespmem:s19+$0x4100] =	vst v2  }
0x1c: {  	[tilespmem:s19+$0x4110] =	vst v2  }
0x1d: {  	[tilespmem:s19+$0x4120] =	vst v2  }
0x1e: {  	[tilespmem:s19+$0x4130] =	vst v2  }
0x1f: {  	[tilespmem:s19+$0x4140] =	vst v2  }
0x20: {  	[tilespmem:s19+$0x4150] =	vst v2  }
0x21: {  	[tilespmem:s19+$0x4160] =	vst v2;
	s19 =	simm.s32 $0x200;
	v3 =	vadd.s32 s5, v0;
	s21 =	simm.s32 $0x0;
	s20 =	smov.u32 s5  }
.LBB2_4:
0x22: {  	p0 =	sne.s32 s19, $0x4C00  }
0x23: {  	[tilespmem:s21+$0x4900] =	vst v3;
	s20 =	sadd.s32 $0x10, s20;
	s21 =	smov.u32 s19;
	s19 =	sadd.s32 $0x200, s19  }
.Ltmp1:
0x24: {  	(pc) =	sbr.rel @p0 .LBB2_4-.Ltmp1, $2  }
0x25: {  	_ =	sdelay $0x2  }
0x26: {  	v3 =	vadd.s32 s20, v0;
	s21 =	sshra.s32 s21, $0x2  }
0x27: {  	[tilespmem:s21+$0x4900] =	vst v3  }
0x28: {  	s19 =	simm.s32 $0x4900;
	[tilespmem:$0x5C80] =	vst v1  }
0x29: {  	[spmem:s3] =	stream.indirect.scatter [tilespmem:s12], [sflag:$0x2], $0x80, s19, s11, $0xb8;
	[tilespmem:$0x19900] =	vst v63  }
0x2a: {  	s19 =	simm.s32 $0x200;
	_ =	swait.ge [sflag:s13], $0x800  }
.LBB2_6:
0x2b: {  	s20 =	sshra.s32 s19, $0x2;
	[sflag:s13] =	ssyncset.done $0x0;
	p0 =	sne.s32 s19, $0x4E00  }
.Ltmp2:
0x2c: {  	s20 =	sadd.s32 $0x4900, s20;
	[sflag:s13] =	ssyncadd.s32 $0xFFFFF800;
	(pc) =	sbr.rel @p0 .LBB2_6-.Ltmp2, $3  }
0x2d: {  	[spmem:s3] =	stream.indirect.scatter [tilespmem:s12], [sflag:$0x2], $0x80, s20, s11, $0xb8;
	[tilespmem:$0x19900] =	vst v63  }
0x2e: {  	s19 =	sadd.s32 $0x200, s19;
	_ =	sdelay $0x1  }
0x2f: {  	_ =	swait.ge [sflag:s13], $0x800  }
0x30: {  	[sflag:s13] =	ssyncset.done $0x0  }
0x31: {  	[sflag:s13] =	ssyncadd.s32 $0xFFFFF800  }
0x32: {  	s19 =	sadd.s32 $0x0, s7;
	[bflag:$0x0] =	sbarrier.arrive $0xFFFF  }
0x33: {  	[tilespmem:s4], [sflag:$0x2] =	stream.linear.gather [hbm4b:s19+s4], $0x80, $0x38;
	[tilespmem:$0x19900] =	vst v63  }
0x34: {  	_ =	swait.ge [sflag:s13], $0x80  }
0x35: {  	[sflag:s13] =	ssyncset.done $0x0  }
0x36: {  	s31 =	sadd.s32 $0x0, s9;
	[sflag:s13] =	ssyncadd.s32 $0xFFFFFF80  }
0x37: {  	[tilespmem:s14], [sflag:$0x2] =	stream.linear.gather [hbm4b:s31+s4], $0x80, $0x38;
	[tilespmem:$0x19900] =	vst v63  }
0x38: {  	_ =	swait.ge [sflag:s13], $0x80  }
0x39: {  	[sflag:s13] =	ssyncset.done $0x0  }
0x3a: {  	[sflag:s13] =	ssyncadd.s32 $0xFFFFFF80  }
0x3b: {  	[tilespmem:s15], [sflag:$0x1] =	stream.indirect.gather [hbm4b:s1+s14], $0x80, s4, s14, $0xb8;
	[tilespmem:$0x19900] =	vst v63  }
0x3c: {  	_ =	swait.ge [sflag:s16], $0x4000  }
0x3d: {  	[sflag:s16] =	ssyncset.done $0x0  }
0x3e: {  	[sflag:s16] =	ssyncadd.s32 $0xFFFFC000  }
0x3f: {  	[spmem:s3] =	stream.indirect.scatter.add.f32 [tilespmem:s15], [sflag:$0x2], $0x80, s14, s14, $0xb8;
	[tilespmem:$0x19900] =	vst v63  }
0x40: {  	_ =	swait.ge [sflag:s13], $0x4000  }
0x41: {  	s20 =	simm.s32 $0x20;
	s19 =	simm.s32 $0x10;
	[sflag:s13] =	ssyncset.done $0x0  }
.LBB2_8:
0x42: {  	s21 =	sadd.s32 s19, s7  }
0x43: {  	[sflag:s13] =	ssyncadd.s32 $0xFFFFC000;
	s22 =	smov.u32 s20;
	s23 =	sadd.s32 $0x10, s20  }
0x44: {  	[tilespmem:s4], [sflag:$0x2] =	stream.linear.gather [hbm4b:s21+s4], $0x80, $0x38;
	[tilespmem:$0x19900] =	vst v63  }
0x45: {  	p0 =	sne.s32 s20, $0x4E0;
	_ =	swait.ge [sflag:s13], $0x80  }
0x46: {  	[sflag:s13] =	ssyncset.done $0x0  }
0x47: {  	s20 =	sadd.s32 s19, s9;
	s19 =	smov.u32 s22;
	[sflag:s13] =	ssyncadd.s32 $0xFFFFFF80  }
0x48: {  	[tilespmem:s14], [sflag:$0x2] =	stream.linear.gather [hbm4b:s20+s4], $0x80, $0x38;
	[tilespmem:$0x19900] =	vst v63  }
0x49: {  	_ =	swait.ge [sflag:s13], $0x80  }
0x4a: {  	[sflag:s13] =	ssyncset.done $0x0  }
0x4b: {  	[sflag:s13] =	ssyncadd.s32 $0xFFFFFF80  }
0x4c: {  	[tilespmem:s15], [sflag:$0x1] =	stream.indirect.gather [hbm4b:s1+s14], $0x80, s4, s14, $0xb8;
	[tilespmem:$0x19900] =	vst v63  }
0x4d: {  	_ =	swait.ge [sflag:s16], $0x4000  }
.Ltmp3:
0x4e: {  	[sflag:s16] =	ssyncset.done $0x0;
	(pc) =	sbr.rel @p0 .LBB2_8-.Ltmp3, $4  }
0x4f: {  	[sflag:s16] =	ssyncadd.s32 $0xFFFFC000  }
0x50: {  	[spmem:s3] =	stream.indirect.scatter.add.f32 [tilespmem:s15], [sflag:$0x2], $0x80, s14, s14, $0xb8;
	[tilespmem:$0x19900] =	vst v63  }
0x51: {  	_ =	swait.ge [sflag:s13], $0x4000  }
0x52: {  	s20 =	smov.u32 s23;
	[sflag:s13] =	ssyncset.done $0x0  }
0x53: {  	s20 =	sadd.s32 s19, s7;
	[sflag:s13] =	ssyncadd.s32 $0xFFFFC000  }
0x54: {  	[tilespmem:s4], [sflag:$0x2] =	stream.linear.gather [hbm4b:s20+s4], $0x80, $0x38;
	[tilespmem:$0x19900] =	vst v63  }
0x55: {  	_ =	swait.ge [sflag:s13], $0x80  }
0x56: {  	[sflag:s13] =	ssyncset.done $0x0  }
0x57: {  	s30 =	sadd.s32 s19, s9;
	[sflag:s13] =	ssyncadd.s32 $0xFFFFFF80  }
0x58: {  	[tilespmem:s14], [sflag:$0x2] =	stream.linear.gather [hbm4b:s30+s4], $0x80, $0x38;
	[tilespmem:$0x19900] =	vst v63  }
0x59: {  	_ =	swait.ge [sflag:s13], $0x80  }
0x5a: {  	[sflag:s13] =	ssyncset.done $0x0  }
0x5b: {  	[sflag:s13] =	ssyncadd.s32 $0xFFFFFF80  }
0x5c: {  	[tilespmem:s15], [sflag:$0x1] =	stream.indirect.gather [hbm4b:s1+s14], $0x80, s4, s14, $0xb8;
	[tilespmem:$0x19900] =	vst v63  }
0x5d: {  	_ =	swait.ge [sflag:s16], $0x4000  }
0x5e: {  	[sflag:s16] =	ssyncset.done $0x0  }
0x5f: {  	[sflag:s16] =	ssyncadd.s32 $0xFFFFC000  }
0x60: {  	[spmem:s3] =	stream.indirect.scatter.add.f32 [tilespmem:s15], [sflag:$0x2], $0x80, s14, s14, $0xb8;
	[tilespmem:$0x19900] =	vst v63  }
0x61: {  	_ =	swait.ge [sflag:s13], $0x4000  }
0x62: {  	[sflag:s13] =	ssyncset.done $0x0  }
0x63: {  	[sflag:s13] =	ssyncadd.s32 $0xFFFFC000  }
0x64: {  	s19 =	simm.s32 $0x4900;
	[bflag:$0x0] =	sbarrier.arrive $0xFFFF  }
0x65: {  	[tilespmem:s12], [sflag:$0x1] =	stream.indirect.gather [spmem:s3], $0x80, s19, s11, $0xb8;
	[tilespmem:$0x19900] =	vst v63  }
0x66: {  	_ =	swait.ge [sflag:s16], $0x800  }
0x67: {  	[sflag:s16] =	ssyncset.done $0x0  }
0x68: {  	s31 =	sadd.s32 $0x0, s10;
	[sflag:s16] =	ssyncadd.s32 $0xFFFFF800  }
0x69: {  	[hbm4b:s31+s4] =	stream.linear.scatter [tilespmem:s12], [sflag:$0x2], $0x800, $0x38;
	[tilespmem:$0x19900] =	vst v63  }
0x6a: {  	_ =	swait.ge [sflag:s13], $0x800  }
0x6b: {  	s20 =	simm.s32 $0x100;
	[sflag:s13] =	ssyncset.done $0x0  }
.LBB2_10:
0x6c: {  	p0 =	sne.s32 s20, $0x2600;
	[sflag:s13] =	ssyncadd.s32 $0xFFFFF800;
	s19 =	sadd.s32 $0x80, s19  }
0x6d: {  	[tilespmem:s12], [sflag:$0x1] =	stream.indirect.gather [spmem:s3], $0x80, s19, s11, $0xb8;
	[tilespmem:$0x19900] =	vst v63  }
0x6e: {  	s21 =	smov.u32 s20;
	s20 =	sadd.s32 $0x100, s20;
	_ =	swait.ge [sflag:s16], $0x800  }
.Ltmp4:
0x6f: {  	[sflag:s16] =	ssyncset.done $0x0;
	(pc) =	sbr.rel @p0 .LBB2_10-.Ltmp4, $4  }
0x70: {  	s21 =	sadd.s32 s21, s10;
	[sflag:s16] =	ssyncadd.s32 $0xFFFFF800  }
0x71: {  	[hbm4b:s21+s4] =	stream.linear.scatter [tilespmem:s12], [sflag:$0x2], $0x800, $0x38;
	[tilespmem:$0x19900] =	vst v63  }
0x72: {  	_ =	swait.ge [sflag:s13], $0x800  }
0x73: {  	[sflag:s13] =	ssyncset.done $0x0  }
0x74: {  	[sflag:s13] =	ssyncadd.s32 $0xFFFFF800  }
0x75: {  	[tilespmem:s12], [sflag:$0x1] =	stream.indirect.gather [spmem:s3], $0x80, s17, s11, $0xb8;
	[tilespmem:$0x19900] =	vst v63  }
0x76: {  	s18 =	sadd.s32 $0x1, s18;
	_ =	swait.ge [sflag:s16], $0x800  }
0x77: {  	p0 =	sne.s32 s18, s6;
	[sflag:s16] =	ssyncset.done $0x0  }
.Ltmp5:
0x78: {  	[sflag:s16] =	ssyncadd.s32 $0xFFFFF800;
	(pc) =	sbr.rel @p0 .LBB2_1-.Ltmp5, $4  }
0x79: {  	[hbm4b:s8+s4] =	stream.linear.scatter [tilespmem:s12], [sflag:$0x2], $0x800, $0x38;
	[tilespmem:$0x19900] =	vst v63  }
0x7a: {  	_ =	swait.ge [sflag:s13], $0x800  }
0x7b: {  	[sflag:s13] =	ssyncset.done $0x0  }
0x7c: {  	[sflag:s13] =	ssyncadd.s32 $0xFFFFF800  }
0x7d: {  	_ =	sfence.sel $0x180000  }
0x7e: {  	[bflag:$0x0] =	sbarrier.arrive $0xFFFF  }
0x7f: {  	p0 =	sne.s32 s2, $0x0;
	_ =	strace $0x9000005F  }
0x80: {  	s0 =	sadd.s32 @!p0 $0x100000, s0;
	[bflag:$0x2] =	sbarrier.arrive $0xFFFF  }
0x81: {  	[sflag:s0] =	ssyncadd.tile.s32 @!p0 $0x1;
	_ =	shalt  }
.Lfunc_end2:
_tile_overlayer_lowered:
.L_overlay_start_2:
0x82: {  	(tag) =	ssettag $0x2  }
0x83: {  	s0 =	rddreg [dreg:$0x0];
	s2 =	stileid.u32  }
0x84: {  	s1 =	rddreg [dreg:$0x1];
	p0 =	sne.s32 s2, $0x0  }
0x85: {  	s3 =	rddreg [dreg:$0x2];
	[bflag:$0x3] =	sbarrier.arrive $0xFFFF;
	s2 =	simm.s32 @!p0 $0x1C02  }
0x86: {  	[timem:s3], [sflag:s2] =	dma.local @!p0 [hbm:s0], s1  }
0x87: {  	s0 =	simm.s32 @!p0 $0x2  }
0x88: {  	_ =	swait.ge @!p0 [sflag:s0], s1  }
0x89: {  	s1 =	ssub.s32 @!p0 $0x0, s1;
	[sflag:s0] =	ssyncset.done @!p0 $0x0  }
0x8a: {  	[sflag:s0] =	ssyncadd.s32 @!p0 s1  }
0x8b: {  	[bflag:$0x3] =	sbarrier.arrive $0xFFFF  }
0x8c: {  	_ =	shalt  }

// kernel: scatter_offload_async_start.1
scs
__scs_entry_jumppad:
0x0: {  	(pc) =	sbr.rel $0x88, $3  }
0x1: {  	(tag) =	ssettag $0x0;
	lr =	simm.s32 $0x1  }
0x2: {  	[smem:$0x3F8E] =	sst lr;
	_ =	strace $0xD0000000  }
0x3: {  	_ = 	snop  }
0x4: {  	_ = 	snop  }
0x5: {  	_ = 	snop  }
0x6: {  	_ = 	snop  }
0x7: {  	_ = 	snop  }
__scs_overlays_trampoline_lowered:
0x8: {  	[smem:$0x3F9D] =	sst s0  }
0x9: {  	[smem:$0x3F9E] =	sst s1  }
0xa: {  	[smem:$0x3F9F] =	sst s2  }
0xb: {  	[smem:$0x3FA0] =	sst s3  }
0xc: {  	[smem:$0x3FA1] =	sst s4  }
0xd: {  	[smem:$0x3FA2] =	sst s5  }
0xe: {  	[smem:$0x3FA3] =	sst s6  }
0xf: {  	[smem:$0x3FA4] =	sst s7  }
0x10: {  	[smem:$0x3FA5] =	sst s8  }
0x11: {  	[smem:$0x3FA6] =	sst s9;
	s0 =	simm.s32 @!p0 $0x0  }
0x12: {  	s1 =	sld [smem:$0x3F8C];
	s0 =	simm.s32 @p0 $0x1  }
0x13: {  	[smem:$0x3FA7] =	sst s0;
	s0 =	simm.s32 @!p1 $0x0  }
0x14: {  	s2 =	sld [smem:$0x3F8B];
	s0 =	simm.s32 @p1 $0x1  }
0x15: {  	[smem:$0x3FA8] =	sst s0;
	s0 =	simm.s32 @!p2 $0x0  }
0x16: {  	s3 =	sld [smem:$0x3FDB];
	s0 =	simm.s32 @p2 $0x1  }
0x17: {  	s4 =	simm.s32 $0x1BF5;
	[smem:$0x3FAA] =	sst s0  }
0x18: {  	s0 =	sld [smem:$0x3F8D];
	_ =	swait.ge [sflag:s4], $0x0  }
0x19: {  	s7 =	sld [smem:$0x3F8E]  }
0x1a: {  	s8 =	sadd.s32 $0xFFFFE003, lr  }
0x1b: {  	s9 =	sadd.s32 $0xFFFFFEF7, lr;
	s5 =	simm.s32 $0xFFFFFFFF;
	p2 =	slt.u32 s8, $0xFFFFF086  }
0x1c: {  	p1 =	slt.u32 s9, $0xF7A;
	s5 =	simm.s32 @!p2 $0x0  }
0x1d: {  	s5 =	simm.s32 @p1 $0x1;
	p0 =	seq.s32 s7, s2  }
0x1e: {  	s7 =	smul.u32 @!p0 $0xF7A, s2;
	p2 =	seq.s32 @!p0 s5, $0x0  }
0x1f: {  	s9 =	smul.u32 $0xF7A, s1;
	s8 =	simm.s32 @!p0 $0x1BF5;
	p2 =	por !p2, p0  }
0x20: {  	[sflag:s8] =	ssyncset.s32 @!p0 $0xFFFFF086;
	s6 =	sadd.s32 @!p0 s3, s7;
	s7 =	simm.s32 @!p0 $0x108  }
0x21: {  	s3 =	sadd.s32 s3, s9;
	s6 =	sadd.s32 @!p0 $0x88, s6;
	s7 =	simm.s32 @p2 $0x1082  }
0x22: {  	[simem:s7], [sflag:s8] =	dma.local @!p0 [hbm:s6], $0xF7A  }
0x23: {  	s9 =	sor.u32 $0xD0000000, s2;
	s6 =	simm.s32 $0x108;
	_ =	swait.ge @!p0 [sflag:s8], $0x0  }
0x24: {  	s3 =	sadd.s32 $0x88, s3;
	s6 =	simm.s32 @!p1 $0x1082;
	[sflag:s4] =	ssyncset.s32 $0xFFFFF086  }
0x25: {  	[simem:s6], [sflag:s4] =	dma.local [hbm:s3], $0xF7A  }
0x26: {  	[smem:$0x3F8E] =	sst s1;
	(tag) =	ssettag s2;
	_ =	strace s9  }
0x27: {  	s1 =	sld [smem:$0x3F9E]  }
0x28: {  	s2 =	sld [smem:$0x3F9F]  }
0x29: {  	s4 =	sld [smem:$0x3FA1]  }
0x2a: {  	p0 =	seq.s32 s5, $0x0;
	s5 =	sld [smem:$0x3FA2]  }
0x2b: {  	s6 =	sld [smem:$0x3FA3]  }
0x2c: {  	s7 =	sld [smem:$0x3FA4]  }
0x2d: {  	s3 =	simm.s32 $0x108;
	s8 =	sld [smem:$0x3FA5]  }
0x2e: {  	s3 =	simm.s32 @!p0 $0x1082;
	s9 =	sld [smem:$0x3FA6]  }
0x2f: {  	lr =	sadd.s32 s0, s3;
	s0 =	sld [smem:$0x3F9D]  }
0x30: {  	s3 =	sld [smem:$0x3FA0]  }
0x31: {  	[smem:$0x3FA9] =	sst s10  }
0x32: {  	s10 =	sld [smem:$0x3FA7];
	_ =	sdelay $0x3  }
0x33: {  	p0 =	seq.s32 s10, $0x1;
	s10 =	sld [smem:$0x3FA9];
	_ =	sdelay $0x3  }
0x34: {  	[smem:$0x3FA9] =	sst s10  }
0x35: {  	s10 =	sld [smem:$0x3FA8];
	_ =	sdelay $0x3  }
0x36: {  	p1 =	seq.s32 s10, $0x1;
	s10 =	sld [smem:$0x3FA9];
	_ =	sdelay $0x3  }
0x37: {  	[smem:$0x3FA9] =	sst s10  }
0x38: {  	s10 =	sld [smem:$0x3FAA]  }
0x39: {  	_ = 	snop;
	(pc) =	sbr.ind lr, $3  }
0x3a: {  	_ = 	snop  }
0x3b: {  	_ = 	snop  }
0x3c: {  	p2 =	seq.s32 s10, $0x1;
	s10 =	sld [smem:$0x3FA9]  }
0x3d: {  	_ =	shalt  }
0x3e: {  	_ =	shalt  }
0x3f: {  	_ =	shalt  }
0x40: {  	_ =	shalt  }
0x41: {  	_ =	shalt  }
0x42: {  	_ =	shalt  }
0x43: {  	_ =	shalt  }
0x44: {  	_ =	shalt  }
0x45: {  	_ =	shalt  }
0x46: {  	_ =	shalt  }
0x47: {  	_ =	shalt  }
0x48: {  	_ =	shalt  }
0x49: {  	_ =	shalt  }
0x4a: {  	_ =	shalt  }
0x4b: {  	_ =	shalt  }
0x4c: {  	_ =	shalt  }
0x4d: {  	_ =	shalt  }
0x4e: {  	_ =	shalt  }
0x4f: {  	_ =	shalt  }
0x50: {  	_ =	shalt  }
0x51: {  	_ =	shalt  }
0x52: {  	_ =	shalt  }
0x53: {  	_ =	shalt  }
0x54: {  	_ =	shalt  }
0x55: {  	_ =	shalt  }
0x56: {  	_ =	shalt  }
0x57: {  	_ =	shalt  }
0x58: {  	_ =	shalt  }
0x59: {  	_ =	shalt  }
0x5a: {  	_ =	shalt  }
0x5b: {  	_ =	shalt  }
0x5c: {  	_ =	shalt  }
0x5d: {  	_ =	shalt  }
0x5e: {  	_ =	shalt  }
0x5f: {  	_ =	shalt  }
0x60: {  	_ =	shalt  }
0x61: {  	_ =	shalt  }
0x62: {  	_ =	shalt  }
0x63: {  	_ =	shalt  }
0x64: {  	_ =	shalt  }
0x65: {  	_ =	shalt  }
0x66: {  	_ =	shalt  }
0x67: {  	_ =	shalt  }
0x68: {  	_ =	shalt  }
0x69: {  	_ =	shalt  }
0x6a: {  	_ =	shalt  }
0x6b: {  	_ =	shalt  }
0x6c: {  	_ =	shalt  }
0x6d: {  	_ =	shalt  }
0x6e: {  	_ =	shalt  }
0x6f: {  	_ =	shalt  }
0x70: {  	_ =	shalt  }
0x71: {  	_ =	shalt  }
0x72: {  	_ =	shalt  }
0x73: {  	_ =	shalt  }
0x74: {  	_ =	shalt  }
0x75: {  	_ =	shalt  }
0x76: {  	_ =	shalt  }
0x77: {  	_ =	shalt  }
0x78: {  	_ =	shalt  }
0x79: {  	_ =	shalt  }
0x7a: {  	_ =	shalt  }
0x7b: {  	_ =	shalt  }
0x7c: {  	_ =	shalt  }
0x7d: {  	_ =	shalt  }
0x7e: {  	_ =	shalt  }
0x7f: {  	_ =	shalt  }
0x80: {  	_ =	shalt  }
0x81: {  	_ =	shalt  }
0x82: {  	_ =	shalt  }
0x83: {  	_ =	shalt  }
0x84: {  	_ =	shalt  }
0x85: {  	_ =	shalt  }
0x86: {  	_ =	shalt  }
0x87: {  	_ =	shalt  }
.Lfunc_end0:
.L_simem_size_0:
called_computation.1_lowered:
.L_overlay_start_0:
0x88: {  	s0 =	sld [smem:$0x3FD9]  }
0x89: {  	s1 =	sld [smem:$0x3FFE];
	_ =	sdelay $0x3  }
0x8a: {  	s0 =	sadd.s32 s1, s0  }
0x8b: {  	[smem:$0x3FB5] =	sst s0  }
0x8c: {  	_ = 	snop  }
0x8d: {  	(tm) =	ssettm $0x1  }
0x8e: {  	s14 =	sld [smem:$0x3FFB];
	_ =	sdelay $0x3  }
0x8f: {  	_ =	strace s14  }
0x90: {  	s0 =	sld [smem:$0x3FFC];
	_ =	sdelay $0x3  }
0x91: {  	_ =	strace s0  }
0x92: {  	s0 =	sld [smem:$0x3FFD];
	_ =	sdelay $0x3  }
0x93: {  	_ =	strace s0  }
0x94: {  	_ =	strace $0x8FFFFFFF  }
0x95: {  	s15 =	sld [smem:$0x3FDB];
	_ =	sdelay $0x1  }
0x96: {  	s16 =	simm.s32 $_scs_section_size  }
0x97: {  	s2 =	simm.s32 $_size__tile_overlayer_lowered;
	s3 =	simm.s32 $_tile_overlayer_lowered  }
0x98: {  	s4 =	simm.s32 $0x1BFF;
	s17 =	sshll.u32 s3, $0x1;
	s1 =	sadd.s32 s16, s15  }
0x99: {  	s18 =	simm.s32 $0x0;
	s2 =	sshll.u32 s2, $0x1;
	s3 =	sadd.s32 s17, s1  }
0x9a: {  	[timem:s18], [sflag:s4] =	dma.local [hbm:s3], s2  }
0x9b: {  	_ =	swait.ge [sflag:s4], s2  }
0x9c: {  	s2 =	ssub.s32 $0x0, s2;
	[sflag:s4] =	ssyncset.done $0x0  }
0x9d: {  	[sflag:s4] =	ssyncadd.s32 s2;
	_ =	sdelay $0x1  }
0x9e: {  	s19 =	simm.s32 $0x1B8B  }
0x9f: {  	_ =	swait.ge [sflag:s19], $0x1  }
0xa0: {  	[sflag:s19] =	ssyncset.done $0x0  }
0xa1: {  	s21 =	simm.s32 $0x1B8E;
	s20 =	sld [smem:$0x3FFE];
	[sflag:s19] =	ssyncadd.s32 $0xFFFFFFFF  }
0xa2: {  	s22 =	simm.s32 $execute0_lowered;
	[smem:$0x3FD2] =	sst s21  }
0xa3: {  	s3 =	sshll.u32 s22, $0x1;
	_ =	strace $0x80000052;
	[dreg:$0x1] =	wrdreg $0xFFFFFFFF  }
0xa4: {  	s23 =	simm.s32 $_size_execute0_lowered;
	s3 =	sadd.s32 s1, s3;
	[dreg:$0x0] =	wrdreg $0x0  }
0xa5: {  	s4 =	sshll.u32 s23, $0x1;
	[dreg:$0x2] =	wrdreg s3  }
0xa6: {  	[dreg:$0x3] =	wrdreg s4  }
0xa7: {  	[dreg:$0x4] =	wrdreg $0xC0  }
0xa8: {  	s24 =	simm.s32 $execute1_lowered;
	_ =	task [dreg:s18], $0x5FFFF  }
0xa9: {  	s3 =	sshll.u32 s24, $0x1;
	[dreg:$0x1] =	wrdreg $0xFFFFFFFF  }
0xaa: {  	s1 =	sadd.s32 s1, s3;
	[dreg:$0x0] =	wrdreg $0x60  }
0xab: {  	[dreg:$0x2] =	wrdreg s1  }
0xac: {  	[dreg:$0x3] =	wrdreg s20  }
0xad: {  	[dreg:$0x4] =	wrdreg $0xB  }
0xae: {  	_ =	task.clear_ibuf [dreg:s18], $0x5FFFF;
	_ =	strace $0x90000052  }
0xaf: {  	s25 =	simm.s32 $0xB;
	_ =	strace $0x80000054  }
0xb0: {  	_ =	swait.ge [sflag:s25], $0x1  }
0xb1: {  	[sflag:s25] =	ssyncadd.s32 $0xFFFFFFFF  }
0xb2: {  	_ =	strace $0x90000054  }
0xb3: {  	_ =	strace $0x80000055;
	[dreg:$0x1] =	wrdreg $0xFFFFFFFF  }
0xb4: {  	[dreg:$0x0] =	wrdreg $0x2030  }
0xb5: {  	[dreg:$0x2] =	wrdreg s20  }
0xb6: {  	[dreg:$0x3] =	wrdreg $0xC  }
0xb7: {  	_ =	task.clear_ibuf [dreg:s18], $0x4FFFF;
	_ =	strace $0x90000055  }
0xb8: {  	s26 =	simm.s32 $0xC;
	_ =	strace $0x80000057  }
0xb9: {  	_ =	swait.ge [sflag:s26], $0x1  }
0xba: {  	[sflag:s26] =	ssyncadd.s32 $0xFFFFFFFF  }
0xbb: {  	_ =	strace $0x90000057  }
0xbc: {  	_ =	sfence  }
0xbd: {  	s28 =	sld [smem:$0x0];
	_ =	sdelay $0x1  }
0xbe: {  	s29 =	srdreg.scid  }
0xbf: {  	s30 =	sshll.u32 s29, $0xD;
	s31 =	sshrl.u32 s29, $0x2  }
0xc0: {  	s2 =	sand.u32 $0x1, s29;
	s3 =	sand.u32 $0x4000, s30;
	s1 =	sadd.s32 s31, s28  }
0xc1: {  	s2 =	sor.u32 s3, s2;
	s1 =	sshll.u32 s1, $0x11  }
0xc2: {  	s1 =	sor.u32 s1, s2  }
0xc3: {  	s1 =	sadd.s32 $0x8F2B, s1  }
0xc4: {  	[sflag:s1] =	ssyncadd.remote.s32 $0x1  }
0xc5: {  	_ =	sfence.sel $0xFFFF  }
0xc6: {  	[dreg:$0x0] =	wrdreg $0xFFFFFFFF;
	(pc) =	sbr.abs _section_cstart, $3  }
0xc7: {  	[dreg:$0x1] =	wrdreg $0xFFFFFFFF  }
0xc8: {  	_ =	task.clear_ibuf [dreg:s18], $0x2FFFF;
	_ =	strace $0x9FFFFFFF  }
0xc9: {  	(tm) =	ssettm $0x7FFFFFFF  }
tec
execute0_lowered:
.L_overlay_start_1:
0x0: {  	(tag) =	ssettag $0x1  }
0x1: {  	s2 =	rddreg [dreg:$0x0]  }
0x2: {  	s6 =	rddreg [dreg:$0x1]  }
0x3: {  	s0 =	rddreg [dreg:$0x2];
	s3 =	stileid.u32  }
0x4: {  	[bflag:$0x3] =	sbarrier.arrive $0xFFFF;
	s1 =	simm.s32 $_size_execute1_lowered;
	p0 =	sne.s32 s3, $0x0  }
0x5: {  	s1 =	sshll.u32 s1, $0x1;
	s4 =	simm.s32 @!p0 $0x1C3F;
	s5 =	simm.s32 @!p0 $0x4060  }
0x6: {  	[timem:s5], [sflag:s4] =	dma.local @!p0 [hbm:s2], s1  }
0x7: {  	s7 =	simm.s32 $0x1;
	s8 =	simm.s32 $0x2;
	s2 =	sshll.u32 s3, $0xE  }
0x8: {  	s10 =	simm.s32 $0x0;
	s9 =	simm.s32 $0x0;
	s30 =	ssub.s32 $0x1400000, s2  }
.Ltmp0:
0x9: {  	s3 =	sadd.s32 $0x8A600, s6;
	s31 =	sand.u32 $0x3C000, s30;
	(pc) =	sbr.rel .LBB2_1-.Ltmp0, $4  }
0xa: {  	s4 =	simm.s32 $0x1;
	_ =	strace $0x80000053;
	p1 =	sne.s32 s31, $0x0  }
0xb: {  	s5 =	sshrl.u32 s30, $0x12;
	[sflag:s4] =	ssyncpa.u1 $0x0;
	s7 =	simm.s32 @!p1 $0x0  }
0xc: {  	s6 =	sadd.s32 $0x58A600, s6;
	[sflag:s8] =	ssyncpa.u1 $0x0;
	s5 =	sadd.s32 s7, s5  }
0xd: {  	s8 =	smov.u32 s2;
	p1 =	por $0x0, $0x0;
	s7 =	sadd.s32 $0x1, s5  }
.LBB2_4:
0xe: {  	[tilespmem:s11+$0xB0] =	vst v0  }
0xf: {  	[tilespmem:s11+$0xC0] =	vst v1  }
0x10: {  	[tilespmem:s11+$0xD0] =	vst v2  }
0x11: {  	[tilespmem:s11+$0xE0] =	vst v3;
	s13 =	sshrl.u32 s10, $0x3  }
0x12: {  	[tilespmem:s11+$0xFFFFFF00] =	vst v4;
	s31 =	sand.u32 $0x7, s10;
	s30 =	sadd.s32 s6, s13  }
0x13: {  	[hbm4b:s30+s31] =	stream.linear.scatter [tilespmem:s12], [sflag:$0x2], $0x4000, $0x38;
	[tilespmem:$0x10000] =	vst v63  }
.LBB2_5:
0x14: {  	s12 =	sadd.s32 $0x40000, s8  }
0x15: {  	p3 =	sgt.s32 s12, $0x13FFFFF  }
0x16: {  	s12 =	smov.u32 @p3 s2;
	p3 =	sne.s32 s9, s7  }
.Ltmp1:
0x17: {  	p2 =	slt.u32 s9, $0x2;
	(pc) =	sbr.rel @!p3 .LBB2_6-.Ltmp1, $4  }
0x18: {  	s11 =	simm.s32 @!p2 $0x2  }
0x19: {  	s13 =	sadd.s32 $0x1, s9;
	_ =	swait.ge @!p2 [sflag:s11], $0x4000  }
0x1a: {  	s10 =	smov.u32 s8;
	p1 =	por !p1, !p1;
	[sflag:s11] =	ssyncset.done @!p2 $0x0  }
0x1b: {  	s9 =	smov.u32 s13;
	s8 =	smov.u32 s12;
	[sflag:s11] =	ssyncadd.s32 @!p2 $0xFFFFC000  }
.LBB2_1:
0x1c: {  	p2 =	sge.u32 s9, s5  }
0x1d: {  	s11 =	sxor.u32 @!p2 $0xFFFFFFFF, s9  }
0x1e: {  	s31 =	sadd.s32 $0xFFFFFFFF, s9;
	s12 =	sshrl.u32 @!p2 s8, $0x3;
	s11 =	sshll.u32 @!p2 s11, $0xE  }
0x1f: {  	s13 =	sand.u32 @!p2 $0x7, s8;
	s12 =	sadd.s32 @!p2 s3, s12;
	s11 =	sand.u32 @!p2 $0x4000, s11  }
0x20: {  	[tilespmem:s11], [sflag:$0x1] =	stream.linear.gather @!p2 [hbm4b:s12+s13], $0x4000, $0x38;
	[tilespmem:$0x10000] =	vst v63  }
0x21: {  	p2 =	sge.u32 s31, s5  }
.Ltmp2:
0x22: {  	_ = 	snop;
	(pc) =	sbr.rel @p2 .LBB2_5-.Ltmp2, $1  }
0x23: {  	_ =	sdelay $0x3  }
0x24: {  	s11 =	simm.s32 $0x1  }
0x25: {  	_ =	swait.ge [sflag:s4], $0x4000;
	s11 =	simm.s32 @!p1 $0x0  }
0x26: {  	[sflag:s4] =	ssyncset.done $0x0;
	s11 =	sshll.u32 s11, $0xE  }
0x27: {  	[sflag:s4] =	ssyncadd.s32 $0xFFFFC000;
	s14 =	sor.u32 $0x100, s11  }
0x28: {  	v0 =	vld [tilespmem:s14+$0xF0]  }
0x29: {  	v1 =	vld [tilespmem:s14+$0xFFFFFF10]  }
0x2a: {  	v2 =	vld [tilespmem:s14+$0xFFFFFF20]  }
0x2b: {  	v3 =	vld [tilespmem:s14+$0xFFFFFF30]  }
0x2c: {  	s11 =	sor.u32 $0x8100, s11;
	v4 =	vld [tilespmem:s14+$0xFFFFFF40]  }
0x2d: {  	v5 =	vld [tilespmem:s14+$0xFFFFFF50];
	[tilespmem:s11+$0xF0] =	vst v0  }
0x2e: {  	[tilespmem:s11+$0xFFFFFF10] =	vst v1;
	v0 =	vld [tilespmem:s14+$0xFFFFFF60]  }
0x2f: {  	[tilespmem:s11+$0xFFFFFF20] =	vst v2;
	v1 =	vld [tilespmem:s14+$0xFFFFFF70]  }
0x30: {  	[tilespmem:s11+$0xFFFFFF30] =	vst v3;
	v2 =	vld [tilespmem:s14+$0xFFFFFF80]  }
0x31: {  	[tilespmem:s11+$0xFFFFFF40] =	vst v4;
	v3 =	vld [tilespmem:s14+$0xFFFFFF90]  }
0x32: {  	[tilespmem:s11+$0xFFFFFF50] =	vst v5;
	v4 =	vld [tilespmem:s14+$0xFFFFFFA0]  }
0x33: {  	v5 =	vld [tilespmem:s14+$0xA0];
	[tilespmem:s11+$0xFFFFFF60] =	vst v0  }
0x34: {  	v0 =	vld [tilespmem:s14+$0xFFFFFFB0];
	[tilespmem:s11+$0xFFFFFF70] =	vst v1  }
0x35: {  	v1 =	vld [tilespmem:s14+$0xFFFFFFC0];
	[tilespmem:s11+$0xFFFFFF80] =	vst v2  }
0x36: {  	v2 =	vld [tilespmem:s14+$0xFFFFFFD0];
	[tilespmem:s11+$0xFFFFFF90] =	vst v3  }
0x37: {  	v3 =	vld [tilespmem:s14+$0xFFFFFFE0];
	[tilespmem:s11+$0xFFFFFFA0] =	vst v4  }
0x38: {  	v4 =	vld [tilespmem:s14+$0xFFFFFFF0];
	[tilespmem:s11+$0xA0] =	vst v5  }
0x39: {  	[tilespmem:s11+$0xFFFFFFB0] =	vst v0;
	v0 =	vld [tilespmem:s14+$0x0]  }
0x3a: {  	[tilespmem:s11+$0xFFFFFFC0] =	vst v1;
	v1 =	vld [tilespmem:s14+$0x10]  }
0x3b: {  	[tilespmem:s11+$0xFFFFFFD0] =	vst v2;
	v2 =	vld [tilespmem:s14+$0x20]  }
0x3c: {  	[tilespmem:s11+$0xFFFFFFE0] =	vst v3;
	v3 =	vld [tilespmem:s14+$0x30]  }
0x3d: {  	[tilespmem:s11+$0xFFFFFFF0] =	vst v4;
	v4 =	vld [tilespmem:s14+$0x40]  }
0x3e: {  	[tilespmem:s11+$0x0] =	vst v0;
	v0 =	vld [tilespmem:s14+$0x50]  }
0x3f: {  	[tilespmem:s11+$0x10] =	vst v1;
	v1 =	vld [tilespmem:s14+$0x60]  }
0x40: {  	[tilespmem:s11+$0x20] =	vst v2;
	v2 =	vld [tilespmem:s14+$0x70]  }
0x41: {  	[tilespmem:s11+$0x30] =	vst v3;
	v3 =	vld [tilespmem:s14+$0x80]  }
0x42: {  	[tilespmem:s11+$0x40] =	vst v4;
	v4 =	vld [tilespmem:s14+$0x90]  }
0x43: {  	[tilespmem:s11+$0x50] =	vst v0;
	v0 =	vld [tilespmem:s14+$0xB0]  }
0x44: {  	[tilespmem:s11+$0x60] =	vst v1;
	v1 =	vld [tilespmem:s14+$0xC0]  }
0x45: {  	s12 =	sshll.u32 s9, $0xE;
	[tilespmem:s11+$0x70] =	vst v2;
	v2 =	vld [tilespmem:s14+$0xD0]  }
0x46: {  	s12 =	sand.u32 $0x4000, s12;
	[tilespmem:s11+$0x80] =	vst v3;
	v3 =	vld [tilespmem:s14+$0xE0]  }
0x47: {  	s13 =	simm.s32 $0x0;
	s12 =	sor.u32 $0x8000, s12;
	[tilespmem:s11+$0x90] =	vst v4;
	v4 =	vld [tilespmem:s14+$0xFFFFFF00];
	s14 =	sadd.s32 $0x200, s14  }
.LBB2_3:
0x48: {  	v5 =	vld [tilespmem:s14+$0xF0];
	s13 =	sadd.s32 $0x200, s13;
	[tilespmem:s11+$0xB0] =	vst v0  }
0x49: {  	v0 =	vld [tilespmem:s14+$0xFFFFFF10];
	p2 =	slt.u32 s13, $0x3E00;
	[tilespmem:s11+$0xC0] =	vst v1  }
0x4a: {  	v1 =	vld [tilespmem:s14+$0xFFFFFF20];
	[tilespmem:s11+$0xD0] =	vst v2  }
0x4b: {  	v2 =	vld [tilespmem:s14+$0xFFFFFF30];
	[tilespmem:s11+$0xE0] =	vst v3  }
0x4c: {  	v3 =	vld [tilespmem:s14+$0xFFFFFF40];
	[tilespmem:s11+$0xFFFFFF00] =	vst v4;
	s11 =	sadd.s32 $0x200, s11  }
0x4d: {  	v4 =	vld [tilespmem:s14+$0xFFFFFF50];
	[tilespmem:s11+$0xF0] =	vst v5  }
0x4e: {  	[tilespmem:s11+$0xFFFFFF10] =	vst v0;
	v0 =	vld [tilespmem:s14+$0xFFFFFF60]  }
0x4f: {  	[tilespmem:s11+$0xFFFFFF20] =	vst v1;
	v1 =	vld [tilespmem:s14+$0xFFFFFF70]  }
0x50: {  	[tilespmem:s11+$0xFFFFFF30] =	vst v2;
	v2 =	vld [tilespmem:s14+$0xFFFFFF80]  }
0x51: {  	[tilespmem:s11+$0xFFFFFF40] =	vst v3;
	v3 =	vld [tilespmem:s14+$0xFFFFFF90]  }
0x52: {  	[tilespmem:s11+$0xFFFFFF50] =	vst v4;
	v4 =	vld [tilespmem:s14+$0xFFFFFFA0]  }
0x53: {  	[tilespmem:s11+$0xFFFFFF60] =	vst v0;
	v0 =	vld [tilespmem:s14+$0xFFFFFFB0]  }
0x54: {  	[tilespmem:s11+$0xFFFFFF70] =	vst v1;
	v1 =	vld [tilespmem:s14+$0xFFFFFFC0]  }
0x55: {  	[tilespmem:s11+$0xFFFFFF80] =	vst v2;
	v2 =	vld [tilespmem:s14+$0xFFFFFFD0]  }
0x56: {  	[tilespmem:s11+$0xFFFFFF90] =	vst v3;
	v3 =	vld [tilespmem:s14+$0xFFFFFFE0]  }
0x57: {  	[tilespmem:s11+$0xFFFFFFA0] =	vst v4;
	v4 =	vld [tilespmem:s14+$0xFFFFFFF0]  }
0x58: {  	[tilespmem:s11+$0xFFFFFFB0] =	vst v0;
	v0 =	vld [tilespmem:s14+$0x0]  }
0x59: {  	[tilespmem:s11+$0xFFFFFFC0] =	vst v1;
	v1 =	vld [tilespmem:s14+$0x10]  }
0x5a: {  	[tilespmem:s11+$0xFFFFFFD0] =	vst v2;
	v2 =	vld [tilespmem:s14+$0x20]  }
0x5b: {  	[tilespmem:s11+$0xFFFFFFE0] =	vst v3;
	v3 =	vld [tilespmem:s14+$0x30]  }
0x5c: {  	[tilespmem:s11+$0xFFFFFFF0] =	vst v4;
	v4 =	vld [tilespmem:s14+$0x40]  }
0x5d: {  	[tilespmem:s11+$0x0] =	vst v0;
	v0 =	vld [tilespmem:s14+$0x50]  }
0x5e: {  	[tilespmem:s11+$0x10] =	vst v1;
	v1 =	vld [tilespmem:s14+$0x60]  }
0x5f: {  	[tilespmem:s11+$0x20] =	vst v2;
	v2 =	vld [tilespmem:s14+$0x70]  }
0x60: {  	[tilespmem:s11+$0x30] =	vst v3;
	v3 =	vld [tilespmem:s14+$0x80]  }
0x61: {  	[tilespmem:s11+$0x40] =	vst v4;
	v4 =	vld [tilespmem:s14+$0x90]  }
0x62: {  	[tilespmem:s11+$0x50] =	vst v0;
	v5 =	vld [tilespmem:s14+$0xA0]  }
.Ltmp3:
0x63: {  	[tilespmem:s11+$0x60] =	vst v1;
	v0 =	vld [tilespmem:s14+$0xB0];
	(pc) =	sbr.rel @p2 .LBB2_3-.Ltmp3, $4  }
0x64: {  	[tilespmem:s11+$0x70] =	vst v2;
	v1 =	vld [tilespmem:s14+$0xC0]  }
0x65: {  	[tilespmem:s11+$0x80] =	vst v3;
	v2 =	vld [tilespmem:s14+$0xD0]  }
0x66: {  	[tilespmem:s11+$0x90] =	vst v4;
	v3 =	vld [tilespmem:s14+$0xE0]  }
0x67: {  	v4 =	vld [tilespmem:s14+$0xFFFFFF00];
	[tilespmem:s11+$0xA0] =	vst v5;
	s14 =	sadd.s32 $0x200, s14  }
.Ltmp4:
0x68: {  	_ = 	snop;
	(pc) =	sbr.rel .LBB2_4-.Ltmp4, $1  }
0x69: {  	_ =	sdelay $0x3  }
.LBB2_6:
0x6a: {  	_ =	sfence.sel $0x180000  }
0x6b: {  	s2 =	simm.s32 $0x1;
	[bflag:$0x0] =	sbarrier.arrive $0xFFFF  }
0x6c: {  	s31 =	simm.s32 $0x2;
	[sflag:s2] =	ssyncpa.u1 $0x1  }
0x6d: {  	[sflag:s31] =	ssyncpa.u1 $0x1  }
0x6e: {  	_ =	strace $0x90000053  }
0x6f: {  	s0 =	sadd.s32 @!p0 $0x100000, s0;
	[bflag:$0x2] =	sbarrier.arrive $0xFFFF  }
0x70: {  	[sflag:s0] =	ssyncadd.tile.s32 @!p0 $0x1;
	s0 =	simm.s32 @!p0 $0x3F  }
0x71: {  	_ =	swait.ge @!p0 [sflag:s0], s1  }
0x72: {  	s1 =	ssub.s32 @!p0 $0x0, s1;
	[sflag:s0] =	ssyncset.done @!p0 $0x0  }
0x73: {  	[sflag:s0] =	ssyncadd.s32 @!p0 s1  }
0x74: {  	[bflag:$0x3] =	sbarrier.arrive $0xFFFF  }
0x75: {  	_ =	shalt  }
.Lfunc_end2:
execute1_lowered:
.L_overlay_start_2:
0x76: {  	(tag) =	ssettag $0x2  }
0x77: {  	s6 =	rddreg [dreg:$0x0]  }
0x78: {  	s0 =	rddreg [dreg:$0x1];
	_ =	strace $0x80000056;
	s3 =	simm.s32 $0x1  }
0x79: {  	v1 =	vimm.s32 $0xFFFFFFFF;
	[sflag:s3] =	ssyncpa.u1 $0x0  }
0x7a: {  	[tilespmem:$0x10] =	vst v1  }
0x7b: {  	v0 =	vimm.f32 $0.0e+00;
	[tilespmem:$0x20] =	vst v1  }
0x7c: {  	[tilespmem:$0x30] =	vst v0  }
0x7d: {  	[tilespmem:$0x40] =	vst v0  }
0x7e: {  	s2 =	stileid.u32;
	[tilespmem:$0x50] =	vst v0  }
0x7f: {  	s7 =	simm.s32 $0x2;
	s9 =	simm.s32 $0x8;
	s11 =	simm.s32 $0x9;
	[tilespmem:$0x60] =	vst v1  }
0x80: {  	s14 =	simm.s32 $0x0;
	p0 =	por $0x0, $0x0;
	s15 =	simm.s32 $0xFFFFD980;
	[tilespmem:$0x70] =	vst v1  }
0x81: {  	s16 =	simm.s32 $0xFFFFFFFE;
	s17 =	simm.s32 $0xF;
	s18 =	simm.s32 $0x30;
	[tilespmem:$0x80] =	vst v1  }
0x82: {  	s21 =	simm.s32 $0x0;
	s19 =	simm.s32 $0x0;
	s5 =	smul.u32 $0x4F00, s2;
	v1 =	vimm.s32 $0x0;
	[tilespmem:$0xB0] =	vst v0  }
.Ltmp5:
0x83: {  	s1 =	sadd.s32 $0x58A600, s6;
	s4 =	sadd.s32 $0x62E00, s6;
	[tilespmem:$0x90] =	vst v1;
	(pc) =	sbr.rel .LBB3_1-.Ltmp5, $4  }
0x84: {  	s6 =	sadd.s32 $0x6CC00, s6;
	[tilespmem:$0xA0] =	vst v1;
	[sflag:s7] =	ssyncpa.u1 $0x0;
	s7 =	simm.s32 $0x7  }
0x85: {  	s10 =	sshll.u32 s2, $0x1;
	s12 =	sshllo.u32 s2, $0x1;
	[sflag:s7] =	ssyncpa.u1 $0x0  }
0x86: {  	vm0 =	vmmov $0xffff;
	v2 =	vlaneseq.u32;
	s13 =	sor.u32 $0x80, s10;
	s8 =	sadd.s32 $0x4F00, s5;
	[sflag:s9] =	ssyncpa.u1 $0x0  }
0x87: {  	vm1 =	vmxor vm1, vm1;
	vm2 =	vmmov $0x1;
	vm3 =	vcmask $0x3F3C;
	s20 =	smov.u32 s5;
	[sflag:s11] =	ssyncpa.u1 $0x0;
	s11 =	sor.u32 $0x81, s10  }
.LBB3_10:
0x88: {  	p1 =	slt.u32 s19, $0x3  }
0x89: {  	s21 =	simm.s32 @!p1 $0x2  }
0x8a: {  	_ =	swait.ge @!p1 [sflag:s21], $0x13C0  }
0x8b: {  	[sflag:s21] =	ssyncset.done @!p1 $0x0  }
0x8c: {  	[sflag:s21] =	ssyncadd.s32 @!p1 $0xFFFFEC40;
	s21 =	simm.s32 @!p1 $0x9  }
0x8d: {  	_ =	swait.ge @!p1 [sflag:s21], $0x10  }
0x8e: {  	s19 =	sadd.s32 $0x1, s19;
	[sflag:s21] =	ssyncset.done @!p1 $0x0  }
0x8f: {  	[sflag:s21] =	ssyncadd.s32 @!p1 $0xFFFFFFF0;
	p1 =	sne.s32 s19, $0x7  }
.Ltmp6:
0x90: {  	_ = 	snop;
	(pc) =	sbr.rel @!p1 .LBB3_11-.Ltmp6, $4  }
0x91: {  	s22 =	sadd.s32 $0x13C0, s20  }
0x92: {  	s23 =	smov.u32 s5;
	p2 =	slt.s32 s22, s8  }
0x93: {  	p0 =	por !p0, !p0;
	s15 =	sadd.s32 $0x13C0, s15;
	s23 =	smov.u32 @p2 s22  }
0x94: {  	s16 =	sadd.s32 $0x1, s16;
	s21 =	smov.u32 s20;
	s20 =	smov.u32 s23  }
.LBB3_1:
0x95: {  	p1 =	sgt.u32 s19, $0x3  }
0x96: {  	p2 =	seq.s32 @!p1 s19, $0x3;
	s22 =	smul.u32 @!p1 $0x4F00, s19  }
0x97: {  	p2 =	por !p2, p1  }
0x98: {  	s22 =	simm.s32 @!p2 $0x0  }
0x99: {  	s23 =	sshrl.u32 @!p1 s20, $0x3;
	s22 =	sshra.s32 @!p1 s22, $0x2  }
0x9a: {  	s24 =	sand.u32 @!p1 $0x7, s20;
	s23 =	sadd.s32 @!p1 s4, s23;
	s22 =	sadd.s32 @!p1 $0x100, s22  }
0x9b: {  	[tilespmem:s22], [sflag:$0x7] =	stream.linear.gather @!p1 [hbm4b:s23+s24], $0x13C0, $0x38;
	[tilespmem:$0xB2E0] =	vst v63  }
0x9c: {  	s22 =	sadd.s32 $0xFFFFFFFF, s19  }
0x9d: {  	p1 =	sgt.u32 s22, $0x3  }
.Ltmp7:
0x9e: {  	_ = 	snop;
	(pc) =	sbr.rel @p1 .LBB3_5-.Ltmp7, $1  }
0x9f: {  	_ =	sdelay $0x3  }
0xa0: {  	s23 =	sadd.s32 $0xFFFFFFFC, s19;
	p1 =	seq.s32 s22, $0x3;
	s24 =	smov.u32 s22  }
0xa1: {  	s24 =	smov.u32 @p1 s23  }
0xa2: {  	s23 =	smul.u32 $0x4F00, s24  }
0xa3: {  	_ =	swait.ge [sflag:s7], $0x13C0  }
0xa4: {  	[sflag:s7] =	ssyncset.done $0x0;
	s23 =	sshra.s32 s23, $0x2  }
0xa5: {  	[sflag:s7] =	ssyncadd.s32 $0xFFFFEC40;
	(ifvalue) =	ssetifvalue $0xFFFFFFFF;
	v3 =	vld.msk [tilespmem:s23+$0x100 ss:$0x1], $0xffff;
	_ =	sdelay $0x2  }
0xa6: {  	p1 =	sne.s32 s19, $0x1  }
0xa7: {  	v4 =	vimm.s32 @!p1 $0x0  }
0xa8: {  	v4 =	vperm.xlane @!p1 v3, v4  }
0xa9: {  	s30 =	sshll.u32 s19, $0x4;
	vm4 =	vlt.u32 v3, $0x1400000  }
0xaa: {  	s24 =	sand.u32 $0x10, s30;
	v3 =	vnsel vm4, $0xFFFFFFFE, v3;
	vm4 =	vlt.u32 @!p1 v4, $0x1400000  }
0xab: {  	[tilespmem:s24+$0x60] =	vst v3;
	v3 =	vnsel @!p1 vm4, $0xFFFFFFFE, v4  }
0xac: {  	s26 =	sadd.s32 $0x14B0, s23;
	[tilespmem:$0x80] =	vst @!p1 v3  }
0xad: {  	v3 =	vld.msk [tilespmem:s26+$0x0 ss:$0x1], $0xffff;
	_ =	sdelay $0x4  }
0xae: {  	(xrf1) =	vunique.msk.u32 $0xffff, v3;
	_ =	sdelay $0xd  }
0xaf: {  	v4 =	vimm.s32 $0xFFFFFFFF;
	v5, _, _ =	vpop (xrf1)  }
0xb0: {  	vm5 =	vne.s32 v3, v4;
	vm4 =	veq.s32 v5, v2  }
0xb1: {  	vm6 =	vlt.u32 v3, $0x1400000;
	vm4 =	vmand vm5, vm4  }
0xb2: {  	vm4 =	vmand vm6, vm4  }
0xb3: {  	v4 =	vnsel vm4, $0xFFFFFFFF, v3  }
0xb4: {  	s31 =	sand.u32 $0x1, s22  }
0xb5: {  	s22 =	simm.s32 $0x13C0;
	p1 =	seq.s32 s31, $0x1  }
0xb6: {  	s22 =	simm.s32 @!p1 $0x0  }
0xb7: {  	s23 =	sadd.s32 $0x4FF0, s22;
	(ifvalue) =	ssetifvalue $0xFFFFFFFF  }
0xb8: {  	v3 =	vperm.xlane v3, v1;
	[tilespmem:s23], [sflag:$0x8] =	stream.indirect_vreg.gather [hbm4b:s1+s14], $0x1, v4, vm0, $0x4038;
	v4 =	vnsel vm6, $0xFFFFFFFE, v4;
	[tilespmem:$0xB2E0] =	vst v63  }
0xb9: {  	s25 =	sadd.s32 $0xFFFFFFF0, s26;
	s24 =	simm.s32 $0x0;
	[tilespmem:s26+$0x0] =	vst v4  }
.LBB3_3:
0xba: {  	v4 =	vld.msk [tilespmem:s25+$0x0 ss:$0x1], $0xffff;
	s24 =	sadd.s32 $0x10, s24;
	v5 =	vmov v3;
	s26 =	smov.u32 s25  }
0xbb: {  	p1 =	slt.u32 s24, $0x13B0;
	_ =	sdelay $0x4  }
0xbc: {  	v3 =	vperm.xlane v4, v1;
	(xrf1) =	vunique.msk.u32 $0xffff, v4;
	_ =	sdelay $0xd  }
0xbd: {  	v6, _, _ =	vpop (xrf1)  }
0xbe: {  	vm5 =	vne.s32 v4, v5;
	vm4 =	veq.s32 v6, v2  }
0xbf: {  	vm6 =	vlt.u32 v4, $0x1400000;
	vm4 =	vmand vm5, vm4  }
0xc0: {  	vm4 =	vmand vm6, vm4  }
0xc1: {  	v4 =	vnsel vm4, $0xFFFFFFFF, v4  }
.Ltmp8:
0xc2: {  	v5 =	vnsel vm6, $0xFFFFFFFE, v4;
	(pc) =	sbr.rel @p1 .LBB3_3-.Ltmp8, $3  }
0xc3: {  	_ =	sdelay $0x1  }
0xc4: {  	s25 =	sadd.s32 $0xFFFFFFF0, s25;
	s23 =	sadd.s32 $0xFFFFFFF0, s23;
	(ifvalue) =	ssetifvalue $0xFFFFFFFF  }
0xc5: {  	[tilespmem:s23], [sflag:$0x8] =	stream.indirect_vreg.gather [hbm4b:s1+s14], $0x1, v4, vm0, $0x4038;
	[tilespmem:s26+$0x0] =	vst v5  }
0xc6: {  	s21 =	sshrl.u32 s21, $0x3  }
0xc7: {  	s22 =	sadd.s32 $0x63C0, s22;
	s21 =	sadd.s32 s6, s21  }
0xc8: {  	[tilespmem:s22], [sflag:$0x8] =	stream.linear.gather [hbm:s21], $0x13C0, $0x38;
	[tilespmem:$0xB2E0] =	vst v63  }
.LBB3_5:
0xc9: {  	p1 =	sgt.u32 s19, $0x6  }
.Ltmp9:
0xca: {  	_ = 	snop;
	(pc) =	sbr.rel @p1 .LBB3_7-.Ltmp9, $1  }
0xcb: {  	_ =	sdelay $0x3  }
0xcc: {  	s21 =	sshll.u32 s3, s19  }
0xcd: {  	s21 =	sand.u32 $0x43, s21  }
0xce: {  	p1 =	sne.s32 s21, $0x0  }
.Ltmp10:
0xcf: {  	_ = 	snop;
	(pc) =	sbr.rel @p1 .LBB3_10-.Ltmp10, $1  }
0xd0: {  	_ =	sdelay $0x3  }
.LBB3_7:
0xd1: {  	s21 =	sadd.s32 $0xFFFFFFFE, s19  }
0xd2: {  	s22 =	smulhi.u32 $0xAAAAAAAB, s21;
	_ =	sdelay $0x1  }
0xd3: {  	s22 =	sshrl.u32 s22, $0x1  }
0xd4: {  	s22 =	smul.u32 $0x3, s22;
	_ =	sdelay $0x1  }
0xd5: {  	s21 =	ssub.s32 s21, s22  }
0xd6: {  	_ =	swait.ge [sflag:s9], $0x2780;
	s25 =	smul.u32 $0x13C0, s21  }
0xd7: {  	p1 =	sne.s32 s19, $0x5;
	[sflag:s9] =	ssyncset.done $0x0  }
0xd8: {  	[sflag:s9] =	ssyncadd.s32 $0xFFFFD880;
	s21 =	sadd.s32 @!p1 $0x14BF, s25  }
0xd9: {  	[spmem:s11] =	stream.linear.scatter @!p1 [tilespmem:s21], [sflag:$0x1], $0x1, $0x38;
	[tilespmem:$0xB2E0] =	vst v63  }
0xda: {  	s21 =	simm.s32 @!p1 $0x1  }
0xdb: {  	_ =	swait.ge @!p1 [sflag:s21], $0x1  }
0xdc: {  	s26 =	sshll.u32 s19, $0x4;
	[sflag:s21] =	ssyncset.done @!p1 $0x0  }
0xdd: {  	[sflag:s21] =	ssyncadd.s32 @!p1 $0xFFFFFFFF;
	s21 =	sand.u32 $0x10, s26  }
0xde: {  	v4 =	vld [tilespmem:s21+$0x10];
	s26 =	sxor.u32 $0x10, s21  }
0xdf: {  	v5 =	vld [tilespmem:s26+$0x60]  }
0xe0: {  	v3 =	vld [tilespmem:$0x80];
	_ =	sdelay $0x2  }
0xe1: {  	(v2sf) =	vpush v4, $0x0  }
0xe2: {  	(v2sf) =	vpush v5, $0x0  }
0xe3: {  	(v2sf) =	vpush v3, $0x0;
	_ =	sdelay $0xc  }
0xe4: {  	s31 =	spop (v2sf)  }
0xe5: {  	s24 =	spop (v2sf)  }
0xe6: {  	s23 =	spop (v2sf)  }
0xe7: {  	p2 =	seq.s32 s31, s24;
	p3 =	seq.s32 s23, s31  }
0xe8: {  	p3 =	por p2, p3  }
0xe9: {  	s31 =	sand.u32 $0x1, s19;
	v4 =	vpsel p3, $0xFFFFFFFF, v4  }
0xea: {  	s24 =	smul.u32 $0x13C0, s31;
	[tilespmem:s21+$0x10] =	vst.msk $0x1, v4  }
0xeb: {  	v4 =	vld [tilespmem:$0x30]  }
0xec: {  	v5 =	vld [tilespmem:s24+$0x63C0]  }
0xed: {  	v6 =	vld [tilespmem:s21+$0x40];
	_ =	sdelay $0x3  }
0xee: {  	vm4 =	vmmov vm1;
	v5 =	vadd.f32 v5, v4  }
0xef: {  	vm5 =	vmmov vm2;
	vm4 =	vmmov @p2 vm2;
	s22 =	sshll.u32 s31, $0x4;
	v4 =	vadd.f32 v6, v4  }
0xf0: {  	vm5 =	vmmov @p3 vm1;
	s22 =	sor.u32 $0xB2C0, s22;
	[tilespmem:s24+$0x63C0] =	vst.msk vm4, v5  }
0xf1: {  	[tilespmem:s22+$0x0] =	vst.msk vm5, v4  }
0xf2: {  	v4 =	vld [tilespmem:s24+$0x4FF0];
	_ =	sdelay $0x3  }
0xf3: {  	v5 =	vimm.f32 $0.0e+00  }
0xf4: {  	v4 =	vshift.insert v4, v5, s17  }
0xf5: {  	s28 =	sor.u32 $0x40, s26  }
0xf6: {  	[tilespmem:s28+$0x0] =	vst.msk $0x1, v4  }
0xf7: {  	[tilespmem:s24+$0x4FFF] =	vst.msk $0x1, v5  }
0xf8: {  	v4 =	vld [tilespmem:s25+$0x14B0];
	_ =	sdelay $0x1  }
0xf9: {  	s28 =	smulhi.u32 $0xAAAAAAAB, s16;
	s25 =	simm.s32 $0x1  }
0xfa: {  	s25 =	simm.s32 @!p0 $0x0  }
0xfb: {  	s28 =	sshrl.u32 s28, $0x1;
	s25 =	smul.u32 $0x4F00, s25  }
0xfc: {  	s28 =	smul.u32 $0xFFFF1300, s28;
	v4 =	vshift.insert v4, v1, s17  }
0xfd: {  	s29 =	sshrl.u32 s25, $0x2  }
0xfe: {  	s28 =	sshra.s32 s28, $0x2;
	s25 =	sadd.s32 $0x63C0, s29;
	[tilespmem:s26+$0x10] =	vst.msk $0x1, v4  }
0xff: {  	s30 =	sadd.s32 s28, s15;
	v6 =	vld [tilespmem:s25+$0x0]  }
0x100: {  	v7 =	vld [tilespmem:s30+$0x0];
	_ =	sdelay $0x3  }
0x101: {  	v5 =	vadd.f32 v6, v5  }
0x102: {  	vm4 =	vne.s32 v7, $0xFFFFFFFF  }
0x103: {  	(xrf2) =	vadd.seg.scan.f32 vm4, v5;
	_ =	sdelay $0x3  }
0x104: {  	s26 =	sadd.s32 $0x3C40, s29;
	v5 =	vperm.xlane v4, v1  }
0x105: {  	v6 =	vld [tilespmem:s26+$0x0]  }
0x106: {  	vm5 =	veq.s32 v7, v3;
	vm6 =	veq.s32 v7, v5  }
0x107: {  	vm7 =	vgt.u32 v7, $0xFFFFFFFD;
	vm6 =	vmor vm6, vm5  }
0x108: {  	vm6 =	vmor vm6, vm7  }
0x109: {  	v9 =	vld [tilespmem:$0xA0];
	v7 =	vsel vm6, $0xFFFFFFFF, v7  }
0x10a: {  	v10 =	vld [tilespmem:$0x90];
	v6 =	vsel vm5, $0x0, v6;
	v8, _, _ =	vpop (xrf2)  }
0x10b: {  	v6 =	vadd.f32 v8, v6  }
0x10c: {  	s28 =	sadd.s32 $0x8B40, s29  }
0x10d: {  	vm4 =	vmand vm4, vm3;
	[tilespmem:s28+$0x0] =	vst v6;
	(ifvalue) =	ssetifvalue $0xFFFFFFFF  }
0x10e: {  	vm6 =	veq.s32 v9, $0x1;
	[hbm4b:s1+s14] =	stream.indirect_vreg.scatter [tilespmem:s28], [sflag:$0x2], $0x1, v7, vm0, $0x4038;
	v7 =	vsel vm4, $0x0, v8;
	[tilespmem:$0xB2E0] =	vst v63  }
0x10f: {  	s29 =	simm.s32 $0x0;
	s30 =	sadd.s32 $0x10, s30;
	vm4 =	vmor vm6, vm5;
	v6 =	vsel vm5, v8, v10;
	v7 =	vshift.insert v7, v0, s17  }
.LBB3_8:
0x110: {  	v8 =	vld [tilespmem:s30+$0x0];
	s25 =	sadd.s32 $0x10, s25  }
0x111: {  	s26 =	sadd.s32 $0x10, s26;
	v9 =	vld [tilespmem:s25+$0x0]  }
0x112: {  	s29 =	sadd.s32 $0x10, s29;
	v10 =	vld [tilespmem:s26+$0x0]  }
0x113: {  	p2 =	slt.u32 s29, $0x13B0;
	_ =	sdelay $0x2  }
0x114: {  	v7 =	vadd.f32 v9, v7  }
0x115: {  	vm5 =	vne.s32 v8, $0xFFFFFFFF  }
0x116: {  	vm6 =	vmand vm5, vm3;
	(xrf2) =	vadd.seg.scan.f32 vm5, v7;
	_ =	sdelay $0x5  }
0x117: {  	vm7 =	veq.s32 v8, v5;
	vm5 =	veq.s32 v8, v3  }
0x118: {  	vm8 =	vgt.u32 v8, $0xFFFFFFFD;
	vm4 =	vmor vm4, vm5;
	vm7 =	vmor vm7, vm5  }
0x119: {  	vm7 =	vmor vm7, vm8  }
0x11a: {  	v8 =	vsel vm7, $0xFFFFFFFF, v8  }
.Ltmp11:
0x11b: {  	v7 =	vsel vm5, $0x0, v10;
	v9, _, _ =	vpop (xrf2);
	(pc) =	sbr.rel @p2 .LBB3_8-.Ltmp11, $4  }
0x11c: {  	v6 =	vsel vm5, v9, v6;
	v10 =	vadd.f32 v9, v7;
	v7 =	vsel vm6, $0x0, v9  }
0x11d: {  	s28 =	sadd.s32 $0x10, s28;
	v7 =	vshift.insert v7, v0, s17  }
0x11e: {  	s30 =	sadd.s32 $0x10, s30;
	[tilespmem:s28+$0x0] =	vst v10;
	(ifvalue) =	ssetifvalue $0xFFFFFFFF  }
0x11f: {  	[hbm4b:s1+s14] =	stream.indirect_vreg.scatter [tilespmem:s28], [sflag:$0x2], $0x1, v8, vm0, $0x4038;
	[tilespmem:$0xB2E0] =	vst v63  }
0x120: {  	v3 =	vld [tilespmem:s24+$0x9EF0];
	_ =	sdelay $0x4  }
0x121: {  	v3 =	vshift.insert v3, v0, s17;
	_ =	sdelay $0x1  }
0x122: {  	[tilespmem:s18+$0x0] =	vst.msk $0x1, v3  }
0x123: {  	v3 =	vsel vm4, $0x1, v1;
	[tilespmem:$0x90] =	vst v6  }
0x124: {  	s24 =	sadd.s32 @!p1 $0x9EFF, s24;
	[tilespmem:$0xA0] =	vst v3  }
0x125: {  	[spmem:s12] =	stream.linear.scatter @!p1 [tilespmem:s24], [sflag:$0x1], $0x1, $0x38;
	[tilespmem:$0xB2E0] =	vst v63  }
0x126: {  	s24 =	simm.s32 @!p1 $0x1  }
0x127: {  	v3 =	vmctz.xlane @!p1 vm4;
	_ =	swait.ge @!p1 [sflag:s24], $0x1  }
0x128: {  	(v2sf) =	vpush @!p1 v4, $0x0  }
0x129: {  	(v2sf) =	vpush @!p1 v3, $0x0;
	_ =	sdelay $0xd  }
0x12a: {  	s25 =	spop @!p1 (v2sf)  }
0x12b: {  	s26 =	spop @!p1 (v2sf)  }
0x12c: {  	p2 =	sne.s32 @!p1 s23, s25;
	p3 =	slt.s32 @!p1 s26, $0xF  }
0x12d: {  	[sflag:s24] =	ssyncset.done @!p1 $0x0;
	p2 =	por p2, p1;
	p3 =	por !p3, p1  }
0x12e: {  	[sflag:s24] =	ssyncadd.s32 @!p1 $0xFFFFFFFF;
	v3 =	vimm.s32 @!p2 $0xFFFFFFFF;
	s26 =	simm.s32 @p3 $0xF  }
0x12f: {  	[tilespmem:$0x80] =	vst @!p2 v3;
	s23 =	sadd.s32 @!p1 $0x90, s26  }
0x130: {  	[spmem:s10] =	stream.linear.scatter @!p1 [tilespmem:s23], [sflag:$0x1], $0x1, $0x38;
	[tilespmem:$0xB2E0] =	vst v63  }
0x131: {  	_ =	swait.ge @!p1 [sflag:s24], $0x1  }
0x132: {  	[sflag:s24] =	ssyncset.done @!p1 $0x0  }
0x133: {  	s23 =	simm.s32 @!p1 $0x80;
	[sflag:s24] =	ssyncadd.s32 @!p1 $0xFFFFFFFF  }
0x134: {  	[spmem:s13] =	stream.linear.scatter @!p1 [tilespmem:s23], [sflag:$0x1], $0x1, $0x38;
	[tilespmem:$0xB2E0] =	vst v63  }
0x135: {  	_ =	swait.ge @!p1 [sflag:s24], $0x1  }
0x136: {  	[sflag:s24] =	ssyncset.done @!p1 $0x0  }
0x137: {  	[sflag:s24] =	ssyncadd.s32 @!p1 $0xFFFFFFFF;
	(ifvalue) =	ssetifvalue $0xFFFFFFFF;
	v3 =	vld [tilespmem:s21+$0x10];
	_ =	sdelay $0x3  }
.Ltmp12:
0x138: {  	_ = 	snop;
	(pc) =	sbr.rel .LBB3_10-.Ltmp12, $3  }
0x139: {  	_ =	sdelay $0x1  }
0x13a: {  	(ifvalue) =	ssetifvalue $0xFFFFFFFF  }
0x13b: {  	[hbm4b:s1+s14] =	stream.indirect_vreg.scatter [tilespmem:s22], [sflag:$0x9], $0x1, v3, vm0, $0x4038;
	[tilespmem:$0xB2E0] =	vst v63  }
.LBB3_11:
0x13c: {  	_ =	sfence.sel $0x180000  }
0x13d: {  	s3 =	simm.s32 $0x7;
	[bflag:$0x0] =	sbarrier.arrive $0xFFFF  }
0x13e: {  	s26 =	simm.s32 $0x8;
	[sflag:s3] =	ssyncpa.u1 $0x1  }
0x13f: {  	s28 =	simm.s32 $0x9;
	[sflag:s26] =	ssyncpa.u1 $0x1  }
0x140: {  	[sflag:s28] =	ssyncpa.u1 $0x1  }
0x141: {  	_ =	sfence.stream.spmem  }
0x142: {  	s29 =	simm.s32 $0x3;
	[bflag:$0x0] =	sbarrier.arrive $0xFFFF  }
0x143: {  	s30 =	simm.s32 $0x4;
	[sflag:s29] =	ssyncpa.u1 $0x1  }
0x144: {  	s31 =	simm.s32 $0x3C;
	[sflag:s30] =	ssyncpa.u1 $0x1  }
0x145: {  	p0 =	sne.s32 s2, $0x0;
	[sflag:s31] =	ssyncpa.u1 $0x1  }
0x146: {  	s0 =	simm.s32 @p0 $0x1;
	_ =	sfence @p0  }
0x147: {  	[sflag:s0] =	ssyncpa.u1 @p0 $0x1;
	s0 =	simm.s32 @p0 $0x2  }
0x148: {  	[sflag:s0] =	ssyncpa.u1 @p0 $0x1  }
0x149: {  	_ =	strace @p0 $0x90000056  }
0x14a: {  	[bflag:$0x2] =	sbarrier.arrive @p0 $0xFFFF  }
0x14b: {  	_ =	shalt @p0  }
.LBB3_12:
0x14c: {  	_ =	sfence.stream.spmem;
	s4 =	simm.s32 $0x5  }
0x14d: {  	s2 =	simm.s32 $0x80;
	s3 =	simm.s32 $0xC0;
	[sflag:s4] =	ssyncpa.u1 $0x0  }
0x14e: {  	[tilespmem:s3], [sflag:$0x5] =	stream.linear.gather [spmem:s2], $0x20, $0x38;
	[tilespmem:$0xB2E0] =	vst v63  }
0x14f: {  	s2 =	simm.s32 $0x0;
	s3 =	simm.s32 $0xE0  }
0x150: {  	[tilespmem:s3], [sflag:$0x5] =	stream.linear.gather [spmem:s2], $0x20, $0x38;
	[tilespmem:$0xB2E0] =	vst v63  }
.Ltmp13:
0x151: {  	_ = 	snop;
	(pc) =	sbr.rel .LBB3_13-.Ltmp13, $4  }
0x152: {  	_ =	swait.ge [sflag:s4], $0x40  }
0x153: {  	[sflag:s4] =	ssyncset.done $0x0  }
0x154: {  	s31 =	simm.s32 $0x6;
	[sflag:s4] =	ssyncadd.s32 $0xFFFFFFC0  }
0x155: {  	s4 =	simm.s32 $0x0;
	[sflag:s31] =	ssyncpa.u1 $0x0  }
.LBB3_18:
0x156: {  	p0 =	sgt.u32 s5, $0x13FFFFF  }
0x157: {  	s6 =	sshrl.u32 @!p0 s5, $0x3  }
0x158: {  	s5 =	sand.u32 @!p0 $0x7, s5;
	s7 =	simm.s32 @!p0 $0xB0;
	s6 =	sadd.s32 @!p0 s1, s6  }
0x159: {  	[tilespmem:s7], [sflag:$0x6] =	stream.linear.gather @!p0 [hbm4b:s6+s5], $0x1, $0x38;
	[tilespmem:$0xB2E0] =	vst v63  }
0x15a: {  	s5 =	simm.s32 @!p0 $0x6  }
0x15b: {  	_ =	swait.ge @!p0 [sflag:s5], $0x1  }
0x15c: {  	[sflag:s5] =	ssyncset.done @!p0 $0x0  }
0x15d: {  	[sflag:s5] =	ssyncadd.s32 @!p0 $0xFFFFFFFF  }
0x15e: {  	v2 =	vmov @!p0 s4;
	v1 =	vld.msk @!p0 [tilespmem:$0xB0], $0x1;
	_ =	sdelay $0x3  }
0x15f: {  	s5 =	simm.s32 @!p0 $0xE0  }
0x160: {  	[tilespmem:v2+s5+$0x0], v1 =	vst.idx.ret.add.f32.msk @!p0 $0x1, v1  }
0x161: {  	[tilespmem:s2+$0xC0] =	vst.msk $0x1, v0  }
0x162: {  	v0 =	vld.msk [tilespmem:s4+$0xE0], $0x1;
	_ =	sdelay $0x4  }
0x163: {  	[tilespmem:s2+$0xE0] =	vst.msk $0x1, v0;
	s2 =	sadd.s32 $0x1, s2  }
.LBB3_20:
0x164: {  	s4 =	sadd.s32 $0x1, s4  }
0x165: {  	p0 =	sne.s32 s4, $0x20  }
.Ltmp14:
0x166: {  	_ = 	snop;
	(pc) =	sbr.rel @!p0 .LBB3_21-.Ltmp14, $1  }
0x167: {  	_ =	sdelay $0x3  }
.LBB3_13:
0x168: {  	v0 =	vld.msk [tilespmem:s4+$0xC0], $0x1;
	_ =	sdelay $0x4  }
0x169: {  	(v2sf) =	vpush v0, $0x0;
	_ =	sdelay $0xe  }
0x16a: {  	s5 =	spop (v2sf)  }
0x16b: {  	p0 =	seq.s32 s5, $0xFFFFFFFF  }
.Ltmp15:
0x16c: {  	_ = 	snop;
	(pc) =	sbr.rel @p0 .LBB3_20-.Ltmp15, $1  }
0x16d: {  	_ =	sdelay $0x3  }
0x16e: {  	p0 =	slt.s32 s2, $0x1  }
.Ltmp16:
0x16f: {  	_ = 	snop;
	(pc) =	sbr.rel @p0 .LBB3_18-.Ltmp16, $1  }
0x170: {  	_ =	sdelay $0x3  }
0x171: {  	s6 =	simm.s32 $0xC0;
	p0 =	por $0x0, $0x0  }
0x172: {  	v1 =	vld.msk @!p0 [tilespmem:s6+$0x0], $0x1;
	_ =	sdelay $0x4  }
0x173: {  	(v2sf) =	vpush @!p0 v1, $0x0;
	_ =	sdelay $0xd  }
0x174: {  	p2 =	sne.s32 s2, $0x1  }
.Ltmp17:
0x175: {  	s7 =	spop @!p0 (v2sf);
	(pc) =	sbr.rel @!p2 .LBB3_17-.Ltmp17, $4  }
0x176: {  	p1 =	seq.s32 @!p0 s5, s7  }
0x177: {  	s7 =	simm.s32 $0x0;
	p1 =	por !p1, p0  }
0x178: {  	s9 =	simm.s32 $0xFFFFFFFF;
	s7 =	simm.s32 @p1 $0xFFFFFFFF  }
0x179: {  	s8 =	simm.s32 $0x1;
	s7 =	smov.u32 @p0 s9  }
.LBB3_16:
0x17a: {  	s9 =	smov.u32 s7;
	p0 =	sne.s32 s7, $0xFFFFFFFF  }
0x17b: {  	s6 =	sadd.s32 $0x1, s6;
	s7 =	smov.u32 s8;
	s8 =	sadd.s32 $0x1, s8  }
0x17c: {  	p1 =	sne.s32 s2, s8;
	v1 =	vld.msk @!p0 [tilespmem:s6+$0x0], $0x1;
	_ =	sdelay $0x4  }
0x17d: {  	(v2sf) =	vpush @!p0 v1, $0x0;
	_ =	sdelay $0xe  }
.Ltmp18:
0x17e: {  	s10 =	spop @!p0 (v2sf);
	(pc) =	sbr.rel @p1 .LBB3_16-.Ltmp18, $4  }
0x17f: {  	p2 =	seq.s32 @!p0 s5, s10  }
0x180: {  	p2 =	por !p2, p0  }
0x181: {  	s7 =	simm.s32 @p2 $0xFFFFFFFF  }
0x182: {  	s7 =	smov.u32 @p0 s9  }
.LBB3_17:
0x183: {  	p0 =	sne.s32 s7, $0xFFFFFFFF  }
.Ltmp19:
0x184: {  	_ = 	snop;
	(pc) =	sbr.rel @!p0 .LBB3_18-.Ltmp19, $1  }
0x185: {  	_ =	sdelay $0x3  }
0x186: {  	v0 =	vld.msk [tilespmem:s4+$0xE0], $0x1;
	v1 =	vmov s7  }
.Ltmp20:
0x187: {  	_ = 	snop;
	(pc) =	sbr.rel .LBB3_20-.Ltmp20, $2  }
0x188: {  	_ =	sdelay $0x2  }
0x189: {  	[tilespmem:v1+s3+$0x0], v0 =	vst.idx.ret.add.f32.msk $0x1, v0  }
.LBB3_21:
0x18a: {  	p0 =	slt.s32 s2, $0x1  }
.Ltmp21:
0x18b: {  	_ = 	snop;
	(pc) =	sbr.rel @p0 .LBB3_25-.Ltmp21, $3  }
0x18c: {  	_ =	sdelay $0x1  }
0x18d: {  	s3 =	simm.s32 $0x6  }
0x18e: {  	[sflag:s3] =	ssyncpa.u1 $0x1;
	s3 =	simm.s32 $0x0  }
0x18f: {  	s4 =	simm.s32 $0xC0  }
0x190: {  	v0 =	vld.msk [tilespmem:s4+$0x0], $0x1;
	_ =	sdelay $0x4  }
0x191: {  	(v2sf) =	vpush v0, $0x0;
	_ =	sdelay $0xe  }
0x192: {  	s2 =	sadd.s32 $0xFFFFFFFF, s2;
	s5 =	spop (v2sf)  }
0x193: {  	p1 =	sne.s32 s2, $0x0;
	p0 =	sgt.u32 s5, $0x13FFFFF  }
.Ltmp22:
0x194: {  	s6 =	sshrl.u32 @!p0 s5, $0x3;
	(pc) =	sbr.rel @!p1 .LBB3_24-.Ltmp22, $4  }
0x195: {  	s4 =	simm.s32 $0xE0;
	s5 =	sand.u32 @!p0 $0x7, s5;
	s6 =	sadd.s32 @!p0 s1, s6  }
0x196: {  	[hbm4b:s6+s5] =	stream.linear.scatter @!p0 [tilespmem:s4], [sflag:$0x5], $0x1, $0x38;
	[tilespmem:$0xB2E0] =	vst v63  }
0x197: {  	s6 =	simm.s32 $0x0  }
0x198: {  	s5 =	simm.s32 $0xC1;
	s6 =	simm.s32 @!p0 $0x4  }
.LBB3_23:
0x199: {  	v0 =	vld.msk [tilespmem:s5+$0x0], $0x1;
	s2 =	sadd.s32 $0xFFFFFFFF, s2;
	s3 =	sadd.s32 s3, s6  }
0x19a: {  	p0 =	sne.s32 s2, $0x0;
	_ =	sdelay $0x3  }
0x19b: {  	(v2sf) =	vpush v0, $0x0;
	_ =	sdelay $0xe  }
.Ltmp23:
0x19c: {  	s7 =	spop (v2sf);
	(pc) =	sbr.rel @p0 .LBB3_23-.Ltmp23, $4  }
0x19d: {  	s6 =	simm.s32 $0x0;
	p1 =	sgt.u32 s7, $0x13FFFFF  }
0x19e: {  	s4 =	sadd.s32 $0x1, s4;
	s6 =	simm.s32 @!p1 $0x4;
	s8 =	sshrl.u32 @!p1 s7, $0x3  }
0x19f: {  	s5 =	sadd.s32 $0x1, s5;
	s7 =	sand.u32 @!p1 $0x7, s7;
	s8 =	sadd.s32 @!p1 s1, s8  }
0x1a0: {  	[hbm4b:s8+s7] =	stream.linear.scatter @!p1 [tilespmem:s4], [sflag:$0x5], $0x1, $0x38;
	[tilespmem:$0xB2E0] =	vst v63  }
.LBB3_24:
0x1a1: {  	s1 =	sadd.s32 s3, s6  }
0x1a2: {  	s3 =	sshrl.u32 s1, $0x2  }
.LBB3_25:
0x1a3: {  	s1 =	simm.s32 $0x5  }
0x1a4: {  	_ =	swait.ge [sflag:s1], s3  }
0x1a5: {  	s2 =	ssub.s32 $0x0, s3;
	[sflag:s1] =	ssyncset.done $0x0  }
0x1a6: {  	[sflag:s1] =	ssyncadd.s32 s2  }
0x1a7: {  	[sflag:s1] =	ssyncpa.u1 $0x1  }
0x1a8: {  	s30 =	simm.s32 $0x1;
	_ =	sfence  }
0x1a9: {  	s31 =	simm.s32 $0x2;
	[sflag:s30] =	ssyncpa.u1 $0x1  }
0x1aa: {  	[sflag:s31] =	ssyncpa.u1 $0x1  }
0x1ab: {  	_ =	strace $0x90000056  }
0x1ac: {  	s0 =	sadd.s32 $0x100000, s0;
	[bflag:$0x2] =	sbarrier.arrive $0xFFFF  }
0x1ad: {  	[sflag:s0] =	ssyncadd.tile.s32 $0x1;
	_ =	shalt  }
.Lfunc_end3:
_tile_overlayer_lowered:
.L_overlay_start_3:
0x1ae: {  	(tag) =	ssettag $0x3  }
0x1af: {  	s0 =	rddreg [dreg:$0x0];
	s2 =	stileid.u32  }
0x1b0: {  	s1 =	rddreg [dreg:$0x1];
	p0 =	sne.s32 s2, $0x0  }
0x1b1: {  	s3 =	rddreg [dreg:$0x2];
	[bflag:$0x3] =	sbarrier.arrive $0xFFFF;
	s2 =	simm.s32 @!p0 $0x1C01  }
0x1b2: {  	[timem:s3], [sflag:s2] =	dma.local @!p0 [hbm:s0], s1  }
0x1b3: {  	s0 =	simm.s32 @!p0 $0x1  }
0x1b4: {  	_ =	swait.ge @!p0 [sflag:s0], s1  }
0x1b5: {  	s1 =	ssub.s32 @!p0 $0x0, s1;
	[sflag:s0] =	ssyncset.done @!p0 $0x0  }
0x1b6: {  	[sflag:s0] =	ssyncadd.s32 @!p0 s1  }
0x1b7: {  	[bflag:$0x3] =	sbarrier.arrive $0xFFFF  }
0x1b8: {  	_ =	shalt  }

// kernel: scatter_offload_async_start
scs
__scs_entry_jumppad:
0x0: {  	(pc) =	sbr.rel $0x88, $3  }
0x1: {  	(tag) =	ssettag $0x0;
	lr =	simm.s32 $0x1  }
0x2: {  	[smem:$0x3F8E] =	sst lr;
	_ =	strace $0xD0000000  }
0x3: {  	_ = 	snop  }
0x4: {  	_ = 	snop  }
0x5: {  	_ = 	snop  }
0x6: {  	_ = 	snop  }
0x7: {  	_ = 	snop  }
__scs_overlays_trampoline_lowered:
0x8: {  	[smem:$0x3F9D] =	sst s0  }
0x9: {  	[smem:$0x3F9E] =	sst s1  }
0xa: {  	[smem:$0x3F9F] =	sst s2  }
0xb: {  	[smem:$0x3FA0] =	sst s3  }
0xc: {  	[smem:$0x3FA1] =	sst s4  }
0xd: {  	[smem:$0x3FA2] =	sst s5  }
0xe: {  	[smem:$0x3FA3] =	sst s6  }
0xf: {  	[smem:$0x3FA4] =	sst s7  }
0x10: {  	[smem:$0x3FA5] =	sst s8  }
0x11: {  	[smem:$0x3FA6] =	sst s9;
	s0 =	simm.s32 @!p0 $0x0  }
0x12: {  	s1 =	sld [smem:$0x3F8C];
	s0 =	simm.s32 @p0 $0x1  }
0x13: {  	[smem:$0x3FA7] =	sst s0;
	s0 =	simm.s32 @!p1 $0x0  }
0x14: {  	s2 =	sld [smem:$0x3F8B];
	s0 =	simm.s32 @p1 $0x1  }
0x15: {  	[smem:$0x3FA8] =	sst s0;
	s0 =	simm.s32 @!p2 $0x0  }
0x16: {  	s3 =	sld [smem:$0x3FDB];
	s0 =	simm.s32 @p2 $0x1  }
0x17: {  	s4 =	simm.s32 $0x1BF5;
	[smem:$0x3FAA] =	sst s0  }
0x18: {  	s0 =	sld [smem:$0x3F8D];
	_ =	swait.ge [sflag:s4], $0x0  }
0x19: {  	s7 =	sld [smem:$0x3F8E]  }
0x1a: {  	s8 =	sadd.s32 $0xFFFFE003, lr  }
0x1b: {  	s9 =	sadd.s32 $0xFFFFFEF7, lr;
	s5 =	simm.s32 $0xFFFFFFFF;
	p2 =	slt.u32 s8, $0xFFFFF086  }
0x1c: {  	p1 =	slt.u32 s9, $0xF7A;
	s5 =	simm.s32 @!p2 $0x0  }
0x1d: {  	s5 =	simm.s32 @p1 $0x1;
	p0 =	seq.s32 s7, s2  }
0x1e: {  	s7 =	smul.u32 @!p0 $0xF7A, s2;
	p2 =	seq.s32 @!p0 s5, $0x0  }
0x1f: {  	s9 =	smul.u32 $0xF7A, s1;
	s8 =	simm.s32 @!p0 $0x1BF5;
	p2 =	por !p2, p0  }
0x20: {  	[sflag:s8] =	ssyncset.s32 @!p0 $0xFFFFF086;
	s6 =	sadd.s32 @!p0 s3, s7;
	s7 =	simm.s32 @!p0 $0x108  }
0x21: {  	s3 =	sadd.s32 s3, s9;
	s6 =	sadd.s32 @!p0 $0x88, s6;
	s7 =	simm.s32 @p2 $0x1082  }
0x22: {  	[simem:s7], [sflag:s8] =	dma.local @!p0 [hbm:s6], $0xF7A  }
0x23: {  	s9 =	sor.u32 $0xD0000000, s2;
	s6 =	simm.s32 $0x108;
	_ =	swait.ge @!p0 [sflag:s8], $0x0  }
0x24: {  	s3 =	sadd.s32 $0x88, s3;
	s6 =	simm.s32 @!p1 $0x1082;
	[sflag:s4] =	ssyncset.s32 $0xFFFFF086  }
0x25: {  	[simem:s6], [sflag:s4] =	dma.local [hbm:s3], $0xF7A  }
0x26: {  	[smem:$0x3F8E] =	sst s1;
	(tag) =	ssettag s2;
	_ =	strace s9  }
0x27: {  	s1 =	sld [smem:$0x3F9E]  }
0x28: {  	s2 =	sld [smem:$0x3F9F]  }
0x29: {  	s4 =	sld [smem:$0x3FA1]  }
0x2a: {  	p0 =	seq.s32 s5, $0x0;
	s5 =	sld [smem:$0x3FA2]  }
0x2b: {  	s6 =	sld [smem:$0x3FA3]  }
0x2c: {  	s7 =	sld [smem:$0x3FA4]  }
0x2d: {  	s3 =	simm.s32 $0x108;
	s8 =	sld [smem:$0x3FA5]  }
0x2e: {  	s3 =	simm.s32 @!p0 $0x1082;
	s9 =	sld [smem:$0x3FA6]  }
0x2f: {  	lr =	sadd.s32 s0, s3;
	s0 =	sld [smem:$0x3F9D]  }
0x30: {  	s3 =	sld [smem:$0x3FA0]  }
0x31: {  	[smem:$0x3FA9] =	sst s10  }
0x32: {  	s10 =	sld [smem:$0x3FA7];
	_ =	sdelay $0x3  }
0x33: {  	p0 =	seq.s32 s10, $0x1;
	s10 =	sld [smem:$0x3FA9];
	_ =	sdelay $0x3  }
0x34: {  	[smem:$0x3FA9] =	sst s10  }
0x35: {  	s10 =	sld [smem:$0x3FA8];
	_ =	sdelay $0x3  }
0x36: {  	p1 =	seq.s32 s10, $0x1;
	s10 =	sld [smem:$0x3FA9];
	_ =	sdelay $0x3  }
0x37: {  	[smem:$0x3FA9] =	sst s10  }
0x38: {  	s10 =	sld [smem:$0x3FAA]  }
0x39: {  	_ = 	snop;
	(pc) =	sbr.ind lr, $3  }
0x3a: {  	_ = 	snop  }
0x3b: {  	_ = 	snop  }
0x3c: {  	p2 =	seq.s32 s10, $0x1;
	s10 =	sld [smem:$0x3FA9]  }
0x3d: {  	_ =	shalt  }
0x3e: {  	_ =	shalt  }
0x3f: {  	_ =	shalt  }
0x40: {  	_ =	shalt  }
0x41: {  	_ =	shalt  }
0x42: {  	_ =	shalt  }
0x43: {  	_ =	shalt  }
0x44: {  	_ =	shalt  }
0x45: {  	_ =	shalt  }
0x46: {  	_ =	shalt  }
0x47: {  	_ =	shalt  }
0x48: {  	_ =	shalt  }
0x49: {  	_ =	shalt  }
0x4a: {  	_ =	shalt  }
0x4b: {  	_ =	shalt  }
0x4c: {  	_ =	shalt  }
0x4d: {  	_ =	shalt  }
0x4e: {  	_ =	shalt  }
0x4f: {  	_ =	shalt  }
0x50: {  	_ =	shalt  }
0x51: {  	_ =	shalt  }
0x52: {  	_ =	shalt  }
0x53: {  	_ =	shalt  }
0x54: {  	_ =	shalt  }
0x55: {  	_ =	shalt  }
0x56: {  	_ =	shalt  }
0x57: {  	_ =	shalt  }
0x58: {  	_ =	shalt  }
0x59: {  	_ =	shalt  }
0x5a: {  	_ =	shalt  }
0x5b: {  	_ =	shalt  }
0x5c: {  	_ =	shalt  }
0x5d: {  	_ =	shalt  }
0x5e: {  	_ =	shalt  }
0x5f: {  	_ =	shalt  }
0x60: {  	_ =	shalt  }
0x61: {  	_ =	shalt  }
0x62: {  	_ =	shalt  }
0x63: {  	_ =	shalt  }
0x64: {  	_ =	shalt  }
0x65: {  	_ =	shalt  }
0x66: {  	_ =	shalt  }
0x67: {  	_ =	shalt  }
0x68: {  	_ =	shalt  }
0x69: {  	_ =	shalt  }
0x6a: {  	_ =	shalt  }
0x6b: {  	_ =	shalt  }
0x6c: {  	_ =	shalt  }
0x6d: {  	_ =	shalt  }
0x6e: {  	_ =	shalt  }
0x6f: {  	_ =	shalt  }
0x70: {  	_ =	shalt  }
0x71: {  	_ =	shalt  }
0x72: {  	_ =	shalt  }
0x73: {  	_ =	shalt  }
0x74: {  	_ =	shalt  }
0x75: {  	_ =	shalt  }
0x76: {  	_ =	shalt  }
0x77: {  	_ =	shalt  }
0x78: {  	_ =	shalt  }
0x79: {  	_ =	shalt  }
0x7a: {  	_ =	shalt  }
0x7b: {  	_ =	shalt  }
0x7c: {  	_ =	shalt  }
0x7d: {  	_ =	shalt  }
0x7e: {  	_ =	shalt  }
0x7f: {  	_ =	shalt  }
0x80: {  	_ =	shalt  }
0x81: {  	_ =	shalt  }
0x82: {  	_ =	shalt  }
0x83: {  	_ =	shalt  }
0x84: {  	_ =	shalt  }
0x85: {  	_ =	shalt  }
0x86: {  	_ =	shalt  }
0x87: {  	_ =	shalt  }
.Lfunc_end0:
.L_simem_size_0:
called_computation_lowered:
.L_overlay_start_0:
0x88: {  	s0 =	sld [smem:$0x3FD9]  }
0x89: {  	s1 =	sld [smem:$0x3FFE];
	_ =	sdelay $0x3  }
0x8a: {  	s0 =	sadd.s32 s1, s0  }
0x8b: {  	[smem:$0x3FB5] =	sst s0  }
0x8c: {  	_ = 	snop  }
0x8d: {  	(tm) =	ssettm $0x1  }
0x8e: {  	s14 =	sld [smem:$0x3FFB];
	_ =	sdelay $0x3  }
0x8f: {  	_ =	strace s14  }
0x90: {  	s0 =	sld [smem:$0x3FFC];
	_ =	sdelay $0x3  }
0x91: {  	_ =	strace s0  }
0x92: {  	s0 =	sld [smem:$0x3FFD];
	_ =	sdelay $0x3  }
0x93: {  	_ =	strace s0  }
0x94: {  	_ =	strace $0x8FFFFFFF  }
0x95: {  	s15 =	sld [smem:$0x3FDB];
	_ =	sdelay $0x1  }
0x96: {  	s16 =	simm.s32 $_scs_section_size  }
0x97: {  	s2 =	simm.s32 $_size__tile_overlayer_lowered;
	s3 =	simm.s32 $_tile_overlayer_lowered  }
0x98: {  	s4 =	simm.s32 $0x1BFF;
	s17 =	sshll.u32 s3, $0x1;
	s1 =	sadd.s32 s16, s15  }
0x99: {  	s18 =	simm.s32 $0x0;
	s2 =	sshll.u32 s2, $0x1;
	s3 =	sadd.s32 s17, s1  }
0x9a: {  	[timem:s18], [sflag:s4] =	dma.local [hbm:s3], s2  }
0x9b: {  	_ =	swait.ge [sflag:s4], s2  }
0x9c: {  	s2 =	ssub.s32 $0x0, s2;
	[sflag:s4] =	ssyncset.done $0x0  }
0x9d: {  	[sflag:s4] =	ssyncadd.s32 s2;
	_ =	sdelay $0x1  }
0x9e: {  	s19 =	simm.s32 $0x1B8B  }
0x9f: {  	_ =	swait.ge [sflag:s19], $0x1  }
0xa0: {  	[sflag:s19] =	ssyncset.done $0x0  }
0xa1: {  	s21 =	simm.s32 $0x1B8E;
	s20 =	sld [smem:$0x3FFE];
	[sflag:s19] =	ssyncadd.s32 $0xFFFFFFFF  }
0xa2: {  	s22 =	simm.s32 $execute0_lowered;
	[smem:$0x3FD2] =	sst s21  }
0xa3: {  	s3 =	sshll.u32 s22, $0x1;
	_ =	strace $0x8000004C;
	[dreg:$0x1] =	wrdreg $0xFFFFFFFF  }
0xa4: {  	s23 =	simm.s32 $_size_execute0_lowered;
	s3 =	sadd.s32 s1, s3;
	[dreg:$0x0] =	wrdreg $0x0  }
0xa5: {  	s4 =	sshll.u32 s23, $0x1;
	[dreg:$0x2] =	wrdreg s3  }
0xa6: {  	[dreg:$0x3] =	wrdreg s4  }
0xa7: {  	[dreg:$0x4] =	wrdreg $0xC0  }
0xa8: {  	s24 =	simm.s32 $execute1_lowered;
	_ =	task [dreg:s18], $0x5FFFF  }
0xa9: {  	s3 =	sshll.u32 s24, $0x1;
	[dreg:$0x1] =	wrdreg $0xFFFFFFFF  }
0xaa: {  	s1 =	sadd.s32 s1, s3;
	[dreg:$0x0] =	wrdreg $0x60  }
0xab: {  	[dreg:$0x2] =	wrdreg s1  }
0xac: {  	[dreg:$0x3] =	wrdreg s20  }
0xad: {  	[dreg:$0x4] =	wrdreg $0x9  }
0xae: {  	_ =	task.clear_ibuf [dreg:s18], $0x5FFFF;
	_ =	strace $0x9000004C  }
0xaf: {  	s25 =	simm.s32 $0x9;
	_ =	strace $0x8000004E  }
0xb0: {  	_ =	swait.ge [sflag:s25], $0x1  }
0xb1: {  	[sflag:s25] =	ssyncadd.s32 $0xFFFFFFFF  }
0xb2: {  	_ =	strace $0x9000004E  }
0xb3: {  	_ =	strace $0x8000004F;
	[dreg:$0x1] =	wrdreg $0xFFFFFFFF  }
0xb4: {  	[dreg:$0x0] =	wrdreg $0x2030  }
0xb5: {  	[dreg:$0x2] =	wrdreg s20  }
0xb6: {  	[dreg:$0x3] =	wrdreg $0xA  }
0xb7: {  	_ =	task.clear_ibuf [dreg:s18], $0x4FFFF;
	_ =	strace $0x9000004F  }
0xb8: {  	s26 =	simm.s32 $0xA;
	_ =	strace $0x80000051  }
0xb9: {  	_ =	swait.ge [sflag:s26], $0x1  }
0xba: {  	[sflag:s26] =	ssyncadd.s32 $0xFFFFFFFF  }
0xbb: {  	_ =	strace $0x90000051  }
0xbc: {  	_ =	sfence  }
0xbd: {  	s28 =	sld [smem:$0x0];
	_ =	sdelay $0x1  }
0xbe: {  	s29 =	srdreg.scid  }
0xbf: {  	s30 =	sshll.u32 s29, $0xD;
	s31 =	sshrl.u32 s29, $0x2  }
0xc0: {  	s2 =	sand.u32 $0x1, s29;
	s3 =	sand.u32 $0x4000, s30;
	s1 =	sadd.s32 s31, s28  }
0xc1: {  	s2 =	sor.u32 s3, s2;
	s1 =	sshll.u32 s1, $0x11  }
0xc2: {  	s1 =	sor.u32 s1, s2  }
0xc3: {  	s1 =	sadd.s32 $0x8F2B, s1  }
0xc4: {  	[sflag:s1] =	ssyncadd.remote.s32 $0x1  }
0xc5: {  	_ =	sfence.sel $0xFFFF  }
0xc6: {  	[dreg:$0x0] =	wrdreg $0xFFFFFFFF;
	(pc) =	sbr.abs _section_cstart, $3  }
0xc7: {  	[dreg:$0x1] =	wrdreg $0xFFFFFFFF  }
0xc8: {  	_ =	task.clear_ibuf [dreg:s18], $0x2FFFF;
	_ =	strace $0x9FFFFFFF  }
0xc9: {  	(tm) =	ssettm $0x7FFFFFFF  }
tec
execute0_lowered:
.L_overlay_start_1:
0x0: {  	(tag) =	ssettag $0x1  }
0x1: {  	s2 =	rddreg [dreg:$0x0]  }
0x2: {  	s6 =	rddreg [dreg:$0x1]  }
0x3: {  	s0 =	rddreg [dreg:$0x2];
	s3 =	stileid.u32  }
0x4: {  	[bflag:$0x3] =	sbarrier.arrive $0xFFFF;
	s1 =	simm.s32 $_size_execute1_lowered;
	p0 =	sne.s32 s3, $0x0  }
0x5: {  	s1 =	sshll.u32 s1, $0x1;
	s4 =	simm.s32 @!p0 $0x1C3F;
	s5 =	simm.s32 @!p0 $0x4060  }
0x6: {  	[timem:s5], [sflag:s4] =	dma.local @!p0 [hbm:s2], s1  }
0x7: {  	s7 =	simm.s32 $0x1;
	s8 =	simm.s32 $0x2;
	s2 =	sshll.u32 s3, $0xE  }
0x8: {  	s10 =	simm.s32 $0x0;
	s9 =	simm.s32 $0x0;
	s30 =	ssub.s32 $0x1400000, s2  }
.Ltmp0:
0x9: {  	s3 =	sadd.s32 $0x8A600, s6;
	s31 =	sand.u32 $0x3C000, s30;
	(pc) =	sbr.rel .LBB2_1-.Ltmp0, $4  }
0xa: {  	s4 =	simm.s32 $0x1;
	_ =	strace $0x8000004D;
	p1 =	sne.s32 s31, $0x0  }
0xb: {  	s5 =	sshrl.u32 s30, $0x12;
	[sflag:s4] =	ssyncpa.u1 $0x0;
	s7 =	simm.s32 @!p1 $0x0  }
0xc: {  	s6 =	sadd.s32 $0x30A600, s6;
	[sflag:s8] =	ssyncpa.u1 $0x0;
	s5 =	sadd.s32 s7, s5  }
0xd: {  	s8 =	smov.u32 s2;
	p1 =	por $0x0, $0x0;
	s7 =	sadd.s32 $0x1, s5  }
.LBB2_4:
0xe: {  	[tilespmem:s11+$0xB0] =	vst v0  }
0xf: {  	[tilespmem:s11+$0xC0] =	vst v1  }
0x10: {  	[tilespmem:s11+$0xD0] =	vst v2  }
0x11: {  	[tilespmem:s11+$0xE0] =	vst v3;
	s13 =	sshrl.u32 s10, $0x3  }
0x12: {  	[tilespmem:s11+$0xFFFFFF00] =	vst v4;
	s31 =	sand.u32 $0x7, s10;
	s30 =	sadd.s32 s6, s13  }
0x13: {  	[hbm4b:s30+s31] =	stream.linear.scatter [tilespmem:s12], [sflag:$0x2], $0x4000, $0x38;
	[tilespmem:$0x10000] =	vst v63  }
.LBB2_5:
0x14: {  	s12 =	sadd.s32 $0x40000, s8  }
0x15: {  	p3 =	sgt.s32 s12, $0x13FFFFF  }
0x16: {  	s12 =	smov.u32 @p3 s2;
	p3 =	sne.s32 s9, s7  }
.Ltmp1:
0x17: {  	p2 =	slt.u32 s9, $0x2;
	(pc) =	sbr.rel @!p3 .LBB2_6-.Ltmp1, $4  }
0x18: {  	s11 =	simm.s32 @!p2 $0x2  }
0x19: {  	s13 =	sadd.s32 $0x1, s9;
	_ =	swait.ge @!p2 [sflag:s11], $0x4000  }
0x1a: {  	s10 =	smov.u32 s8;
	p1 =	por !p1, !p1;
	[sflag:s11] =	ssyncset.done @!p2 $0x0  }
0x1b: {  	s9 =	smov.u32 s13;
	s8 =	smov.u32 s12;
	[sflag:s11] =	ssyncadd.s32 @!p2 $0xFFFFC000  }
.LBB2_1:
0x1c: {  	p2 =	sge.u32 s9, s5  }
0x1d: {  	s11 =	sxor.u32 @!p2 $0xFFFFFFFF, s9  }
0x1e: {  	s31 =	sadd.s32 $0xFFFFFFFF, s9;
	s12 =	sshrl.u32 @!p2 s8, $0x3;
	s11 =	sshll.u32 @!p2 s11, $0xE  }
0x1f: {  	s13 =	sand.u32 @!p2 $0x7, s8;
	s12 =	sadd.s32 @!p2 s3, s12;
	s11 =	sand.u32 @!p2 $0x4000, s11  }
0x20: {  	[tilespmem:s11], [sflag:$0x1] =	stream.linear.gather @!p2 [hbm4b:s12+s13], $0x4000, $0x38;
	[tilespmem:$0x10000] =	vst v63  }
0x21: {  	p2 =	sge.u32 s31, s5  }
.Ltmp2:
0x22: {  	_ = 	snop;
	(pc) =	sbr.rel @p2 .LBB2_5-.Ltmp2, $1  }
0x23: {  	_ =	sdelay $0x3  }
0x24: {  	s11 =	simm.s32 $0x1  }
0x25: {  	_ =	swait.ge [sflag:s4], $0x4000;
	s11 =	simm.s32 @!p1 $0x0  }
0x26: {  	[sflag:s4] =	ssyncset.done $0x0;
	s11 =	sshll.u32 s11, $0xE  }
0x27: {  	[sflag:s4] =	ssyncadd.s32 $0xFFFFC000;
	s14 =	sor.u32 $0x100, s11  }
0x28: {  	v0 =	vld [tilespmem:s14+$0xF0]  }
0x29: {  	v1 =	vld [tilespmem:s14+$0xFFFFFF10]  }
0x2a: {  	v2 =	vld [tilespmem:s14+$0xFFFFFF20]  }
0x2b: {  	v3 =	vld [tilespmem:s14+$0xFFFFFF30]  }
0x2c: {  	s11 =	sor.u32 $0x8100, s11;
	v4 =	vld [tilespmem:s14+$0xFFFFFF40]  }
0x2d: {  	v5 =	vld [tilespmem:s14+$0xFFFFFF50];
	[tilespmem:s11+$0xF0] =	vst v0  }
0x2e: {  	[tilespmem:s11+$0xFFFFFF10] =	vst v1;
	v0 =	vld [tilespmem:s14+$0xFFFFFF60]  }
0x2f: {  	[tilespmem:s11+$0xFFFFFF20] =	vst v2;
	v1 =	vld [tilespmem:s14+$0xFFFFFF70]  }
0x30: {  	[tilespmem:s11+$0xFFFFFF30] =	vst v3;
	v2 =	vld [tilespmem:s14+$0xFFFFFF80]  }
0x31: {  	[tilespmem:s11+$0xFFFFFF40] =	vst v4;
	v3 =	vld [tilespmem:s14+$0xFFFFFF90]  }
0x32: {  	[tilespmem:s11+$0xFFFFFF50] =	vst v5;
	v4 =	vld [tilespmem:s14+$0xFFFFFFA0]  }
0x33: {  	v5 =	vld [tilespmem:s14+$0xA0];
	[tilespmem:s11+$0xFFFFFF60] =	vst v0  }
0x34: {  	v0 =	vld [tilespmem:s14+$0xFFFFFFB0];
	[tilespmem:s11+$0xFFFFFF70] =	vst v1  }
0x35: {  	v1 =	vld [tilespmem:s14+$0xFFFFFFC0];
	[tilespmem:s11+$0xFFFFFF80] =	vst v2  }
0x36: {  	v2 =	vld [tilespmem:s14+$0xFFFFFFD0];
	[tilespmem:s11+$0xFFFFFF90] =	vst v3  }
0x37: {  	v3 =	vld [tilespmem:s14+$0xFFFFFFE0];
	[tilespmem:s11+$0xFFFFFFA0] =	vst v4  }
0x38: {  	v4 =	vld [tilespmem:s14+$0xFFFFFFF0];
	[tilespmem:s11+$0xA0] =	vst v5  }
0x39: {  	[tilespmem:s11+$0xFFFFFFB0] =	vst v0;
	v0 =	vld [tilespmem:s14+$0x0]  }
0x3a: {  	[tilespmem:s11+$0xFFFFFFC0] =	vst v1;
	v1 =	vld [tilespmem:s14+$0x10]  }
0x3b: {  	[tilespmem:s11+$0xFFFFFFD0] =	vst v2;
	v2 =	vld [tilespmem:s14+$0x20]  }
0x3c: {  	[tilespmem:s11+$0xFFFFFFE0] =	vst v3;
	v3 =	vld [tilespmem:s14+$0x30]  }
0x3d: {  	[tilespmem:s11+$0xFFFFFFF0] =	vst v4;
	v4 =	vld [tilespmem:s14+$0x40]  }
0x3e: {  	[tilespmem:s11+$0x0] =	vst v0;
	v0 =	vld [tilespmem:s14+$0x50]  }
0x3f: {  	[tilespmem:s11+$0x10] =	vst v1;
	v1 =	vld [tilespmem:s14+$0x60]  }
0x40: {  	[tilespmem:s11+$0x20] =	vst v2;
	v2 =	vld [tilespmem:s14+$0x70]  }
0x41: {  	[tilespmem:s11+$0x30] =	vst v3;
	v3 =	vld [tilespmem:s14+$0x80]  }
0x42: {  	[tilespmem:s11+$0x40] =	vst v4;
	v4 =	vld [tilespmem:s14+$0x90]  }
0x43: {  	[tilespmem:s11+$0x50] =	vst v0;
	v0 =	vld [tilespmem:s14+$0xB0]  }
0x44: {  	[tilespmem:s11+$0x60] =	vst v1;
	v1 =	vld [tilespmem:s14+$0xC0]  }
0x45: {  	s12 =	sshll.u32 s9, $0xE;
	[tilespmem:s11+$0x70] =	vst v2;
	v2 =	vld [tilespmem:s14+$0xD0]  }
0x46: {  	s12 =	sand.u32 $0x4000, s12;
	[tilespmem:s11+$0x80] =	vst v3;
	v3 =	vld [tilespmem:s14+$0xE0]  }
0x47: {  	s13 =	simm.s32 $0x0;
	s12 =	sor.u32 $0x8000, s12;
	[tilespmem:s11+$0x90] =	vst v4;
	v4 =	vld [tilespmem:s14+$0xFFFFFF00];
	s14 =	sadd.s32 $0x200, s14  }
.LBB2_3:
0x48: {  	v5 =	vld [tilespmem:s14+$0xF0];
	s13 =	sadd.s32 $0x200, s13;
	[tilespmem:s11+$0xB0] =	vst v0  }
0x49: {  	v0 =	vld [tilespmem:s14+$0xFFFFFF10];
	p2 =	slt.u32 s13, $0x3E00;
	[tilespmem:s11+$0xC0] =	vst v1  }
0x4a: {  	v1 =	vld [tilespmem:s14+$0xFFFFFF20];
	[tilespmem:s11+$0xD0] =	vst v2  }
0x4b: {  	v2 =	vld [tilespmem:s14+$0xFFFFFF30];
	[tilespmem:s11+$0xE0] =	vst v3  }
0x4c: {  	v3 =	vld [tilespmem:s14+$0xFFFFFF40];
	[tilespmem:s11+$0xFFFFFF00] =	vst v4;
	s11 =	sadd.s32 $0x200, s11  }
0x4d: {  	v4 =	vld [tilespmem:s14+$0xFFFFFF50];
	[tilespmem:s11+$0xF0] =	vst v5  }
0x4e: {  	[tilespmem:s11+$0xFFFFFF10] =	vst v0;
	v0 =	vld [tilespmem:s14+$0xFFFFFF60]  }
0x4f: {  	[tilespmem:s11+$0xFFFFFF20] =	vst v1;
	v1 =	vld [tilespmem:s14+$0xFFFFFF70]  }
0x50: {  	[tilespmem:s11+$0xFFFFFF30] =	vst v2;
	v2 =	vld [tilespmem:s14+$0xFFFFFF80]  }
0x51: {  	[tilespmem:s11+$0xFFFFFF40] =	vst v3;
	v3 =	vld [tilespmem:s14+$0xFFFFFF90]  }
0x52: {  	[tilespmem:s11+$0xFFFFFF50] =	vst v4;
	v4 =	vld [tilespmem:s14+$0xFFFFFFA0]  }
0x53: {  	[tilespmem:s11+$0xFFFFFF60] =	vst v0;
	v0 =	vld [tilespmem:s14+$0xFFFFFFB0]  }
0x54: {  	[tilespmem:s11+$0xFFFFFF70] =	vst v1;
	v1 =	vld [tilespmem:s14+$0xFFFFFFC0]  }
0x55: {  	[tilespmem:s11+$0xFFFFFF80] =	vst v2;
	v2 =	vld [tilespmem:s14+$0xFFFFFFD0]  }
0x56: {  	[tilespmem:s11+$0xFFFFFF90] =	vst v3;
	v3 =	vld [tilespmem:s14+$0xFFFFFFE0]  }
0x57: {  	[tilespmem:s11+$0xFFFFFFA0] =	vst v4;
	v4 =	vld [tilespmem:s14+$0xFFFFFFF0]  }
0x58: {  	[tilespmem:s11+$0xFFFFFFB0] =	vst v0;
	v0 =	vld [tilespmem:s14+$0x0]  }
0x59: {  	[tilespmem:s11+$0xFFFFFFC0] =	vst v1;
	v1 =	vld [tilespmem:s14+$0x10]  }
0x5a: {  	[tilespmem:s11+$0xFFFFFFD0] =	vst v2;
	v2 =	vld [tilespmem:s14+$0x20]  }
0x5b: {  	[tilespmem:s11+$0xFFFFFFE0] =	vst v3;
	v3 =	vld [tilespmem:s14+$0x30]  }
0x5c: {  	[tilespmem:s11+$0xFFFFFFF0] =	vst v4;
	v4 =	vld [tilespmem:s14+$0x40]  }
0x5d: {  	[tilespmem:s11+$0x0] =	vst v0;
	v0 =	vld [tilespmem:s14+$0x50]  }
0x5e: {  	[tilespmem:s11+$0x10] =	vst v1;
	v1 =	vld [tilespmem:s14+$0x60]  }
0x5f: {  	[tilespmem:s11+$0x20] =	vst v2;
	v2 =	vld [tilespmem:s14+$0x70]  }
0x60: {  	[tilespmem:s11+$0x30] =	vst v3;
	v3 =	vld [tilespmem:s14+$0x80]  }
0x61: {  	[tilespmem:s11+$0x40] =	vst v4;
	v4 =	vld [tilespmem:s14+$0x90]  }
0x62: {  	[tilespmem:s11+$0x50] =	vst v0;
	v5 =	vld [tilespmem:s14+$0xA0]  }
.Ltmp3:
0x63: {  	[tilespmem:s11+$0x60] =	vst v1;
	v0 =	vld [tilespmem:s14+$0xB0];
	(pc) =	sbr.rel @p2 .LBB2_3-.Ltmp3, $4  }
0x64: {  	[tilespmem:s11+$0x70] =	vst v2;
	v1 =	vld [tilespmem:s14+$0xC0]  }
0x65: {  	[tilespmem:s11+$0x80] =	vst v3;
	v2 =	vld [tilespmem:s14+$0xD0]  }
0x66: {  	[tilespmem:s11+$0x90] =	vst v4;
	v3 =	vld [tilespmem:s14+$0xE0]  }
0x67: {  	v4 =	vld [tilespmem:s14+$0xFFFFFF00];
	[tilespmem:s11+$0xA0] =	vst v5;
	s14 =	sadd.s32 $0x200, s14  }
.Ltmp4:
0x68: {  	_ = 	snop;
	(pc) =	sbr.rel .LBB2_4-.Ltmp4, $1  }
0x69: {  	_ =	sdelay $0x3  }
.LBB2_6:
0x6a: {  	_ =	sfence.sel $0x180000  }
0x6b: {  	s2 =	simm.s32 $0x1;
	[bflag:$0x0] =	sbarrier.arrive $0xFFFF  }
0x6c: {  	s31 =	simm.s32 $0x2;
	[sflag:s2] =	ssyncpa.u1 $0x1  }
0x6d: {  	[sflag:s31] =	ssyncpa.u1 $0x1  }
0x6e: {  	_ =	strace $0x9000004D  }
0x6f: {  	s0 =	sadd.s32 @!p0 $0x100000, s0;
	[bflag:$0x2] =	sbarrier.arrive $0xFFFF  }
0x70: {  	[sflag:s0] =	ssyncadd.tile.s32 @!p0 $0x1;
	s0 =	simm.s32 @!p0 $0x3F  }
0x71: {  	_ =	swait.ge @!p0 [sflag:s0], s1  }
0x72: {  	s1 =	ssub.s32 @!p0 $0x0, s1;
	[sflag:s0] =	ssyncset.done @!p0 $0x0  }
0x73: {  	[sflag:s0] =	ssyncadd.s32 @!p0 s1  }
0x74: {  	[bflag:$0x3] =	sbarrier.arrive $0xFFFF  }
0x75: {  	_ =	shalt  }
.Lfunc_end2:
execute1_lowered:
.L_overlay_start_2:
0x76: {  	(tag) =	ssettag $0x2  }
0x77: {  	s6 =	rddreg [dreg:$0x0]  }
0x78: {  	s0 =	rddreg [dreg:$0x1];
	_ =	strace $0x80000050;
	s3 =	simm.s32 $0x1  }
0x79: {  	v1 =	vimm.s32 $0xFFFFFFFF;
	[sflag:s3] =	ssyncpa.u1 $0x0  }
0x7a: {  	[tilespmem:$0x10] =	vst v1  }
0x7b: {  	v0 =	vimm.f32 $0.0e+00;
	[tilespmem:$0x20] =	vst v1  }
0x7c: {  	[tilespmem:$0x30] =	vst v0  }
0x7d: {  	[tilespmem:$0x40] =	vst v0  }
0x7e: {  	s2 =	stileid.u32;
	[tilespmem:$0x50] =	vst v0  }
0x7f: {  	s7 =	simm.s32 $0x2;
	s9 =	simm.s32 $0x8;
	s11 =	simm.s32 $0x9;
	[tilespmem:$0x60] =	vst v1  }
0x80: {  	s14 =	simm.s32 $0x0;
	p0 =	por $0x0, $0x0;
	s15 =	simm.s32 $0xFFFFD980;
	[tilespmem:$0x70] =	vst v1  }
0x81: {  	s16 =	simm.s32 $0xFFFFFFFE;
	s17 =	simm.s32 $0xF;
	s18 =	simm.s32 $0x30;
	[tilespmem:$0x80] =	vst v1  }
0x82: {  	s21 =	simm.s32 $0x0;
	s19 =	simm.s32 $0x0;
	s5 =	smul.u32 $0x4F00, s2;
	v1 =	vimm.s32 $0x0;
	[tilespmem:$0xB0] =	vst v0  }
.Ltmp5:
0x83: {  	s1 =	sadd.s32 $0x30A600, s6;
	s4 =	sadd.s32 $0x76A00, s6;
	[tilespmem:$0x90] =	vst v1;
	(pc) =	sbr.rel .LBB3_1-.Ltmp5, $4  }
0x84: {  	s6 =	sadd.s32 $0x80800, s6;
	[tilespmem:$0xA0] =	vst v1;
	[sflag:s7] =	ssyncpa.u1 $0x0;
	s7 =	simm.s32 $0x7  }
0x85: {  	s10 =	sshll.u32 s2, $0x1;
	s12 =	sshllo.u32 s2, $0x1;
	[sflag:s7] =	ssyncpa.u1 $0x0  }
0x86: {  	vm0 =	vmmov $0xffff;
	v2 =	vlaneseq.u32;
	s13 =	sor.u32 $0x80, s10;
	s8 =	sadd.s32 $0x4F00, s5;
	[sflag:s9] =	ssyncpa.u1 $0x0  }
0x87: {  	vm1 =	vmxor vm1, vm1;
	vm2 =	vmmov $0x1;
	vm3 =	vcmask $0x3F3C;
	s20 =	smov.u32 s5;
	[sflag:s11] =	ssyncpa.u1 $0x0;
	s11 =	sor.u32 $0x81, s10  }
.LBB3_10:
0x88: {  	p1 =	slt.u32 s19, $0x3  }
0x89: {  	s21 =	simm.s32 @!p1 $0x2  }
0x8a: {  	_ =	swait.ge @!p1 [sflag:s21], $0x13C0  }
0x8b: {  	[sflag:s21] =	ssyncset.done @!p1 $0x0  }
0x8c: {  	[sflag:s21] =	ssyncadd.s32 @!p1 $0xFFFFEC40;
	s21 =	simm.s32 @!p1 $0x9  }
0x8d: {  	_ =	swait.ge @!p1 [sflag:s21], $0x10  }
0x8e: {  	s19 =	sadd.s32 $0x1, s19;
	[sflag:s21] =	ssyncset.done @!p1 $0x0  }
0x8f: {  	[sflag:s21] =	ssyncadd.s32 @!p1 $0xFFFFFFF0;
	p1 =	sne.s32 s19, $0x7  }
.Ltmp6:
0x90: {  	_ = 	snop;
	(pc) =	sbr.rel @!p1 .LBB3_11-.Ltmp6, $4  }
0x91: {  	s22 =	sadd.s32 $0x13C0, s20  }
0x92: {  	s23 =	smov.u32 s5;
	p2 =	slt.s32 s22, s8  }
0x93: {  	p0 =	por !p0, !p0;
	s15 =	sadd.s32 $0x13C0, s15;
	s23 =	smov.u32 @p2 s22  }
0x94: {  	s16 =	sadd.s32 $0x1, s16;
	s21 =	smov.u32 s20;
	s20 =	smov.u32 s23  }
.LBB3_1:
0x95: {  	p1 =	sgt.u32 s19, $0x3  }
0x96: {  	p2 =	seq.s32 @!p1 s19, $0x3;
	s22 =	smul.u32 @!p1 $0x4F00, s19  }
0x97: {  	p2 =	por !p2, p1  }
0x98: {  	s22 =	simm.s32 @!p2 $0x0  }
0x99: {  	s23 =	sshrl.u32 @!p1 s20, $0x3;
	s22 =	sshra.s32 @!p1 s22, $0x2  }
0x9a: {  	s24 =	sand.u32 @!p1 $0x7, s20;
	s23 =	sadd.s32 @!p1 s4, s23;
	s22 =	sadd.s32 @!p1 $0x100, s22  }
0x9b: {  	[tilespmem:s22], [sflag:$0x7] =	stream.linear.gather @!p1 [hbm4b:s23+s24], $0x13C0, $0x38;
	[tilespmem:$0xB2E0] =	vst v63  }
0x9c: {  	s22 =	sadd.s32 $0xFFFFFFFF, s19  }
0x9d: {  	p1 =	sgt.u32 s22, $0x3  }
.Ltmp7:
0x9e: {  	_ = 	snop;
	(pc) =	sbr.rel @p1 .LBB3_5-.Ltmp7, $1  }
0x9f: {  	_ =	sdelay $0x3  }
0xa0: {  	s23 =	sadd.s32 $0xFFFFFFFC, s19;
	p1 =	seq.s32 s22, $0x3;
	s24 =	smov.u32 s22  }
0xa1: {  	s24 =	smov.u32 @p1 s23  }
0xa2: {  	s23 =	smul.u32 $0x4F00, s24  }
0xa3: {  	_ =	swait.ge [sflag:s7], $0x13C0  }
0xa4: {  	[sflag:s7] =	ssyncset.done $0x0;
	s23 =	sshra.s32 s23, $0x2  }
0xa5: {  	[sflag:s7] =	ssyncadd.s32 $0xFFFFEC40;
	(ifvalue) =	ssetifvalue $0xFFFFFFFF;
	v3 =	vld.msk [tilespmem:s23+$0x100 ss:$0x1], $0xffff;
	_ =	sdelay $0x2  }
0xa6: {  	p1 =	sne.s32 s19, $0x1  }
0xa7: {  	v4 =	vimm.s32 @!p1 $0x0  }
0xa8: {  	v4 =	vperm.xlane @!p1 v3, v4  }
0xa9: {  	s30 =	sshll.u32 s19, $0x4;
	vm4 =	vlt.u32 v3, $0x1400000  }
0xaa: {  	s24 =	sand.u32 $0x10, s30;
	v3 =	vnsel vm4, $0xFFFFFFFE, v3;
	vm4 =	vlt.u32 @!p1 v4, $0x1400000  }
0xab: {  	[tilespmem:s24+$0x60] =	vst v3;
	v3 =	vnsel @!p1 vm4, $0xFFFFFFFE, v4  }
0xac: {  	s26 =	sadd.s32 $0x14B0, s23;
	[tilespmem:$0x80] =	vst @!p1 v3  }
0xad: {  	v3 =	vld.msk [tilespmem:s26+$0x0 ss:$0x1], $0xffff;
	_ =	sdelay $0x4  }
0xae: {  	(xrf1) =	vunique.msk.u32 $0xffff, v3;
	_ =	sdelay $0xd  }
0xaf: {  	v4 =	vimm.s32 $0xFFFFFFFF;
	v5, _, _ =	vpop (xrf1)  }
0xb0: {  	vm5 =	vne.s32 v3, v4;
	vm4 =	veq.s32 v5, v2  }
0xb1: {  	vm6 =	vlt.u32 v3, $0x1400000;
	vm4 =	vmand vm5, vm4  }
0xb2: {  	vm4 =	vmand vm6, vm4  }
0xb3: {  	v4 =	vnsel vm4, $0xFFFFFFFF, v3  }
0xb4: {  	s31 =	sand.u32 $0x1, s22  }
0xb5: {  	s22 =	simm.s32 $0x13C0;
	p1 =	seq.s32 s31, $0x1  }
0xb6: {  	s22 =	simm.s32 @!p1 $0x0  }
0xb7: {  	s23 =	sadd.s32 $0x4FF0, s22;
	(ifvalue) =	ssetifvalue $0xFFFFFFFF  }
0xb8: {  	v3 =	vperm.xlane v3, v1;
	[tilespmem:s23], [sflag:$0x8] =	stream.indirect_vreg.gather [hbm4b:s1+s14], $0x1, v4, vm0, $0x4038;
	v4 =	vnsel vm6, $0xFFFFFFFE, v4;
	[tilespmem:$0xB2E0] =	vst v63  }
0xb9: {  	s25 =	sadd.s32 $0xFFFFFFF0, s26;
	s24 =	simm.s32 $0x0;
	[tilespmem:s26+$0x0] =	vst v4  }
.LBB3_3:
0xba: {  	v4 =	vld.msk [tilespmem:s25+$0x0 ss:$0x1], $0xffff;
	s24 =	sadd.s32 $0x10, s24;
	v5 =	vmov v3;
	s26 =	smov.u32 s25  }
0xbb: {  	p1 =	slt.u32 s24, $0x13B0;
	_ =	sdelay $0x4  }
0xbc: {  	v3 =	vperm.xlane v4, v1;
	(xrf1) =	vunique.msk.u32 $0xffff, v4;
	_ =	sdelay $0xd  }
0xbd: {  	v6, _, _ =	vpop (xrf1)  }
0xbe: {  	vm5 =	vne.s32 v4, v5;
	vm4 =	veq.s32 v6, v2  }
0xbf: {  	vm6 =	vlt.u32 v4, $0x1400000;
	vm4 =	vmand vm5, vm4  }
0xc0: {  	vm4 =	vmand vm6, vm4  }
0xc1: {  	v4 =	vnsel vm4, $0xFFFFFFFF, v4  }
.Ltmp8:
0xc2: {  	v5 =	vnsel vm6, $0xFFFFFFFE, v4;
	(pc) =	sbr.rel @p1 .LBB3_3-.Ltmp8, $3  }
0xc3: {  	_ =	sdelay $0x1  }
0xc4: {  	s25 =	sadd.s32 $0xFFFFFFF0, s25;
	s23 =	sadd.s32 $0xFFFFFFF0, s23;
	(ifvalue) =	ssetifvalue $0xFFFFFFFF  }
0xc5: {  	[tilespmem:s23], [sflag:$0x8] =	stream.indirect_vreg.gather [hbm4b:s1+s14], $0x1, v4, vm0, $0x4038;
	[tilespmem:s26+$0x0] =	vst v5  }
0xc6: {  	s21 =	sshrl.u32 s21, $0x3  }
0xc7: {  	s22 =	sadd.s32 $0x63C0, s22;
	s21 =	sadd.s32 s6, s21  }
0xc8: {  	[tilespmem:s22], [sflag:$0x8] =	stream.linear.gather [hbm:s21], $0x13C0, $0x38;
	[tilespmem:$0xB2E0] =	vst v63  }
.LBB3_5:
0xc9: {  	p1 =	sgt.u32 s19, $0x6  }
.Ltmp9:
0xca: {  	_ = 	snop;
	(pc) =	sbr.rel @p1 .LBB3_7-.Ltmp9, $1  }
0xcb: {  	_ =	sdelay $0x3  }
0xcc: {  	s21 =	sshll.u32 s3, s19  }
0xcd: {  	s21 =	sand.u32 $0x43, s21  }
0xce: {  	p1 =	sne.s32 s21, $0x0  }
.Ltmp10:
0xcf: {  	_ = 	snop;
	(pc) =	sbr.rel @p1 .LBB3_10-.Ltmp10, $1  }
0xd0: {  	_ =	sdelay $0x3  }
.LBB3_7:
0xd1: {  	s21 =	sadd.s32 $0xFFFFFFFE, s19  }
0xd2: {  	s22 =	smulhi.u32 $0xAAAAAAAB, s21;
	_ =	sdelay $0x1  }
0xd3: {  	s22 =	sshrl.u32 s22, $0x1  }
0xd4: {  	s22 =	smul.u32 $0x3, s22;
	_ =	sdelay $0x1  }
0xd5: {  	s21 =	ssub.s32 s21, s22  }
0xd6: {  	_ =	swait.ge [sflag:s9], $0x2780;
	s25 =	smul.u32 $0x13C0, s21  }
0xd7: {  	p1 =	sne.s32 s19, $0x5;
	[sflag:s9] =	ssyncset.done $0x0  }
0xd8: {  	[sflag:s9] =	ssyncadd.s32 $0xFFFFD880;
	s21 =	sadd.s32 @!p1 $0x14BF, s25  }
0xd9: {  	[spmem:s11] =	stream.linear.scatter @!p1 [tilespmem:s21], [sflag:$0x1], $0x1, $0x38;
	[tilespmem:$0xB2E0] =	vst v63  }
0xda: {  	s21 =	simm.s32 @!p1 $0x1  }
0xdb: {  	_ =	swait.ge @!p1 [sflag:s21], $0x1  }
0xdc: {  	s26 =	sshll.u32 s19, $0x4;
	[sflag:s21] =	ssyncset.done @!p1 $0x0  }
0xdd: {  	[sflag:s21] =	ssyncadd.s32 @!p1 $0xFFFFFFFF;
	s21 =	sand.u32 $0x10, s26  }
0xde: {  	v4 =	vld [tilespmem:s21+$0x10];
	s26 =	sxor.u32 $0x10, s21  }
0xdf: {  	v5 =	vld [tilespmem:s26+$0x60]  }
0xe0: {  	v3 =	vld [tilespmem:$0x80];
	_ =	sdelay $0x2  }
0xe1: {  	(v2sf) =	vpush v4, $0x0  }
0xe2: {  	(v2sf) =	vpush v5, $0x0  }
0xe3: {  	(v2sf) =	vpush v3, $0x0;
	_ =	sdelay $0xc  }
0xe4: {  	s31 =	spop (v2sf)  }
0xe5: {  	s24 =	spop (v2sf)  }
0xe6: {  	s23 =	spop (v2sf)  }
0xe7: {  	p2 =	seq.s32 s31, s24;
	p3 =	seq.s32 s23, s31  }
0xe8: {  	p3 =	por p2, p3  }
0xe9: {  	s31 =	sand.u32 $0x1, s19;
	v4 =	vpsel p3, $0xFFFFFFFF, v4  }
0xea: {  	s24 =	smul.u32 $0x13C0, s31;
	[tilespmem:s21+$0x10] =	vst.msk $0x1, v4  }
0xeb: {  	v4 =	vld [tilespmem:$0x30]  }
0xec: {  	v5 =	vld [tilespmem:s24+$0x63C0]  }
0xed: {  	v6 =	vld [tilespmem:s21+$0x40];
	_ =	sdelay $0x3  }
0xee: {  	vm4 =	vmmov vm1;
	v5 =	vadd.f32 v5, v4  }
0xef: {  	vm5 =	vmmov vm2;
	vm4 =	vmmov @p2 vm2;
	s22 =	sshll.u32 s31, $0x4;
	v4 =	vadd.f32 v6, v4  }
0xf0: {  	vm5 =	vmmov @p3 vm1;
	s22 =	sor.u32 $0xB2C0, s22;
	[tilespmem:s24+$0x63C0] =	vst.msk vm4, v5  }
0xf1: {  	[tilespmem:s22+$0x0] =	vst.msk vm5, v4  }
0xf2: {  	v4 =	vld [tilespmem:s24+$0x4FF0];
	_ =	sdelay $0x3  }
0xf3: {  	v5 =	vimm.f32 $0.0e+00  }
0xf4: {  	v4 =	vshift.insert v4, v5, s17  }
0xf5: {  	s28 =	sor.u32 $0x40, s26  }
0xf6: {  	[tilespmem:s28+$0x0] =	vst.msk $0x1, v4  }
0xf7: {  	[tilespmem:s24+$0x4FFF] =	vst.msk $0x1, v5  }
0xf8: {  	v4 =	vld [tilespmem:s25+$0x14B0];
	_ =	sdelay $0x1  }
0xf9: {  	s28 =	smulhi.u32 $0xAAAAAAAB, s16;
	s25 =	simm.s32 $0x1  }
0xfa: {  	s25 =	simm.s32 @!p0 $0x0  }
0xfb: {  	s28 =	sshrl.u32 s28, $0x1;
	s25 =	smul.u32 $0x4F00, s25  }
0xfc: {  	s28 =	smul.u32 $0xFFFF1300, s28;
	v4 =	vshift.insert v4, v1, s17  }
0xfd: {  	s29 =	sshrl.u32 s25, $0x2  }
0xfe: {  	s28 =	sshra.s32 s28, $0x2;
	s25 =	sadd.s32 $0x63C0, s29;
	[tilespmem:s26+$0x10] =	vst.msk $0x1, v4  }
0xff: {  	s30 =	sadd.s32 s28, s15;
	v6 =	vld [tilespmem:s25+$0x0]  }
0x100: {  	v7 =	vld [tilespmem:s30+$0x0];
	_ =	sdelay $0x3  }
0x101: {  	v5 =	vadd.f32 v6, v5  }
0x102: {  	vm4 =	vne.s32 v7, $0xFFFFFFFF  }
0x103: {  	(xrf2) =	vadd.seg.scan.f32 vm4, v5;
	_ =	sdelay $0x3  }
0x104: {  	s26 =	sadd.s32 $0x3C40, s29;
	v5 =	vperm.xlane v4, v1  }
0x105: {  	v6 =	vld [tilespmem:s26+$0x0]  }
0x106: {  	vm5 =	veq.s32 v7, v3;
	vm6 =	veq.s32 v7, v5  }
0x107: {  	vm7 =	vgt.u32 v7, $0xFFFFFFFD;
	vm6 =	vmor vm6, vm5  }
0x108: {  	vm6 =	vmor vm6, vm7  }
0x109: {  	v9 =	vld [tilespmem:$0xA0];
	v7 =	vsel vm6, $0xFFFFFFFF, v7  }
0x10a: {  	v10 =	vld [tilespmem:$0x90];
	v6 =	vsel vm5, $0x0, v6;
	v8, _, _ =	vpop (xrf2)  }
0x10b: {  	v6 =	vadd.f32 v8, v6  }
0x10c: {  	s28 =	sadd.s32 $0x8B40, s29  }
0x10d: {  	vm4 =	vmand vm4, vm3;
	[tilespmem:s28+$0x0] =	vst v6;
	(ifvalue) =	ssetifvalue $0xFFFFFFFF  }
0x10e: {  	vm6 =	veq.s32 v9, $0x1;
	[hbm4b:s1+s14] =	stream.indirect_vreg.scatter [tilespmem:s28], [sflag:$0x2], $0x1, v7, vm0, $0x4038;
	v7 =	vsel vm4, $0x0, v8;
	[tilespmem:$0xB2E0] =	vst v63  }
0x10f: {  	s29 =	simm.s32 $0x0;
	s30 =	sadd.s32 $0x10, s30;
	vm4 =	vmor vm6, vm5;
	v6 =	vsel vm5, v8, v10;
	v7 =	vshift.insert v7, v0, s17  }
.LBB3_8:
0x110: {  	v8 =	vld [tilespmem:s30+$0x0];
	s25 =	sadd.s32 $0x10, s25  }
0x111: {  	s26 =	sadd.s32 $0x10, s26;
	v9 =	vld [tilespmem:s25+$0x0]  }
0x112: {  	s29 =	sadd.s32 $0x10, s29;
	v10 =	vld [tilespmem:s26+$0x0]  }
0x113: {  	p2 =	slt.u32 s29, $0x13B0;
	_ =	sdelay $0x2  }
0x114: {  	v7 =	vadd.f32 v9, v7  }
0x115: {  	vm5 =	vne.s32 v8, $0xFFFFFFFF  }
0x116: {  	vm6 =	vmand vm5, vm3;
	(xrf2) =	vadd.seg.scan.f32 vm5, v7;
	_ =	sdelay $0x5  }
0x117: {  	vm7 =	veq.s32 v8, v5;
	vm5 =	veq.s32 v8, v3  }
0x118: {  	vm8 =	vgt.u32 v8, $0xFFFFFFFD;
	vm4 =	vmor vm4, vm5;
	vm7 =	vmor vm7, vm5  }
0x119: {  	vm7 =	vmor vm7, vm8  }
0x11a: {  	v8 =	vsel vm7, $0xFFFFFFFF, v8  }
.Ltmp11:
0x11b: {  	v7 =	vsel vm5, $0x0, v10;
	v9, _, _ =	vpop (xrf2);
	(pc) =	sbr.rel @p2 .LBB3_8-.Ltmp11, $4  }
0x11c: {  	v6 =	vsel vm5, v9, v6;
	v10 =	vadd.f32 v9, v7;
	v7 =	vsel vm6, $0x0, v9  }
0x11d: {  	s28 =	sadd.s32 $0x10, s28;
	v7 =	vshift.insert v7, v0, s17  }
0x11e: {  	s30 =	sadd.s32 $0x10, s30;
	[tilespmem:s28+$0x0] =	vst v10;
	(ifvalue) =	ssetifvalue $0xFFFFFFFF  }
0x11f: {  	[hbm4b:s1+s14] =	stream.indirect_vreg.scatter [tilespmem:s28], [sflag:$0x2], $0x1, v8, vm0, $0x4038;
	[tilespmem:$0xB2E0] =	vst v63  }
0x120: {  	v3 =	vld [tilespmem:s24+$0x9EF0];
	_ =	sdelay $0x4  }
0x121: {  	v3 =	vshift.insert v3, v0, s17;
	_ =	sdelay $0x1  }
0x122: {  	[tilespmem:s18+$0x0] =	vst.msk $0x1, v3  }
0x123: {  	v3 =	vsel vm4, $0x1, v1;
	[tilespmem:$0x90] =	vst v6  }
0x124: {  	s24 =	sadd.s32 @!p1 $0x9EFF, s24;
	[tilespmem:$0xA0] =	vst v3  }
0x125: {  	[spmem:s12] =	stream.linear.scatter @!p1 [tilespmem:s24], [sflag:$0x1], $0x1, $0x38;
	[tilespmem:$0xB2E0] =	vst v63  }
0x126: {  	s24 =	simm.s32 @!p1 $0x1  }
0x127: {  	v3 =	vmctz.xlane @!p1 vm4;
	_ =	swait.ge @!p1 [sflag:s24], $0x1  }
0x128: {  	(v2sf) =	vpush @!p1 v4, $0x0  }
0x129: {  	(v2sf) =	vpush @!p1 v3, $0x0;
	_ =	sdelay $0xd  }
0x12a: {  	s25 =	spop @!p1 (v2sf)  }
0x12b: {  	s26 =	spop @!p1 (v2sf)  }
0x12c: {  	p2 =	sne.s32 @!p1 s23, s25;
	p3 =	slt.s32 @!p1 s26, $0xF  }
0x12d: {  	[sflag:s24] =	ssyncset.done @!p1 $0x0;
	p2 =	por p2, p1;
	p3 =	por !p3, p1  }
0x12e: {  	[sflag:s24] =	ssyncadd.s32 @!p1 $0xFFFFFFFF;
	v3 =	vimm.s32 @!p2 $0xFFFFFFFF;
	s26 =	simm.s32 @p3 $0xF  }
0x12f: {  	[tilespmem:$0x80] =	vst @!p2 v3;
	s23 =	sadd.s32 @!p1 $0x90, s26  }
0x130: {  	[spmem:s10] =	stream.linear.scatter @!p1 [tilespmem:s23], [sflag:$0x1], $0x1, $0x38;
	[tilespmem:$0xB2E0] =	vst v63  }
0x131: {  	_ =	swait.ge @!p1 [sflag:s24], $0x1  }
0x132: {  	[sflag:s24] =	ssyncset.done @!p1 $0x0  }
0x133: {  	s23 =	simm.s32 @!p1 $0x80;
	[sflag:s24] =	ssyncadd.s32 @!p1 $0xFFFFFFFF  }
0x134: {  	[spmem:s13] =	stream.linear.scatter @!p1 [tilespmem:s23], [sflag:$0x1], $0x1, $0x38;
	[tilespmem:$0xB2E0] =	vst v63  }
0x135: {  	_ =	swait.ge @!p1 [sflag:s24], $0x1  }
0x136: {  	[sflag:s24] =	ssyncset.done @!p1 $0x0  }
0x137: {  	[sflag:s24] =	ssyncadd.s32 @!p1 $0xFFFFFFFF;
	(ifvalue) =	ssetifvalue $0xFFFFFFFF;
	v3 =	vld [tilespmem:s21+$0x10];
	_ =	sdelay $0x3  }
.Ltmp12:
0x138: {  	_ = 	snop;
	(pc) =	sbr.rel .LBB3_10-.Ltmp12, $3  }
0x139: {  	_ =	sdelay $0x1  }
0x13a: {  	(ifvalue) =	ssetifvalue $0xFFFFFFFF  }
0x13b: {  	[hbm4b:s1+s14] =	stream.indirect_vreg.scatter [tilespmem:s22], [sflag:$0x9], $0x1, v3, vm0, $0x4038;
	[tilespmem:$0xB2E0] =	vst v63  }
.LBB3_11:
0x13c: {  	_ =	sfence.sel $0x180000  }
0x13d: {  	s3 =	simm.s32 $0x7;
	[bflag:$0x0] =	sbarrier.arrive $0xFFFF  }
0x13e: {  	s26 =	simm.s32 $0x8;
	[sflag:s3] =	ssyncpa.u1 $0x1  }
0x13f: {  	s28 =	simm.s32 $0x9;
	[sflag:s26] =	ssyncpa.u1 $0x1  }
0x140: {  	[sflag:s28] =	ssyncpa.u1 $0x1  }
0x141: {  	_ =	sfence.stream.spmem  }
0x142: {  	s29 =	simm.s32 $0x3;
	[bflag:$0x0] =	sbarrier.arrive $0xFFFF  }
0x143: {  	s30 =	simm.s32 $0x4;
	[sflag:s29] =	ssyncpa.u1 $0x1  }
0x144: {  	s31 =	simm.s32 $0x3C;
	[sflag:s30] =	ssyncpa.u1 $0x1  }
0x145: {  	p0 =	sne.s32 s2, $0x0;
	[sflag:s31] =	ssyncpa.u1 $0x1  }
0x146: {  	s0 =	simm.s32 @p0 $0x1;
	_ =	sfence @p0  }
0x147: {  	[sflag:s0] =	ssyncpa.u1 @p0 $0x1;
	s0 =	simm.s32 @p0 $0x2  }
0x148: {  	[sflag:s0] =	ssyncpa.u1 @p0 $0x1  }
0x149: {  	_ =	strace @p0 $0x90000050  }
0x14a: {  	[bflag:$0x2] =	sbarrier.arrive @p0 $0xFFFF  }
0x14b: {  	_ =	shalt @p0  }
.LBB3_12:
0x14c: {  	_ =	sfence.stream.spmem;
	s4 =	simm.s32 $0x5  }
0x14d: {  	s2 =	simm.s32 $0x80;
	s3 =	simm.s32 $0xC0;
	[sflag:s4] =	ssyncpa.u1 $0x0  }
0x14e: {  	[tilespmem:s3], [sflag:$0x5] =	stream.linear.gather [spmem:s2], $0x20, $0x38;
	[tilespmem:$0xB2E0] =	vst v63  }
0x14f: {  	s2 =	simm.s32 $0x0;
	s3 =	simm.s32 $0xE0  }
0x150: {  	[tilespmem:s3], [sflag:$0x5] =	stream.linear.gather [spmem:s2], $0x20, $0x38;
	[tilespmem:$0xB2E0] =	vst v63  }
.Ltmp13:
0x151: {  	_ = 	snop;
	(pc) =	sbr.rel .LBB3_13-.Ltmp13, $4  }
0x152: {  	_ =	swait.ge [sflag:s4], $0x40  }
0x153: {  	[sflag:s4] =	ssyncset.done $0x0  }
0x154: {  	s31 =	simm.s32 $0x6;
	[sflag:s4] =	ssyncadd.s32 $0xFFFFFFC0  }
0x155: {  	s4 =	simm.s32 $0x0;
	[sflag:s31] =	ssyncpa.u1 $0x0  }
.LBB3_18:
0x156: {  	p0 =	sgt.u32 s5, $0x13FFFFF  }
0x157: {  	s6 =	sshrl.u32 @!p0 s5, $0x3  }
0x158: {  	s5 =	sand.u32 @!p0 $0x7, s5;
	s7 =	simm.s32 @!p0 $0xB0;
	s6 =	sadd.s32 @!p0 s1, s6  }
0x159: {  	[tilespmem:s7], [sflag:$0x6] =	stream.linear.gather @!p0 [hbm4b:s6+s5], $0x1, $0x38;
	[tilespmem:$0xB2E0] =	vst v63  }
0x15a: {  	s5 =	simm.s32 @!p0 $0x6  }
0x15b: {  	_ =	swait.ge @!p0 [sflag:s5], $0x1  }
0x15c: {  	[sflag:s5] =	ssyncset.done @!p0 $0x0  }
0x15d: {  	[sflag:s5] =	ssyncadd.s32 @!p0 $0xFFFFFFFF  }
0x15e: {  	v2 =	vmov @!p0 s4;
	v1 =	vld.msk @!p0 [tilespmem:$0xB0], $0x1;
	_ =	sdelay $0x3  }
0x15f: {  	s5 =	simm.s32 @!p0 $0xE0  }
0x160: {  	[tilespmem:v2+s5+$0x0], v1 =	vst.idx.ret.add.f32.msk @!p0 $0x1, v1  }
0x161: {  	[tilespmem:s2+$0xC0] =	vst.msk $0x1, v0  }
0x162: {  	v0 =	vld.msk [tilespmem:s4+$0xE0], $0x1;
	_ =	sdelay $0x4  }
0x163: {  	[tilespmem:s2+$0xE0] =	vst.msk $0x1, v0;
	s2 =	sadd.s32 $0x1, s2  }
.LBB3_20:
0x164: {  	s4 =	sadd.s32 $0x1, s4  }
0x165: {  	p0 =	sne.s32 s4, $0x20  }
.Ltmp14:
0x166: {  	_ = 	snop;
	(pc) =	sbr.rel @!p0 .LBB3_21-.Ltmp14, $1  }
0x167: {  	_ =	sdelay $0x3  }
.LBB3_13:
0x168: {  	v0 =	vld.msk [tilespmem:s4+$0xC0], $0x1;
	_ =	sdelay $0x4  }
0x169: {  	(v2sf) =	vpush v0, $0x0;
	_ =	sdelay $0xe  }
0x16a: {  	s5 =	spop (v2sf)  }
0x16b: {  	p0 =	seq.s32 s5, $0xFFFFFFFF  }
.Ltmp15:
0x16c: {  	_ = 	snop;
	(pc) =	sbr.rel @p0 .LBB3_20-.Ltmp15, $1  }
0x16d: {  	_ =	sdelay $0x3  }
0x16e: {  	p0 =	slt.s32 s2, $0x1  }
.Ltmp16:
0x16f: {  	_ = 	snop;
	(pc) =	sbr.rel @p0 .LBB3_18-.Ltmp16, $1  }
0x170: {  	_ =	sdelay $0x3  }
0x171: {  	s6 =	simm.s32 $0xC0;
	p0 =	por $0x0, $0x0  }
0x172: {  	v1 =	vld.msk @!p0 [tilespmem:s6+$0x0], $0x1;
	_ =	sdelay $0x4  }
0x173: {  	(v2sf) =	vpush @!p0 v1, $0x0;
	_ =	sdelay $0xd  }
0x174: {  	p2 =	sne.s32 s2, $0x1  }
.Ltmp17:
0x175: {  	s7 =	spop @!p0 (v2sf);
	(pc) =	sbr.rel @!p2 .LBB3_17-.Ltmp17, $4  }
0x176: {  	p1 =	seq.s32 @!p0 s5, s7  }
0x177: {  	s7 =	simm.s32 $0x0;
	p1 =	por !p1, p0  }
0x178: {  	s9 =	simm.s32 $0xFFFFFFFF;
	s7 =	simm.s32 @p1 $0xFFFFFFFF  }
0x179: {  	s8 =	simm.s32 $0x1;
	s7 =	smov.u32 @p0 s9  }
.LBB3_16:
0x17a: {  	s9 =	smov.u32 s7;
	p0 =	sne.s32 s7, $0xFFFFFFFF  }
0x17b: {  	s6 =	sadd.s32 $0x1, s6;
	s7 =	smov.u32 s8;
	s8 =	sadd.s32 $0x1, s8  }
0x17c: {  	p1 =	sne.s32 s2, s8;
	v1 =	vld.msk @!p0 [tilespmem:s6+$0x0], $0x1;
	_ =	sdelay $0x4  }
0x17d: {  	(v2sf) =	vpush @!p0 v1, $0x0;
	_ =	sdelay $0xe  }
.Ltmp18:
0x17e: {  	s10 =	spop @!p0 (v2sf);
	(pc) =	sbr.rel @p1 .LBB3_16-.Ltmp18, $4  }
0x17f: {  	p2 =	seq.s32 @!p0 s5, s10  }
0x180: {  	p2 =	por !p2, p0  }
0x181: {  	s7 =	simm.s32 @p2 $0xFFFFFFFF  }
0x182: {  	s7 =	smov.u32 @p0 s9  }
.LBB3_17:
0x183: {  	p0 =	sne.s32 s7, $0xFFFFFFFF  }
.Ltmp19:
0x184: {  	_ = 	snop;
	(pc) =	sbr.rel @!p0 .LBB3_18-.Ltmp19, $1  }
0x185: {  	_ =	sdelay $0x3  }
0x186: {  	v0 =	vld.msk [tilespmem:s4+$0xE0], $0x1;
	v1 =	vmov s7  }
.Ltmp20:
0x187: {  	_ = 	snop;
	(pc) =	sbr.rel .LBB3_20-.Ltmp20, $2  }
0x188: {  	_ =	sdelay $0x2  }
0x189: {  	[tilespmem:v1+s3+$0x0], v0 =	vst.idx.ret.add.f32.msk $0x1, v0  }
.LBB3_21:
0x18a: {  	p0 =	slt.s32 s2, $0x1  }
.Ltmp21:
0x18b: {  	_ = 	snop;
	(pc) =	sbr.rel @p0 .LBB3_25-.Ltmp21, $3  }
0x18c: {  	_ =	sdelay $0x1  }
0x18d: {  	s3 =	simm.s32 $0x6  }
0x18e: {  	[sflag:s3] =	ssyncpa.u1 $0x1;
	s3 =	simm.s32 $0x0  }
0x18f: {  	s4 =	simm.s32 $0xC0  }
0x190: {  	v0 =	vld.msk [tilespmem:s4+$0x0], $0x1;
	_ =	sdelay $0x4  }
0x191: {  	(v2sf) =	vpush v0, $0x0;
	_ =	sdelay $0xe  }
0x192: {  	s2 =	sadd.s32 $0xFFFFFFFF, s2;
	s5 =	spop (v2sf)  }
0x193: {  	p1 =	sne.s32 s2, $0x0;
	p0 =	sgt.u32 s5, $0x13FFFFF  }
.Ltmp22:
0x194: {  	s6 =	sshrl.u32 @!p0 s5, $0x3;
	(pc) =	sbr.rel @!p1 .LBB3_24-.Ltmp22, $4  }
0x195: {  	s4 =	simm.s32 $0xE0;
	s5 =	sand.u32 @!p0 $0x7, s5;
	s6 =	sadd.s32 @!p0 s1, s6  }
0x196: {  	[hbm4b:s6+s5] =	stream.linear.scatter @!p0 [tilespmem:s4], [sflag:$0x5], $0x1, $0x38;
	[tilespmem:$0xB2E0] =	vst v63  }
0x197: {  	s6 =	simm.s32 $0x0  }
0x198: {  	s5 =	simm.s32 $0xC1;
	s6 =	simm.s32 @!p0 $0x4  }
.LBB3_23:
0x199: {  	v0 =	vld.msk [tilespmem:s5+$0x0], $0x1;
	s2 =	sadd.s32 $0xFFFFFFFF, s2;
	s3 =	sadd.s32 s3, s6  }
0x19a: {  	p0 =	sne.s32 s2, $0x0;
	_ =	sdelay $0x3  }
0x19b: {  	(v2sf) =	vpush v0, $0x0;
	_ =	sdelay $0xe  }
.Ltmp23:
0x19c: {  	s7 =	spop (v2sf);
	(pc) =	sbr.rel @p0 .LBB3_23-.Ltmp23, $4  }
0x19d: {  	s6 =	simm.s32 $0x0;
	p1 =	sgt.u32 s7, $0x13FFFFF  }
0x19e: {  	s4 =	sadd.s32 $0x1, s4;
	s6 =	simm.s32 @!p1 $0x4;
	s8 =	sshrl.u32 @!p1 s7, $0x3  }
0x19f: {  	s5 =	sadd.s32 $0x1, s5;
	s7 =	sand.u32 @!p1 $0x7, s7;
	s8 =	sadd.s32 @!p1 s1, s8  }
0x1a0: {  	[hbm4b:s8+s7] =	stream.linear.scatter @!p1 [tilespmem:s4], [sflag:$0x5], $0x1, $0x38;
	[tilespmem:$0xB2E0] =	vst v63  }
.LBB3_24:
0x1a1: {  	s1 =	sadd.s32 s3, s6  }
0x1a2: {  	s3 =	sshrl.u32 s1, $0x2  }
.LBB3_25:
0x1a3: {  	s1 =	simm.s32 $0x5  }
0x1a4: {  	_ =	swait.ge [sflag:s1], s3  }
0x1a5: {  	s2 =	ssub.s32 $0x0, s3;
	[sflag:s1] =	ssyncset.done $0x0  }
0x1a6: {  	[sflag:s1] =	ssyncadd.s32 s2  }
0x1a7: {  	[sflag:s1] =	ssyncpa.u1 $0x1  }
0x1a8: {  	s30 =	simm.s32 $0x1;
	_ =	sfence  }
0x1a9: {  	s31 =	simm.s32 $0x2;
	[sflag:s30] =	ssyncpa.u1 $0x1  }
0x1aa: {  	[sflag:s31] =	ssyncpa.u1 $0x1  }
0x1ab: {  	_ =	strace $0x90000050  }
0x1ac: {  	s0 =	sadd.s32 $0x100000, s0;
	[bflag:$0x2] =	sbarrier.arrive $0xFFFF  }
0x1ad: {  	[sflag:s0] =	ssyncadd.tile.s32 $0x1;
	_ =	shalt  }
.Lfunc_end3:
_tile_overlayer_lowered:
.L_overlay_start_3:
0x1ae: {  	(tag) =	ssettag $0x3  }
0x1af: {  	s0 =	rddreg [dreg:$0x0];
	s2 =	stileid.u32  }
0x1b0: {  	s1 =	rddreg [dreg:$0x1];
	p0 =	sne.s32 s2, $0x0  }
0x1b1: {  	s3 =	rddreg [dreg:$0x2];
	[bflag:$0x3] =	sbarrier.arrive $0xFFFF;
	s2 =	simm.s32 @!p0 $0x1C01  }
0x1b2: {  	[timem:s3], [sflag:s2] =	dma.local @!p0 [hbm:s0], s1  }
0x1b3: {  	s0 =	simm.s32 @!p0 $0x1  }
0x1b4: {  	_ =	swait.ge @!p0 [sflag:s0], s1  }
0x1b5: {  	s1 =	ssub.s32 @!p0 $0x0, s1;
	[sflag:s0] =	ssyncset.done @!p0 $0x0  }
0x1b6: {  	[sflag:s0] =	ssyncadd.s32 @!p0 s1  }
0x1b7: {  	[bflag:$0x3] =	sbarrier.arrive $0xFFFF  }
0x1b8: {  	_ =	shalt  }

</sc_bundles>
